<compile_context>
chip_gen: v7x
topology: tpu7x:2x2x1
jax: 0.10.2.dev20260603
libtpu: 0.0.44.dev20260713+nightly
codegen_flags: <defaults>
</compile_context>

<pallas_src>
import dataclasses
import functools

import jax
import jax.numpy as jnp
from jax import lax
from jax.experimental import pallas as pl
from jax.experimental.pallas import tpu as pltpu
from jax.experimental.pallas import tpu_sc as plsc

N = 10000
D = 128
H = 128
C = 40
E = 320000

NC = 2
NS = 16
NW = NC * NS
CH = 80
NCHUNK = 128
NST = 4
SPC = NCHUNK // NST
EPW = NCHUNK * CH
EPAD = EPW * NW
NPAD = 10112
ZROWS = NPAD // NS

_mesh = plsc.VectorSubcoreMesh(core_axis_name="c", subcore_axis_name="s")


def _spmm_body(x_hbm, ei_hbm, z_hbm, out_hbm, sidx, didx, rows0, rows1,
               accum, sems):
    sg0, sg1, ss0, ss1 = sems.at[0], sems.at[1], sems.at[2], sems.at[3]
    cid = lax.axis_index("c")
    sid = lax.axis_index("s")
    wid = cid * NS + sid
    pltpu.sync_copy(z_hbm, accum.at[pl.ds(sid * ZROWS, ZROWS)])
    plsc.subcore_barrier()

    for stage in range(NST):
        pltpu.sync_copy(ei_hbm.at[0, wid, stage], sidx)
        pltpu.sync_copy(ei_hbm.at[1, wid, stage], didx)
        pltpu.async_copy(x_hbm.at[sidx.at[0]], rows0, sg0)
        pltpu.async_copy(x_hbm.at[sidx.at[1]], rows1, sg1)

        @pl.loop(0, SPC // 2)
        def _(i):
            c0 = 2 * i
            c1 = 2 * i + 1
            pltpu.make_async_copy(x_hbm.at[sidx.at[c0]], rows0, sg0).wait()
            pltpu.sync_copy(rows0, accum.at[didx.at[c0]], add=True)

            @pl.when(c0 + 2 < SPC)
            def _():
                pltpu.async_copy(x_hbm.at[sidx.at[c0 + 2]], rows0, sg0)

            pltpu.make_async_copy(x_hbm.at[sidx.at[c1]], rows1, sg1).wait()
            pltpu.sync_copy(rows1, accum.at[didx.at[c1]], add=True)

            @pl.when(c1 + 2 < SPC)
            def _():
                pltpu.async_copy(x_hbm.at[sidx.at[c1 + 2]], rows1, sg1)

    plsc.subcore_barrier()
    pltpu.sync_copy(accum.at[pl.ds(sid * ZROWS, ZROWS)],
                    out_hbm.at[cid, pl.ds(sid * ZROWS, ZROWS)])


_spmm = functools.partial(
    pl.kernel,
    out_type=jax.ShapeDtypeStruct((NC, NPAD, H), jnp.float32),
    mesh=_mesh,
    scratch_types=[
        pltpu.VMEM((SPC, CH), jnp.int32),
        pltpu.VMEM((SPC, CH), jnp.int32),
        pltpu.VMEM((CH, H), jnp.float32),
        pltpu.VMEM((CH, H), jnp.float32),
        pltpu.VMEM_SHARED((NPAD, H), jnp.float32),
        pltpu.SemaphoreType.DMA((4,)),
    ],
)(_spmm_body)


EG = EPW // 16


def _deg_body(ei_hbm, z_hbm, out_hbm, sidx, didx, histo, histi):
    cid = lax.axis_index("c")
    sid = lax.axis_index("s")
    wid = cid * NS + sid
    pltpu.sync_copy(ei_hbm.at[0, wid], sidx)
    pltpu.sync_copy(ei_hbm.at[1, wid], didx)
    pltpu.sync_copy(z_hbm, histo)
    pltpu.sync_copy(z_hbm, histi)
    ones16 = jnp.ones((16,), jnp.float32)

    @pl.loop(0, EG)
    def _(i):
        plsc.addupdate_scatter(histo, [sidx[pl.ds(i * 16, 16)]], ones16)
        plsc.addupdate_scatter(histi, [didx[pl.ds(i * 16, 16)]], ones16)

    pltpu.sync_copy(histo, out_hbm.at[0, cid, sid])
    pltpu.sync_copy(histi, out_hbm.at[1, cid, sid])


_deg_cp = pltpu.CompilerParams()
if "needs_layout_passes" in pltpu.CompilerParams.__dataclass_fields__:
    _deg_cp = dataclasses.replace(_deg_cp, needs_layout_passes=False)

_deg = functools.partial(
    pl.kernel,
    out_type=jax.ShapeDtypeStruct((2, NC, NS, NPAD), jnp.float32),
    mesh=_mesh,
    scratch_types=[
        pltpu.VMEM((EPW,), jnp.int32),
        pltpu.VMEM((EPW,), jnp.int32),
        pltpu.VMEM((NPAD,), jnp.float32),
        pltpu.VMEM((NPAD,), jnp.float32),
    ],
    compiler_params=_deg_cp,
)(_deg_body)


def _norm(deg):
    return jnp.where(deg > 0, lax.rsqrt(jnp.maximum(deg, 1.0)), 0.0)


def _prep_body(deg_ref, x_ref, ns_ref, nd_ref, x1_ref):
    d = deg_ref[...]
    d0 = d[0].reshape(NW, NPAD)
    d1 = d[1].reshape(NW, NPAD)
    onesw = jnp.ones((NW, 1), jnp.float32)
    dego = lax.dot_general(d0, onesw, (((0,), (0,)), ((), ())),
                           preferred_element_type=jnp.float32)[:N]
    degi = lax.dot_general(d1, onesw, (((0,), (0,)), ((), ())),
                           preferred_element_type=jnp.float32)[:N]
    ns = _norm(dego)
    nd = _norm(degi)
    ns_ref[...] = ns
    nd_ref[...] = nd
    x1_ref[:N] = x_ref[...] * ns
    x1_ref[pl.ds(N, NPAD - N), :] = jnp.zeros((NPAD - N, D), jnp.float32)


_prep = pl.pallas_call(
    _prep_body,
    out_shape=(
        jax.ShapeDtypeStruct((N, 1), jnp.float32),
        jax.ShapeDtypeStruct((N, 1), jnp.float32),
        jax.ShapeDtypeStruct((NPAD, D), jnp.float32),
    ),
)


def _leaky(h):
    return jnp.where(h >= 0, h, 0.01 * h)


def _dense_body(bn, p_ref, nd_ref, ns_ref, w_ref, b_ref, g_ref, be_ref, out_ref):
    agg = (p_ref[0][:N] + p_ref[1][:N]) * nd_ref[...]
    h = jnp.dot(agg, w_ref[...], preferred_element_type=jnp.float32) + b_ref[...]
    if bn:
        mu = jnp.mean(h, axis=0, keepdims=True)
        var = jnp.mean((h - mu) ** 2, axis=0, keepdims=True)
        h = (h - mu) * lax.rsqrt(var + 1e-5) * g_ref[...] + be_ref[...]
    h = _leaky(h)
    out_ref[:N] = h * ns_ref[...]
    out_ref[pl.ds(N, NPAD - N), :] = jnp.zeros((NPAD - N, H), jnp.float32)


_dense_bn = pl.pallas_call(
    functools.partial(_dense_body, True),
    out_shape=jax.ShapeDtypeStruct((NPAD, H), jnp.float32),
)
_dense_nobn = pl.pallas_call(
    functools.partial(_dense_body, False),
    out_shape=jax.ShapeDtypeStruct((NPAD, H), jnp.float32),
)


def _final_body(p_ref, nd_ref, w_ref, b_ref, wc_ref, bc_ref, out_ref):
    agg = (p_ref[0][:N] + p_ref[1][:N]) * nd_ref[...]
    h = jnp.dot(agg, w_ref[...], preferred_element_type=jnp.float32) + b_ref[...]
    h = _leaky(h)
    out_ref[...] = (
        jnp.dot(h, wc_ref[...], preferred_element_type=jnp.float32) + bc_ref[...]
    )


_final = pl.pallas_call(
    _final_body,
    out_shape=jax.ShapeDtypeStruct((N, C), jnp.float32),
)


def kernel(node_feat, edge_index, W1, b1, g1, be1, W2, b2, g2, be2,
           Wn1, bn1, Wn2, bn2, Wc, bc):
    ei32 = edge_index.astype(jnp.int32)
    dummy = N + jnp.arange(EPAD - E, dtype=jnp.int32) % (NPAD - N)
    ei_pad = jnp.concatenate(
        [ei32, jnp.broadcast_to(dummy, (2, EPAD - E))], axis=1)
    ei = ei_pad.reshape(2, NW, NST, SPC, CH)
    ei_deg = ei_pad.reshape(2, NW, EPW)
    z128 = jnp.zeros((ZROWS, H), jnp.float32)
    zn = jnp.zeros((NPAD,), jnp.float32)

    deg = _deg(ei_deg, zn)
    ns, nd, x1 = _prep(deg, node_feat)

    p = _spmm(x1, ei, z128)
    h = _dense_bn(p, nd, ns, W1, b1.reshape(1, H), g1.reshape(1, H),
                  be1.reshape(1, H))
    p = _spmm(h, ei, z128)
    h = _dense_bn(p, nd, ns, W2, b2.reshape(1, H), g2.reshape(1, H),
                  be2.reshape(1, H))
    p = _spmm(h, ei, z128)
    h = _dense_nobn(p, nd, ns, Wn1, bn1.reshape(1, H), bn1.reshape(1, H),
                    bn1.reshape(1, H))
    p = _spmm(h, ei, z128)
    return _final(p, nd, Wn2, bn2.reshape(1, H), Wc, bc.reshape(1, C))

# --- scband reference (transcript-rebuilt; emitter-appended) ---
"""Pipeline reference for scband-node-gnn-77309411328100 (READ-ONLY COPY).

The authoritative reference and input builder live on the scoring server;
editing this copy changes nothing except your own understanding.
"""

import jax, jax.numpy as jnp
import numpy as np

N = 10000
E = 320000
D = 128
H = 128
C = 40


def setup_inputs(seed: int = 0) -> dict:
    key = jax.random.key(seed)
    ks = jax.random.split(key, 20)
    inp = {}
    inp['node_feat'] = jax.random.normal(ks[0], (N, D), dtype=jnp.float32)
    inp['edge_index'] = jax.random.randint(ks[1], (2, E), 0, N)
    s = 1.0 / np.sqrt(D)
    sh = 1.0 / np.sqrt(H)
    inp['W1'] = jax.random.normal(ks[2], (D, H), dtype=jnp.float32) * s
    inp['b1'] = jnp.zeros((H,), dtype=jnp.float32)
    inp['g1'] = jnp.ones((H,), dtype=jnp.float32)
    inp['be1'] = jnp.zeros((H,), dtype=jnp.float32)
    inp['W2'] = jax.random.normal(ks[3], (H, H), dtype=jnp.float32) * sh
    inp['b2'] = jnp.zeros((H,), dtype=jnp.float32)
    inp['g2'] = jnp.ones((H,), dtype=jnp.float32)
    inp['be2'] = jnp.zeros((H,), dtype=jnp.float32)
    inp['Wn1'] = jax.random.normal(ks[4], (H, H), dtype=jnp.float32) * sh
    inp['bn1'] = jnp.zeros((H,), dtype=jnp.float32)
    inp['Wn2'] = jax.random.normal(ks[5], (H, H), dtype=jnp.float32) * sh
    inp['bn2'] = jnp.zeros((H,), dtype=jnp.float32)
    inp['Wc'] = jax.random.normal(ks[6], (H, C), dtype=jnp.float32) * sh
    inp['bc'] = jnp.zeros((C,), dtype=jnp.float32)
    return inp


def graph_conv(x, src, dst, W, b):
    # DGL GraphConv with norm='both': D_dst^{-1/2} A D_src^{-1/2} X W + b
    ones = jnp.ones(src.shape[0], dtype=x.dtype)
    deg_out = jax.ops.segment_sum(ones, src, num_segments=N)
    deg_in = jax.ops.segment_sum(ones, dst, num_segments=N)
    norm_src = jnp.where(deg_out > 0, jax.lax.rsqrt(jnp.maximum(deg_out, 1.0)), 0.0)
    norm_dst = jnp.where(deg_in > 0, jax.lax.rsqrt(jnp.maximum(deg_in, 1.0)), 0.0)
    h = x * norm_src[:, None]
    msg = jnp.take(h, src, axis=0)
    agg = jax.ops.segment_sum(msg, dst, num_segments=N)
    agg = agg * norm_dst[:, None]
    return agg @ W + b


def batch_norm(h, gamma, beta):
    # training-mode BatchNorm1d with batch statistics (biased variance), eps=1e-5
    mu = jnp.mean(h, axis=0)
    var = jnp.var(h, axis=0)
    return (h - mu) * jax.lax.rsqrt(var + 1e-5) * gamma + beta


def reference(node_feat, edge_index, W1, b1, g1, be1, W2, b2, g2, be2, Wn1, bn1, Wn2, bn2, Wc, bc):
    src = edge_index[0]
    dst = edge_index[1]
    h = graph_conv(node_feat, src, dst, W1, b1)
    h = batch_norm(h, g1, be1)
    h = jax.nn.leaky_relu(h, 0.01)
    h = graph_conv(h, src, dst, W2, b2)
    h = batch_norm(h, g2, be2)
    h = jax.nn.leaky_relu(h, 0.01)
    hn = graph_conv(h, src, dst, Wn1, bn1)
    hn = jax.nn.leaky_relu(hn, 0.01)
    hn = graph_conv(hn, src, dst, Wn2, bn2)
    hn = jax.nn.leaky_relu(hn, 0.01)
    node_out = hn @ Wc + bc
    return node_out

if __name__ == "__main__":
    import jax
    _d = setup_inputs()
    print(jax.jit(kernel)(*tuple(_d.values())))

</pallas_src>

<mosaic_0001>
#map = affine_map<(d0, d1) -> (0, 0)>
#map1 = affine_map<(d0, d1) -> (0, 0, 0, 0, 0)>
#map2 = affine_map<(d0, d1) -> (0, 0, 0)>
module attributes {stable_mosaic.version = 14 : i64} {
  func.func @_spmm_body(%arg0: i32, %arg1: i32, %arg2: memref<10112x128xf32, #tpu.memory_space<hbm>>, %arg3: memref<2x32x4x32x80xi32, #tpu.memory_space<hbm>>, %arg4: memref<632x128xf32, #tpu.memory_space<hbm>>, %arg5: memref<2x10112x128xf32, #tpu.memory_space<hbm>>, %arg6: memref<32x80xi32, #tpu.memory_space<vmem>>, %arg7: memref<32x80xi32, #tpu.memory_space<vmem>>, %arg8: memref<80x128xf32, #tpu.memory_space<vmem>>, %arg9: memref<80x128xf32, #tpu.memory_space<vmem>>, %arg10: memref<10112x128xf32, #tpu.memory_space<vmem_shared>>, %arg11: memref<4x!tpu.dma_semaphore, #tpu.memory_space<semaphore_mem>>) attributes {dimension_semantics = [#tpu.dimension_semantics<core_parallel>, #tpu.dimension_semantics<subcore_parallel>], iteration_bounds = array<i64: 2, 16>, scalar_prefetch = 0 : i64, scratch_operands = 6 : i64, tpu.core_type = #tpu.core_type<sc_vector_subcore>, window_params = [{transform_indices = #map}, {transform_indices = #map1}, {transform_indices = #map}, {transform_indices = #map2}]} {
    %mul3A = arith.constant 16 : i32
    %mul3A_0 = arith.muli %arg0, %mul3A : i32
    %add3A = arith.addi %mul3A_0, %arg1 : i32
    %mul3A_1 = arith.constant 632 : i32
    %mul3A_2 = arith.muli %arg1, %mul3A_1 : i32
    "tpu.region"() ({
      %run_scoped3A_129 = tpu.sem_alloc : memref<!tpu.dma_semaphore, #tpu.memory_space<semaphore_mem>>
      %dma_start3A_130 = arith.constant 0 : i32
      %dma_start3A_131 = tpu.memref_slice %arg10[%mul3A_2, %dma_start3A_130] : memref<10112x128xf32, #tpu.memory_space<vmem_shared>> -> memref<632x128xf32, #tpu.memory_space<vmem_shared>>
      tpu.enqueue_dma source(%arg4 : memref<632x128xf32, #tpu.memory_space<hbm>>) target(%dma_start3A_131 : memref<632x128xf32, #tpu.memory_space<vmem_shared>>) target_semaphore(%run_scoped3A_129 : memref<!tpu.dma_semaphore, #tpu.memory_space<semaphore_mem>>)
      %dma_wait3A = arith.constant 0 : i32
      %dma_wait3A_132 = tpu.memref_slice %arg10[%mul3A_2, %dma_wait3A] : memref<10112x128xf32, #tpu.memory_space<vmem_shared>> -> memref<632x128xf32, #tpu.memory_space<vmem_shared>>
      tpu.wait_dma2 semaphore(%run_scoped3A_129 : memref<!tpu.dma_semaphore, #tpu.memory_space<semaphore_mem>>) src(%arg4 : memref<632x128xf32, #tpu.memory_space<hbm>>) dst(%dma_wait3A_132 : memref<632x128xf32, #tpu.memory_space<vmem_shared>>)
      tpu.yield
    }) : () -> ()
    %barrier3A = arith.constant 0 : index
    tpu.barrier barrier_id(%barrier3A)
    %run_scoped3A = arith.constant 0 : i32
    %run_scoped3A_3 = arith.constant 0 : i32
    "tpu.region"() ({
      %run_scoped3A_129 = tpu.sem_alloc : memref<!tpu.dma_semaphore, #tpu.memory_space<semaphore_mem>>
      %dma_start3A_130 = arith.constant 0 : i32
      %dma_start3A_131 = arith.constant 0 : i32
      %dma_start3A_132 = tpu.memref_slice %arg3[%run_scoped3A, %add3A, %run_scoped3A_3, %dma_start3A_130, %dma_start3A_131] : memref<2x32x4x32x80xi32, #tpu.memory_space<hbm>> -> memref<1x1x1x32x80xi32, #tpu.memory_space<hbm>>
      %dma_start3A_133 = tpu.memref_squeeze %dma_start3A_132 : memref<1x1x1x32x80xi32, #tpu.memory_space<hbm>> -> memref<32x80xi32, #tpu.memory_space<hbm>>
      %dma_start3A_134 = arith.constant 0 : i32
      %dma_start3A_135 = arith.constant 0 : i32
      %dma_start3A_136 = tpu.memref_slice %arg3[%run_scoped3A, %add3A, %run_scoped3A_3, %dma_start3A_134, %dma_start3A_135] : memref<2x32x4x32x80xi32, #tpu.memory_space<hbm>> -> memref<1x1x1x32x80xi32, #tpu.memory_space<hbm>>
      %dma_start3A_137 = tpu.memref_squeeze %dma_start3A_136 : memref<1x1x1x32x80xi32, #tpu.memory_space<hbm>> -> memref<32x80xi32, #tpu.memory_space<hbm>>
      tpu.enqueue_dma source(%dma_start3A_137 : memref<32x80xi32, #tpu.memory_space<hbm>>) target(%arg6 : memref<32x80xi32, #tpu.memory_space<vmem>>) target_semaphore(%run_scoped3A_129 : memref<!tpu.dma_semaphore, #tpu.memory_space<semaphore_mem>>)
      %dma_wait3A = arith.constant 0 : i32
      %dma_wait3A_138 = arith.constant 0 : i32
      %dma_wait3A_139 = tpu.memref_slice %arg3[%run_scoped3A, %add3A, %run_scoped3A_3, %dma_wait3A, %dma_wait3A_138] : memref<2x32x4x32x80xi32, #tpu.memory_space<hbm>> -> memref<1x1x1x32x80xi32, #tpu.memory_space<hbm>>
      %dma_wait3A_140 = tpu.memref_squeeze %dma_wait3A_139 : memref<1x1x1x32x80xi32, #tpu.memory_space<hbm>> -> memref<32x80xi32, #tpu.memory_space<hbm>>
      %dma_wait3A_141 = arith.constant 0 : i32
      %dma_wait3A_142 = arith.constant 0 : i32
      %dma_wait3A_143 = tpu.memref_slice %arg3[%run_scoped3A, %add3A, %run_scoped3A_3, %dma_wait3A_141, %dma_wait3A_142] : memref<2x32x4x32x80xi32, #tpu.memory_space<hbm>> -> memref<1x1x1x32x80xi32, #tpu.memory_space<hbm>>
      %dma_wait3A_144 = tpu.memref_squeeze %dma_wait3A_143 : memref<1x1x1x32x80xi32, #tpu.memory_space<hbm>> -> memref<32x80xi32, #tpu.memory_space<hbm>>
      tpu.wait_dma2 semaphore(%run_scoped3A_129 : memref<!tpu.dma_semaphore, #tpu.memory_space<semaphore_mem>>) src(%dma_wait3A_144 : memref<32x80xi32, #tpu.memory_space<hbm>>) dst(%arg6 : memref<32x80xi32, #tpu.memory_space<vmem>>)
      tpu.yield
    }) : () -> ()
    %run_scoped3A_4 = arith.constant 1 : i32
    %run_scoped3A_5 = arith.constant 0 : i32
    "tpu.region"() ({
      %run_scoped3A_129 = tpu.sem_alloc : memref<!tpu.dma_semaphore, #tpu.memory_space<semaphore_mem>>
      %dma_start3A_130 = arith.constant 0 : i32
      %dma_start3A_131 = arith.constant 0 : i32
      %dma_start3A_132 = tpu.memref_slice %arg3[%run_scoped3A_4, %add3A, %run_scoped3A_5, %dma_start3A_130, %dma_start3A_131] : memref<2x32x4x32x80xi32, #tpu.memory_space<hbm>> -> memref<1x1x1x32x80xi32, #tpu.memory_space<hbm>>
      %dma_start3A_133 = tpu.memref_squeeze %dma_start3A_132 : memref<1x1x1x32x80xi32, #tpu.memory_space<hbm>> -> memref<32x80xi32, #tpu.memory_space<hbm>>
      %dma_start3A_134 = arith.constant 0 : i32
      %dma_start3A_135 = arith.constant 0 : i32
      %dma_start3A_136 = tpu.memref_slice %arg3[%run_scoped3A_4, %add3A, %run_scoped3A_5, %dma_start3A_134, %dma_start3A_135] : memref<2x32x4x32x80xi32, #tpu.memory_space<hbm>> -> memref<1x1x1x32x80xi32, #tpu.memory_space<hbm>>
      %dma_start3A_137 = tpu.memref_squeeze %dma_start3A_136 : memref<1x1x1x32x80xi32, #tpu.memory_space<hbm>> -> memref<32x80xi32, #tpu.memory_space<hbm>>
      tpu.enqueue_dma source(%dma_start3A_137 : memref<32x80xi32, #tpu.memory_space<hbm>>) target(%arg7 : memref<32x80xi32, #tpu.memory_space<vmem>>) target_semaphore(%run_scoped3A_129 : memref<!tpu.dma_semaphore, #tpu.memory_space<semaphore_mem>>)
      %dma_wait3A = arith.constant 0 : i32
      %dma_wait3A_138 = arith.constant 0 : i32
      %dma_wait3A_139 = tpu.memref_slice %arg3[%run_scoped3A_4, %add3A, %run_scoped3A_5, %dma_wait3A, %dma_wait3A_138] : memref<2x32x4x32x80xi32, #tpu.memory_space<hbm>> -> memref<1x1x1x32x80xi32, #tpu.memory_space<hbm>>
      %dma_wait3A_140 = tpu.memref_squeeze %dma_wait3A_139 : memref<1x1x1x32x80xi32, #tpu.memory_space<hbm>> -> memref<32x80xi32, #tpu.memory_space<hbm>>
      %dma_wait3A_141 = arith.constant 0 : i32
      %dma_wait3A_142 = arith.constant 0 : i32
      %dma_wait3A_143 = tpu.memref_slice %arg3[%run_scoped3A_4, %add3A, %run_scoped3A_5, %dma_wait3A_141, %dma_wait3A_142] : memref<2x32x4x32x80xi32, #tpu.memory_space<hbm>> -> memref<1x1x1x32x80xi32, #tpu.memory_space<hbm>>
      %dma_wait3A_144 = tpu.memref_squeeze %dma_wait3A_143 : memref<1x1x1x32x80xi32, #tpu.memory_space<hbm>> -> memref<32x80xi32, #tpu.memory_space<hbm>>
      tpu.wait_dma2 semaphore(%run_scoped3A_129 : memref<!tpu.dma_semaphore, #tpu.memory_space<semaphore_mem>>) src(%dma_wait3A_144 : memref<32x80xi32, #tpu.memory_space<hbm>>) dst(%arg7 : memref<32x80xi32, #tpu.memory_space<vmem>>)
      tpu.yield
    }) : () -> ()
    %dma_start3A = arith.constant 0 : i32
    %dma_start3A_6 = arith.constant 0 : i32
    %dma_start3A_7 = arith.constant 0 : i32
    %dma_start3A_8 = tpu.memref_slice %arg6[%dma_start3A, %dma_start3A_7] : memref<32x80xi32, #tpu.memory_space<vmem>> -> memref<1x80xi32, #tpu.memory_space<vmem>>
    %dma_start3A_9 = tpu.memref_squeeze %dma_start3A_8 : memref<1x80xi32, #tpu.memory_space<vmem>> -> memref<80xi32, #tpu.memory_space<vmem>>
    %dma_start3A_10 = arith.constant 0 : i32
    %dma_start3A_11 = arith.constant 0 : i32
    %dma_start3A_12 = tpu.memref_slice %arg2[%dma_start3A_10, %dma_start3A_11] : memref<10112x128xf32, #tpu.memory_space<hbm>> -> memref<10112x128xf32, #tpu.memory_space<hbm>>
    %dma_start3A_13 = tpu.memref_slice %arg11[%dma_start3A_6] : memref<4x!tpu.dma_semaphore, #tpu.memory_space<semaphore_mem>> -> memref<1x!tpu.dma_semaphore, #tpu.memory_space<semaphore_mem>>
    %dma_start3A_14 = tpu.memref_squeeze %dma_start3A_13 : memref<1x!tpu.dma_semaphore, #tpu.memory_space<semaphore_mem>> -> memref<!tpu.dma_semaphore, #tpu.memory_space<semaphore_mem>>
    tpu.enqueue_indirect_dma source(%dma_start3A_12 : memref<10112x128xf32, #tpu.memory_space<hbm>>) target(%arg8 : memref<80x128xf32, #tpu.memory_space<vmem>>) offsets(%dma_start3A_9 : memref<80xi32, #tpu.memory_space<vmem>>) semaphore(%dma_start3A_14 : memref<!tpu.dma_semaphore, #tpu.memory_space<semaphore_mem>>)
    %dma_start3A_15 = arith.constant 1 : i32
    %dma_start3A_16 = arith.constant 1 : i32
    %dma_start3A_17 = arith.constant 0 : i32
    %dma_start3A_18 = tpu.memref_slice %arg6[%dma_start3A_15, %dma_start3A_17] : memref<32x80xi32, #tpu.memory_space<vmem>> -> memref<1x80xi32, #tpu.memory_space<vmem>>
    %dma_start3A_19 = tpu.memref_squeeze %dma_start3A_18 : memref<1x80xi32, #tpu.memory_space<vmem>> -> memref<80xi32, #tpu.memory_space<vmem>>
    %dma_start3A_20 = arith.constant 0 : i32
    %dma_start3A_21 = arith.constant 0 : i32
    %dma_start3A_22 = tpu.memref_slice %arg2[%dma_start3A_20, %dma_start3A_21] : memref<10112x128xf32, #tpu.memory_space<hbm>> -> memref<10112x128xf32, #tpu.memory_space<hbm>>
    %dma_start3A_23 = tpu.memref_slice %arg11[%dma_start3A_16] : memref<4x!tpu.dma_semaphore, #tpu.memory_space<semaphore_mem>> -> memref<1x!tpu.dma_semaphore, #tpu.memory_space<semaphore_mem>>
    %dma_start3A_24 = tpu.memref_squeeze %dma_start3A_23 : memref<1x!tpu.dma_semaphore, #tpu.memory_space<semaphore_mem>> -> memref<!tpu.dma_semaphore, #tpu.memory_space<semaphore_mem>>
    tpu.enqueue_indirect_dma source(%dma_start3A_22 : memref<10112x128xf32, #tpu.memory_space<hbm>>) target(%arg9 : memref<80x128xf32, #tpu.memory_space<vmem>>) offsets(%dma_start3A_19 : memref<80xi32, #tpu.memory_space<vmem>>) semaphore(%dma_start3A_24 : memref<!tpu.dma_semaphore, #tpu.memory_space<semaphore_mem>>)
    %scan3A = arith.constant 0 : i32
    %scan3A_25 = arith.constant 1 : i32
    %scan3A_26 = arith.constant 0 : i32
    %scan3A_27 = arith.constant 16 : i32
    %scan3A_28 = arith.addi %scan3A_26, %scan3A_27 : i32
    %scan3A_29 = arith.constant 1 : i32
    scf.for %scan3A_129 = %scan3A_26 to %scan3A_28 step %scan3A_29  : i32 {
      %mul3A_130 = arith.constant 1 : i32
      %mul3A_131 = arith.muli %scan3A_129, %mul3A_130 : i32
      %add3A_132 = arith.constant 0 : i32
      %add3A_133 = arith.addi %add3A_132, %mul3A_131 : i32
      %mul3A_134 = arith.constant 2 : i32
      %mul3A_135 = arith.muli %mul3A_134, %add3A_133 : i32
      %mul3A_136 = arith.constant 2 : i32
      %mul3A_137 = arith.muli %mul3A_136, %add3A_133 : i32
      %add3A_138 = arith.constant 1 : i32
      %add3A_139 = arith.addi %mul3A_137, %add3A_138 : i32
      %dma_wait3A = arith.constant 0 : i32
      %dma_wait3A_140 = tpu.memref_slice %arg6[%mul3A_135, %dma_wait3A] : memref<32x80xi32, #tpu.memory_space<vmem>> -> memref<1x80xi32, #tpu.memory_space<vmem>>
      %dma_wait3A_141 = tpu.memref_squeeze %dma_wait3A_140 : memref<1x80xi32, #tpu.memory_space<vmem>> -> memref<80xi32, #tpu.memory_space<vmem>>
      %dma_wait3A_142 = arith.constant 0 : i32
      %dma_wait3A_143 = arith.constant 0 : i32
      %dma_wait3A_144 = tpu.memref_slice %arg2[%dma_wait3A_142, %dma_wait3A_143] : memref<10112x128xf32, #tpu.memory_space<hbm>> -> memref<10112x128xf32, #tpu.memory_space<hbm>>
      %dma_wait3A_145 = tpu.memref_slice %arg11[%scan3A] : memref<4x!tpu.dma_semaphore, #tpu.memory_space<semaphore_mem>> -> memref<1x!tpu.dma_semaphore, #tpu.memory_space<semaphore_mem>>
      %dma_wait3A_146 = tpu.memref_squeeze %dma_wait3A_145 : memref<1x!tpu.dma_semaphore, #tpu.memory_space<semaphore_mem>> -> memref<!tpu.dma_semaphore, #tpu.memory_space<semaphore_mem>>
      tpu.wait_indirect_dma semaphore(%dma_wait3A_146 : memref<!tpu.dma_semaphore, #tpu.memory_space<semaphore_mem>>) src(%dma_wait3A_144 : memref<10112x128xf32, #tpu.memory_space<hbm>>) dst(%arg8 : memref<80x128xf32, #tpu.memory_space<vmem>>)
      "tpu.region"() ({
        %run_scoped3A_166 = tpu.sem_alloc : memref<!tpu.dma_semaphore, #tpu.memory_space<semaphore_mem>>
        %dma_start3A_167 = arith.constant 0 : i32
        %dma_start3A_168 = tpu.memref_slice %arg7[%mul3A_135, %dma_start3A_167] : memref<32x80xi32, #tpu.memory_space<vmem>> -> memref<1x80xi32, #tpu.memory_space<vmem>>
        %dma_start3A_169 = tpu.memref_squeeze %dma_start3A_168 : memref<1x80xi32, #tpu.memory_space<vmem>> -> memref<80xi32, #tpu.memory_space<vmem>>
        %dma_start3A_170 = arith.constant 0 : i32
        %dma_start3A_171 = arith.constant 0 : i32
        %dma_start3A_172 = tpu.memref_slice %arg10[%dma_start3A_170, %dma_start3A_171] : memref<10112x128xf32, #tpu.memory_space<vmem_shared>> -> memref<10112x128xf32, #tpu.memory_space<vmem_shared>>
        tpu.enqueue_indirect_dma source(%arg8 : memref<80x128xf32, #tpu.memory_space<vmem>>) target(%dma_start3A_172 : memref<10112x128xf32, #tpu.memory_space<vmem_shared>>) offsets(%dma_start3A_169 : memref<80xi32, #tpu.memory_space<vmem>>) semaphore(%run_scoped3A_166 : memref<!tpu.dma_semaphore, #tpu.memory_space<semaphore_mem>>) {add = true}
        %dma_wait3A_173 = arith.constant 0 : i32
        %dma_wait3A_174 = tpu.memref_slice %arg7[%mul3A_135, %dma_wait3A_173] : memref<32x80xi32, #tpu.memory_space<vmem>> -> memref<1x80xi32, #tpu.memory_space<vmem>>
        %dma_wait3A_175 = tpu.memref_squeeze %dma_wait3A_174 : memref<1x80xi32, #tpu.memory_space<vmem>> -> memref<80xi32, #tpu.memory_space<vmem>>
        %dma_wait3A_176 = arith.constant 0 : i32
        %dma_wait3A_177 = arith.constant 0 : i32
        %dma_wait3A_178 = tpu.memref_slice %arg10[%dma_wait3A_176, %dma_wait3A_177] : memref<10112x128xf32, #tpu.memory_space<vmem_shared>> -> memref<10112x128xf32, #tpu.memory_space<vmem_shared>>
        tpu.wait_indirect_dma semaphore(%run_scoped3A_166 : memref<!tpu.dma_semaphore, #tpu.memory_space<semaphore_mem>>) src(%arg8 : memref<80x128xf32, #tpu.memory_space<vmem>>) dst(%dma_wait3A_178 : memref<10112x128xf32, #tpu.memory_space<vmem_shared>>)
        tpu.yield
      }) : () -> ()
      %add3A_147 = arith.constant 2 : i32
      %add3A_148 = arith.addi %mul3A_135, %add3A_147 : i32
      %lt3A = arith.constant 32 : i32
      %lt3A_149 = arith.cmpi slt, %add3A_148, %lt3A : i32
      %convert_element_type3A = arith.extui %lt3A_149 : i1 to i32
      %cond3A = arith.constant 0 : i32
      %cond3A_150 = arith.cmpi ne, %convert_element_type3A, %cond3A : i32
      scf.if %cond3A_150 {
        %add3A_166 = arith.constant 2 : i32
        %add3A_167 = arith.addi %mul3A_135, %add3A_166 : i32
        %dma_start3A_168 = arith.constant 0 : i32
        %dma_start3A_169 = tpu.memref_slice %arg6[%add3A_167, %dma_start3A_168] : memref<32x80xi32, #tpu.memory_space<vmem>> -> memref<1x80xi32, #tpu.memory_space<vmem>>
        %dma_start3A_170 = tpu.memref_squeeze %dma_start3A_169 : memref<1x80xi32, #tpu.memory_space<vmem>> -> memref<80xi32, #tpu.memory_space<vmem>>
        %dma_start3A_171 = arith.constant 0 : i32
        %dma_start3A_172 = arith.constant 0 : i32
        %dma_start3A_173 = tpu.memref_slice %arg2[%dma_start3A_171, %dma_start3A_172] : memref<10112x128xf32, #tpu.memory_space<hbm>> -> memref<10112x128xf32, #tpu.memory_space<hbm>>
        %dma_start3A_174 = tpu.memref_slice %arg11[%scan3A] : memref<4x!tpu.dma_semaphore, #tpu.memory_space<semaphore_mem>> -> memref<1x!tpu.dma_semaphore, #tpu.memory_space<semaphore_mem>>
        %dma_start3A_175 = tpu.memref_squeeze %dma_start3A_174 : memref<1x!tpu.dma_semaphore, #tpu.memory_space<semaphore_mem>> -> memref<!tpu.dma_semaphore, #tpu.memory_space<semaphore_mem>>
        tpu.enqueue_indirect_dma source(%dma_start3A_173 : memref<10112x128xf32, #tpu.memory_space<hbm>>) target(%arg8 : memref<80x128xf32, #tpu.memory_space<vmem>>) offsets(%dma_start3A_170 : memref<80xi32, #tpu.memory_space<vmem>>) semaphore(%dma_start3A_175 : memref<!tpu.dma_semaphore, #tpu.memory_space<semaphore_mem>>)
      } else {
      }
      %dma_wait3A_151 = arith.constant 0 : i32
      %dma_wait3A_152 = tpu.memref_slice %arg6[%add3A_139, %dma_wait3A_151] : memref<32x80xi32, #tpu.memory_space<vmem>> -> memref<1x80xi32, #tpu.memory_space<vmem>>
      %dma_wait3A_153 = tpu.memref_squeeze %dma_wait3A_152 : memref<1x80xi32, #tpu.memory_space<vmem>> -> memref<80xi32, #tpu.memory_space<vmem>>
      %dma_wait3A_154 = arith.constant 0 : i32
      %dma_wait3A_155 = arith.constant 0 : i32
      %dma_wait3A_156 = tpu.memref_slice %arg2[%dma_wait3A_154, %dma_wait3A_155] : memref<10112x128xf32, #tpu.memory_space<hbm>> -> memref<10112x128xf32, #tpu.memory_space<hbm>>
      %dma_wait3A_157 = tpu.memref_slice %arg11[%scan3A_25] : memref<4x!tpu.dma_semaphore, #tpu.memory_space<semaphore_mem>> -> memref<1x!tpu.dma_semaphore, #tpu.memory_space<semaphore_mem>>
      %dma_wait3A_158 = tpu.memref_squeeze %dma_wait3A_157 : memref<1x!tpu.dma_semaphore, #tpu.memory_space<semaphore_mem>> -> memref<!tpu.dma_semaphore, #tpu.memory_space<semaphore_mem>>
      tpu.wait_indirect_dma semaphore(%dma_wait3A_158 : memref<!tpu.dma_semaphore, #tpu.memory_space<semaphore_mem>>) src(%dma_wait3A_156 : memref<10112x128xf32, #tpu.memory_space<hbm>>) dst(%arg9 : memref<80x128xf32, #tpu.memory_space<vmem>>)
      "tpu.region"() ({
        %run_scoped3A_166 = tpu.sem_alloc : memref<!tpu.dma_semaphore, #tpu.memory_space<semaphore_mem>>
        %dma_start3A_167 = arith.constant 0 : i32
        %dma_start3A_168 = tpu.memref_slice %arg7[%add3A_139, %dma_start3A_167] : memref<32x80xi32, #tpu.memory_space<vmem>> -> memref<1x80xi32, #tpu.memory_space<vmem>>
        %dma_start3A_169 = tpu.memref_squeeze %dma_start3A_168 : memref<1x80xi32, #tpu.memory_space<vmem>> -> memref<80xi32, #tpu.memory_space<vmem>>
        %dma_start3A_170 = arith.constant 0 : i32
        %dma_start3A_171 = arith.constant 0 : i32
        %dma_start3A_172 = tpu.memref_slice %arg10[%dma_start3A_170, %dma_start3A_171] : memref<10112x128xf32, #tpu.memory_space<vmem_shared>> -> memref<10112x128xf32, #tpu.memory_space<vmem_shared>>
        tpu.enqueue_indirect_dma source(%arg9 : memref<80x128xf32, #tpu.memory_space<vmem>>) target(%dma_start3A_172 : memref<10112x128xf32, #tpu.memory_space<vmem_shared>>) offsets(%dma_start3A_169 : memref<80xi32, #tpu.memory_space<vmem>>) semaphore(%run_scoped3A_166 : memref<!tpu.dma_semaphore, #tpu.memory_space<semaphore_mem>>) {add = true}
        %dma_wait3A_173 = arith.constant 0 : i32
        %dma_wait3A_174 = tpu.memref_slice %arg7[%add3A_139, %dma_wait3A_173] : memref<32x80xi32, #tpu.memory_space<vmem>> -> memref<1x80xi32, #tpu.memory_space<vmem>>
        %dma_wait3A_175 = tpu.memref_squeeze %dma_wait3A_174 : memref<1x80xi32, #tpu.memory_space<vmem>> -> memref<80xi32, #tpu.memory_space<vmem>>
        %dma_wait3A_176 = arith.constant 0 : i32
        %dma_wait3A_177 = arith.constant 0 : i32
        %dma_wait3A_178 = tpu.memref_slice %arg10[%dma_wait3A_176, %dma_wait3A_177] : memref<10112x128xf32, #tpu.memory_space<vmem_shared>> -> memref<10112x128xf32, #tpu.memory_space<vmem_shared>>
        tpu.wait_indirect_dma semaphore(%run_scoped3A_166 : memref<!tpu.dma_semaphore, #tpu.memory_space<semaphore_mem>>) src(%arg9 : memref<80x128xf32, #tpu.memory_space<vmem>>) dst(%dma_wait3A_178 : memref<10112x128xf32, #tpu.memory_space<vmem_shared>>)
        tpu.yield
      }) : () -> ()
      %add3A_159 = arith.constant 2 : i32
      %add3A_160 = arith.addi %add3A_139, %add3A_159 : i32
      %lt3A_161 = arith.constant 32 : i32
      %lt3A_162 = arith.cmpi slt, %add3A_160, %lt3A_161 : i32
      %convert_element_type3A_163 = arith.extui %lt3A_162 : i1 to i32
      %cond3A_164 = arith.constant 0 : i32
      %cond3A_165 = arith.cmpi ne, %convert_element_type3A_163, %cond3A_164 : i32
      scf.if %cond3A_165 {
        %add3A_166 = arith.constant 2 : i32
        %add3A_167 = arith.addi %add3A_139, %add3A_166 : i32
        %dma_start3A_168 = arith.constant 0 : i32
        %dma_start3A_169 = tpu.memref_slice %arg6[%add3A_167, %dma_start3A_168] : memref<32x80xi32, #tpu.memory_space<vmem>> -> memref<1x80xi32, #tpu.memory_space<vmem>>
        %dma_start3A_170 = tpu.memref_squeeze %dma_start3A_169 : memref<1x80xi32, #tpu.memory_space<vmem>> -> memref<80xi32, #tpu.memory_space<vmem>>
        %dma_start3A_171 = arith.constant 0 : i32
        %dma_start3A_172 = arith.constant 0 : i32
        %dma_start3A_173 = tpu.memref_slice %arg2[%dma_start3A_171, %dma_start3A_172] : memref<10112x128xf32, #tpu.memory_space<hbm>> -> memref<10112x128xf32, #tpu.memory_space<hbm>>
        %dma_start3A_174 = tpu.memref_slice %arg11[%scan3A_25] : memref<4x!tpu.dma_semaphore, #tpu.memory_space<semaphore_mem>> -> memref<1x!tpu.dma_semaphore, #tpu.memory_space<semaphore_mem>>
        %dma_start3A_175 = tpu.memref_squeeze %dma_start3A_174 : memref<1x!tpu.dma_semaphore, #tpu.memory_space<semaphore_mem>> -> memref<!tpu.dma_semaphore, #tpu.memory_space<semaphore_mem>>
        tpu.enqueue_indirect_dma source(%dma_start3A_173 : memref<10112x128xf32, #tpu.memory_space<hbm>>) target(%arg9 : memref<80x128xf32, #tpu.memory_space<vmem>>) offsets(%dma_start3A_170 : memref<80xi32, #tpu.memory_space<vmem>>) semaphore(%dma_start3A_175 : memref<!tpu.dma_semaphore, #tpu.memory_space<semaphore_mem>>)
      } else {
      }
    }
    %scan3A_30 = arith.constant 16 : i32
    %run_scoped3A_31 = arith.constant 0 : i32
    %run_scoped3A_32 = arith.constant 1 : i32
    "tpu.region"() ({
      %run_scoped3A_129 = tpu.sem_alloc : memref<!tpu.dma_semaphore, #tpu.memory_space<semaphore_mem>>
      %dma_start3A_130 = arith.constant 0 : i32
      %dma_start3A_131 = arith.constant 0 : i32
      %dma_start3A_132 = tpu.memref_slice %arg3[%run_scoped3A_31, %add3A, %run_scoped3A_32, %dma_start3A_130, %dma_start3A_131] : memref<2x32x4x32x80xi32, #tpu.memory_space<hbm>> -> memref<1x1x1x32x80xi32, #tpu.memory_space<hbm>>
      %dma_start3A_133 = tpu.memref_squeeze %dma_start3A_132 : memref<1x1x1x32x80xi32, #tpu.memory_space<hbm>> -> memref<32x80xi32, #tpu.memory_space<hbm>>
      %dma_start3A_134 = arith.constant 0 : i32
      %dma_start3A_135 = arith.constant 0 : i32
      %dma_start3A_136 = tpu.memref_slice %arg3[%run_scoped3A_31, %add3A, %run_scoped3A_32, %dma_start3A_134, %dma_start3A_135] : memref<2x32x4x32x80xi32, #tpu.memory_space<hbm>> -> memref<1x1x1x32x80xi32, #tpu.memory_space<hbm>>
      %dma_start3A_137 = tpu.memref_squeeze %dma_start3A_136 : memref<1x1x1x32x80xi32, #tpu.memory_space<hbm>> -> memref<32x80xi32, #tpu.memory_space<hbm>>
      tpu.enqueue_dma source(%dma_start3A_137 : memref<32x80xi32, #tpu.memory_space<hbm>>) target(%arg6 : memref<32x80xi32, #tpu.memory_space<vmem>>) target_semaphore(%run_scoped3A_129 : memref<!tpu.dma_semaphore, #tpu.memory_space<semaphore_mem>>)
      %dma_wait3A = arith.constant 0 : i32
      %dma_wait3A_138 = arith.constant 0 : i32
      %dma_wait3A_139 = tpu.memref_slice %arg3[%run_scoped3A_31, %add3A, %run_scoped3A_32, %dma_wait3A, %dma_wait3A_138] : memref<2x32x4x32x80xi32, #tpu.memory_space<hbm>> -> memref<1x1x1x32x80xi32, #tpu.memory_space<hbm>>
      %dma_wait3A_140 = tpu.memref_squeeze %dma_wait3A_139 : memref<1x1x1x32x80xi32, #tpu.memory_space<hbm>> -> memref<32x80xi32, #tpu.memory_space<hbm>>
      %dma_wait3A_141 = arith.constant 0 : i32
      %dma_wait3A_142 = arith.constant 0 : i32
      %dma_wait3A_143 = tpu.memref_slice %arg3[%run_scoped3A_31, %add3A, %run_scoped3A_32, %dma_wait3A_141, %dma_wait3A_142] : memref<2x32x4x32x80xi32, #tpu.memory_space<hbm>> -> memref<1x1x1x32x80xi32, #tpu.memory_space<hbm>>
      %dma_wait3A_144 = tpu.memref_squeeze %dma_wait3A_143 : memref<1x1x1x32x80xi32, #tpu.memory_space<hbm>> -> memref<32x80xi32, #tpu.memory_space<hbm>>
      tpu.wait_dma2 semaphore(%run_scoped3A_129 : memref<!tpu.dma_semaphore, #tpu.memory_space<semaphore_mem>>) src(%dma_wait3A_144 : memref<32x80xi32, #tpu.memory_space<hbm>>) dst(%arg6 : memref<32x80xi32, #tpu.memory_space<vmem>>)
      tpu.yield
    }) : () -> ()
    %run_scoped3A_33 = arith.constant 1 : i32
    %run_scoped3A_34 = arith.constant 1 : i32
    "tpu.region"() ({
      %run_scoped3A_129 = tpu.sem_alloc : memref<!tpu.dma_semaphore, #tpu.memory_space<semaphore_mem>>
      %dma_start3A_130 = arith.constant 0 : i32
      %dma_start3A_131 = arith.constant 0 : i32
      %dma_start3A_132 = tpu.memref_slice %arg3[%run_scoped3A_33, %add3A, %run_scoped3A_34, %dma_start3A_130, %dma_start3A_131] : memref<2x32x4x32x80xi32, #tpu.memory_space<hbm>> -> memref<1x1x1x32x80xi32, #tpu.memory_space<hbm>>
      %dma_start3A_133 = tpu.memref_squeeze %dma_start3A_132 : memref<1x1x1x32x80xi32, #tpu.memory_space<hbm>> -> memref<32x80xi32, #tpu.memory_space<hbm>>
      %dma_start3A_134 = arith.constant 0 : i32
      %dma_start3A_135 = arith.constant 0 : i32
      %dma_start3A_136 = tpu.memref_slice %arg3[%run_scoped3A_33, %add3A, %run_scoped3A_34, %dma_start3A_134, %dma_start3A_135] : memref<2x32x4x32x80xi32, #tpu.memory_space<hbm>> -> memref<1x1x1x32x80xi32, #tpu.memory_space<hbm>>
      %dma_start3A_137 = tpu.memref_squeeze %dma_start3A_136 : memref<1x1x1x32x80xi32, #tpu.memory_space<hbm>> -> memref<32x80xi32, #tpu.memory_space<hbm>>
      tpu.enqueue_dma source(%dma_start3A_137 : memref<32x80xi32, #tpu.memory_space<hbm>>) target(%arg7 : memref<32x80xi32, #tpu.memory_space<vmem>>) target_semaphore(%run_scoped3A_129 : memref<!tpu.dma_semaphore, #tpu.memory_space<semaphore_mem>>)
      %dma_wait3A = arith.constant 0 : i32
      %dma_wait3A_138 = arith.constant 0 : i32
      %dma_wait3A_139 = tpu.memref_slice %arg3[%run_scoped3A_33, %add3A, %run_scoped3A_34, %dma_wait3A, %dma_wait3A_138] : memref<2x32x4x32x80xi32, #tpu.memory_space<hbm>> -> memref<1x1x1x32x80xi32, #tpu.memory_space<hbm>>
      %dma_wait3A_140 = tpu.memref_squeeze %dma_wait3A_139 : memref<1x1x1x32x80xi32, #tpu.memory_space<hbm>> -> memref<32x80xi32, #tpu.memory_space<hbm>>
      %dma_wait3A_141 = arith.constant 0 : i32
      %dma_wait3A_142 = arith.constant 0 : i32
      %dma_wait3A_143 = tpu.memref_slice %arg3[%run_scoped3A_33, %add3A, %run_scoped3A_34, %dma_wait3A_141, %dma_wait3A_142] : memref<2x32x4x32x80xi32, #tpu.memory_space<hbm>> -> memref<1x1x1x32x80xi32, #tpu.memory_space<hbm>>
      %dma_wait3A_144 = tpu.memref_squeeze %dma_wait3A_143 : memref<1x1x1x32x80xi32, #tpu.memory_space<hbm>> -> memref<32x80xi32, #tpu.memory_space<hbm>>
      tpu.wait_dma2 semaphore(%run_scoped3A_129 : memref<!tpu.dma_semaphore, #tpu.memory_space<semaphore_mem>>) src(%dma_wait3A_144 : memref<32x80xi32, #tpu.memory_space<hbm>>) dst(%arg7 : memref<32x80xi32, #tpu.memory_space<vmem>>)
      tpu.yield
    }) : () -> ()
    %dma_start3A_35 = arith.constant 0 : i32
    %dma_start3A_36 = arith.constant 0 : i32
    %dma_start3A_37 = arith.constant 0 : i32
    %dma_start3A_38 = tpu.memref_slice %arg6[%dma_start3A_35, %dma_start3A_37] : memref<32x80xi32, #tpu.memory_space<vmem>> -> memref<1x80xi32, #tpu.memory_space<vmem>>
    %dma_start3A_39 = tpu.memref_squeeze %dma_start3A_38 : memref<1x80xi32, #tpu.memory_space<vmem>> -> memref<80xi32, #tpu.memory_space<vmem>>
    %dma_start3A_40 = arith.constant 0 : i32
    %dma_start3A_41 = arith.constant 0 : i32
    %dma_start3A_42 = tpu.memref_slice %arg2[%dma_start3A_40, %dma_start3A_41] : memref<10112x128xf32, #tpu.memory_space<hbm>> -> memref<10112x128xf32, #tpu.memory_space<hbm>>
    %dma_start3A_43 = tpu.memref_slice %arg11[%dma_start3A_36] : memref<4x!tpu.dma_semaphore, #tpu.memory_space<semaphore_mem>> -> memref<1x!tpu.dma_semaphore, #tpu.memory_space<semaphore_mem>>
    %dma_start3A_44 = tpu.memref_squeeze %dma_start3A_43 : memref<1x!tpu.dma_semaphore, #tpu.memory_space<semaphore_mem>> -> memref<!tpu.dma_semaphore, #tpu.memory_space<semaphore_mem>>
    tpu.enqueue_indirect_dma source(%dma_start3A_42 : memref<10112x128xf32, #tpu.memory_space<hbm>>) target(%arg8 : memref<80x128xf32, #tpu.memory_space<vmem>>) offsets(%dma_start3A_39 : memref<80xi32, #tpu.memory_space<vmem>>) semaphore(%dma_start3A_44 : memref<!tpu.dma_semaphore, #tpu.memory_space<semaphore_mem>>)
    %dma_start3A_45 = arith.constant 1 : i32
    %dma_start3A_46 = arith.constant 1 : i32
    %dma_start3A_47 = arith.constant 0 : i32
    %dma_start3A_48 = tpu.memref_slice %arg6[%dma_start3A_45, %dma_start3A_47] : memref<32x80xi32, #tpu.memory_space<vmem>> -> memref<1x80xi32, #tpu.memory_space<vmem>>
    %dma_start3A_49 = tpu.memref_squeeze %dma_start3A_48 : memref<1x80xi32, #tpu.memory_space<vmem>> -> memref<80xi32, #tpu.memory_space<vmem>>
    %dma_start3A_50 = arith.constant 0 : i32
    %dma_start3A_51 = arith.constant 0 : i32
    %dma_start3A_52 = tpu.memref_slice %arg2[%dma_start3A_50, %dma_start3A_51] : memref<10112x128xf32, #tpu.memory_space<hbm>> -> memref<10112x128xf32, #tpu.memory_space<hbm>>
    %dma_start3A_53 = tpu.memref_slice %arg11[%dma_start3A_46] : memref<4x!tpu.dma_semaphore, #tpu.memory_space<semaphore_mem>> -> memref<1x!tpu.dma_semaphore, #tpu.memory_space<semaphore_mem>>
    %dma_start3A_54 = tpu.memref_squeeze %dma_start3A_53 : memref<1x!tpu.dma_semaphore, #tpu.memory_space<semaphore_mem>> -> memref<!tpu.dma_semaphore, #tpu.memory_space<semaphore_mem>>
    tpu.enqueue_indirect_dma source(%dma_start3A_52 : memref<10112x128xf32, #tpu.memory_space<hbm>>) target(%arg9 : memref<80x128xf32, #tpu.memory_space<vmem>>) offsets(%dma_start3A_49 : memref<80xi32, #tpu.memory_space<vmem>>) semaphore(%dma_start3A_54 : memref<!tpu.dma_semaphore, #tpu.memory_space<semaphore_mem>>)
    %scan3A_55 = arith.constant 0 : i32
    %scan3A_56 = arith.constant 1 : i32
    %scan3A_57 = arith.constant 0 : i32
    %scan3A_58 = arith.constant 16 : i32
    %scan3A_59 = arith.addi %scan3A_57, %scan3A_58 : i32
    %scan3A_60 = arith.constant 1 : i32
    scf.for %scan3A_129 = %scan3A_57 to %scan3A_59 step %scan3A_60  : i32 {
      %mul3A_130 = arith.constant 1 : i32
      %mul3A_131 = arith.muli %scan3A_129, %mul3A_130 : i32
      %add3A_132 = arith.constant 0 : i32
      %add3A_133 = arith.addi %add3A_132, %mul3A_131 : i32
      %mul3A_134 = arith.constant 2 : i32
      %mul3A_135 = arith.muli %mul3A_134, %add3A_133 : i32
      %mul3A_136 = arith.constant 2 : i32
      %mul3A_137 = arith.muli %mul3A_136, %add3A_133 : i32
      %add3A_138 = arith.constant 1 : i32
      %add3A_139 = arith.addi %mul3A_137, %add3A_138 : i32
      %dma_wait3A = arith.constant 0 : i32
      %dma_wait3A_140 = tpu.memref_slice %arg6[%mul3A_135, %dma_wait3A] : memref<32x80xi32, #tpu.memory_space<vmem>> -> memref<1x80xi32, #tpu.memory_space<vmem>>
      %dma_wait3A_141 = tpu.memref_squeeze %dma_wait3A_140 : memref<1x80xi32, #tpu.memory_space<vmem>> -> memref<80xi32, #tpu.memory_space<vmem>>
      %dma_wait3A_142 = arith.constant 0 : i32
      %dma_wait3A_143 = arith.constant 0 : i32
      %dma_wait3A_144 = tpu.memref_slice %arg2[%dma_wait3A_142, %dma_wait3A_143] : memref<10112x128xf32, #tpu.memory_space<hbm>> -> memref<10112x128xf32, #tpu.memory_space<hbm>>
      %dma_wait3A_145 = tpu.memref_slice %arg11[%scan3A_55] : memref<4x!tpu.dma_semaphore, #tpu.memory_space<semaphore_mem>> -> memref<1x!tpu.dma_semaphore, #tpu.memory_space<semaphore_mem>>
      %dma_wait3A_146 = tpu.memref_squeeze %dma_wait3A_145 : memref<1x!tpu.dma_semaphore, #tpu.memory_space<semaphore_mem>> -> memref<!tpu.dma_semaphore, #tpu.memory_space<semaphore_mem>>
      tpu.wait_indirect_dma semaphore(%dma_wait3A_146 : memref<!tpu.dma_semaphore, #tpu.memory_space<semaphore_mem>>) src(%dma_wait3A_144 : memref<10112x128xf32, #tpu.memory_space<hbm>>) dst(%arg8 : memref<80x128xf32, #tpu.memory_space<vmem>>)
      "tpu.region"() ({
        %run_scoped3A_166 = tpu.sem_alloc : memref<!tpu.dma_semaphore, #tpu.memory_space<semaphore_mem>>
        %dma_start3A_167 = arith.constant 0 : i32
        %dma_start3A_168 = tpu.memref_slice %arg7[%mul3A_135, %dma_start3A_167] : memref<32x80xi32, #tpu.memory_space<vmem>> -> memref<1x80xi32, #tpu.memory_space<vmem>>
        %dma_start3A_169 = tpu.memref_squeeze %dma_start3A_168 : memref<1x80xi32, #tpu.memory_space<vmem>> -> memref<80xi32, #tpu.memory_space<vmem>>
        %dma_start3A_170 = arith.constant 0 : i32
        %dma_start3A_171 = arith.constant 0 : i32
        %dma_start3A_172 = tpu.memref_slice %arg10[%dma_start3A_170, %dma_start3A_171] : memref<10112x128xf32, #tpu.memory_space<vmem_shared>> -> memref<10112x128xf32, #tpu.memory_space<vmem_shared>>
        tpu.enqueue_indirect_dma source(%arg8 : memref<80x128xf32, #tpu.memory_space<vmem>>) target(%dma_start3A_172 : memref<10112x128xf32, #tpu.memory_space<vmem_shared>>) offsets(%dma_start3A_169 : memref<80xi32, #tpu.memory_space<vmem>>) semaphore(%run_scoped3A_166 : memref<!tpu.dma_semaphore, #tpu.memory_space<semaphore_mem>>) {add = true}
        %dma_wait3A_173 = arith.constant 0 : i32
        %dma_wait3A_174 = tpu.memref_slice %arg7[%mul3A_135, %dma_wait3A_173] : memref<32x80xi32, #tpu.memory_space<vmem>> -> memref<1x80xi32, #tpu.memory_space<vmem>>
        %dma_wait3A_175 = tpu.memref_squeeze %dma_wait3A_174 : memref<1x80xi32, #tpu.memory_space<vmem>> -> memref<80xi32, #tpu.memory_space<vmem>>
        %dma_wait3A_176 = arith.constant 0 : i32
        %dma_wait3A_177 = arith.constant 0 : i32
        %dma_wait3A_178 = tpu.memref_slice %arg10[%dma_wait3A_176, %dma_wait3A_177] : memref<10112x128xf32, #tpu.memory_space<vmem_shared>> -> memref<10112x128xf32, #tpu.memory_space<vmem_shared>>
        tpu.wait_indirect_dma semaphore(%run_scoped3A_166 : memref<!tpu.dma_semaphore, #tpu.memory_space<semaphore_mem>>) src(%arg8 : memref<80x128xf32, #tpu.memory_space<vmem>>) dst(%dma_wait3A_178 : memref<10112x128xf32, #tpu.memory_space<vmem_shared>>)
        tpu.yield
      }) : () -> ()
      %add3A_147 = arith.constant 2 : i32
      %add3A_148 = arith.addi %mul3A_135, %add3A_147 : i32
      %lt3A = arith.constant 32 : i32
      %lt3A_149 = arith.cmpi slt, %add3A_148, %lt3A : i32
      %convert_element_type3A = arith.extui %lt3A_149 : i1 to i32
      %cond3A = arith.constant 0 : i32
      %cond3A_150 = arith.cmpi ne, %convert_element_type3A, %cond3A : i32
      scf.if %cond3A_150 {
        %add3A_166 = arith.constant 2 : i32
        %add3A_167 = arith.addi %mul3A_135, %add3A_166 : i32
        %dma_start3A_168 = arith.constant 0 : i32
        %dma_start3A_169 = tpu.memref_slice %arg6[%add3A_167, %dma_start3A_168] : memref<32x80xi32, #tpu.memory_space<vmem>> -> memref<1x80xi32, #tpu.memory_space<vmem>>
        %dma_start3A_170 = tpu.memref_squeeze %dma_start3A_169 : memref<1x80xi32, #tpu.memory_space<vmem>> -> memref<80xi32, #tpu.memory_space<vmem>>
        %dma_start3A_171 = arith.constant 0 : i32
        %dma_start3A_172 = arith.constant 0 : i32
        %dma_start3A_173 = tpu.memref_slice %arg2[%dma_start3A_171, %dma_start3A_172] : memref<10112x128xf32, #tpu.memory_space<hbm>> -> memref<10112x128xf32, #tpu.memory_space<hbm>>
        %dma_start3A_174 = tpu.memref_slice %arg11[%scan3A_55] : memref<4x!tpu.dma_semaphore, #tpu.memory_space<semaphore_mem>> -> memref<1x!tpu.dma_semaphore, #tpu.memory_space<semaphore_mem>>
        %dma_start3A_175 = tpu.memref_squeeze %dma_start3A_174 : memref<1x!tpu.dma_semaphore, #tpu.memory_space<semaphore_mem>> -> memref<!tpu.dma_semaphore, #tpu.memory_space<semaphore_mem>>
        tpu.enqueue_indirect_dma source(%dma_start3A_173 : memref<10112x128xf32, #tpu.memory_space<hbm>>) target(%arg8 : memref<80x128xf32, #tpu.memory_space<vmem>>) offsets(%dma_start3A_170 : memref<80xi32, #tpu.memory_space<vmem>>) semaphore(%dma_start3A_175 : memref<!tpu.dma_semaphore, #tpu.memory_space<semaphore_mem>>)
      } else {
      }
      %dma_wait3A_151 = arith.constant 0 : i32
      %dma_wait3A_152 = tpu.memref_slice %arg6[%add3A_139, %dma_wait3A_151] : memref<32x80xi32, #tpu.memory_space<vmem>> -> memref<1x80xi32, #tpu.memory_space<vmem>>
      %dma_wait3A_153 = tpu.memref_squeeze %dma_wait3A_152 : memref<1x80xi32, #tpu.memory_space<vmem>> -> memref<80xi32, #tpu.memory_space<vmem>>
      %dma_wait3A_154 = arith.constant 0 : i32
      %dma_wait3A_155 = arith.constant 0 : i32
      %dma_wait3A_156 = tpu.memref_slice %arg2[%dma_wait3A_154, %dma_wait3A_155] : memref<10112x128xf32, #tpu.memory_space<hbm>> -> memref<10112x128xf32, #tpu.memory_space<hbm>>
      %dma_wait3A_157 = tpu.memref_slice %arg11[%scan3A_56] : memref<4x!tpu.dma_semaphore, #tpu.memory_space<semaphore_mem>> -> memref<1x!tpu.dma_semaphore, #tpu.memory_space<semaphore_mem>>
      %dma_wait3A_158 = tpu.memref_squeeze %dma_wait3A_157 : memref<1x!tpu.dma_semaphore, #tpu.memory_space<semaphore_mem>> -> memref<!tpu.dma_semaphore, #tpu.memory_space<semaphore_mem>>
      tpu.wait_indirect_dma semaphore(%dma_wait3A_158 : memref<!tpu.dma_semaphore, #tpu.memory_space<semaphore_mem>>) src(%dma_wait3A_156 : memref<10112x128xf32, #tpu.memory_space<hbm>>) dst(%arg9 : memref<80x128xf32, #tpu.memory_space<vmem>>)
      "tpu.region"() ({
        %run_scoped3A_166 = tpu.sem_alloc : memref<!tpu.dma_semaphore, #tpu.memory_space<semaphore_mem>>
        %dma_start3A_167 = arith.constant 0 : i32
        %dma_start3A_168 = tpu.memref_slice %arg7[%add3A_139, %dma_start3A_167] : memref<32x80xi32, #tpu.memory_space<vmem>> -> memref<1x80xi32, #tpu.memory_space<vmem>>
        %dma_start3A_169 = tpu.memref_squeeze %dma_start3A_168 : memref<1x80xi32, #tpu.memory_space<vmem>> -> memref<80xi32, #tpu.memory_space<vmem>>
        %dma_start3A_170 = arith.constant 0 : i32
        %dma_start3A_171 = arith.constant 0 : i32
        %dma_start3A_172 = tpu.memref_slice %arg10[%dma_start3A_170, %dma_start3A_171] : memref<10112x128xf32, #tpu.memory_space<vmem_shared>> -> memref<10112x128xf32, #tpu.memory_space<vmem_shared>>
        tpu.enqueue_indirect_dma source(%arg9 : memref<80x128xf32, #tpu.memory_space<vmem>>) target(%dma_start3A_172 : memref<10112x128xf32, #tpu.memory_space<vmem_shared>>) offsets(%dma_start3A_169 : memref<80xi32, #tpu.memory_space<vmem>>) semaphore(%run_scoped3A_166 : memref<!tpu.dma_semaphore, #tpu.memory_space<semaphore_mem>>) {add = true}
        %dma_wait3A_173 = arith.constant 0 : i32
        %dma_wait3A_174 = tpu.memref_slice %arg7[%add3A_139, %dma_wait3A_173] : memref<32x80xi32, #tpu.memory_space<vmem>> -> memref<1x80xi32, #tpu.memory_space<vmem>>
        %dma_wait3A_175 = tpu.memref_squeeze %dma_wait3A_174 : memref<1x80xi32, #tpu.memory_space<vmem>> -> memref<80xi32, #tpu.memory_space<vmem>>
        %dma_wait3A_176 = arith.constant 0 : i32
        %dma_wait3A_177 = arith.constant 0 : i32
        %dma_wait3A_178 = tpu.memref_slice %arg10[%dma_wait3A_176, %dma_wait3A_177] : memref<10112x128xf32, #tpu.memory_space<vmem_shared>> -> memref<10112x128xf32, #tpu.memory_space<vmem_shared>>
        tpu.wait_indirect_dma semaphore(%run_scoped3A_166 : memref<!tpu.dma_semaphore, #tpu.memory_space<semaphore_mem>>) src(%arg9 : memref<80x128xf32, #tpu.memory_space<vmem>>) dst(%dma_wait3A_178 : memref<10112x128xf32, #tpu.memory_space<vmem_shared>>)
        tpu.yield
      }) : () -> ()
      %add3A_159 = arith.constant 2 : i32
      %add3A_160 = arith.addi %add3A_139, %add3A_159 : i32
      %lt3A_161 = arith.constant 32 : i32
      %lt3A_162 = arith.cmpi slt, %add3A_160, %lt3A_161 : i32
      %convert_element_type3A_163 = arith.extui %lt3A_162 : i1 to i32
      %cond3A_164 = arith.constant 0 : i32
      %cond3A_165 = arith.cmpi ne, %convert_element_type3A_163, %cond3A_164 : i32
      scf.if %cond3A_165 {
        %add3A_166 = arith.constant 2 : i32
        %add3A_167 = arith.addi %add3A_139, %add3A_166 : i32
        %dma_start3A_168 = arith.constant 0 : i32
        %dma_start3A_169 = tpu.memref_slice %arg6[%add3A_167, %dma_start3A_168] : memref<32x80xi32, #tpu.memory_space<vmem>> -> memref<1x80xi32, #tpu.memory_space<vmem>>
        %dma_start3A_170 = tpu.memref_squeeze %dma_start3A_169 : memref<1x80xi32, #tpu.memory_space<vmem>> -> memref<80xi32, #tpu.memory_space<vmem>>
        %dma_start3A_171 = arith.constant 0 : i32
        %dma_start3A_172 = arith.constant 0 : i32
        %dma_start3A_173 = tpu.memref_slice %arg2[%dma_start3A_171, %dma_start3A_172] : memref<10112x128xf32, #tpu.memory_space<hbm>> -> memref<10112x128xf32, #tpu.memory_space<hbm>>
        %dma_start3A_174 = tpu.memref_slice %arg11[%scan3A_56] : memref<4x!tpu.dma_semaphore, #tpu.memory_space<semaphore_mem>> -> memref<1x!tpu.dma_semaphore, #tpu.memory_space<semaphore_mem>>
        %dma_start3A_175 = tpu.memref_squeeze %dma_start3A_174 : memref<1x!tpu.dma_semaphore, #tpu.memory_space<semaphore_mem>> -> memref<!tpu.dma_semaphore, #tpu.memory_space<semaphore_mem>>
        tpu.enqueue_indirect_dma source(%dma_start3A_173 : memref<10112x128xf32, #tpu.memory_space<hbm>>) target(%arg9 : memref<80x128xf32, #tpu.memory_space<vmem>>) offsets(%dma_start3A_170 : memref<80xi32, #tpu.memory_space<vmem>>) semaphore(%dma_start3A_175 : memref<!tpu.dma_semaphore, #tpu.memory_space<semaphore_mem>>)
      } else {
      }
    }
    %scan3A_61 = arith.constant 16 : i32
    %run_scoped3A_62 = arith.constant 0 : i32
    %run_scoped3A_63 = arith.constant 2 : i32
    "tpu.region"() ({
      %run_scoped3A_129 = tpu.sem_alloc : memref<!tpu.dma_semaphore, #tpu.memory_space<semaphore_mem>>
      %dma_start3A_130 = arith.constant 0 : i32
      %dma_start3A_131 = arith.constant 0 : i32
      %dma_start3A_132 = tpu.memref_slice %arg3[%run_scoped3A_62, %add3A, %run_scoped3A_63, %dma_start3A_130, %dma_start3A_131] : memref<2x32x4x32x80xi32, #tpu.memory_space<hbm>> -> memref<1x1x1x32x80xi32, #tpu.memory_space<hbm>>
      %dma_start3A_133 = tpu.memref_squeeze %dma_start3A_132 : memref<1x1x1x32x80xi32, #tpu.memory_space<hbm>> -> memref<32x80xi32, #tpu.memory_space<hbm>>
      %dma_start3A_134 = arith.constant 0 : i32
      %dma_start3A_135 = arith.constant 0 : i32
      %dma_start3A_136 = tpu.memref_slice %arg3[%run_scoped3A_62, %add3A, %run_scoped3A_63, %dma_start3A_134, %dma_start3A_135] : memref<2x32x4x32x80xi32, #tpu.memory_space<hbm>> -> memref<1x1x1x32x80xi32, #tpu.memory_space<hbm>>
      %dma_start3A_137 = tpu.memref_squeeze %dma_start3A_136 : memref<1x1x1x32x80xi32, #tpu.memory_space<hbm>> -> memref<32x80xi32, #tpu.memory_space<hbm>>
      tpu.enqueue_dma source(%dma_start3A_137 : memref<32x80xi32, #tpu.memory_space<hbm>>) target(%arg6 : memref<32x80xi32, #tpu.memory_space<vmem>>) target_semaphore(%run_scoped3A_129 : memref<!tpu.dma_semaphore, #tpu.memory_space<semaphore_mem>>)
      %dma_wait3A = arith.constant 0 : i32
      %dma_wait3A_138 = arith.constant 0 : i32
      %dma_wait3A_139 = tpu.memref_slice %arg3[%run_scoped3A_62, %add3A, %run_scoped3A_63, %dma_wait3A, %dma_wait3A_138] : memref<2x32x4x32x80xi32, #tpu.memory_space<hbm>> -> memref<1x1x1x32x80xi32, #tpu.memory_space<hbm>>
      %dma_wait3A_140 = tpu.memref_squeeze %dma_wait3A_139 : memref<1x1x1x32x80xi32, #tpu.memory_space<hbm>> -> memref<32x80xi32, #tpu.memory_space<hbm>>
      %dma_wait3A_141 = arith.constant 0 : i32
      %dma_wait3A_142 = arith.constant 0 : i32
      %dma_wait3A_143 = tpu.memref_slice %arg3[%run_scoped3A_62, %add3A, %run_scoped3A_63, %dma_wait3A_141, %dma_wait3A_142] : memref<2x32x4x32x80xi32, #tpu.memory_space<hbm>> -> memref<1x1x1x32x80xi32, #tpu.memory_space<hbm>>
      %dma_wait3A_144 = tpu.memref_squeeze %dma_wait3A_143 : memref<1x1x1x32x80xi32, #tpu.memory_space<hbm>> -> memref<32x80xi32, #tpu.memory_space<hbm>>
      tpu.wait_dma2 semaphore(%run_scoped3A_129 : memref<!tpu.dma_semaphore, #tpu.memory_space<semaphore_mem>>) src(%dma_wait3A_144 : memref<32x80xi32, #tpu.memory_space<hbm>>) dst(%arg6 : memref<32x80xi32, #tpu.memory_space<vmem>>)
      tpu.yield
    }) : () -> ()
    %run_scoped3A_64 = arith.constant 1 : i32
    %run_scoped3A_65 = arith.constant 2 : i32
    "tpu.region"() ({
      %run_scoped3A_129 = tpu.sem_alloc : memref<!tpu.dma_semaphore, #tpu.memory_space<semaphore_mem>>
      %dma_start3A_130 = arith.constant 0 : i32
      %dma_start3A_131 = arith.constant 0 : i32
      %dma_start3A_132 = tpu.memref_slice %arg3[%run_scoped3A_64, %add3A, %run_scoped3A_65, %dma_start3A_130, %dma_start3A_131] : memref<2x32x4x32x80xi32, #tpu.memory_space<hbm>> -> memref<1x1x1x32x80xi32, #tpu.memory_space<hbm>>
      %dma_start3A_133 = tpu.memref_squeeze %dma_start3A_132 : memref<1x1x1x32x80xi32, #tpu.memory_space<hbm>> -> memref<32x80xi32, #tpu.memory_space<hbm>>
      %dma_start3A_134 = arith.constant 0 : i32
      %dma_start3A_135 = arith.constant 0 : i32
      %dma_start3A_136 = tpu.memref_slice %arg3[%run_scoped3A_64, %add3A, %run_scoped3A_65, %dma_start3A_134, %dma_start3A_135] : memref<2x32x4x32x80xi32, #tpu.memory_space<hbm>> -> memref<1x1x1x32x80xi32, #tpu.memory_space<hbm>>
      %dma_start3A_137 = tpu.memref_squeeze %dma_start3A_136 : memref<1x1x1x32x80xi32, #tpu.memory_space<hbm>> -> memref<32x80xi32, #tpu.memory_space<hbm>>
      tpu.enqueue_dma source(%dma_start3A_137 : memref<32x80xi32, #tpu.memory_space<hbm>>) target(%arg7 : memref<32x80xi32, #tpu.memory_space<vmem>>) target_semaphore(%run_scoped3A_129 : memref<!tpu.dma_semaphore, #tpu.memory_space<semaphore_mem>>)
      %dma_wait3A = arith.constant 0 : i32
      %dma_wait3A_138 = arith.constant 0 : i32
      %dma_wait3A_139 = tpu.memref_slice %arg3[%run_scoped3A_64, %add3A, %run_scoped3A_65, %dma_wait3A, %dma_wait3A_138] : memref<2x32x4x32x80xi32, #tpu.memory_space<hbm>> -> memref<1x1x1x32x80xi32, #tpu.memory_space<hbm>>
      %dma_wait3A_140 = tpu.memref_squeeze %dma_wait3A_139 : memref<1x1x1x32x80xi32, #tpu.memory_space<hbm>> -> memref<32x80xi32, #tpu.memory_space<hbm>>
      %dma_wait3A_141 = arith.constant 0 : i32
      %dma_wait3A_142 = arith.constant 0 : i32
      %dma_wait3A_143 = tpu.memref_slice %arg3[%run_scoped3A_64, %add3A, %run_scoped3A_65, %dma_wait3A_141, %dma_wait3A_142] : memref<2x32x4x32x80xi32, #tpu.memory_space<hbm>> -> memref<1x1x1x32x80xi32, #tpu.memory_space<hbm>>
      %dma_wait3A_144 = tpu.memref_squeeze %dma_wait3A_143 : memref<1x1x1x32x80xi32, #tpu.memory_space<hbm>> -> memref<32x80xi32, #tpu.memory_space<hbm>>
      tpu.wait_dma2 semaphore(%run_scoped3A_129 : memref<!tpu.dma_semaphore, #tpu.memory_space<semaphore_mem>>) src(%dma_wait3A_144 : memref<32x80xi32, #tpu.memory_space<hbm>>) dst(%arg7 : memref<32x80xi32, #tpu.memory_space<vmem>>)
      tpu.yield
    }) : () -> ()
    %dma_start3A_66 = arith.constant 0 : i32
    %dma_start3A_67 = arith.constant 0 : i32
    %dma_start3A_68 = arith.constant 0 : i32
    %dma_start3A_69 = tpu.memref_slice %arg6[%dma_start3A_66, %dma_start3A_68] : memref<32x80xi32, #tpu.memory_space<vmem>> -> memref<1x80xi32, #tpu.memory_space<vmem>>
    %dma_start3A_70 = tpu.memref_squeeze %dma_start3A_69 : memref<1x80xi32, #tpu.memory_space<vmem>> -> memref<80xi32, #tpu.memory_space<vmem>>
    %dma_start3A_71 = arith.constant 0 : i32
    %dma_start3A_72 = arith.constant 0 : i32
    %dma_start3A_73 = tpu.memref_slice %arg2[%dma_start3A_71, %dma_start3A_72] : memref<10112x128xf32, #tpu.memory_space<hbm>> -> memref<10112x128xf32, #tpu.memory_space<hbm>>
    %dma_start3A_74 = tpu.memref_slice %arg11[%dma_start3A_67] : memref<4x!tpu.dma_semaphore, #tpu.memory_space<semaphore_mem>> -> memref<1x!tpu.dma_semaphore, #tpu.memory_space<semaphore_mem>>
    %dma_start3A_75 = tpu.memref_squeeze %dma_start3A_74 : memref<1x!tpu.dma_semaphore, #tpu.memory_space<semaphore_mem>> -> memref<!tpu.dma_semaphore, #tpu.memory_space<semaphore_mem>>
    tpu.enqueue_indirect_dma source(%dma_start3A_73 : memref<10112x128xf32, #tpu.memory_space<hbm>>) target(%arg8 : memref<80x128xf32, #tpu.memory_space<vmem>>) offsets(%dma_start3A_70 : memref<80xi32, #tpu.memory_space<vmem>>) semaphore(%dma_start3A_75 : memref<!tpu.dma_semaphore, #tpu.memory_space<semaphore_mem>>)
    %dma_start3A_76 = arith.constant 1 : i32
    %dma_start3A_77 = arith.constant 1 : i32
    %dma_start3A_78 = arith.constant 0 : i32
    %dma_start3A_79 = tpu.memref_slice %arg6[%dma_start3A_76, %dma_start3A_78] : memref<32x80xi32, #tpu.memory_space<vmem>> -> memref<1x80xi32, #tpu.memory_space<vmem>>
    %dma_start3A_80 = tpu.memref_squeeze %dma_start3A_79 : memref<1x80xi32, #tpu.memory_space<vmem>> -> memref<80xi32, #tpu.memory_space<vmem>>
    %dma_start3A_81 = arith.constant 0 : i32
    %dma_start3A_82 = arith.constant 0 : i32
    %dma_start3A_83 = tpu.memref_slice %arg2[%dma_start3A_81, %dma_start3A_82] : memref<10112x128xf32, #tpu.memory_space<hbm>> -> memref<10112x128xf32, #tpu.memory_space<hbm>>
    %dma_start3A_84 = tpu.memref_slice %arg11[%dma_start3A_77] : memref<4x!tpu.dma_semaphore, #tpu.memory_space<semaphore_mem>> -> memref<1x!tpu.dma_semaphore, #tpu.memory_space<semaphore_mem>>
    %dma_start3A_85 = tpu.memref_squeeze %dma_start3A_84 : memref<1x!tpu.dma_semaphore, #tpu.memory_space<semaphore_mem>> -> memref<!tpu.dma_semaphore, #tpu.memory_space<semaphore_mem>>
    tpu.enqueue_indirect_dma source(%dma_start3A_83 : memref<10112x128xf32, #tpu.memory_space<hbm>>) target(%arg9 : memref<80x128xf32, #tpu.memory_space<vmem>>) offsets(%dma_start3A_80 : memref<80xi32, #tpu.memory_space<vmem>>) semaphore(%dma_start3A_85 : memref<!tpu.dma_semaphore, #tpu.memory_space<semaphore_mem>>)
    %scan3A_86 = arith.constant 0 : i32
    %scan3A_87 = arith.constant 1 : i32
    %scan3A_88 = arith.constant 0 : i32
    %scan3A_89 = arith.constant 16 : i32
    %scan3A_90 = arith.addi %scan3A_88, %scan3A_89 : i32
    %scan3A_91 = arith.constant 1 : i32
    scf.for %scan3A_129 = %scan3A_88 to %scan3A_90 step %scan3A_91  : i32 {
      %mul3A_130 = arith.constant 1 : i32
      %mul3A_131 = arith.muli %scan3A_129, %mul3A_130 : i32
      %add3A_132 = arith.constant 0 : i32
      %add3A_133 = arith.addi %add3A_132, %mul3A_131 : i32
      %mul3A_134 = arith.constant 2 : i32
      %mul3A_135 = arith.muli %mul3A_134, %add3A_133 : i32
      %mul3A_136 = arith.constant 2 : i32
      %mul3A_137 = arith.muli %mul3A_136, %add3A_133 : i32
      %add3A_138 = arith.constant 1 : i32
      %add3A_139 = arith.addi %mul3A_137, %add3A_138 : i32
      %dma_wait3A = arith.constant 0 : i32
      %dma_wait3A_140 = tpu.memref_slice %arg6[%mul3A_135, %dma_wait3A] : memref<32x80xi32, #tpu.memory_space<vmem>> -> memref<1x80xi32, #tpu.memory_space<vmem>>
      %dma_wait3A_141 = tpu.memref_squeeze %dma_wait3A_140 : memref<1x80xi32, #tpu.memory_space<vmem>> -> memref<80xi32, #tpu.memory_space<vmem>>
      %dma_wait3A_142 = arith.constant 0 : i32
      %dma_wait3A_143 = arith.constant 0 : i32
      %dma_wait3A_144 = tpu.memref_slice %arg2[%dma_wait3A_142, %dma_wait3A_143] : memref<10112x128xf32, #tpu.memory_space<hbm>> -> memref<10112x128xf32, #tpu.memory_space<hbm>>
      %dma_wait3A_145 = tpu.memref_slice %arg11[%scan3A_86] : memref<4x!tpu.dma_semaphore, #tpu.memory_space<semaphore_mem>> -> memref<1x!tpu.dma_semaphore, #tpu.memory_space<semaphore_mem>>
      %dma_wait3A_146 = tpu.memref_squeeze %dma_wait3A_145 : memref<1x!tpu.dma_semaphore, #tpu.memory_space<semaphore_mem>> -> memref<!tpu.dma_semaphore, #tpu.memory_space<semaphore_mem>>
      tpu.wait_indirect_dma semaphore(%dma_wait3A_146 : memref<!tpu.dma_semaphore, #tpu.memory_space<semaphore_mem>>) src(%dma_wait3A_144 : memref<10112x128xf32, #tpu.memory_space<hbm>>) dst(%arg8 : memref<80x128xf32, #tpu.memory_space<vmem>>)
      "tpu.region"() ({
        %run_scoped3A_166 = tpu.sem_alloc : memref<!tpu.dma_semaphore, #tpu.memory_space<semaphore_mem>>
        %dma_start3A_167 = arith.constant 0 : i32
        %dma_start3A_168 = tpu.memref_slice %arg7[%mul3A_135, %dma_start3A_167] : memref<32x80xi32, #tpu.memory_space<vmem>> -> memref<1x80xi32, #tpu.memory_space<vmem>>
        %dma_start3A_169 = tpu.memref_squeeze %dma_start3A_168 : memref<1x80xi32, #tpu.memory_space<vmem>> -> memref<80xi32, #tpu.memory_space<vmem>>
        %dma_start3A_170 = arith.constant 0 : i32
        %dma_start3A_171 = arith.constant 0 : i32
        %dma_start3A_172 = tpu.memref_slice %arg10[%dma_start3A_170, %dma_start3A_171] : memref<10112x128xf32, #tpu.memory_space<vmem_shared>> -> memref<10112x128xf32, #tpu.memory_space<vmem_shared>>
        tpu.enqueue_indirect_dma source(%arg8 : memref<80x128xf32, #tpu.memory_space<vmem>>) target(%dma_start3A_172 : memref<10112x128xf32, #tpu.memory_space<vmem_shared>>) offsets(%dma_start3A_169 : memref<80xi32, #tpu.memory_space<vmem>>) semaphore(%run_scoped3A_166 : memref<!tpu.dma_semaphore, #tpu.memory_space<semaphore_mem>>) {add = true}
        %dma_wait3A_173 = arith.constant 0 : i32
        %dma_wait3A_174 = tpu.memref_slice %arg7[%mul3A_135, %dma_wait3A_173] : memref<32x80xi32, #tpu.memory_space<vmem>> -> memref<1x80xi32, #tpu.memory_space<vmem>>
        %dma_wait3A_175 = tpu.memref_squeeze %dma_wait3A_174 : memref<1x80xi32, #tpu.memory_space<vmem>> -> memref<80xi32, #tpu.memory_space<vmem>>
        %dma_wait3A_176 = arith.constant 0 : i32
        %dma_wait3A_177 = arith.constant 0 : i32
        %dma_wait3A_178 = tpu.memref_slice %arg10[%dma_wait3A_176, %dma_wait3A_177] : memref<10112x128xf32, #tpu.memory_space<vmem_shared>> -> memref<10112x128xf32, #tpu.memory_space<vmem_shared>>
        tpu.wait_indirect_dma semaphore(%run_scoped3A_166 : memref<!tpu.dma_semaphore, #tpu.memory_space<semaphore_mem>>) src(%arg8 : memref<80x128xf32, #tpu.memory_space<vmem>>) dst(%dma_wait3A_178 : memref<10112x128xf32, #tpu.memory_space<vmem_shared>>)
        tpu.yield
      }) : () -> ()
      %add3A_147 = arith.constant 2 : i32
      %add3A_148 = arith.addi %mul3A_135, %add3A_147 : i32
      %lt3A = arith.constant 32 : i32
      %lt3A_149 = arith.cmpi slt, %add3A_148, %lt3A : i32
      %convert_element_type3A = arith.extui %lt3A_149 : i1 to i32
      %cond3A = arith.constant 0 : i32
      %cond3A_150 = arith.cmpi ne, %convert_element_type3A, %cond3A : i32
      scf.if %cond3A_150 {
        %add3A_166 = arith.constant 2 : i32
        %add3A_167 = arith.addi %mul3A_135, %add3A_166 : i32
        %dma_start3A_168 = arith.constant 0 : i32
        %dma_start3A_169 = tpu.memref_slice %arg6[%add3A_167, %dma_start3A_168] : memref<32x80xi32, #tpu.memory_space<vmem>> -> memref<1x80xi32, #tpu.memory_space<vmem>>
        %dma_start3A_170 = tpu.memref_squeeze %dma_start3A_169 : memref<1x80xi32, #tpu.memory_space<vmem>> -> memref<80xi32, #tpu.memory_space<vmem>>
        %dma_start3A_171 = arith.constant 0 : i32
        %dma_start3A_172 = arith.constant 0 : i32
        %dma_start3A_173 = tpu.memref_slice %arg2[%dma_start3A_171, %dma_start3A_172] : memref<10112x128xf32, #tpu.memory_space<hbm>> -> memref<10112x128xf32, #tpu.memory_space<hbm>>
        %dma_start3A_174 = tpu.memref_slice %arg11[%scan3A_86] : memref<4x!tpu.dma_semaphore, #tpu.memory_space<semaphore_mem>> -> memref<1x!tpu.dma_semaphore, #tpu.memory_space<semaphore_mem>>
        %dma_start3A_175 = tpu.memref_squeeze %dma_start3A_174 : memref<1x!tpu.dma_semaphore, #tpu.memory_space<semaphore_mem>> -> memref<!tpu.dma_semaphore, #tpu.memory_space<semaphore_mem>>
        tpu.enqueue_indirect_dma source(%dma_start3A_173 : memref<10112x128xf32, #tpu.memory_space<hbm>>) target(%arg8 : memref<80x128xf32, #tpu.memory_space<vmem>>) offsets(%dma_start3A_170 : memref<80xi32, #tpu.memory_space<vmem>>) semaphore(%dma_start3A_175 : memref<!tpu.dma_semaphore, #tpu.memory_space<semaphore_mem>>)
      } else {
      }
      %dma_wait3A_151 = arith.constant 0 : i32
      %dma_wait3A_152 = tpu.memref_slice %arg6[%add3A_139, %dma_wait3A_151] : memref<32x80xi32, #tpu.memory_space<vmem>> -> memref<1x80xi32, #tpu.memory_space<vmem>>
      %dma_wait3A_153 = tpu.memref_squeeze %dma_wait3A_152 : memref<1x80xi32, #tpu.memory_space<vmem>> -> memref<80xi32, #tpu.memory_space<vmem>>
      %dma_wait3A_154 = arith.constant 0 : i32
      %dma_wait3A_155 = arith.constant 0 : i32
      %dma_wait3A_156 = tpu.memref_slice %arg2[%dma_wait3A_154, %dma_wait3A_155] : memref<10112x128xf32, #tpu.memory_space<hbm>> -> memref<10112x128xf32, #tpu.memory_space<hbm>>
      %dma_wait3A_157 = tpu.memref_slice %arg11[%scan3A_87] : memref<4x!tpu.dma_semaphore, #tpu.memory_space<semaphore_mem>> -> memref<1x!tpu.dma_semaphore, #tpu.memory_space<semaphore_mem>>
      %dma_wait3A_158 = tpu.memref_squeeze %dma_wait3A_157 : memref<1x!tpu.dma_semaphore, #tpu.memory_space<semaphore_mem>> -> memref<!tpu.dma_semaphore, #tpu.memory_space<semaphore_mem>>
      tpu.wait_indirect_dma semaphore(%dma_wait3A_158 : memref<!tpu.dma_semaphore, #tpu.memory_space<semaphore_mem>>) src(%dma_wait3A_156 : memref<10112x128xf32, #tpu.memory_space<hbm>>) dst(%arg9 : memref<80x128xf32, #tpu.memory_space<vmem>>)
      "tpu.region"() ({
        %run_scoped3A_166 = tpu.sem_alloc : memref<!tpu.dma_semaphore, #tpu.memory_space<semaphore_mem>>
        %dma_start3A_167 = arith.constant 0 : i32
        %dma_start3A_168 = tpu.memref_slice %arg7[%add3A_139, %dma_start3A_167] : memref<32x80xi32, #tpu.memory_space<vmem>> -> memref<1x80xi32, #tpu.memory_space<vmem>>
        %dma_start3A_169 = tpu.memref_squeeze %dma_start3A_168 : memref<1x80xi32, #tpu.memory_space<vmem>> -> memref<80xi32, #tpu.memory_space<vmem>>
        %dma_start3A_170 = arith.constant 0 : i32
        %dma_start3A_171 = arith.constant 0 : i32
        %dma_start3A_172 = tpu.memref_slice %arg10[%dma_start3A_170, %dma_start3A_171] : memref<10112x128xf32, #tpu.memory_space<vmem_shared>> -> memref<10112x128xf32, #tpu.memory_space<vmem_shared>>
        tpu.enqueue_indirect_dma source(%arg9 : memref<80x128xf32, #tpu.memory_space<vmem>>) target(%dma_start3A_172 : memref<10112x128xf32, #tpu.memory_space<vmem_shared>>) offsets(%dma_start3A_169 : memref<80xi32, #tpu.memory_space<vmem>>) semaphore(%run_scoped3A_166 : memref<!tpu.dma_semaphore, #tpu.memory_space<semaphore_mem>>) {add = true}
        %dma_wait3A_173 = arith.constant 0 : i32
        %dma_wait3A_174 = tpu.memref_slice %arg7[%add3A_139, %dma_wait3A_173] : memref<32x80xi32, #tpu.memory_space<vmem>> -> memref<1x80xi32, #tpu.memory_space<vmem>>
        %dma_wait3A_175 = tpu.memref_squeeze %dma_wait3A_174 : memref<1x80xi32, #tpu.memory_space<vmem>> -> memref<80xi32, #tpu.memory_space<vmem>>
        %dma_wait3A_176 = arith.constant 0 : i32
        %dma_wait3A_177 = arith.constant 0 : i32
        %dma_wait3A_178 = tpu.memref_slice %arg10[%dma_wait3A_176, %dma_wait3A_177] : memref<10112x128xf32, #tpu.memory_space<vmem_shared>> -> memref<10112x128xf32, #tpu.memory_space<vmem_shared>>
        tpu.wait_indirect_dma semaphore(%run_scoped3A_166 : memref<!tpu.dma_semaphore, #tpu.memory_space<semaphore_mem>>) src(%arg9 : memref<80x128xf32, #tpu.memory_space<vmem>>) dst(%dma_wait3A_178 : memref<10112x128xf32, #tpu.memory_space<vmem_shared>>)
        tpu.yield
      }) : () -> ()
      %add3A_159 = arith.constant 2 : i32
      %add3A_160 = arith.addi %add3A_139, %add3A_159 : i32
      %lt3A_161 = arith.constant 32 : i32
      %lt3A_162 = arith.cmpi slt, %add3A_160, %lt3A_161 : i32
      %convert_element_type3A_163 = arith.extui %lt3A_162 : i1 to i32
      %cond3A_164 = arith.constant 0 : i32
      %cond3A_165 = arith.cmpi ne, %convert_element_type3A_163, %cond3A_164 : i32
      scf.if %cond3A_165 {
        %add3A_166 = arith.constant 2 : i32
        %add3A_167 = arith.addi %add3A_139, %add3A_166 : i32
        %dma_start3A_168 = arith.constant 0 : i32
        %dma_start3A_169 = tpu.memref_slice %arg6[%add3A_167, %dma_start3A_168] : memref<32x80xi32, #tpu.memory_space<vmem>> -> memref<1x80xi32, #tpu.memory_space<vmem>>
        %dma_start3A_170 = tpu.memref_squeeze %dma_start3A_169 : memref<1x80xi32, #tpu.memory_space<vmem>> -> memref<80xi32, #tpu.memory_space<vmem>>
        %dma_start3A_171 = arith.constant 0 : i32
        %dma_start3A_172 = arith.constant 0 : i32
        %dma_start3A_173 = tpu.memref_slice %arg2[%dma_start3A_171, %dma_start3A_172] : memref<10112x128xf32, #tpu.memory_space<hbm>> -> memref<10112x128xf32, #tpu.memory_space<hbm>>
        %dma_start3A_174 = tpu.memref_slice %arg11[%scan3A_87] : memref<4x!tpu.dma_semaphore, #tpu.memory_space<semaphore_mem>> -> memref<1x!tpu.dma_semaphore, #tpu.memory_space<semaphore_mem>>
        %dma_start3A_175 = tpu.memref_squeeze %dma_start3A_174 : memref<1x!tpu.dma_semaphore, #tpu.memory_space<semaphore_mem>> -> memref<!tpu.dma_semaphore, #tpu.memory_space<semaphore_mem>>
        tpu.enqueue_indirect_dma source(%dma_start3A_173 : memref<10112x128xf32, #tpu.memory_space<hbm>>) target(%arg9 : memref<80x128xf32, #tpu.memory_space<vmem>>) offsets(%dma_start3A_170 : memref<80xi32, #tpu.memory_space<vmem>>) semaphore(%dma_start3A_175 : memref<!tpu.dma_semaphore, #tpu.memory_space<semaphore_mem>>)
      } else {
      }
    }
    %scan3A_92 = arith.constant 16 : i32
    %run_scoped3A_93 = arith.constant 0 : i32
    %run_scoped3A_94 = arith.constant 3 : i32
    "tpu.region"() ({
      %run_scoped3A_129 = tpu.sem_alloc : memref<!tpu.dma_semaphore, #tpu.memory_space<semaphore_mem>>
      %dma_start3A_130 = arith.constant 0 : i32
      %dma_start3A_131 = arith.constant 0 : i32
      %dma_start3A_132 = tpu.memref_slice %arg3[%run_scoped3A_93, %add3A, %run_scoped3A_94, %dma_start3A_130, %dma_start3A_131] : memref<2x32x4x32x80xi32, #tpu.memory_space<hbm>> -> memref<1x1x1x32x80xi32, #tpu.memory_space<hbm>>
      %dma_start3A_133 = tpu.memref_squeeze %dma_start3A_132 : memref<1x1x1x32x80xi32, #tpu.memory_space<hbm>> -> memref<32x80xi32, #tpu.memory_space<hbm>>
      %dma_start3A_134 = arith.constant 0 : i32
      %dma_start3A_135 = arith.constant 0 : i32
      %dma_start3A_136 = tpu.memref_slice %arg3[%run_scoped3A_93, %add3A, %run_scoped3A_94, %dma_start3A_134, %dma_start3A_135] : memref<2x32x4x32x80xi32, #tpu.memory_space<hbm>> -> memref<1x1x1x32x80xi32, #tpu.memory_space<hbm>>
      %dma_start3A_137 = tpu.memref_squeeze %dma_start3A_136 : memref<1x1x1x32x80xi32, #tpu.memory_space<hbm>> -> memref<32x80xi32, #tpu.memory_space<hbm>>
      tpu.enqueue_dma source(%dma_start3A_137 : memref<32x80xi32, #tpu.memory_space<hbm>>) target(%arg6 : memref<32x80xi32, #tpu.memory_space<vmem>>) target_semaphore(%run_scoped3A_129 : memref<!tpu.dma_semaphore, #tpu.memory_space<semaphore_mem>>)
      %dma_wait3A = arith.constant 0 : i32
      %dma_wait3A_138 = arith.constant 0 : i32
      %dma_wait3A_139 = tpu.memref_slice %arg3[%run_scoped3A_93, %add3A, %run_scoped3A_94, %dma_wait3A, %dma_wait3A_138] : memref<2x32x4x32x80xi32, #tpu.memory_space<hbm>> -> memref<1x1x1x32x80xi32, #tpu.memory_space<hbm>>
      %dma_wait3A_140 = tpu.memref_squeeze %dma_wait3A_139 : memref<1x1x1x32x80xi32, #tpu.memory_space<hbm>> -> memref<32x80xi32, #tpu.memory_space<hbm>>
      %dma_wait3A_141 = arith.constant 0 : i32
      %dma_wait3A_142 = arith.constant 0 : i32
      %dma_wait3A_143 = tpu.memref_slice %arg3[%run_scoped3A_93, %add3A, %run_scoped3A_94, %dma_wait3A_141, %dma_wait3A_142] : memref<2x32x4x32x80xi32, #tpu.memory_space<hbm>> -> memref<1x1x1x32x80xi32, #tpu.memory_space<hbm>>
      %dma_wait3A_144 = tpu.memref_squeeze %dma_wait3A_143 : memref<1x1x1x32x80xi32, #tpu.memory_space<hbm>> -> memref<32x80xi32, #tpu.memory_space<hbm>>
      tpu.wait_dma2 semaphore(%run_scoped3A_129 : memref<!tpu.dma_semaphore, #tpu.memory_space<semaphore_mem>>) src(%dma_wait3A_144 : memref<32x80xi32, #tpu.memory_space<hbm>>) dst(%arg6 : memref<32x80xi32, #tpu.memory_space<vmem>>)
      tpu.yield
    }) : () -> ()
    %run_scoped3A_95 = arith.constant 1 : i32
    %run_scoped3A_96 = arith.constant 3 : i32
    "tpu.region"() ({
      %run_scoped3A_129 = tpu.sem_alloc : memref<!tpu.dma_semaphore, #tpu.memory_space<semaphore_mem>>
      %dma_start3A_130 = arith.constant 0 : i32
      %dma_start3A_131 = arith.constant 0 : i32
      %dma_start3A_132 = tpu.memref_slice %arg3[%run_scoped3A_95, %add3A, %run_scoped3A_96, %dma_start3A_130, %dma_start3A_131] : memref<2x32x4x32x80xi32, #tpu.memory_space<hbm>> -> memref<1x1x1x32x80xi32, #tpu.memory_space<hbm>>
      %dma_start3A_133 = tpu.memref_squeeze %dma_start3A_132 : memref<1x1x1x32x80xi32, #tpu.memory_space<hbm>> -> memref<32x80xi32, #tpu.memory_space<hbm>>
      %dma_start3A_134 = arith.constant 0 : i32
      %dma_start3A_135 = arith.constant 0 : i32
      %dma_start3A_136 = tpu.memref_slice %arg3[%run_scoped3A_95, %add3A, %run_scoped3A_96, %dma_start3A_134, %dma_start3A_135] : memref<2x32x4x32x80xi32, #tpu.memory_space<hbm>> -> memref<1x1x1x32x80xi32, #tpu.memory_space<hbm>>
      %dma_start3A_137 = tpu.memref_squeeze %dma_start3A_136 : memref<1x1x1x32x80xi32, #tpu.memory_space<hbm>> -> memref<32x80xi32, #tpu.memory_space<hbm>>
      tpu.enqueue_dma source(%dma_start3A_137 : memref<32x80xi32, #tpu.memory_space<hbm>>) target(%arg7 : memref<32x80xi32, #tpu.memory_space<vmem>>) target_semaphore(%run_scoped3A_129 : memref<!tpu.dma_semaphore, #tpu.memory_space<semaphore_mem>>)
      %dma_wait3A = arith.constant 0 : i32
      %dma_wait3A_138 = arith.constant 0 : i32
      %dma_wait3A_139 = tpu.memref_slice %arg3[%run_scoped3A_95, %add3A, %run_scoped3A_96, %dma_wait3A, %dma_wait3A_138] : memref<2x32x4x32x80xi32, #tpu.memory_space<hbm>> -> memref<1x1x1x32x80xi32, #tpu.memory_space<hbm>>
      %dma_wait3A_140 = tpu.memref_squeeze %dma_wait3A_139 : memref<1x1x1x32x80xi32, #tpu.memory_space<hbm>> -> memref<32x80xi32, #tpu.memory_space<hbm>>
      %dma_wait3A_141 = arith.constant 0 : i32
      %dma_wait3A_142 = arith.constant 0 : i32
      %dma_wait3A_143 = tpu.memref_slice %arg3[%run_scoped3A_95, %add3A, %run_scoped3A_96, %dma_wait3A_141, %dma_wait3A_142] : memref<2x32x4x32x80xi32, #tpu.memory_space<hbm>> -> memref<1x1x1x32x80xi32, #tpu.memory_space<hbm>>
      %dma_wait3A_144 = tpu.memref_squeeze %dma_wait3A_143 : memref<1x1x1x32x80xi32, #tpu.memory_space<hbm>> -> memref<32x80xi32, #tpu.memory_space<hbm>>
      tpu.wait_dma2 semaphore(%run_scoped3A_129 : memref<!tpu.dma_semaphore, #tpu.memory_space<semaphore_mem>>) src(%dma_wait3A_144 : memref<32x80xi32, #tpu.memory_space<hbm>>) dst(%arg7 : memref<32x80xi32, #tpu.memory_space<vmem>>)
      tpu.yield
    }) : () -> ()
    %dma_start3A_97 = arith.constant 0 : i32
    %dma_start3A_98 = arith.constant 0 : i32
    %dma_start3A_99 = arith.constant 0 : i32
    %dma_start3A_100 = tpu.memref_slice %arg6[%dma_start3A_97, %dma_start3A_99] : memref<32x80xi32, #tpu.memory_space<vmem>> -> memref<1x80xi32, #tpu.memory_space<vmem>>
    %dma_start3A_101 = tpu.memref_squeeze %dma_start3A_100 : memref<1x80xi32, #tpu.memory_space<vmem>> -> memref<80xi32, #tpu.memory_space<vmem>>
    %dma_start3A_102 = arith.constant 0 : i32
    %dma_start3A_103 = arith.constant 0 : i32
    %dma_start3A_104 = tpu.memref_slice %arg2[%dma_start3A_102, %dma_start3A_103] : memref<10112x128xf32, #tpu.memory_space<hbm>> -> memref<10112x128xf32, #tpu.memory_space<hbm>>
    %dma_start3A_105 = tpu.memref_slice %arg11[%dma_start3A_98] : memref<4x!tpu.dma_semaphore, #tpu.memory_space<semaphore_mem>> -> memref<1x!tpu.dma_semaphore, #tpu.memory_space<semaphore_mem>>
    %dma_start3A_106 = tpu.memref_squeeze %dma_start3A_105 : memref<1x!tpu.dma_semaphore, #tpu.memory_space<semaphore_mem>> -> memref<!tpu.dma_semaphore, #tpu.memory_space<semaphore_mem>>
    tpu.enqueue_indirect_dma source(%dma_start3A_104 : memref<10112x128xf32, #tpu.memory_space<hbm>>) target(%arg8 : memref<80x128xf32, #tpu.memory_space<vmem>>) offsets(%dma_start3A_101 : memref<80xi32, #tpu.memory_space<vmem>>) semaphore(%dma_start3A_106 : memref<!tpu.dma_semaphore, #tpu.memory_space<semaphore_mem>>)
    %dma_start3A_107 = arith.constant 1 : i32
    %dma_start3A_108 = arith.constant 1 : i32
    %dma_start3A_109 = arith.constant 0 : i32
    %dma_start3A_110 = tpu.memref_slice %arg6[%dma_start3A_107, %dma_start3A_109] : memref<32x80xi32, #tpu.memory_space<vmem>> -> memref<1x80xi32, #tpu.memory_space<vmem>>
    %dma_start3A_111 = tpu.memref_squeeze %dma_start3A_110 : memref<1x80xi32, #tpu.memory_space<vmem>> -> memref<80xi32, #tpu.memory_space<vmem>>
    %dma_start3A_112 = arith.constant 0 : i32
    %dma_start3A_113 = arith.constant 0 : i32
    %dma_start3A_114 = tpu.memref_slice %arg2[%dma_start3A_112, %dma_start3A_113] : memref<10112x128xf32, #tpu.memory_space<hbm>> -> memref<10112x128xf32, #tpu.memory_space<hbm>>
    %dma_start3A_115 = tpu.memref_slice %arg11[%dma_start3A_108] : memref<4x!tpu.dma_semaphore, #tpu.memory_space<semaphore_mem>> -> memref<1x!tpu.dma_semaphore, #tpu.memory_space<semaphore_mem>>
    %dma_start3A_116 = tpu.memref_squeeze %dma_start3A_115 : memref<1x!tpu.dma_semaphore, #tpu.memory_space<semaphore_mem>> -> memref<!tpu.dma_semaphore, #tpu.memory_space<semaphore_mem>>
    tpu.enqueue_indirect_dma source(%dma_start3A_114 : memref<10112x128xf32, #tpu.memory_space<hbm>>) target(%arg9 : memref<80x128xf32, #tpu.memory_space<vmem>>) offsets(%dma_start3A_111 : memref<80xi32, #tpu.memory_space<vmem>>) semaphore(%dma_start3A_116 : memref<!tpu.dma_semaphore, #tpu.memory_space<semaphore_mem>>)
    %scan3A_117 = arith.constant 0 : i32
    %scan3A_118 = arith.constant 1 : i32
    %scan3A_119 = arith.constant 0 : i32
    %scan3A_120 = arith.constant 16 : i32
    %scan3A_121 = arith.addi %scan3A_119, %scan3A_120 : i32
    %scan3A_122 = arith.constant 1 : i32
    scf.for %scan3A_129 = %scan3A_119 to %scan3A_121 step %scan3A_122  : i32 {
      %mul3A_130 = arith.constant 1 : i32
      %mul3A_131 = arith.muli %scan3A_129, %mul3A_130 : i32
      %add3A_132 = arith.constant 0 : i32
      %add3A_133 = arith.addi %add3A_132, %mul3A_131 : i32
      %mul3A_134 = arith.constant 2 : i32
      %mul3A_135 = arith.muli %mul3A_134, %add3A_133 : i32
      %mul3A_136 = arith.constant 2 : i32
      %mul3A_137 = arith.muli %mul3A_136, %add3A_133 : i32
      %add3A_138 = arith.constant 1 : i32
      %add3A_139 = arith.addi %mul3A_137, %add3A_138 : i32
      %dma_wait3A = arith.constant 0 : i32
      %dma_wait3A_140 = tpu.memref_slice %arg6[%mul3A_135, %dma_wait3A] : memref<32x80xi32, #tpu.memory_space<vmem>> -> memref<1x80xi32, #tpu.memory_space<vmem>>
      %dma_wait3A_141 = tpu.memref_squeeze %dma_wait3A_140 : memref<1x80xi32, #tpu.memory_space<vmem>> -> memref<80xi32, #tpu.memory_space<vmem>>
      %dma_wait3A_142 = arith.constant 0 : i32
      %dma_wait3A_143 = arith.constant 0 : i32
      %dma_wait3A_144 = tpu.memref_slice %arg2[%dma_wait3A_142, %dma_wait3A_143] : memref<10112x128xf32, #tpu.memory_space<hbm>> -> memref<10112x128xf32, #tpu.memory_space<hbm>>
      %dma_wait3A_145 = tpu.memref_slice %arg11[%scan3A_117] : memref<4x!tpu.dma_semaphore, #tpu.memory_space<semaphore_mem>> -> memref<1x!tpu.dma_semaphore, #tpu.memory_space<semaphore_mem>>
      %dma_wait3A_146 = tpu.memref_squeeze %dma_wait3A_145 : memref<1x!tpu.dma_semaphore, #tpu.memory_space<semaphore_mem>> -> memref<!tpu.dma_semaphore, #tpu.memory_space<semaphore_mem>>
      tpu.wait_indirect_dma semaphore(%dma_wait3A_146 : memref<!tpu.dma_semaphore, #tpu.memory_space<semaphore_mem>>) src(%dma_wait3A_144 : memref<10112x128xf32, #tpu.memory_space<hbm>>) dst(%arg8 : memref<80x128xf32, #tpu.memory_space<vmem>>)
      "tpu.region"() ({
        %run_scoped3A_166 = tpu.sem_alloc : memref<!tpu.dma_semaphore, #tpu.memory_space<semaphore_mem>>
        %dma_start3A_167 = arith.constant 0 : i32
        %dma_start3A_168 = tpu.memref_slice %arg7[%mul3A_135, %dma_start3A_167] : memref<32x80xi32, #tpu.memory_space<vmem>> -> memref<1x80xi32, #tpu.memory_space<vmem>>
        %dma_start3A_169 = tpu.memref_squeeze %dma_start3A_168 : memref<1x80xi32, #tpu.memory_space<vmem>> -> memref<80xi32, #tpu.memory_space<vmem>>
        %dma_start3A_170 = arith.constant 0 : i32
        %dma_start3A_171 = arith.constant 0 : i32
        %dma_start3A_172 = tpu.memref_slice %arg10[%dma_start3A_170, %dma_start3A_171] : memref<10112x128xf32, #tpu.memory_space<vmem_shared>> -> memref<10112x128xf32, #tpu.memory_space<vmem_shared>>
        tpu.enqueue_indirect_dma source(%arg8 : memref<80x128xf32, #tpu.memory_space<vmem>>) target(%dma_start3A_172 : memref<10112x128xf32, #tpu.memory_space<vmem_shared>>) offsets(%dma_start3A_169 : memref<80xi32, #tpu.memory_space<vmem>>) semaphore(%run_scoped3A_166 : memref<!tpu.dma_semaphore, #tpu.memory_space<semaphore_mem>>) {add = true}
        %dma_wait3A_173 = arith.constant 0 : i32
        %dma_wait3A_174 = tpu.memref_slice %arg7[%mul3A_135, %dma_wait3A_173] : memref<32x80xi32, #tpu.memory_space<vmem>> -> memref<1x80xi32, #tpu.memory_space<vmem>>
        %dma_wait3A_175 = tpu.memref_squeeze %dma_wait3A_174 : memref<1x80xi32, #tpu.memory_space<vmem>> -> memref<80xi32, #tpu.memory_space<vmem>>
        %dma_wait3A_176 = arith.constant 0 : i32
        %dma_wait3A_177 = arith.constant 0 : i32
        %dma_wait3A_178 = tpu.memref_slice %arg10[%dma_wait3A_176, %dma_wait3A_177] : memref<10112x128xf32, #tpu.memory_space<vmem_shared>> -> memref<10112x128xf32, #tpu.memory_space<vmem_shared>>
        tpu.wait_indirect_dma semaphore(%run_scoped3A_166 : memref<!tpu.dma_semaphore, #tpu.memory_space<semaphore_mem>>) src(%arg8 : memref<80x128xf32, #tpu.memory_space<vmem>>) dst(%dma_wait3A_178 : memref<10112x128xf32, #tpu.memory_space<vmem_shared>>)
        tpu.yield
      }) : () -> ()
      %add3A_147 = arith.constant 2 : i32
      %add3A_148 = arith.addi %mul3A_135, %add3A_147 : i32
      %lt3A = arith.constant 32 : i32
      %lt3A_149 = arith.cmpi slt, %add3A_148, %lt3A : i32
      %convert_element_type3A = arith.extui %lt3A_149 : i1 to i32
      %cond3A = arith.constant 0 : i32
      %cond3A_150 = arith.cmpi ne, %convert_element_type3A, %cond3A : i32
      scf.if %cond3A_150 {
        %add3A_166 = arith.constant 2 : i32
        %add3A_167 = arith.addi %mul3A_135, %add3A_166 : i32
        %dma_start3A_168 = arith.constant 0 : i32
        %dma_start3A_169 = tpu.memref_slice %arg6[%add3A_167, %dma_start3A_168] : memref<32x80xi32, #tpu.memory_space<vmem>> -> memref<1x80xi32, #tpu.memory_space<vmem>>
        %dma_start3A_170 = tpu.memref_squeeze %dma_start3A_169 : memref<1x80xi32, #tpu.memory_space<vmem>> -> memref<80xi32, #tpu.memory_space<vmem>>
        %dma_start3A_171 = arith.constant 0 : i32
        %dma_start3A_172 = arith.constant 0 : i32
        %dma_start3A_173 = tpu.memref_slice %arg2[%dma_start3A_171, %dma_start3A_172] : memref<10112x128xf32, #tpu.memory_space<hbm>> -> memref<10112x128xf32, #tpu.memory_space<hbm>>
        %dma_start3A_174 = tpu.memref_slice %arg11[%scan3A_117] : memref<4x!tpu.dma_semaphore, #tpu.memory_space<semaphore_mem>> -> memref<1x!tpu.dma_semaphore, #tpu.memory_space<semaphore_mem>>
        %dma_start3A_175 = tpu.memref_squeeze %dma_start3A_174 : memref<1x!tpu.dma_semaphore, #tpu.memory_space<semaphore_mem>> -> memref<!tpu.dma_semaphore, #tpu.memory_space<semaphore_mem>>
        tpu.enqueue_indirect_dma source(%dma_start3A_173 : memref<10112x128xf32, #tpu.memory_space<hbm>>) target(%arg8 : memref<80x128xf32, #tpu.memory_space<vmem>>) offsets(%dma_start3A_170 : memref<80xi32, #tpu.memory_space<vmem>>) semaphore(%dma_start3A_175 : memref<!tpu.dma_semaphore, #tpu.memory_space<semaphore_mem>>)
      } else {
      }
      %dma_wait3A_151 = arith.constant 0 : i32
      %dma_wait3A_152 = tpu.memref_slice %arg6[%add3A_139, %dma_wait3A_151] : memref<32x80xi32, #tpu.memory_space<vmem>> -> memref<1x80xi32, #tpu.memory_space<vmem>>
      %dma_wait3A_153 = tpu.memref_squeeze %dma_wait3A_152 : memref<1x80xi32, #tpu.memory_space<vmem>> -> memref<80xi32, #tpu.memory_space<vmem>>
      %dma_wait3A_154 = arith.constant 0 : i32
      %dma_wait3A_155 = arith.constant 0 : i32
      %dma_wait3A_156 = tpu.memref_slice %arg2[%dma_wait3A_154, %dma_wait3A_155] : memref<10112x128xf32, #tpu.memory_space<hbm>> -> memref<10112x128xf32, #tpu.memory_space<hbm>>
      %dma_wait3A_157 = tpu.memref_slice %arg11[%scan3A_118] : memref<4x!tpu.dma_semaphore, #tpu.memory_space<semaphore_mem>> -> memref<1x!tpu.dma_semaphore, #tpu.memory_space<semaphore_mem>>
      %dma_wait3A_158 = tpu.memref_squeeze %dma_wait3A_157 : memref<1x!tpu.dma_semaphore, #tpu.memory_space<semaphore_mem>> -> memref<!tpu.dma_semaphore, #tpu.memory_space<semaphore_mem>>
      tpu.wait_indirect_dma semaphore(%dma_wait3A_158 : memref<!tpu.dma_semaphore, #tpu.memory_space<semaphore_mem>>) src(%dma_wait3A_156 : memref<10112x128xf32, #tpu.memory_space<hbm>>) dst(%arg9 : memref<80x128xf32, #tpu.memory_space<vmem>>)
      "tpu.region"() ({
        %run_scoped3A_166 = tpu.sem_alloc : memref<!tpu.dma_semaphore, #tpu.memory_space<semaphore_mem>>
        %dma_start3A_167 = arith.constant 0 : i32
        %dma_start3A_168 = tpu.memref_slice %arg7[%add3A_139, %dma_start3A_167] : memref<32x80xi32, #tpu.memory_space<vmem>> -> memref<1x80xi32, #tpu.memory_space<vmem>>
        %dma_start3A_169 = tpu.memref_squeeze %dma_start3A_168 : memref<1x80xi32, #tpu.memory_space<vmem>> -> memref<80xi32, #tpu.memory_space<vmem>>
        %dma_start3A_170 = arith.constant 0 : i32
        %dma_start3A_171 = arith.constant 0 : i32
        %dma_start3A_172 = tpu.memref_slice %arg10[%dma_start3A_170, %dma_start3A_171] : memref<10112x128xf32, #tpu.memory_space<vmem_shared>> -> memref<10112x128xf32, #tpu.memory_space<vmem_shared>>
        tpu.enqueue_indirect_dma source(%arg9 : memref<80x128xf32, #tpu.memory_space<vmem>>) target(%dma_start3A_172 : memref<10112x128xf32, #tpu.memory_space<vmem_shared>>) offsets(%dma_start3A_169 : memref<80xi32, #tpu.memory_space<vmem>>) semaphore(%run_scoped3A_166 : memref<!tpu.dma_semaphore, #tpu.memory_space<semaphore_mem>>) {add = true}
        %dma_wait3A_173 = arith.constant 0 : i32
        %dma_wait3A_174 = tpu.memref_slice %arg7[%add3A_139, %dma_wait3A_173] : memref<32x80xi32, #tpu.memory_space<vmem>> -> memref<1x80xi32, #tpu.memory_space<vmem>>
        %dma_wait3A_175 = tpu.memref_squeeze %dma_wait3A_174 : memref<1x80xi32, #tpu.memory_space<vmem>> -> memref<80xi32, #tpu.memory_space<vmem>>
        %dma_wait3A_176 = arith.constant 0 : i32
        %dma_wait3A_177 = arith.constant 0 : i32
        %dma_wait3A_178 = tpu.memref_slice %arg10[%dma_wait3A_176, %dma_wait3A_177] : memref<10112x128xf32, #tpu.memory_space<vmem_shared>> -> memref<10112x128xf32, #tpu.memory_space<vmem_shared>>
        tpu.wait_indirect_dma semaphore(%run_scoped3A_166 : memref<!tpu.dma_semaphore, #tpu.memory_space<semaphore_mem>>) src(%arg9 : memref<80x128xf32, #tpu.memory_space<vmem>>) dst(%dma_wait3A_178 : memref<10112x128xf32, #tpu.memory_space<vmem_shared>>)
        tpu.yield
      }) : () -> ()
      %add3A_159 = arith.constant 2 : i32
      %add3A_160 = arith.addi %add3A_139, %add3A_159 : i32
      %lt3A_161 = arith.constant 32 : i32
      %lt3A_162 = arith.cmpi slt, %add3A_160, %lt3A_161 : i32
      %convert_element_type3A_163 = arith.extui %lt3A_162 : i1 to i32
      %cond3A_164 = arith.constant 0 : i32
      %cond3A_165 = arith.cmpi ne, %convert_element_type3A_163, %cond3A_164 : i32
      scf.if %cond3A_165 {
        %add3A_166 = arith.constant 2 : i32
        %add3A_167 = arith.addi %add3A_139, %add3A_166 : i32
        %dma_start3A_168 = arith.constant 0 : i32
        %dma_start3A_169 = tpu.memref_slice %arg6[%add3A_167, %dma_start3A_168] : memref<32x80xi32, #tpu.memory_space<vmem>> -> memref<1x80xi32, #tpu.memory_space<vmem>>
        %dma_start3A_170 = tpu.memref_squeeze %dma_start3A_169 : memref<1x80xi32, #tpu.memory_space<vmem>> -> memref<80xi32, #tpu.memory_space<vmem>>
        %dma_start3A_171 = arith.constant 0 : i32
        %dma_start3A_172 = arith.constant 0 : i32
        %dma_start3A_173 = tpu.memref_slice %arg2[%dma_start3A_171, %dma_start3A_172] : memref<10112x128xf32, #tpu.memory_space<hbm>> -> memref<10112x128xf32, #tpu.memory_space<hbm>>
        %dma_start3A_174 = tpu.memref_slice %arg11[%scan3A_118] : memref<4x!tpu.dma_semaphore, #tpu.memory_space<semaphore_mem>> -> memref<1x!tpu.dma_semaphore, #tpu.memory_space<semaphore_mem>>
        %dma_start3A_175 = tpu.memref_squeeze %dma_start3A_174 : memref<1x!tpu.dma_semaphore, #tpu.memory_space<semaphore_mem>> -> memref<!tpu.dma_semaphore, #tpu.memory_space<semaphore_mem>>
        tpu.enqueue_indirect_dma source(%dma_start3A_173 : memref<10112x128xf32, #tpu.memory_space<hbm>>) target(%arg9 : memref<80x128xf32, #tpu.memory_space<vmem>>) offsets(%dma_start3A_170 : memref<80xi32, #tpu.memory_space<vmem>>) semaphore(%dma_start3A_175 : memref<!tpu.dma_semaphore, #tpu.memory_space<semaphore_mem>>)
      } else {
      }
    }
    %scan3A_123 = arith.constant 16 : i32
    %barrier3A_124 = arith.constant 0 : index
    tpu.barrier barrier_id(%barrier3A_124)
    %mul3A_125 = arith.constant 632 : i32
    %mul3A_126 = arith.muli %arg1, %mul3A_125 : i32
    %mul3A_127 = arith.constant 632 : i32
    %mul3A_128 = arith.muli %arg1, %mul3A_127 : i32
    "tpu.region"() ({
      %run_scoped3A_129 = tpu.sem_alloc : memref<!tpu.dma_semaphore, #tpu.memory_space<semaphore_mem>>
      %dma_start3A_130 = arith.constant 0 : i32
      %dma_start3A_131 = tpu.memref_slice %arg5[%arg0, %mul3A_128, %dma_start3A_130] : memref<2x10112x128xf32, #tpu.memory_space<hbm>> -> memref<1x632x128xf32, #tpu.memory_space<hbm>>
      %dma_start3A_132 = tpu.memref_squeeze %dma_start3A_131 : memref<1x632x128xf32, #tpu.memory_space<hbm>> -> memref<632x128xf32, #tpu.memory_space<hbm>>
      %dma_start3A_133 = arith.constant 0 : i32
      %dma_start3A_134 = tpu.memref_slice %arg10[%mul3A_126, %dma_start3A_133] : memref<10112x128xf32, #tpu.memory_space<vmem_shared>> -> memref<632x128xf32, #tpu.memory_space<vmem_shared>>
      tpu.enqueue_dma source(%dma_start3A_134 : memref<632x128xf32, #tpu.memory_space<vmem_shared>>) target(%dma_start3A_132 : memref<632x128xf32, #tpu.memory_space<hbm>>) target_semaphore(%run_scoped3A_129 : memref<!tpu.dma_semaphore, #tpu.memory_space<semaphore_mem>>)
      %dma_wait3A = arith.constant 0 : i32
      %dma_wait3A_135 = tpu.memref_slice %arg5[%arg0, %mul3A_128, %dma_wait3A] : memref<2x10112x128xf32, #tpu.memory_space<hbm>> -> memref<1x632x128xf32, #tpu.memory_space<hbm>>
      %dma_wait3A_136 = tpu.memref_squeeze %dma_wait3A_135 : memref<1x632x128xf32, #tpu.memory_space<hbm>> -> memref<632x128xf32, #tpu.memory_space<hbm>>
      %dma_wait3A_137 = arith.constant 0 : i32
      %dma_wait3A_138 = tpu.memref_slice %arg10[%mul3A_126, %dma_wait3A_137] : memref<10112x128xf32, #tpu.memory_space<vmem_shared>> -> memref<632x128xf32, #tpu.memory_space<vmem_shared>>
      tpu.wait_dma2 semaphore(%run_scoped3A_129 : memref<!tpu.dma_semaphore, #tpu.memory_space<semaphore_mem>>) src(%dma_wait3A_138 : memref<632x128xf32, #tpu.memory_space<vmem_shared>>) dst(%dma_wait3A_136 : memref<632x128xf32, #tpu.memory_space<hbm>>)
      tpu.yield
    }) : () -> ()
    return
  }
}

#map = affine_map<(d0, d1) -> (0, 0)>
#map1 = affine_map<(d0, d1) -> (0, 0, 0, 0, 0)>
#map2 = affine_map<(d0, d1) -> (0, 0, 0)>
module attributes {stable_mosaic.version = 14 : i64} {
  func.func @_spmm_body(%arg0: i32, %arg1: i32, %arg2: memref<10112x128xf32, #tpu.memory_space<hbm>>, %arg3: memref<2x32x4x32x80xi32, #tpu.memory_space<hbm>>, %arg4: memref<632x128xf32, #tpu.memory_space<hbm>>, %arg5: memref<2x10112x128xf32, #tpu.memory_space<hbm>>, %arg6: memref<32x80xi32, #tpu.memory_space<vmem>>, %arg7: memref<32x80xi32, #tpu.memory_space<vmem>>, %arg8: memref<80x128xf32, #tpu.memory_space<vmem>>, %arg9: memref<80x128xf32, #tpu.memory_space<vmem>>, %arg10: memref<10112x128xf32, #tpu.memory_space<vmem_shared>>, %arg11: memref<4x!tpu.dma_semaphore, #tpu.memory_space<semaphore_mem>>) attributes {dimension_semantics = [#tpu.dimension_semantics<core_parallel>, #tpu.dimension_semantics<subcore_parallel>], iteration_bounds = array<i64: 2, 16>, scalar_prefetch = 0 : i64, scratch_operands = 6 : i64, tpu.core_type = #tpu.core_type<sc_vector_subcore>, window_params = [{transform_indices = #map}, {transform_indices = #map1}, {transform_indices = #map}, {transform_indices = #map2}]} {
    %mul3A = arith.constant 16 : i32
    %mul3A_0 = arith.muli %arg0, %mul3A : i32
    %add3A = arith.addi %mul3A_0, %arg1 : i32
    %mul3A_1 = arith.constant 632 : i32
    %mul3A_2 = arith.muli %arg1, %mul3A_1 : i32
    "tpu.region"() ({
      %run_scoped3A_129 = tpu.sem_alloc : memref<!tpu.dma_semaphore, #tpu.memory_space<semaphore_mem>>
      %dma_start3A_130 = arith.constant 0 : i32
      %dma_start3A_131 = tpu.memref_slice %arg10[%mul3A_2, %dma_start3A_130] : memref<10112x128xf32, #tpu.memory_space<vmem_shared>> -> memref<632x128xf32, #tpu.memory_space<vmem_shared>>
      tpu.enqueue_dma source(%arg4 : memref<632x128xf32, #tpu.memory_space<hbm>>) target(%dma_start3A_131 : memref<632x128xf32, #tpu.memory_space<vmem_shared>>) target_semaphore(%run_scoped3A_129 : memref<!tpu.dma_semaphore, #tpu.memory_space<semaphore_mem>>)
      %dma_wait3A = arith.constant 0 : i32
      %dma_wait3A_132 = tpu.memref_slice %arg10[%mul3A_2, %dma_wait3A] : memref<10112x128xf32, #tpu.memory_space<vmem_shared>> -> memref<632x128xf32, #tpu.memory_space<vmem_shared>>
      tpu.wait_dma2 semaphore(%run_scoped3A_129 : memref<!tpu.dma_semaphore, #tpu.memory_space<semaphore_mem>>) src(%arg4 : memref<632x128xf32, #tpu.memory_space<hbm>>) dst(%dma_wait3A_132 : memref<632x128xf32, #tpu.memory_space<vmem_shared>>)
      tpu.yield
    }) : () -> ()
    %barrier3A = arith.constant 0 : index
    tpu.barrier barrier_id(%barrier3A)
    %run_scoped3A = arith.constant 0 : i32
    %run_scoped3A_3 = arith.constant 0 : i32
    "tpu.region"() ({
      %run_scoped3A_129 = tpu.sem_alloc : memref<!tpu.dma_semaphore, #tpu.memory_space<semaphore_mem>>
      %dma_start3A_130 = arith.constant 0 : i32
      %dma_start3A_131 = arith.constant 0 : i32
      %dma_start3A_132 = tpu.memref_slice %arg3[%run_scoped3A, %add3A, %run_scoped3A_3, %dma_start3A_130, %dma_start3A_131] : memref<2x32x4x32x80xi32, #tpu.memory_space<hbm>> -> memref<1x1x1x32x80xi32, #tpu.memory_space<hbm>>
      %dma_start3A_133 = tpu.memref_squeeze %dma_start3A_132 : memref<1x1x1x32x80xi32, #tpu.memory_space<hbm>> -> memref<32x80xi32, #tpu.memory_space<hbm>>
      %dma_start3A_134 = arith.constant 0 : i32
      %dma_start3A_135 = arith.constant 0 : i32
      %dma_start3A_136 = tpu.memref_slice %arg3[%run_scoped3A, %add3A, %run_scoped3A_3, %dma_start3A_134, %dma_start3A_135] : memref<2x32x4x32x80xi32, #tpu.memory_space<hbm>> -> memref<1x1x1x32x80xi32, #tpu.memory_space<hbm>>
      %dma_start3A_137 = tpu.memref_squeeze %dma_start3A_136 : memref<1x1x1x32x80xi32, #tpu.memory_space<hbm>> -> memref<32x80xi32, #tpu.memory_space<hbm>>
      tpu.enqueue_dma source(%dma_start3A_137 : memref<32x80xi32, #tpu.memory_space<hbm>>) target(%arg6 : memref<32x80xi32, #tpu.memory_space<vmem>>) target_semaphore(%run_scoped3A_129 : memref<!tpu.dma_semaphore, #tpu.memory_space<semaphore_mem>>)
      %dma_wait3A = arith.constant 0 : i32
      %dma_wait3A_138 = arith.constant 0 : i32
      %dma_wait3A_139 = tpu.memref_slice %arg3[%run_scoped3A, %add3A, %run_scoped3A_3, %dma_wait3A, %dma_wait3A_138] : memref<2x32x4x32x80xi32, #tpu.memory_space<hbm>> -> memref<1x1x1x32x80xi32, #tpu.memory_space<hbm>>
      %dma_wait3A_140 = tpu.memref_squeeze %dma_wait3A_139 : memref<1x1x1x32x80xi32, #tpu.memory_space<hbm>> -> memref<32x80xi32, #tpu.memory_space<hbm>>
      %dma_wait3A_141 = arith.constant 0 : i32
      %dma_wait3A_142 = arith.constant 0 : i32
      %dma_wait3A_143 = tpu.memref_slice %arg3[%run_scoped3A, %add3A, %run_scoped3A_3, %dma_wait3A_141, %dma_wait3A_142] : memref<2x32x4x32x80xi32, #tpu.memory_space<hbm>> -> memref<1x1x1x32x80xi32, #tpu.memory_space<hbm>>
      %dma_wait3A_144 = tpu.memref_squeeze %dma_wait3A_143 : memref<1x1x1x32x80xi32, #tpu.memory_space<hbm>> -> memref<32x80xi32, #tpu.memory_space<hbm>>
      tpu.wait_dma2 semaphore(%run_scoped3A_129 : memref<!tpu.dma_semaphore, #tpu.memory_space<semaphore_mem>>) src(%dma_wait3A_144 : memref<32x80xi32, #tpu.memory_space<hbm>>) dst(%arg6 : memref<32x80xi32, #tpu.memory_space<vmem>>)
      tpu.yield
    }) : () -> ()
    %run_scoped3A_4 = arith.constant 1 : i32
    %run_scoped3A_5 = arith.constant 0 : i32
    "tpu.region"() ({
      %run_scoped3A_129 = tpu.sem_alloc : memref<!tpu.dma_semaphore, #tpu.memory_space<semaphore_mem>>
      %dma_start3A_130 = arith.constant 0 : i32
      %dma_start3A_131 = arith.constant 0 : i32
      %dma_start3A_132 = tpu.memref_slice %arg3[%run_scoped3A_4, %add3A, %run_scoped3A_5, %dma_start3A_130, %dma_start3A_131] : memref<2x32x4x32x80xi32, #tpu.memory_space<hbm>> -> memref<1x1x1x32x80xi32, #tpu.memory_space<hbm>>
      %dma_start3A_133 = tpu.memref_squeeze %dma_start3A_132 : memref<1x1x1x32x80xi32, #tpu.memory_space<hbm>> -> memref<32x80xi32, #tpu.memory_space<hbm>>
      %dma_start3A_134 = arith.constant 0 : i32
      %dma_start3A_135 = arith.constant 0 : i32
      %dma_start3A_136 = tpu.memref_slice %arg3[%run_scoped3A_4, %add3A, %run_scoped3A_5, %dma_start3A_134, %dma_start3A_135] : memref<2x32x4x32x80xi32, #tpu.memory_space<hbm>> -> memref<1x1x1x32x80xi32, #tpu.memory_space<hbm>>
      %dma_start3A_137 = tpu.memref_squeeze %dma_start3A_136 : memref<1x1x1x32x80xi32, #tpu.memory_space<hbm>> -> memref<32x80xi32, #tpu.memory_space<hbm>>
      tpu.enqueue_dma source(%dma_start3A_137 : memref<32x80xi32, #tpu.memory_space<hbm>>) target(%arg7 : memref<32x80xi32, #tpu.memory_space<vmem>>) target_semaphore(%run_scoped3A_129 : memref<!tpu.dma_semaphore, #tpu.memory_space<semaphore_mem>>)
      %dma_wait3A = arith.constant 0 : i32
      %dma_wait3A_138 = arith.constant 0 : i32
      %dma_wait3A_139 = tpu.memref_slice %arg3[%run_scoped3A_4, %add3A, %run_scoped3A_5, %dma_wait3A, %dma_wait3A_138] : memref<2x32x4x32x80xi32, #tpu.memory_space<hbm>> -> memref<1x1x1x32x80xi32, #tpu.memory_space<hbm>>
      %dma_wait3A_140 = tpu.memref_squeeze %dma_wait3A_139 : memref<1x1x1x32x80xi32, #tpu.memory_space<hbm>> -> memref<32x80xi32, #tpu.memory_space<hbm>>
      %dma_wait3A_141 = arith.constant 0 : i32
      %dma_wait3A_142 = arith.constant 0 : i32
      %dma_wait3A_143 = tpu.memref_slice %arg3[%run_scoped3A_4, %add3A, %run_scoped3A_5, %dma_wait3A_141, %dma_wait3A_142] : memref<2x32x4x32x80xi32, #tpu.memory_space<hbm>> -> memref<1x1x1x32x80xi32, #tpu.memory_space<hbm>>
      %dma_wait3A_144 = tpu.memref_squeeze %dma_wait3A_143 : memref<1x1x1x32x80xi32, #tpu.memory_space<hbm>> -> memref<32x80xi32, #tpu.memory_space<hbm>>
      tpu.wait_dma2 semaphore(%run_scoped3A_129 : memref<!tpu.dma_semaphore, #tpu.memory_space<semaphore_mem>>) src(%dma_wait3A_144 : memref<32x80xi32, #tpu.memory_space<hbm>>) dst(%arg7 : memref<32x80xi32, #tpu.memory_space<vmem>>)
      tpu.yield
    }) : () -> ()
    %dma_start3A = arith.constant 0 : i32
    %dma_start3A_6 = arith.constant 0 : i32
    %dma_start3A_7 = arith.constant 0 : i32
    %dma_start3A_8 = tpu.memref_slice %arg6[%dma_start3A, %dma_start3A_7] : memref<32x80xi32, #tpu.memory_space<vmem>> -> memref<1x80xi32, #tpu.memory_space<vmem>>
    %dma_start3A_9 = tpu.memref_squeeze %dma_start3A_8 : memref<1x80xi32, #tpu.memory_space<vmem>> -> memref<80xi32, #tpu.memory_space<vmem>>
    %dma_start3A_10 = arith.constant 0 : i32
    %dma_start3A_11 = arith.constant 0 : i32
    %dma_start3A_12 = tpu.memref_slice %arg2[%dma_start3A_10, %dma_start3A_11] : memref<10112x128xf32, #tpu.memory_space<hbm>> -> memref<10112x128xf32, #tpu.memory_space<hbm>>
    %dma_start3A_13 = tpu.memref_slice %arg11[%dma_start3A_6] : memref<4x!tpu.dma_semaphore, #tpu.memory_space<semaphore_mem>> -> memref<1x!tpu.dma_semaphore, #tpu.memory_space<semaphore_mem>>
    %dma_start3A_14 = tpu.memref_squeeze %dma_start3A_13 : memref<1x!tpu.dma_semaphore, #tpu.memory_space<semaphore_mem>> -> memref<!tpu.dma_semaphore, #tpu.memory_space<semaphore_mem>>
    tpu.enqueue_indirect_dma source(%dma_start3A_12 : memref<10112x128xf32, #tpu.memory_space<hbm>>) target(%arg8 : memref<80x128xf32, #tpu.memory_space<vmem>>) offsets(%dma_start3A_9 : memref<80xi32, #tpu.memory_space<vmem>>) semaphore(%dma_start3A_14 : memref<!tpu.dma_semaphore, #tpu.memory_space<semaphore_mem>>)
    %dma_start3A_15 = arith.constant 1 : i32
    %dma_start3A_16 = arith.constant 1 : i32
    %dma_start3A_17 = arith.constant 0 : i32
    %dma_start3A_18 = tpu.memref_slice %arg6[%dma_start3A_15, %dma_start3A_17] : memref<32x80xi32, #tpu.memory_space<vmem>> -> memref<1x80xi32, #tpu.memory_space<vmem>>
    %dma_start3A_19 = tpu.memref_squeeze %dma_start3A_18 : memref<1x80xi32, #tpu.memory_space<vmem>> -> memref<80xi32, #tpu.memory_space<vmem>>
    %dma_start3A_20 = arith.constant 0 : i32
    %dma_start3A_21 = arith.constant 0 : i32
    %dma_start3A_22 = tpu.memref_slice %arg2[%dma_start3A_20, %dma_start3A_21] : memref<10112x128xf32, #tpu.memory_space<hbm>> -> memref<10112x128xf32, #tpu.memory_space<hbm>>
    %dma_start3A_23 = tpu.memref_slice %arg11[%dma_start3A_16] : memref<4x!tpu.dma_semaphore, #tpu.memory_space<semaphore_mem>> -> memref<1x!tpu.dma_semaphore, #tpu.memory_space<semaphore_mem>>
    %dma_start3A_24 = tpu.memref_squeeze %dma_start3A_23 : memref<1x!tpu.dma_semaphore, #tpu.memory_space<semaphore_mem>> -> memref<!tpu.dma_semaphore, #tpu.memory_space<semaphore_mem>>
    tpu.enqueue_indirect_dma source(%dma_start3A_22 : memref<10112x128xf32, #tpu.memory_space<hbm>>) target(%arg9 : memref<80x128xf32, #tpu.memory_space<vmem>>) offsets(%dma_start3A_19 : memref<80xi32, #tpu.memory_space<vmem>>) semaphore(%dma_start3A_24 : memref<!tpu.dma_semaphore, #tpu.memory_space<semaphore_mem>>)
    %scan3A = arith.constant 0 : i32
    %scan3A_25 = arith.constant 1 : i32
    %scan3A_26 = arith.constant 0 : i32
    %scan3A_27 = arith.constant 16 : i32
    %scan3A_28 = arith.addi %scan3A_26, %scan3A_27 : i32
    %scan3A_29 = arith.constant 1 : i32
    scf.for %scan3A_129 = %scan3A_26 to %scan3A_28 step %scan3A_29  : i32 {
      %mul3A_130 = arith.constant 1 : i32
      %mul3A_131 = arith.muli %scan3A_129, %mul3A_130 : i32
      %add3A_132 = arith.constant 0 : i32
      %add3A_133 = arith.addi %add3A_132, %mul3A_131 : i32
      %mul3A_134 = arith.constant 2 : i32
      %mul3A_135 = arith.muli %mul3A_134, %add3A_133 : i32
      %mul3A_136 = arith.constant 2 : i32
      %mul3A_137 = arith.muli %mul3A_136, %add3A_133 : i32
      %add3A_138 = arith.constant 1 : i32
      %add3A_139 = arith.addi %mul3A_137, %add3A_138 : i32
      %dma_wait3A = arith.constant 0 : i32
      %dma_wait3A_140 = tpu.memref_slice %arg6[%mul3A_135, %dma_wait3A] : memref<32x80xi32, #tpu.memory_space<vmem>> -> memref<1x80xi32, #tpu.memory_space<vmem>>
      %dma_wait3A_141 = tpu.memref_squeeze %dma_wait3A_140 : memref<1x80xi32, #tpu.memory_space<vmem>> -> memref<80xi32, #tpu.memory_space<vmem>>
      %dma_wait3A_142 = arith.constant 0 : i32
      %dma_wait3A_143 = arith.constant 0 : i32
      %dma_wait3A_144 = tpu.memref_slice %arg2[%dma_wait3A_142, %dma_wait3A_143] : memref<10112x128xf32, #tpu.memory_space<hbm>> -> memref<10112x128xf32, #tpu.memory_space<hbm>>
      %dma_wait3A_145 = tpu.memref_slice %arg11[%scan3A] : memref<4x!tpu.dma_semaphore, #tpu.memory_space<semaphore_mem>> -> memref<1x!tpu.dma_semaphore, #tpu.memory_space<semaphore_mem>>
      %dma_wait3A_146 = tpu.memref_squeeze %dma_wait3A_145 : memref<1x!tpu.dma_semaphore, #tpu.memory_space<semaphore_mem>> -> memref<!tpu.dma_semaphore, #tpu.memory_space<semaphore_mem>>
      tpu.wait_indirect_dma semaphore(%dma_wait3A_146 : memref<!tpu.dma_semaphore, #tpu.memory_space<semaphore_mem>>) src(%dma_wait3A_144 : memref<10112x128xf32, #tpu.memory_space<hbm>>) dst(%arg8 : memref<80x128xf32, #tpu.memory_space<vmem>>)
      "tpu.region"() ({
        %run_scoped3A_166 = tpu.sem_alloc : memref<!tpu.dma_semaphore, #tpu.memory_space<semaphore_mem>>
        %dma_start3A_167 = arith.constant 0 : i32
        %dma_start3A_168 = tpu.memref_slice %arg7[%mul3A_135, %dma_start3A_167] : memref<32x80xi32, #tpu.memory_space<vmem>> -> memref<1x80xi32, #tpu.memory_space<vmem>>
        %dma_start3A_169 = tpu.memref_squeeze %dma_start3A_168 : memref<1x80xi32, #tpu.memory_space<vmem>> -> memref<80xi32, #tpu.memory_space<vmem>>
        %dma_start3A_170 = arith.constant 0 : i32
        %dma_start3A_171 = arith.constant 0 : i32
        %dma_start3A_172 = tpu.memref_slice %arg10[%dma_start3A_170, %dma_start3A_171] : memref<10112x128xf32, #tpu.memory_space<vmem_shared>> -> memref<10112x128xf32, #tpu.memory_space<vmem_shared>>
        tpu.enqueue_indirect_dma source(%arg8 : memref<80x128xf32, #tpu.memory_space<vmem>>) target(%dma_start3A_172 : memref<10112x128xf32, #tpu.memory_space<vmem_shared>>) offsets(%dma_start3A_169 : memref<80xi32, #tpu.memory_space<vmem>>) semaphore(%run_scoped3A_166 : memref<!tpu.dma_semaphore, #tpu.memory_space<semaphore_mem>>) {add = true}
        %dma_wait3A_173 = arith.constant 0 : i32
        %dma_wait3A_174 = tpu.memref_slice %arg7[%mul3A_135, %dma_wait3A_173] : memref<32x80xi32, #tpu.memory_space<vmem>> -> memref<1x80xi32, #tpu.memory_space<vmem>>
        %dma_wait3A_175 = tpu.memref_squeeze %dma_wait3A_174 : memref<1x80xi32, #tpu.memory_space<vmem>> -> memref<80xi32, #tpu.memory_space<vmem>>
        %dma_wait3A_176 = arith.constant 0 : i32
        %dma_wait3A_177 = arith.constant 0 : i32
        %dma_wait3A_178 = tpu.memref_slice %arg10[%dma_wait3A_176, %dma_wait3A_177] : memref<10112x128xf32, #tpu.memory_space<vmem_shared>> -> memref<10112x128xf32, #tpu.memory_space<vmem_shared>>
        tpu.wait_indirect_dma semaphore(%run_scoped3A_166 : memref<!tpu.dma_semaphore, #tpu.memory_space<semaphore_mem>>) src(%arg8 : memref<80x128xf32, #tpu.memory_space<vmem>>) dst(%dma_wait3A_178 : memref<10112x128xf32, #tpu.memory_space<vmem_shared>>)
        tpu.yield
      }) : () -> ()
      %add3A_147 = arith.constant 2 : i32
      %add3A_148 = arith.addi %mul3A_135, %add3A_147 : i32
      %lt3A = arith.constant 32 : i32
      %lt3A_149 = arith.cmpi slt, %add3A_148, %lt3A : i32
      %convert_element_type3A = arith.extui %lt3A_149 : i1 to i32
      %cond3A = arith.constant 0 : i32
      %cond3A_150 = arith.cmpi ne, %convert_element_type3A, %cond3A : i32
      scf.if %cond3A_150 {
        %add3A_166 = arith.constant 2 : i32
        %add3A_167 = arith.addi %mul3A_135, %add3A_166 : i32
        %dma_start3A_168 = arith.constant 0 : i32
        %dma_start3A_169 = tpu.memref_slice %arg6[%add3A_167, %dma_start3A_168] : memref<32x80xi32, #tpu.memory_space<vmem>> -> memref<1x80xi32, #tpu.memory_space<vmem>>
        %dma_start3A_170 = tpu.memref_squeeze %dma_start3A_169 : memref<1x80xi32, #tpu.memory_space<vmem>> -> memref<80xi32, #tpu.memory_space<vmem>>
        %dma_start3A_171 = arith.constant 0 : i32
        %dma_start3A_172 = arith.constant 0 : i32
        %dma_start3A_173 = tpu.memref_slice %arg2[%dma_start3A_171, %dma_start3A_172] : memref<10112x128xf32, #tpu.memory_space<hbm>> -> memref<10112x128xf32, #tpu.memory_space<hbm>>
        %dma_start3A_174 = tpu.memref_slice %arg11[%scan3A] : memref<4x!tpu.dma_semaphore, #tpu.memory_space<semaphore_mem>> -> memref<1x!tpu.dma_semaphore, #tpu.memory_space<semaphore_mem>>
        %dma_start3A_175 = tpu.memref_squeeze %dma_start3A_174 : memref<1x!tpu.dma_semaphore, #tpu.memory_space<semaphore_mem>> -> memref<!tpu.dma_semaphore, #tpu.memory_space<semaphore_mem>>
        tpu.enqueue_indirect_dma source(%dma_start3A_173 : memref<10112x128xf32, #tpu.memory_space<hbm>>) target(%arg8 : memref<80x128xf32, #tpu.memory_space<vmem>>) offsets(%dma_start3A_170 : memref<80xi32, #tpu.memory_space<vmem>>) semaphore(%dma_start3A_175 : memref<!tpu.dma_semaphore, #tpu.memory_space<semaphore_mem>>)
      } else {
      }
      %dma_wait3A_151 = arith.constant 0 : i32
      %dma_wait3A_152 = tpu.memref_slice %arg6[%add3A_139, %dma_wait3A_151] : memref<32x80xi32, #tpu.memory_space<vmem>> -> memref<1x80xi32, #tpu.memory_space<vmem>>
      %dma_wait3A_153 = tpu.memref_squeeze %dma_wait3A_152 : memref<1x80xi32, #tpu.memory_space<vmem>> -> memref<80xi32, #tpu.memory_space<vmem>>
      %dma_wait3A_154 = arith.constant 0 : i32
      %dma_wait3A_155 = arith.constant 0 : i32
      %dma_wait3A_156 = tpu.memref_slice %arg2[%dma_wait3A_154, %dma_wait3A_155] : memref<10112x128xf32, #tpu.memory_space<hbm>> -> memref<10112x128xf32, #tpu.memory_space<hbm>>
      %dma_wait3A_157 = tpu.memref_slice %arg11[%scan3A_25] : memref<4x!tpu.dma_semaphore, #tpu.memory_space<semaphore_mem>> -> memref<1x!tpu.dma_semaphore, #tpu.memory_space<semaphore_mem>>
      %dma_wait3A_158 = tpu.memref_squeeze %dma_wait3A_157 : memref<1x!tpu.dma_semaphore, #tpu.memory_space<semaphore_mem>> -> memref<!tpu.dma_semaphore, #tpu.memory_space<semaphore_mem>>
      tpu.wait_indirect_dma semaphore(%dma_wait3A_158 : memref<!tpu.dma_semaphore, #tpu.memory_space<semaphore_mem>>) src(%dma_wait3A_156 : memref<10112x128xf32, #tpu.memory_space<hbm>>) dst(%arg9 : memref<80x128xf32, #tpu.memory_space<vmem>>)
      "tpu.region"() ({
        %run_scoped3A_166 = tpu.sem_alloc : memref<!tpu.dma_semaphore, #tpu.memory_space<semaphore_mem>>
        %dma_start3A_167 = arith.constant 0 : i32
        %dma_start3A_168 = tpu.memref_slice %arg7[%add3A_139, %dma_start3A_167] : memref<32x80xi32, #tpu.memory_space<vmem>> -> memref<1x80xi32, #tpu.memory_space<vmem>>
        %dma_start3A_169 = tpu.memref_squeeze %dma_start3A_168 : memref<1x80xi32, #tpu.memory_space<vmem>> -> memref<80xi32, #tpu.memory_space<vmem>>
        %dma_start3A_170 = arith.constant 0 : i32
        %dma_start3A_171 = arith.constant 0 : i32
        %dma_start3A_172 = tpu.memref_slice %arg10[%dma_start3A_170, %dma_start3A_171] : memref<10112x128xf32, #tpu.memory_space<vmem_shared>> -> memref<10112x128xf32, #tpu.memory_space<vmem_shared>>
        tpu.enqueue_indirect_dma source(%arg9 : memref<80x128xf32, #tpu.memory_space<vmem>>) target(%dma_start3A_172 : memref<10112x128xf32, #tpu.memory_space<vmem_shared>>) offsets(%dma_start3A_169 : memref<80xi32, #tpu.memory_space<vmem>>) semaphore(%run_scoped3A_166 : memref<!tpu.dma_semaphore, #tpu.memory_space<semaphore_mem>>) {add = true}
        %dma_wait3A_173 = arith.constant 0 : i32
        %dma_wait3A_174 = tpu.memref_slice %arg7[%add3A_139, %dma_wait3A_173] : memref<32x80xi32, #tpu.memory_space<vmem>> -> memref<1x80xi32, #tpu.memory_space<vmem>>
        %dma_wait3A_175 = tpu.memref_squeeze %dma_wait3A_174 : memref<1x80xi32, #tpu.memory_space<vmem>> -> memref<80xi32, #tpu.memory_space<vmem>>
        %dma_wait3A_176 = arith.constant 0 : i32
        %dma_wait3A_177 = arith.constant 0 : i32
        %dma_wait3A_178 = tpu.memref_slice %arg10[%dma_wait3A_176, %dma_wait3A_177] : memref<10112x128xf32, #tpu.memory_space<vmem_shared>> -> memref<10112x128xf32, #tpu.memory_space<vmem_shared>>
        tpu.wait_indirect_dma semaphore(%run_scoped3A_166 : memref<!tpu.dma_semaphore, #tpu.memory_space<semaphore_mem>>) src(%arg9 : memref<80x128xf32, #tpu.memory_space<vmem>>) dst(%dma_wait3A_178 : memref<10112x128xf32, #tpu.memory_space<vmem_shared>>)
        tpu.yield
      }) : () -> ()
      %add3A_159 = arith.constant 2 : i32
      %add3A_160 = arith.addi %add3A_139, %add3A_159 : i32
      %lt3A_161 = arith.constant 32 : i32
      %lt3A_162 = arith.cmpi slt, %add3A_160, %lt3A_161 : i32
      %convert_element_type3A_163 = arith.extui %lt3A_162 : i1 to i32
      %cond3A_164 = arith.constant 0 : i32
      %cond3A_165 = arith.cmpi ne, %convert_element_type3A_163, %cond3A_164 : i32
      scf.if %cond3A_165 {
        %add3A_166 = arith.constant 2 : i32
        %add3A_167 = arith.addi %add3A_139, %add3A_166 : i32
        %dma_start3A_168 = arith.constant 0 : i32
        %dma_start3A_169 = tpu.memref_slice %arg6[%add3A_167, %dma_start3A_168] : memref<32x80xi32, #tpu.memory_space<vmem>> -> memref<1x80xi32, #tpu.memory_space<vmem>>
        %dma_start3A_170 = tpu.memref_squeeze %dma_start3A_169 : memref<1x80xi32, #tpu.memory_space<vmem>> -> memref<80xi32, #tpu.memory_space<vmem>>
        %dma_start3A_171 = arith.constant 0 : i32
        %dma_start3A_172 = arith.constant 0 : i32
        %dma_start3A_173 = tpu.memref_slice %arg2[%dma_start3A_171, %dma_start3A_172] : memref<10112x128xf32, #tpu.memory_space<hbm>> -> memref<10112x128xf32, #tpu.memory_space<hbm>>
        %dma_start3A_174 = tpu.memref_slice %arg11[%scan3A_25] : memref<4x!tpu.dma_semaphore, #tpu.memory_space<semaphore_mem>> -> memref<1x!tpu.dma_semaphore, #tpu.memory_space<semaphore_mem>>
        %dma_start3A_175 = tpu.memref_squeeze %dma_start3A_174 : memref<1x!tpu.dma_semaphore, #tpu.memory_space<semaphore_mem>> -> memref<!tpu.dma_semaphore, #tpu.memory_space<semaphore_mem>>
        tpu.enqueue_indirect_dma source(%dma_start3A_173 : memref<10112x128xf32, #tpu.memory_space<hbm>>) target(%arg9 : memref<80x128xf32, #tpu.memory_space<vmem>>) offsets(%dma_start3A_170 : memref<80xi32, #tpu.memory_space<vmem>>) semaphore(%dma_start3A_175 : memref<!tpu.dma_semaphore, #tpu.memory_space<semaphore_mem>>)
      } else {
      }
    }
    %scan3A_30 = arith.constant 16 : i32
    %run_scoped3A_31 = arith.constant 0 : i32
    %run_scoped3A_32 = arith.constant 1 : i32
    "tpu.region"() ({
      %run_scoped3A_129 = tpu.sem_alloc : memref<!tpu.dma_semaphore, #tpu.memory_space<semaphore_mem>>
      %dma_start3A_130 = arith.constant 0 : i32
      %dma_start3A_131 = arith.constant 0 : i32
      %dma_start3A_132 = tpu.memref_slice %arg3[%run_scoped3A_31, %add3A, %run_scoped3A_32, %dma_start3A_130, %dma_start3A_131] : memref<2x32x4x32x80xi32, #tpu.memory_space<hbm>> -> memref<1x1x1x32x80xi32, #tpu.memory_space<hbm>>
      %dma_start3A_133 = tpu.memref_squeeze %dma_start3A_132 : memref<1x1x1x32x80xi32, #tpu.memory_space<hbm>> -> memref<32x80xi32, #tpu.memory_space<hbm>>
      %dma_start3A_134 = arith.constant 0 : i32
      %dma_start3A_135 = arith.constant 0 : i32
      %dma_start3A_136 = tpu.memref_slice %arg3[%run_scoped3A_31, %add3A, %run_scoped3A_32, %dma_start3A_134, %dma_start3A_135] : memref<2x32x4x32x80xi32, #tpu.memory_space<hbm>> -> memref<1x1x1x32x80xi32, #tpu.memory_space<hbm>>
      %dma_start3A_137 = tpu.memref_squeeze %dma_start3A_136 : memref<1x1x1x32x80xi32, #tpu.memory_space<hbm>> -> memref<32x80xi32, #tpu.memory_space<hbm>>
      tpu.enqueue_dma source(%dma_start3A_137 : memref<32x80xi32, #tpu.memory_space<hbm>>) target(%arg6 : memref<32x80xi32, #tpu.memory_space<vmem>>) target_semaphore(%run_scoped3A_129 : memref<!tpu.dma_semaphore, #tpu.memory_space<semaphore_mem>>)
      %dma_wait3A = arith.constant 0 : i32
      %dma_wait3A_138 = arith.constant 0 : i32
      %dma_wait3A_139 = tpu.memref_slice %arg3[%run_scoped3A_31, %add3A, %run_scoped3A_32, %dma_wait3A, %dma_wait3A_138] : memref<2x32x4x32x80xi32, #tpu.memory_space<hbm>> -> memref<1x1x1x32x80xi32, #tpu.memory_space<hbm>>
      %dma_wait3A_140 = tpu.memref_squeeze %dma_wait3A_139 : memref<1x1x1x32x80xi32, #tpu.memory_space<hbm>> -> memref<32x80xi32, #tpu.memory_space<hbm>>
      %dma_wait3A_141 = arith.constant 0 : i32
      %dma_wait3A_142 = arith.constant 0 : i32
      %dma_wait3A_143 = tpu.memref_slice %arg3[%run_scoped3A_31, %add3A, %run_scoped3A_32, %dma_wait3A_141, %dma_wait3A_142] : memref<2x32x4x32x80xi32, #tpu.memory_space<hbm>> -> memref<1x1x1x32x80xi32, #tpu.memory_space<hbm>>
      %dma_wait3A_144 = tpu.memref_squeeze %dma_wait3A_143 : memref<1x1x1x32x80xi32, #tpu.memory_space<hbm>> -> memref<32x80xi32, #tpu.memory_space<hbm>>
      tpu.wait_dma2 semaphore(%run_scoped3A_129 : memref<!tpu.dma_semaphore, #tpu.memory_space<semaphore_mem>>) src(%dma_wait3A_144 : memref<32x80xi32, #tpu.memory_space<hbm>>) dst(%arg6 : memref<32x80xi32, #tpu.memory_space<vmem>>)
      tpu.yield
    }) : () -> ()
    %run_scoped3A_33 = arith.constant 1 : i32
    %run_scoped3A_34 = arith.constant 1 : i32
    "tpu.region"() ({
      %run_scoped3A_129 = tpu.sem_alloc : memref<!tpu.dma_semaphore, #tpu.memory_space<semaphore_mem>>
      %dma_start3A_130 = arith.constant 0 : i32
      %dma_start3A_131 = arith.constant 0 : i32
      %dma_start3A_132 = tpu.memref_slice %arg3[%run_scoped3A_33, %add3A, %run_scoped3A_34, %dma_start3A_130, %dma_start3A_131] : memref<2x32x4x32x80xi32, #tpu.memory_space<hbm>> -> memref<1x1x1x32x80xi32, #tpu.memory_space<hbm>>
      %dma_start3A_133 = tpu.memref_squeeze %dma_start3A_132 : memref<1x1x1x32x80xi32, #tpu.memory_space<hbm>> -> memref<32x80xi32, #tpu.memory_space<hbm>>
      %dma_start3A_134 = arith.constant 0 : i32
      %dma_start3A_135 = arith.constant 0 : i32
      %dma_start3A_136 = tpu.memref_slice %arg3[%run_scoped3A_33, %add3A, %run_scoped3A_34, %dma_start3A_134, %dma_start3A_135] : memref<2x32x4x32x80xi32, #tpu.memory_space<hbm>> -> memref<1x1x1x32x80xi32, #tpu.memory_space<hbm>>
      %dma_start3A_137 = tpu.memref_squeeze %dma_start3A_136 : memref<1x1x1x32x80xi32, #tpu.memory_space<hbm>> -> memref<32x80xi32, #tpu.memory_space<hbm>>
      tpu.enqueue_dma source(%dma_start3A_137 : memref<32x80xi32, #tpu.memory_space<hbm>>) target(%arg7 : memref<32x80xi32, #tpu.memory_space<vmem>>) target_semaphore(%run_scoped3A_129 : memref<!tpu.dma_semaphore, #tpu.memory_space<semaphore_mem>>)
      %dma_wait3A = arith.constant 0 : i32
      %dma_wait3A_138 = arith.constant 0 : i32
      %dma_wait3A_139 = tpu.memref_slice %arg3[%run_scoped3A_33, %add3A, %run_scoped3A_34, %dma_wait3A, %dma_wait3A_138] : memref<2x32x4x32x80xi32, #tpu.memory_space<hbm>> -> memref<1x1x1x32x80xi32, #tpu.memory_space<hbm>>
      %dma_wait3A_140 = tpu.memref_squeeze %dma_wait3A_139 : memref<1x1x1x32x80xi32, #tpu.memory_space<hbm>> -> memref<32x80xi32, #tpu.memory_space<hbm>>
      %dma_wait3A_141 = arith.constant 0 : i32
      %dma_wait3A_142 = arith.constant 0 : i32
      %dma_wait3A_143 = tpu.memref_slice %arg3[%run_scoped3A_33, %add3A, %run_scoped3A_34, %dma_wait3A_141, %dma_wait3A_142] : memref<2x32x4x32x80xi32, #tpu.memory_space<hbm>> -> memref<1x1x1x32x80xi32, #tpu.memory_space<hbm>>
      %dma_wait3A_144 = tpu.memref_squeeze %dma_wait3A_143 : memref<1x1x1x32x80xi32, #tpu.memory_space<hbm>> -> memref<32x80xi32, #tpu.memory_space<hbm>>
      tpu.wait_dma2 semaphore(%run_scoped3A_129 : memref<!tpu.dma_semaphore, #tpu.memory_space<semaphore_mem>>) src(%dma_wait3A_144 : memref<32x80xi32, #tpu.memory_space<hbm>>) dst(%arg7 : memref<32x80xi32, #tpu.memory_space<vmem>>)
      tpu.yield
    }) : () -> ()
    %dma_start3A_35 = arith.constant 0 : i32
    %dma_start3A_36 = arith.constant 0 : i32
    %dma_start3A_37 = arith.constant 0 : i32
    %dma_start3A_38 = tpu.memref_slice %arg6[%dma_start3A_35, %dma_start3A_37] : memref<32x80xi32, #tpu.memory_space<vmem>> -> memref<1x80xi32, #tpu.memory_space<vmem>>
    %dma_start3A_39 = tpu.memref_squeeze %dma_start3A_38 : memref<1x80xi32, #tpu.memory_space<vmem>> -> memref<80xi32, #tpu.memory_space<vmem>>
    %dma_start3A_40 = arith.constant 0 : i32
    %dma_start3A_41 = arith.constant 0 : i32
    %dma_start3A_42 = tpu.memref_slice %arg2[%dma_start3A_40, %dma_start3A_41] : memref<10112x128xf32, #tpu.memory_space<hbm>> -> memref<10112x128xf32, #tpu.memory_space<hbm>>
    %dma_start3A_43 = tpu.memref_slice %arg11[%dma_start3A_36] : memref<4x!tpu.dma_semaphore, #tpu.memory_space<semaphore_mem>> -> memref<1x!tpu.dma_semaphore, #tpu.memory_space<semaphore_mem>>
    %dma_start3A_44 = tpu.memref_squeeze %dma_start3A_43 : memref<1x!tpu.dma_semaphore, #tpu.memory_space<semaphore_mem>> -> memref<!tpu.dma_semaphore, #tpu.memory_space<semaphore_mem>>
    tpu.enqueue_indirect_dma source(%dma_start3A_42 : memref<10112x128xf32, #tpu.memory_space<hbm>>) target(%arg8 : memref<80x128xf32, #tpu.memory_space<vmem>>) offsets(%dma_start3A_39 : memref<80xi32, #tpu.memory_space<vmem>>) semaphore(%dma_start3A_44 : memref<!tpu.dma_semaphore, #tpu.memory_space<semaphore_mem>>)
    %dma_start3A_45 = arith.constant 1 : i32
    %dma_start3A_46 = arith.constant 1 : i32
    %dma_start3A_47 = arith.constant 0 : i32
    %dma_start3A_48 = tpu.memref_slice %arg6[%dma_start3A_45, %dma_start3A_47] : memref<32x80xi32, #tpu.memory_space<vmem>> -> memref<1x80xi32, #tpu.memory_space<vmem>>
    %dma_start3A_49 = tpu.memref_squeeze %dma_start3A_48 : memref<1x80xi32, #tpu.memory_space<vmem>> -> memref<80xi32, #tpu.memory_space<vmem>>
    %dma_start3A_50 = arith.constant 0 : i32
    %dma_start3A_51 = arith.constant 0 : i32
    %dma_start3A_52 = tpu.memref_slice %arg2[%dma_start3A_50, %dma_start3A_51] : memref<10112x128xf32, #tpu.memory_space<hbm>> -> memref<10112x128xf32, #tpu.memory_space<hbm>>
    %dma_start3A_53 = tpu.memref_slice %arg11[%dma_start3A_46] : memref<4x!tpu.dma_semaphore, #tpu.memory_space<semaphore_mem>> -> memref<1x!tpu.dma_semaphore, #tpu.memory_space<semaphore_mem>>
    %dma_start3A_54 = tpu.memref_squeeze %dma_start3A_53 : memref<1x!tpu.dma_semaphore, #tpu.memory_space<semaphore_mem>> -> memref<!tpu.dma_semaphore, #tpu.memory_space<semaphore_mem>>
    tpu.enqueue_indirect_dma source(%dma_start3A_52 : memref<10112x128xf32, #tpu.memory_space<hbm>>) target(%arg9 : memref<80x128xf32, #tpu.memory_space<vmem>>) offsets(%dma_start3A_49 : memref<80xi32, #tpu.memory_space<vmem>>) semaphore(%dma_start3A_54 : memref<!tpu.dma_semaphore, #tpu.memory_space<semaphore_mem>>)
    %scan3A_55 = arith.constant 0 : i32
    %scan3A_56 = arith.constant 1 : i32
    %scan3A_57 = arith.constant 0 : i32
    %scan3A_58 = arith.constant 16 : i32
    %scan3A_59 = arith.addi %scan3A_57, %scan3A_58 : i32
    %scan3A_60 = arith.constant 1 : i32
    scf.for %scan3A_129 = %scan3A_57 to %scan3A_59 step %scan3A_60  : i32 {
      %mul3A_130 = arith.constant 1 : i32
      %mul3A_131 = arith.muli %scan3A_129, %mul3A_130 : i32
      %add3A_132 = arith.constant 0 : i32
      %add3A_133 = arith.addi %add3A_132, %mul3A_131 : i32
      %mul3A_134 = arith.constant 2 : i32
      %mul3A_135 = arith.muli %mul3A_134, %add3A_133 : i32
      %mul3A_136 = arith.constant 2 : i32
      %mul3A_137 = arith.muli %mul3A_136, %add3A_133 : i32
      %add3A_138 = arith.constant 1 : i32
      %add3A_139 = arith.addi %mul3A_137, %add3A_138 : i32
      %dma_wait3A = arith.constant 0 : i32
      %dma_wait3A_140 = tpu.memref_slice %arg6[%mul3A_135, %dma_wait3A] : memref<32x80xi32, #tpu.memory_space<vmem>> -> memref<1x80xi32, #tpu.memory_space<vmem>>
      %dma_wait3A_141 = tpu.memref_squeeze %dma_wait3A_140 : memref<1x80xi32, #tpu.memory_space<vmem>> -> memref<80xi32, #tpu.memory_space<vmem>>
      %dma_wait3A_142 = arith.constant 0 : i32
      %dma_wait3A_143 = arith.constant 0 : i32
      %dma_wait3A_144 = tpu.memref_slice %arg2[%dma_wait3A_142, %dma_wait3A_143] : memref<10112x128xf32, #tpu.memory_space<hbm>> -> memref<10112x128xf32, #tpu.memory_space<hbm>>
      %dma_wait3A_145 = tpu.memref_slice %arg11[%scan3A_55] : memref<4x!tpu.dma_semaphore, #tpu.memory_space<semaphore_mem>> -> memref<1x!tpu.dma_semaphore, #tpu.memory_space<semaphore_mem>>
      %dma_wait3A_146 = tpu.memref_squeeze %dma_wait3A_145 : memref<1x!tpu.dma_semaphore, #tpu.memory_space<semaphore_mem>> -> memref<!tpu.dma_semaphore, #tpu.memory_space<semaphore_mem>>
      tpu.wait_indirect_dma semaphore(%dma_wait3A_146 : memref<!tpu.dma_semaphore, #tpu.memory_space<semaphore_mem>>) src(%dma_wait3A_144 : memref<10112x128xf32, #tpu.memory_space<hbm>>) dst(%arg8 : memref<80x128xf32, #tpu.memory_space<vmem>>)
      "tpu.region"() ({
        %run_scoped3A_166 = tpu.sem_alloc : memref<!tpu.dma_semaphore, #tpu.memory_space<semaphore_mem>>
        %dma_start3A_167 = arith.constant 0 : i32
        %dma_start3A_168 = tpu.memref_slice %arg7[%mul3A_135, %dma_start3A_167] : memref<32x80xi32, #tpu.memory_space<vmem>> -> memref<1x80xi32, #tpu.memory_space<vmem>>
        %dma_start3A_169 = tpu.memref_squeeze %dma_start3A_168 : memref<1x80xi32, #tpu.memory_space<vmem>> -> memref<80xi32, #tpu.memory_space<vmem>>
        %dma_start3A_170 = arith.constant 0 : i32
        %dma_start3A_171 = arith.constant 0 : i32
        %dma_start3A_172 = tpu.memref_slice %arg10[%dma_start3A_170, %dma_start3A_171] : memref<10112x128xf32, #tpu.memory_space<vmem_shared>> -> memref<10112x128xf32, #tpu.memory_space<vmem_shared>>
        tpu.enqueue_indirect_dma source(%arg8 : memref<80x128xf32, #tpu.memory_space<vmem>>) target(%dma_start3A_172 : memref<10112x128xf32, #tpu.memory_space<vmem_shared>>) offsets(%dma_start3A_169 : memref<80xi32, #tpu.memory_space<vmem>>) semaphore(%run_scoped3A_166 : memref<!tpu.dma_semaphore, #tpu.memory_space<semaphore_mem>>) {add = true}
        %dma_wait3A_173 = arith.constant 0 : i32
        %dma_wait3A_174 = tpu.memref_slice %arg7[%mul3A_135, %dma_wait3A_173] : memref<32x80xi32, #tpu.memory_space<vmem>> -> memref<1x80xi32, #tpu.memory_space<vmem>>
        %dma_wait3A_175 = tpu.memref_squeeze %dma_wait3A_174 : memref<1x80xi32, #tpu.memory_space<vmem>> -> memref<80xi32, #tpu.memory_space<vmem>>
        %dma_wait3A_176 = arith.constant 0 : i32
        %dma_wait3A_177 = arith.constant 0 : i32
        %dma_wait3A_178 = tpu.memref_slice %arg10[%dma_wait3A_176, %dma_wait3A_177] : memref<10112x128xf32, #tpu.memory_space<vmem_shared>> -> memref<10112x128xf32, #tpu.memory_space<vmem_shared>>
        tpu.wait_indirect_dma semaphore(%run_scoped3A_166 : memref<!tpu.dma_semaphore, #tpu.memory_space<semaphore_mem>>) src(%arg8 : memref<80x128xf32, #tpu.memory_space<vmem>>) dst(%dma_wait3A_178 : memref<10112x128xf32, #tpu.memory_space<vmem_shared>>)
        tpu.yield
      }) : () -> ()
      %add3A_147 = arith.constant 2 : i32
      %add3A_148 = arith.addi %mul3A_135, %add3A_147 : i32
      %lt3A = arith.constant 32 : i32
      %lt3A_149 = arith.cmpi slt, %add3A_148, %lt3A : i32
      %convert_element_type3A = arith.extui %lt3A_149 : i1 to i32
      %cond3A = arith.constant 0 : i32
      %cond3A_150 = arith.cmpi ne, %convert_element_type3A, %cond3A : i32
      scf.if %cond3A_150 {
        %add3A_166 = arith.constant 2 : i32
        %add3A_167 = arith.addi %mul3A_135, %add3A_166 : i32
        %dma_start3A_168 = arith.constant 0 : i32
        %dma_start3A_169 = tpu.memref_slice %arg6[%add3A_167, %dma_start3A_168] : memref<32x80xi32, #tpu.memory_space<vmem>> -> memref<1x80xi32, #tpu.memory_space<vmem>>
        %dma_start3A_170 = tpu.memref_squeeze %dma_start3A_169 : memref<1x80xi32, #tpu.memory_space<vmem>> -> memref<80xi32, #tpu.memory_space<vmem>>
        %dma_start3A_171 = arith.constant 0 : i32
        %dma_start3A_172 = arith.constant 0 : i32
        %dma_start3A_173 = tpu.memref_slice %arg2[%dma_start3A_171, %dma_start3A_172] : memref<10112x128xf32, #tpu.memory_space<hbm>> -> memref<10112x128xf32, #tpu.memory_space<hbm>>
        %dma_start3A_174 = tpu.memref_slice %arg11[%scan3A_55] : memref<4x!tpu.dma_semaphore, #tpu.memory_space<semaphore_mem>> -> memref<1x!tpu.dma_semaphore, #tpu.memory_space<semaphore_mem>>
        %dma_start3A_175 = tpu.memref_squeeze %dma_start3A_174 : memref<1x!tpu.dma_semaphore, #tpu.memory_space<semaphore_mem>> -> memref<!tpu.dma_semaphore, #tpu.memory_space<semaphore_mem>>
        tpu.enqueue_indirect_dma source(%dma_start3A_173 : memref<10112x128xf32, #tpu.memory_space<hbm>>) target(%arg8 : memref<80x128xf32, #tpu.memory_space<vmem>>) offsets(%dma_start3A_170 : memref<80xi32, #tpu.memory_space<vmem>>) semaphore(%dma_start3A_175 : memref<!tpu.dma_semaphore, #tpu.memory_space<semaphore_mem>>)
      } else {
      }
      %dma_wait3A_151 = arith.constant 0 : i32
      %dma_wait3A_152 = tpu.memref_slice %arg6[%add3A_139, %dma_wait3A_151] : memref<32x80xi32, #tpu.memory_space<vmem>> -> memref<1x80xi32, #tpu.memory_space<vmem>>
      %dma_wait3A_153 = tpu.memref_squeeze %dma_wait3A_152 : memref<1x80xi32, #tpu.memory_space<vmem>> -> memref<80xi32, #tpu.memory_space<vmem>>
      %dma_wait3A_154 = arith.constant 0 : i32
      %dma_wait3A_155 = arith.constant 0 : i32
      %dma_wait3A_156 = tpu.memref_slice %arg2[%dma_wait3A_154, %dma_wait3A_155] : memref<10112x128xf32, #tpu.memory_space<hbm>> -> memref<10112x128xf32, #tpu.memory_space<hbm>>
      %dma_wait3A_157 = tpu.memref_slice %arg11[%scan3A_56] : memref<4x!tpu.dma_semaphore, #tpu.memory_space<semaphore_mem>> -> memref<1x!tpu.dma_semaphore, #tpu.memory_space<semaphore_mem>>
      %dma_wait3A_158 = tpu.memref_squeeze %dma_wait3A_157 : memref<1x!tpu.dma_semaphore, #tpu.memory_space<semaphore_mem>> -> memref<!tpu.dma_semaphore, #tpu.memory_space<semaphore_mem>>
      tpu.wait_indirect_dma semaphore(%dma_wait3A_158 : memref<!tpu.dma_semaphore, #tpu.memory_space<semaphore_mem>>) src(%dma_wait3A_156 : memref<10112x128xf32, #tpu.memory_space<hbm>>) dst(%arg9 : memref<80x128xf32, #tpu.memory_space<vmem>>)
      "tpu.region"() ({
        %run_scoped3A_166 = tpu.sem_alloc : memref<!tpu.dma_semaphore, #tpu.memory_space<semaphore_mem>>
        %dma_start3A_167 = arith.constant 0 : i32
        %dma_start3A_168 = tpu.memref_slice %arg7[%add3A_139, %dma_start3A_167] : memref<32x80xi32, #tpu.memory_space<vmem>> -> memref<1x80xi32, #tpu.memory_space<vmem>>
        %dma_start3A_169 = tpu.memref_squeeze %dma_start3A_168 : memref<1x80xi32, #tpu.memory_space<vmem>> -> memref<80xi32, #tpu.memory_space<vmem>>
        %dma_start3A_170 = arith.constant 0 : i32
        %dma_start3A_171 = arith.constant 0 : i32
        %dma_start3A_172 = tpu.memref_slice %arg10[%dma_start3A_170, %dma_start3A_171] : memref<10112x128xf32, #tpu.memory_space<vmem_shared>> -> memref<10112x128xf32, #tpu.memory_space<vmem_shared>>
        tpu.enqueue_indirect_dma source(%arg9 : memref<80x128xf32, #tpu.memory_space<vmem>>) target(%dma_start3A_172 : memref<10112x128xf32, #tpu.memory_space<vmem_shared>>) offsets(%dma_start3A_169 : memref<80xi32, #tpu.memory_space<vmem>>) semaphore(%run_scoped3A_166 : memref<!tpu.dma_semaphore, #tpu.memory_space<semaphore_mem>>) {add = true}
        %dma_wait3A_173 = arith.constant 0 : i32
        %dma_wait3A_174 = tpu.memref_slice %arg7[%add3A_139, %dma_wait3A_173] : memref<32x80xi32, #tpu.memory_space<vmem>> -> memref<1x80xi32, #tpu.memory_space<vmem>>
        %dma_wait3A_175 = tpu.memref_squeeze %dma_wait3A_174 : memref<1x80xi32, #tpu.memory_space<vmem>> -> memref<80xi32, #tpu.memory_space<vmem>>
        %dma_wait3A_176 = arith.constant 0 : i32
        %dma_wait3A_177 = arith.constant 0 : i32
        %dma_wait3A_178 = tpu.memref_slice %arg10[%dma_wait3A_176, %dma_wait3A_177] : memref<10112x128xf32, #tpu.memory_space<vmem_shared>> -> memref<10112x128xf32, #tpu.memory_space<vmem_shared>>
        tpu.wait_indirect_dma semaphore(%run_scoped3A_166 : memref<!tpu.dma_semaphore, #tpu.memory_space<semaphore_mem>>) src(%arg9 : memref<80x128xf32, #tpu.memory_space<vmem>>) dst(%dma_wait3A_178 : memref<10112x128xf32, #tpu.memory_space<vmem_shared>>)
        tpu.yield
      }) : () -> ()
      %add3A_159 = arith.constant 2 : i32
      %add3A_160 = arith.addi %add3A_139, %add3A_159 : i32
      %lt3A_161 = arith.constant 32 : i32
      %lt3A_162 = arith.cmpi slt, %add3A_160, %lt3A_161 : i32
      %convert_element_type3A_163 = arith.extui %lt3A_162 : i1 to i32
      %cond3A_164 = arith.constant 0 : i32
      %cond3A_165 = arith.cmpi ne, %convert_element_type3A_163, %cond3A_164 : i32
      scf.if %cond3A_165 {
        %add3A_166 = arith.constant 2 : i32
        %add3A_167 = arith.addi %add3A_139, %add3A_166 : i32
        %dma_start3A_168 = arith.constant 0 : i32
        %dma_start3A_169 = tpu.memref_slice %arg6[%add3A_167, %dma_start3A_168] : memref<32x80xi32, #tpu.memory_space<vmem>> -> memref<1x80xi32, #tpu.memory_space<vmem>>
        %dma_start3A_170 = tpu.memref_squeeze %dma_start3A_169 : memref<1x80xi32, #tpu.memory_space<vmem>> -> memref<80xi32, #tpu.memory_space<vmem>>
        %dma_start3A_171 = arith.constant 0 : i32
        %dma_start3A_172 = arith.constant 0 : i32
        %dma_start3A_173 = tpu.memref_slice %arg2[%dma_start3A_171, %dma_start3A_172] : memref<10112x128xf32, #tpu.memory_space<hbm>> -> memref<10112x128xf32, #tpu.memory_space<hbm>>
        %dma_start3A_174 = tpu.memref_slice %arg11[%scan3A_56] : memref<4x!tpu.dma_semaphore, #tpu.memory_space<semaphore_mem>> -> memref<1x!tpu.dma_semaphore, #tpu.memory_space<semaphore_mem>>
        %dma_start3A_175 = tpu.memref_squeeze %dma_start3A_174 : memref<1x!tpu.dma_semaphore, #tpu.memory_space<semaphore_mem>> -> memref<!tpu.dma_semaphore, #tpu.memory_space<semaphore_mem>>
        tpu.enqueue_indirect_dma source(%dma_start3A_173 : memref<10112x128xf32, #tpu.memory_space<hbm>>) target(%arg9 : memref<80x128xf32, #tpu.memory_space<vmem>>) offsets(%dma_start3A_170 : memref<80xi32, #tpu.memory_space<vmem>>) semaphore(%dma_start3A_175 : memref<!tpu.dma_semaphore, #tpu.memory_space<semaphore_mem>>)
      } else {
      }
    }
    %scan3A_61 = arith.constant 16 : i32
    %run_scoped3A_62 = arith.constant 0 : i32
    %run_scoped3A_63 = arith.constant 2 : i32
    "tpu.region"() ({
      %run_scoped3A_129 = tpu.sem_alloc : memref<!tpu.dma_semaphore, #tpu.memory_space<semaphore_mem>>
      %dma_start3A_130 = arith.constant 0 : i32
      %dma_start3A_131 = arith.constant 0 : i32
      %dma_start3A_132 = tpu.memref_slice %arg3[%run_scoped3A_62, %add3A, %run_scoped3A_63, %dma_start3A_130, %dma_start3A_131] : memref<2x32x4x32x80xi32, #tpu.memory_space<hbm>> -> memref<1x1x1x32x80xi32, #tpu.memory_space<hbm>>
      %dma_start3A_133 = tpu.memref_squeeze %dma_start3A_132 : memref<1x1x1x32x80xi32, #tpu.memory_space<hbm>> -> memref<32x80xi32, #tpu.memory_space<hbm>>
      %dma_start3A_134 = arith.constant 0 : i32
      %dma_start3A_135 = arith.constant 0 : i32
      %dma_start3A_136 = tpu.memref_slice %arg3[%run_scoped3A_62, %add3A, %run_scoped3A_63, %dma_start3A_134, %dma_start3A_135] : memref<2x32x4x32x80xi32, #tpu.memory_space<hbm>> -> memref<1x1x1x32x80xi32, #tpu.memory_space<hbm>>
      %dma_start3A_137 = tpu.memref_squeeze %dma_start3A_136 : memref<1x1x1x32x80xi32, #tpu.memory_space<hbm>> -> memref<32x80xi32, #tpu.memory_space<hbm>>
      tpu.enqueue_dma source(%dma_start3A_137 : memref<32x80xi32, #tpu.memory_space<hbm>>) target(%arg6 : memref<32x80xi32, #tpu.memory_space<vmem>>) target_semaphore(%run_scoped3A_129 : memref<!tpu.dma_semaphore, #tpu.memory_space<semaphore_mem>>)
      %dma_wait3A = arith.constant 0 : i32
      %dma_wait3A_138 = arith.constant 0 : i32
      %dma_wait3A_139 = tpu.memref_slice %arg3[%run_scoped3A_62, %add3A, %run_scoped3A_63, %dma_wait3A, %dma_wait3A_138] : memref<2x32x4x32x80xi32, #tpu.memory_space<hbm>> -> memref<1x1x1x32x80xi32, #tpu.memory_space<hbm>>
      %dma_wait3A_140 = tpu.memref_squeeze %dma_wait3A_139 : memref<1x1x1x32x80xi32, #tpu.memory_space<hbm>> -> memref<32x80xi32, #tpu.memory_space<hbm>>
      %dma_wait3A_141 = arith.constant 0 : i32
      %dma_wait3A_142 = arith.constant 0 : i32
      %dma_wait3A_143 = tpu.memref_slice %arg3[%run_scoped3A_62, %add3A, %run_scoped3A_63, %dma_wait3A_141, %dma_wait3A_142] : memref<2x32x4x32x80xi32, #tpu.memory_space<hbm>> -> memref<1x1x1x32x80xi32, #tpu.memory_space<hbm>>
      %dma_wait3A_144 = tpu.memref_squeeze %dma_wait3A_143 : memref<1x1x1x32x80xi32, #tpu.memory_space<hbm>> -> memref<32x80xi32, #tpu.memory_space<hbm>>
      tpu.wait_dma2 semaphore(%run_scoped3A_129 : memref<!tpu.dma_semaphore, #tpu.memory_space<semaphore_mem>>) src(%dma_wait3A_144 : memref<32x80xi32, #tpu.memory_space<hbm>>) dst(%arg6 : memref<32x80xi32, #tpu.memory_space<vmem>>)
      tpu.yield
    }) : () -> ()
    %run_scoped3A_64 = arith.constant 1 : i32
    %run_scoped3A_65 = arith.constant 2 : i32
    "tpu.region"() ({
      %run_scoped3A_129 = tpu.sem_alloc : memref<!tpu.dma_semaphore, #tpu.memory_space<semaphore_mem>>
      %dma_start3A_130 = arith.constant 0 : i32
      %dma_start3A_131 = arith.constant 0 : i32
      %dma_start3A_132 = tpu.memref_slice %arg3[%run_scoped3A_64, %add3A, %run_scoped3A_65, %dma_start3A_130, %dma_start3A_131] : memref<2x32x4x32x80xi32, #tpu.memory_space<hbm>> -> memref<1x1x1x32x80xi32, #tpu.memory_space<hbm>>
      %dma_start3A_133 = tpu.memref_squeeze %dma_start3A_132 : memref<1x1x1x32x80xi32, #tpu.memory_space<hbm>> -> memref<32x80xi32, #tpu.memory_space<hbm>>
      %dma_start3A_134 = arith.constant 0 : i32
      %dma_start3A_135 = arith.constant 0 : i32
      %dma_start3A_136 = tpu.memref_slice %arg3[%run_scoped3A_64, %add3A, %run_scoped3A_65, %dma_start3A_134, %dma_start3A_135] : memref<2x32x4x32x80xi32, #tpu.memory_space<hbm>> -> memref<1x1x1x32x80xi32, #tpu.memory_space<hbm>>
      %dma_start3A_137 = tpu.memref_squeeze %dma_start3A_136 : memref<1x1x1x32x80xi32, #tpu.memory_space<hbm>> -> memref<32x80xi32, #tpu.memory_space<hbm>>
      tpu.enqueue_dma source(%dma_start3A_137 : memref<32x80xi32, #tpu.memory_space<hbm>>) target(%arg7 : memref<32x80xi32, #tpu.memory_space<vmem>>) target_semaphore(%run_scoped3A_129 : memref<!tpu.dma_semaphore, #tpu.memory_space<semaphore_mem>>)
      %dma_wait3A = arith.constant 0 : i32
      %dma_wait3A_138 = arith.constant 0 : i32
      %dma_wait3A_139 = tpu.memref_slice %arg3[%run_scoped3A_64, %add3A, %run_scoped3A_65, %dma_wait3A, %dma_wait3A_138] : memref<2x32x4x32x80xi32, #tpu.memory_space<hbm>> -> memref<1x1x1x32x80xi32, #tpu.memory_space<hbm>>
      %dma_wait3A_140 = tpu.memref_squeeze %dma_wait3A_139 : memref<1x1x1x32x80xi32, #tpu.memory_space<hbm>> -> memref<32x80xi32, #tpu.memory_space<hbm>>
      %dma_wait3A_141 = arith.constant 0 : i32
      %dma_wait3A_142 = arith.constant 0 : i32
      %dma_wait3A_143 = tpu.memref_slice %arg3[%run_scoped3A_64, %add3A, %run_scoped3A_65, %dma_wait3A_141, %dma_wait3A_142] : memref<2x32x4x32x80xi32, #tpu.memory_space<hbm>> -> memref<1x1x1x32x80xi32, #tpu.memory_space<hbm>>
      %dma_wait3A_144 = tpu.memref_squeeze %dma_wait3A_143 : memref<1x1x1x32x80xi32, #tpu.memory_space<hbm>> -> memref<32x80xi32, #tpu.memory_space<hbm>>
      tpu.wait_dma2 semaphore(%run_scoped3A_129 : memref<!tpu.dma_semaphore, #tpu.memory_space<semaphore_mem>>) src(%dma_wait3A_144 : memref<32x80xi32, #tpu.memory_space<hbm>>) dst(%arg7 : memref<32x80xi32, #tpu.memory_space<vmem>>)
      tpu.yield
    }) : () -> ()
    %dma_start3A_66 = arith.constant 0 : i32
    %dma_start3A_67 = arith.constant 0 : i32
    %dma_start3A_68 = arith.constant 0 : i32
    %dma_start3A_69 = tpu.memref_slice %arg6[%dma_start3A_66, %dma_start3A_68] : memref<32x80xi32, #tpu.memory_space<vmem>> -> memref<1x80xi32, #tpu.memory_space<vmem>>
    %dma_start3A_70 = tpu.memref_squeeze %dma_start3A_69 : memref<1x80xi32, #tpu.memory_space<vmem>> -> memref<80xi32, #tpu.memory_space<vmem>>
    %dma_start3A_71 = arith.constant 0 : i32
    %dma_start3A_72 = arith.constant 0 : i32
    %dma_start3A_73 = tpu.memref_slice %arg2[%dma_start3A_71, %dma_start3A_72] : memref<10112x128xf32, #tpu.memory_space<hbm>> -> memref<10112x128xf32, #tpu.memory_space<hbm>>
    %dma_start3A_74 = tpu.memref_slice %arg11[%dma_start3A_67] : memref<4x!tpu.dma_semaphore, #tpu.memory_space<semaphore_mem>> -> memref<1x!tpu.dma_semaphore, #tpu.memory_space<semaphore_mem>>
    %dma_start3A_75 = tpu.memref_squeeze %dma_start3A_74 : memref<1x!tpu.dma_semaphore, #tpu.memory_space<semaphore_mem>> -> memref<!tpu.dma_semaphore, #tpu.memory_space<semaphore_mem>>
    tpu.enqueue_indirect_dma source(%dma_start3A_73 : memref<10112x128xf32, #tpu.memory_space<hbm>>) target(%arg8 : memref<80x128xf32, #tpu.memory_space<vmem>>) offsets(%dma_start3A_70 : memref<80xi32, #tpu.memory_space<vmem>>) semaphore(%dma_start3A_75 : memref<!tpu.dma_semaphore, #tpu.memory_space<semaphore_mem>>)
    %dma_start3A_76 = arith.constant 1 : i32
    %dma_start3A_77 = arith.constant 1 : i32
    %dma_start3A_78 = arith.constant 0 : i32
    %dma_start3A_79 = tpu.memref_slice %arg6[%dma_start3A_76, %dma_start3A_78] : memref<32x80xi32, #tpu.memory_space<vmem>> -> memref<1x80xi32, #tpu.memory_space<vmem>>
    %dma_start3A_80 = tpu.memref_squeeze %dma_start3A_79 : memref<1x80xi32, #tpu.memory_space<vmem>> -> memref<80xi32, #tpu.memory_space<vmem>>
    %dma_start3A_81 = arith.constant 0 : i32
    %dma_start3A_82 = arith.constant 0 : i32
    %dma_start3A_83 = tpu.memref_slice %arg2[%dma_start3A_81, %dma_start3A_82] : memref<10112x128xf32, #tpu.memory_space<hbm>> -> memref<10112x128xf32, #tpu.memory_space<hbm>>
    %dma_start3A_84 = tpu.memref_slice %arg11[%dma_start3A_77] : memref<4x!tpu.dma_semaphore, #tpu.memory_space<semaphore_mem>> -> memref<1x!tpu.dma_semaphore, #tpu.memory_space<semaphore_mem>>
    %dma_start3A_85 = tpu.memref_squeeze %dma_start3A_84 : memref<1x!tpu.dma_semaphore, #tpu.memory_space<semaphore_mem>> -> memref<!tpu.dma_semaphore, #tpu.memory_space<semaphore_mem>>
    tpu.enqueue_indirect_dma source(%dma_start3A_83 : memref<10112x128xf32, #tpu.memory_space<hbm>>) target(%arg9 : memref<80x128xf32, #tpu.memory_space<vmem>>) offsets(%dma_start3A_80 : memref<80xi32, #tpu.memory_space<vmem>>) semaphore(%dma_start3A_85 : memref<!tpu.dma_semaphore, #tpu.memory_space<semaphore_mem>>)
    %scan3A_86 = arith.constant 0 : i32
    %scan3A_87 = arith.constant 1 : i32
    %scan3A_88 = arith.constant 0 : i32
    %scan3A_89 = arith.constant 16 : i32
    %scan3A_90 = arith.addi %scan3A_88, %scan3A_89 : i32
    %scan3A_91 = arith.constant 1 : i32
    scf.for %scan3A_129 = %scan3A_88 to %scan3A_90 step %scan3A_91  : i32 {
      %mul3A_130 = arith.constant 1 : i32
      %mul3A_131 = arith.muli %scan3A_129, %mul3A_130 : i32
      %add3A_132 = arith.constant 0 : i32
      %add3A_133 = arith.addi %add3A_132, %mul3A_131 : i32
      %mul3A_134 = arith.constant 2 : i32
      %mul3A_135 = arith.muli %mul3A_134, %add3A_133 : i32
      %mul3A_136 = arith.constant 2 : i32
      %mul3A_137 = arith.muli %mul3A_136, %add3A_133 : i32
      %add3A_138 = arith.constant 1 : i32
      %add3A_139 = arith.addi %mul3A_137, %add3A_138 : i32
      %dma_wait3A = arith.constant 0 : i32
      %dma_wait3A_140 = tpu.memref_slice %arg6[%mul3A_135, %dma_wait3A] : memref<32x80xi32, #tpu.memory_space<vmem>> -> memref<1x80xi32, #tpu.memory_space<vmem>>
      %dma_wait3A_141 = tpu.memref_squeeze %dma_wait3A_140 : memref<1x80xi32, #tpu.memory_space<vmem>> -> memref<80xi32, #tpu.memory_space<vmem>>
      %dma_wait3A_142 = arith.constant 0 : i32
      %dma_wait3A_143 = arith.constant 0 : i32
      %dma_wait3A_144 = tpu.memref_slice %arg2[%dma_wait3A_142, %dma_wait3A_143] : memref<10112x128xf32, #tpu.memory_space<hbm>> -> memref<10112x128xf32, #tpu.memory_space<hbm>>
      %dma_wait3A_145 = tpu.memref_slice %arg11[%scan3A_86] : memref<4x!tpu.dma_semaphore, #tpu.memory_space<semaphore_mem>> -> memref<1x!tpu.dma_semaphore, #tpu.memory_space<semaphore_mem>>
      %dma_wait3A_146 = tpu.memref_squeeze %dma_wait3A_145 : memref<1x!tpu.dma_semaphore, #tpu.memory_space<semaphore_mem>> -> memref<!tpu.dma_semaphore, #tpu.memory_space<semaphore_mem>>
      tpu.wait_indirect_dma semaphore(%dma_wait3A_146 : memref<!tpu.dma_semaphore, #tpu.memory_space<semaphore_mem>>) src(%dma_wait3A_144 : memref<10112x128xf32, #tpu.memory_space<hbm>>) dst(%arg8 : memref<80x128xf32, #tpu.memory_space<vmem>>)
      "tpu.region"() ({
        %run_scoped3A_166 = tpu.sem_alloc : memref<!tpu.dma_semaphore, #tpu.memory_space<semaphore_mem>>
        %dma_start3A_167 = arith.constant 0 : i32
        %dma_start3A_168 = tpu.memref_slice %arg7[%mul3A_135, %dma_start3A_167] : memref<32x80xi32, #tpu.memory_space<vmem>> -> memref<1x80xi32, #tpu.memory_space<vmem>>
        %dma_start3A_169 = tpu.memref_squeeze %dma_start3A_168 : memref<1x80xi32, #tpu.memory_space<vmem>> -> memref<80xi32, #tpu.memory_space<vmem>>
        %dma_start3A_170 = arith.constant 0 : i32
        %dma_start3A_171 = arith.constant 0 : i32
        %dma_start3A_172 = tpu.memref_slice %arg10[%dma_start3A_170, %dma_start3A_171] : memref<10112x128xf32, #tpu.memory_space<vmem_shared>> -> memref<10112x128xf32, #tpu.memory_space<vmem_shared>>
        tpu.enqueue_indirect_dma source(%arg8 : memref<80x128xf32, #tpu.memory_space<vmem>>) target(%dma_start3A_172 : memref<10112x128xf32, #tpu.memory_space<vmem_shared>>) offsets(%dma_start3A_169 : memref<80xi32, #tpu.memory_space<vmem>>) semaphore(%run_scoped3A_166 : memref<!tpu.dma_semaphore, #tpu.memory_space<semaphore_mem>>) {add = true}
        %dma_wait3A_173 = arith.constant 0 : i32
        %dma_wait3A_174 = tpu.memref_slice %arg7[%mul3A_135, %dma_wait3A_173] : memref<32x80xi32, #tpu.memory_space<vmem>> -> memref<1x80xi32, #tpu.memory_space<vmem>>
        %dma_wait3A_175 = tpu.memref_squeeze %dma_wait3A_174 : memref<1x80xi32, #tpu.memory_space<vmem>> -> memref<80xi32, #tpu.memory_space<vmem>>
        %dma_wait3A_176 = arith.constant 0 : i32
        %dma_wait3A_177 = arith.constant 0 : i32
        %dma_wait3A_178 = tpu.memref_slice %arg10[%dma_wait3A_176, %dma_wait3A_177] : memref<10112x128xf32, #tpu.memory_space<vmem_shared>> -> memref<10112x128xf32, #tpu.memory_space<vmem_shared>>
        tpu.wait_indirect_dma semaphore(%run_scoped3A_166 : memref<!tpu.dma_semaphore, #tpu.memory_space<semaphore_mem>>) src(%arg8 : memref<80x128xf32, #tpu.memory_space<vmem>>) dst(%dma_wait3A_178 : memref<10112x128xf32, #tpu.memory_space<vmem_shared>>)
        tpu.yield
      }) : () -> ()
      %add3A_147 = arith.constant 2 : i32
      %add3A_148 = arith.addi %mul3A_135, %add3A_147 : i32
      %lt3A = arith.constant 32 : i32
      %lt3A_149 = arith.cmpi slt, %add3A_148, %lt3A : i32
      %convert_element_type3A = arith.extui %lt3A_149 : i1 to i32
      %cond3A = arith.constant 0 : i32
      %cond3A_150 = arith.cmpi ne, %convert_element_type3A, %cond3A : i32
      scf.if %cond3A_150 {
        %add3A_166 = arith.constant 2 : i32
        %add3A_167 = arith.addi %mul3A_135, %add3A_166 : i32
        %dma_start3A_168 = arith.constant 0 : i32
        %dma_start3A_169 = tpu.memref_slice %arg6[%add3A_167, %dma_start3A_168] : memref<32x80xi32, #tpu.memory_space<vmem>> -> memref<1x80xi32, #tpu.memory_space<vmem>>
        %dma_start3A_170 = tpu.memref_squeeze %dma_start3A_169 : memref<1x80xi32, #tpu.memory_space<vmem>> -> memref<80xi32, #tpu.memory_space<vmem>>
        %dma_start3A_171 = arith.constant 0 : i32
        %dma_start3A_172 = arith.constant 0 : i32
        %dma_start3A_173 = tpu.memref_slice %arg2[%dma_start3A_171, %dma_start3A_172] : memref<10112x128xf32, #tpu.memory_space<hbm>> -> memref<10112x128xf32, #tpu.memory_space<hbm>>
        %dma_start3A_174 = tpu.memref_slice %arg11[%scan3A_86] : memref<4x!tpu.dma_semaphore, #tpu.memory_space<semaphore_mem>> -> memref<1x!tpu.dma_semaphore, #tpu.memory_space<semaphore_mem>>
        %dma_start3A_175 = tpu.memref_squeeze %dma_start3A_174 : memref<1x!tpu.dma_semaphore, #tpu.memory_space<semaphore_mem>> -> memref<!tpu.dma_semaphore, #tpu.memory_space<semaphore_mem>>
        tpu.enqueue_indirect_dma source(%dma_start3A_173 : memref<10112x128xf32, #tpu.memory_space<hbm>>) target(%arg8 : memref<80x128xf32, #tpu.memory_space<vmem>>) offsets(%dma_start3A_170 : memref<80xi32, #tpu.memory_space<vmem>>) semaphore(%dma_start3A_175 : memref<!tpu.dma_semaphore, #tpu.memory_space<semaphore_mem>>)
      } else {
      }
      %dma_wait3A_151 = arith.constant 0 : i32
      %dma_wait3A_152 = tpu.memref_slice %arg6[%add3A_139, %dma_wait3A_151] : memref<32x80xi32, #tpu.memory_space<vmem>> -> memref<1x80xi32, #tpu.memory_space<vmem>>
      %dma_wait3A_153 = tpu.memref_squeeze %dma_wait3A_152 : memref<1x80xi32, #tpu.memory_space<vmem>> -> memref<80xi32, #tpu.memory_space<vmem>>
      %dma_wait3A_154 = arith.constant 0 : i32
      %dma_wait3A_155 = arith.constant 0 : i32
      %dma_wait3A_156 = tpu.memref_slice %arg2[%dma_wait3A_154, %dma_wait3A_155] : memref<10112x128xf32, #tpu.memory_space<hbm>> -> memref<10112x128xf32, #tpu.memory_space<hbm>>
      %dma_wait3A_157 = tpu.memref_slice %arg11[%scan3A_87] : memref<4x!tpu.dma_semaphore, #tpu.memory_space<semaphore_mem>> -> memref<1x!tpu.dma_semaphore, #tpu.memory_space<semaphore_mem>>
      %dma_wait3A_158 = tpu.memref_squeeze %dma_wait3A_157 : memref<1x!tpu.dma_semaphore, #tpu.memory_space<semaphore_mem>> -> memref<!tpu.dma_semaphore, #tpu.memory_space<semaphore_mem>>
      tpu.wait_indirect_dma semaphore(%dma_wait3A_158 : memref<!tpu.dma_semaphore, #tpu.memory_space<semaphore_mem>>) src(%dma_wait3A_156 : memref<10112x128xf32, #tpu.memory_space<hbm>>) dst(%arg9 : memref<80x128xf32, #tpu.memory_space<vmem>>)
      "tpu.region"() ({
        %run_scoped3A_166 = tpu.sem_alloc : memref<!tpu.dma_semaphore, #tpu.memory_space<semaphore_mem>>
        %dma_start3A_167 = arith.constant 0 : i32
        %dma_start3A_168 = tpu.memref_slice %arg7[%add3A_139, %dma_start3A_167] : memref<32x80xi32, #tpu.memory_space<vmem>> -> memref<1x80xi32, #tpu.memory_space<vmem>>
        %dma_start3A_169 = tpu.memref_squeeze %dma_start3A_168 : memref<1x80xi32, #tpu.memory_space<vmem>> -> memref<80xi32, #tpu.memory_space<vmem>>
        %dma_start3A_170 = arith.constant 0 : i32
        %dma_start3A_171 = arith.constant 0 : i32
        %dma_start3A_172 = tpu.memref_slice %arg10[%dma_start3A_170, %dma_start3A_171] : memref<10112x128xf32, #tpu.memory_space<vmem_shared>> -> memref<10112x128xf32, #tpu.memory_space<vmem_shared>>
        tpu.enqueue_indirect_dma source(%arg9 : memref<80x128xf32, #tpu.memory_space<vmem>>) target(%dma_start3A_172 : memref<10112x128xf32, #tpu.memory_space<vmem_shared>>) offsets(%dma_start3A_169 : memref<80xi32, #tpu.memory_space<vmem>>) semaphore(%run_scoped3A_166 : memref<!tpu.dma_semaphore, #tpu.memory_space<semaphore_mem>>) {add = true}
        %dma_wait3A_173 = arith.constant 0 : i32
        %dma_wait3A_174 = tpu.memref_slice %arg7[%add3A_139, %dma_wait3A_173] : memref<32x80xi32, #tpu.memory_space<vmem>> -> memref<1x80xi32, #tpu.memory_space<vmem>>
        %dma_wait3A_175 = tpu.memref_squeeze %dma_wait3A_174 : memref<1x80xi32, #tpu.memory_space<vmem>> -> memref<80xi32, #tpu.memory_space<vmem>>
        %dma_wait3A_176 = arith.constant 0 : i32
        %dma_wait3A_177 = arith.constant 0 : i32
        %dma_wait3A_178 = tpu.memref_slice %arg10[%dma_wait3A_176, %dma_wait3A_177] : memref<10112x128xf32, #tpu.memory_space<vmem_shared>> -> memref<10112x128xf32, #tpu.memory_space<vmem_shared>>
        tpu.wait_indirect_dma semaphore(%run_scoped3A_166 : memref<!tpu.dma_semaphore, #tpu.memory_space<semaphore_mem>>) src(%arg9 : memref<80x128xf32, #tpu.memory_space<vmem>>) dst(%dma_wait3A_178 : memref<10112x128xf32, #tpu.memory_space<vmem_shared>>)
        tpu.yield
      }) : () -> ()
      %add3A_159 = arith.constant 2 : i32
      %add3A_160 = arith.addi %add3A_139, %add3A_159 : i32
      %lt3A_161 = arith.constant 32 : i32
      %lt3A_162 = arith.cmpi slt, %add3A_160, %lt3A_161 : i32
      %convert_element_type3A_163 = arith.extui %lt3A_162 : i1 to i32
      %cond3A_164 = arith.constant 0 : i32
      %cond3A_165 = arith.cmpi ne, %convert_element_type3A_163, %cond3A_164 : i32
      scf.if %cond3A_165 {
        %add3A_166 = arith.constant 2 : i32
        %add3A_167 = arith.addi %add3A_139, %add3A_166 : i32
        %dma_start3A_168 = arith.constant 0 : i32
        %dma_start3A_169 = tpu.memref_slice %arg6[%add3A_167, %dma_start3A_168] : memref<32x80xi32, #tpu.memory_space<vmem>> -> memref<1x80xi32, #tpu.memory_space<vmem>>
        %dma_start3A_170 = tpu.memref_squeeze %dma_start3A_169 : memref<1x80xi32, #tpu.memory_space<vmem>> -> memref<80xi32, #tpu.memory_space<vmem>>
        %dma_start3A_171 = arith.constant 0 : i32
        %dma_start3A_172 = arith.constant 0 : i32
        %dma_start3A_173 = tpu.memref_slice %arg2[%dma_start3A_171, %dma_start3A_172] : memref<10112x128xf32, #tpu.memory_space<hbm>> -> memref<10112x128xf32, #tpu.memory_space<hbm>>
        %dma_start3A_174 = tpu.memref_slice %arg11[%scan3A_87] : memref<4x!tpu.dma_semaphore, #tpu.memory_space<semaphore_mem>> -> memref<1x!tpu.dma_semaphore, #tpu.memory_space<semaphore_mem>>
        %dma_start3A_175 = tpu.memref_squeeze %dma_start3A_174 : memref<1x!tpu.dma_semaphore, #tpu.memory_space<semaphore_mem>> -> memref<!tpu.dma_semaphore, #tpu.memory_space<semaphore_mem>>
        tpu.enqueue_indirect_dma source(%dma_start3A_173 : memref<10112x128xf32, #tpu.memory_space<hbm>>) target(%arg9 : memref<80x128xf32, #tpu.memory_space<vmem>>) offsets(%dma_start3A_170 : memref<80xi32, #tpu.memory_space<vmem>>) semaphore(%dma_start3A_175 : memref<!tpu.dma_semaphore, #tpu.memory_space<semaphore_mem>>)
      } else {
      }
    }
    %scan3A_92 = arith.constant 16 : i32
    %run_scoped3A_93 = arith.constant 0 : i32
    %run_scoped3A_94 = arith.constant 3 : i32
    "tpu.region"() ({
      %run_scoped3A_129 = tpu.sem_alloc : memref<!tpu.dma_semaphore, #tpu.memory_space<semaphore_mem>>
      %dma_start3A_130 = arith.constant 0 : i32
      %dma_start3A_131 = arith.constant 0 : i32
      %dma_start3A_132 = tpu.memref_slice %arg3[%run_scoped3A_93, %add3A, %run_scoped3A_94, %dma_start3A_130, %dma_start3A_131] : memref<2x32x4x32x80xi32, #tpu.memory_space<hbm>> -> memref<1x1x1x32x80xi32, #tpu.memory_space<hbm>>
      %dma_start3A_133 = tpu.memref_squeeze %dma_start3A_132 : memref<1x1x1x32x80xi32, #tpu.memory_space<hbm>> -> memref<32x80xi32, #tpu.memory_space<hbm>>
      %dma_start3A_134 = arith.constant 0 : i32
      %dma_start3A_135 = arith.constant 0 : i32
      %dma_start3A_136 = tpu.memref_slice %arg3[%run_scoped3A_93, %add3A, %run_scoped3A_94, %dma_start3A_134, %dma_start3A_135] : memref<2x32x4x32x80xi32, #tpu.memory_space<hbm>> -> memref<1x1x1x32x80xi32, #tpu.memory_space<hbm>>
      %dma_start3A_137 = tpu.memref_squeeze %dma_start3A_136 : memref<1x1x1x32x80xi32, #tpu.memory_space<hbm>> -> memref<32x80xi32, #tpu.memory_space<hbm>>
      tpu.enqueue_dma source(%dma_start3A_137 : memref<32x80xi32, #tpu.memory_space<hbm>>) target(%arg6 : memref<32x80xi32, #tpu.memory_space<vmem>>) target_semaphore(%run_scoped3A_129 : memref<!tpu.dma_semaphore, #tpu.memory_space<semaphore_mem>>)
      %dma_wait3A = arith.constant 0 : i32
      %dma_wait3A_138 = arith.constant 0 : i32
      %dma_wait3A_139 = tpu.memref_slice %arg3[%run_scoped3A_93, %add3A, %run_scoped3A_94, %dma_wait3A, %dma_wait3A_138] : memref<2x32x4x32x80xi32, #tpu.memory_space<hbm>> -> memref<1x1x1x32x80xi32, #tpu.memory_space<hbm>>
      %dma_wait3A_140 = tpu.memref_squeeze %dma_wait3A_139 : memref<1x1x1x32x80xi32, #tpu.memory_space<hbm>> -> memref<32x80xi32, #tpu.memory_space<hbm>>
      %dma_wait3A_141 = arith.constant 0 : i32
      %dma_wait3A_142 = arith.constant 0 : i32
      %dma_wait3A_143 = tpu.memref_slice %arg3[%run_scoped3A_93, %add3A, %run_scoped3A_94, %dma_wait3A_141, %dma_wait3A_142] : memref<2x32x4x32x80xi32, #tpu.memory_space<hbm>> -> memref<1x1x1x32x80xi32, #tpu.memory_space<hbm>>
      %dma_wait3A_144 = tpu.memref_squeeze %dma_wait3A_143 : memref<1x1x1x32x80xi32, #tpu.memory_space<hbm>> -> memref<32x80xi32, #tpu.memory_space<hbm>>
      tpu.wait_dma2 semaphore(%run_scoped3A_129 : memref<!tpu.dma_semaphore, #tpu.memory_space<semaphore_mem>>) src(%dma_wait3A_144 : memref<32x80xi32, #tpu.memory_space<hbm>>) dst(%arg6 : memref<32x80xi32, #tpu.memory_space<vmem>>)
      tpu.yield
    }) : () -> ()
    %run_scoped3A_95 = arith.constant 1 : i32
    %run_scoped3A_96 = arith.constant 3 : i32
    "tpu.region"() ({
      %run_scoped3A_129 = tpu.sem_alloc : memref<!tpu.dma_semaphore, #tpu.memory_space<semaphore_mem>>
      %dma_start3A_130 = arith.constant 0 : i32
      %dma_start3A_131 = arith.constant 0 : i32
      %dma_start3A_132 = tpu.memref_slice %arg3[%run_scoped3A_95, %add3A, %run_scoped3A_96, %dma_start3A_130, %dma_start3A_131] : memref<2x32x4x32x80xi32, #tpu.memory_space<hbm>> -> memref<1x1x1x32x80xi32, #tpu.memory_space<hbm>>
      %dma_start3A_133 = tpu.memref_squeeze %dma_start3A_132 : memref<1x1x1x32x80xi32, #tpu.memory_space<hbm>> -> memref<32x80xi32, #tpu.memory_space<hbm>>
      %dma_start3A_134 = arith.constant 0 : i32
      %dma_start3A_135 = arith.constant 0 : i32
      %dma_start3A_136 = tpu.memref_slice %arg3[%run_scoped3A_95, %add3A, %run_scoped3A_96, %dma_start3A_134, %dma_start3A_135] : memref<2x32x4x32x80xi32, #tpu.memory_space<hbm>> -> memref<1x1x1x32x80xi32, #tpu.memory_space<hbm>>
      %dma_start3A_137 = tpu.memref_squeeze %dma_start3A_136 : memref<1x1x1x32x80xi32, #tpu.memory_space<hbm>> -> memref<32x80xi32, #tpu.memory_space<hbm>>
      tpu.enqueue_dma source(%dma_start3A_137 : memref<32x80xi32, #tpu.memory_space<hbm>>) target(%arg7 : memref<32x80xi32, #tpu.memory_space<vmem>>) target_semaphore(%run_scoped3A_129 : memref<!tpu.dma_semaphore, #tpu.memory_space<semaphore_mem>>)
      %dma_wait3A = arith.constant 0 : i32
      %dma_wait3A_138 = arith.constant 0 : i32
      %dma_wait3A_139 = tpu.memref_slice %arg3[%run_scoped3A_95, %add3A, %run_scoped3A_96, %dma_wait3A, %dma_wait3A_138] : memref<2x32x4x32x80xi32, #tpu.memory_space<hbm>> -> memref<1x1x1x32x80xi32, #tpu.memory_space<hbm>>
      %dma_wait3A_140 = tpu.memref_squeeze %dma_wait3A_139 : memref<1x1x1x32x80xi32, #tpu.memory_space<hbm>> -> memref<32x80xi32, #tpu.memory_space<hbm>>
      %dma_wait3A_141 = arith.constant 0 : i32
      %dma_wait3A_142 = arith.constant 0 : i32
      %dma_wait3A_143 = tpu.memref_slice %arg3[%run_scoped3A_95, %add3A, %run_scoped3A_96, %dma_wait3A_141, %dma_wait3A_142] : memref<2x32x4x32x80xi32, #tpu.memory_space<hbm>> -> memref<1x1x1x32x80xi32, #tpu.memory_space<hbm>>
      %dma_wait3A_144 = tpu.memref_squeeze %dma_wait3A_143 : memref<1x1x1x32x80xi32, #tpu.memory_space<hbm>> -> memref<32x80xi32, #tpu.memory_space<hbm>>
      tpu.wait_dma2 semaphore(%run_scoped3A_129 : memref<!tpu.dma_semaphore, #tpu.memory_space<semaphore_mem>>) src(%dma_wait3A_144 : memref<32x80xi32, #tpu.memory_space<hbm>>) dst(%arg7 : memref<32x80xi32, #tpu.memory_space<vmem>>)
      tpu.yield
    }) : () -> ()
    %dma_start3A_97 = arith.constant 0 : i32
    %dma_start3A_98 = arith.constant 0 : i32
    %dma_start3A_99 = arith.constant 0 : i32
    %dma_start3A_100 = tpu.memref_slice %arg6[%dma_start3A_97, %dma_start3A_99] : memref<32x80xi32, #tpu.memory_space<vmem>> -> memref<1x80xi32, #tpu.memory_space<vmem>>
    %dma_start3A_101 = tpu.memref_squeeze %dma_start3A_100 : memref<1x80xi32, #tpu.memory_space<vmem>> -> memref<80xi32, #tpu.memory_space<vmem>>
    %dma_start3A_102 = arith.constant 0 : i32
    %dma_start3A_103 = arith.constant 0 : i32
    %dma_start3A_104 = tpu.memref_slice %arg2[%dma_start3A_102, %dma_start3A_103] : memref<10112x128xf32, #tpu.memory_space<hbm>> -> memref<10112x128xf32, #tpu.memory_space<hbm>>
    %dma_start3A_105 = tpu.memref_slice %arg11[%dma_start3A_98] : memref<4x!tpu.dma_semaphore, #tpu.memory_space<semaphore_mem>> -> memref<1x!tpu.dma_semaphore, #tpu.memory_space<semaphore_mem>>
    %dma_start3A_106 = tpu.memref_squeeze %dma_start3A_105 : memref<1x!tpu.dma_semaphore, #tpu.memory_space<semaphore_mem>> -> memref<!tpu.dma_semaphore, #tpu.memory_space<semaphore_mem>>
    tpu.enqueue_indirect_dma source(%dma_start3A_104 : memref<10112x128xf32, #tpu.memory_space<hbm>>) target(%arg8 : memref<80x128xf32, #tpu.memory_space<vmem>>) offsets(%dma_start3A_101 : memref<80xi32, #tpu.memory_space<vmem>>) semaphore(%dma_start3A_106 : memref<!tpu.dma_semaphore, #tpu.memory_space<semaphore_mem>>)
    %dma_start3A_107 = arith.constant 1 : i32
    %dma_start3A_108 = arith.constant 1 : i32
    %dma_start3A_109 = arith.constant 0 : i32
    %dma_start3A_110 = tpu.memref_slice %arg6[%dma_start3A_107, %dma_start3A_109] : memref<32x80xi32, #tpu.memory_space<vmem>> -> memref<1x80xi32, #tpu.memory_space<vmem>>
    %dma_start3A_111 = tpu.memref_squeeze %dma_start3A_110 : memref<1x80xi32, #tpu.memory_space<vmem>> -> memref<80xi32, #tpu.memory_space<vmem>>
    %dma_start3A_112 = arith.constant 0 : i32
    %dma_start3A_113 = arith.constant 0 : i32
    %dma_start3A_114 = tpu.memref_slice %arg2[%dma_start3A_112, %dma_start3A_113] : memref<10112x128xf32, #tpu.memory_space<hbm>> -> memref<10112x128xf32, #tpu.memory_space<hbm>>
    %dma_start3A_115 = tpu.memref_slice %arg11[%dma_start3A_108] : memref<4x!tpu.dma_semaphore, #tpu.memory_space<semaphore_mem>> -> memref<1x!tpu.dma_semaphore, #tpu.memory_space<semaphore_mem>>
    %dma_start3A_116 = tpu.memref_squeeze %dma_start3A_115 : memref<1x!tpu.dma_semaphore, #tpu.memory_space<semaphore_mem>> -> memref<!tpu.dma_semaphore, #tpu.memory_space<semaphore_mem>>
    tpu.enqueue_indirect_dma source(%dma_start3A_114 : memref<10112x128xf32, #tpu.memory_space<hbm>>) target(%arg9 : memref<80x128xf32, #tpu.memory_space<vmem>>) offsets(%dma_start3A_111 : memref<80xi32, #tpu.memory_space<vmem>>) semaphore(%dma_start3A_116 : memref<!tpu.dma_semaphore, #tpu.memory_space<semaphore_mem>>)
    %scan3A_117 = arith.constant 0 : i32
    %scan3A_118 = arith.constant 1 : i32
    %scan3A_119 = arith.constant 0 : i32
    %scan3A_120 = arith.constant 16 : i32
    %scan3A_121 = arith.addi %scan3A_119, %scan3A_120 : i32
    %scan3A_122 = arith.constant 1 : i32
    scf.for %scan3A_129 = %scan3A_119 to %scan3A_121 step %scan3A_122  : i32 {
      %mul3A_130 = arith.constant 1 : i32
      %mul3A_131 = arith.muli %scan3A_129, %mul3A_130 : i32
      %add3A_132 = arith.constant 0 : i32
      %add3A_133 = arith.addi %add3A_132, %mul3A_131 : i32
      %mul3A_134 = arith.constant 2 : i32
      %mul3A_135 = arith.muli %mul3A_134, %add3A_133 : i32
      %mul3A_136 = arith.constant 2 : i32
      %mul3A_137 = arith.muli %mul3A_136, %add3A_133 : i32
      %add3A_138 = arith.constant 1 : i32
      %add3A_139 = arith.addi %mul3A_137, %add3A_138 : i32
      %dma_wait3A = arith.constant 0 : i32
      %dma_wait3A_140 = tpu.memref_slice %arg6[%mul3A_135, %dma_wait3A] : memref<32x80xi32, #tpu.memory_space<vmem>> -> memref<1x80xi32, #tpu.memory_space<vmem>>
      %dma_wait3A_141 = tpu.memref_squeeze %dma_wait3A_140 : memref<1x80xi32, #tpu.memory_space<vmem>> -> memref<80xi32, #tpu.memory_space<vmem>>
      %dma_wait3A_142 = arith.constant 0 : i32
      %dma_wait3A_143 = arith.constant 0 : i32
      %dma_wait3A_144 = tpu.memref_slice %arg2[%dma_wait3A_142, %dma_wait3A_143] : memref<10112x128xf32, #tpu.memory_space<hbm>> -> memref<10112x128xf32, #tpu.memory_space<hbm>>
      %dma_wait3A_145 = tpu.memref_slice %arg11[%scan3A_117] : memref<4x!tpu.dma_semaphore, #tpu.memory_space<semaphore_mem>> -> memref<1x!tpu.dma_semaphore, #tpu.memory_space<semaphore_mem>>
      %dma_wait3A_146 = tpu.memref_squeeze %dma_wait3A_145 : memref<1x!tpu.dma_semaphore, #tpu.memory_space<semaphore_mem>> -> memref<!tpu.dma_semaphore, #tpu.memory_space<semaphore_mem>>
      tpu.wait_indirect_dma semaphore(%dma_wait3A_146 : memref<!tpu.dma_semaphore, #tpu.memory_space<semaphore_mem>>) src(%dma_wait3A_144 : memref<10112x128xf32, #tpu.memory_space<hbm>>) dst(%arg8 : memref<80x128xf32, #tpu.memory_space<vmem>>)
      "tpu.region"() ({
        %run_scoped3A_166 = tpu.sem_alloc : memref<!tpu.dma_semaphore, #tpu.memory_space<semaphore_mem>>
        %dma_start3A_167 = arith.constant 0 : i32
        %dma_start3A_168 = tpu.memref_slice %arg7[%mul3A_135, %dma_start3A_167] : memref<32x80xi32, #tpu.memory_space<vmem>> -> memref<1x80xi32, #tpu.memory_space<vmem>>
        %dma_start3A_169 = tpu.memref_squeeze %dma_start3A_168 : memref<1x80xi32, #tpu.memory_space<vmem>> -> memref<80xi32, #tpu.memory_space<vmem>>
        %dma_start3A_170 = arith.constant 0 : i32
        %dma_start3A_171 = arith.constant 0 : i32
        %dma_start3A_172 = tpu.memref_slice %arg10[%dma_start3A_170, %dma_start3A_171] : memref<10112x128xf32, #tpu.memory_space<vmem_shared>> -> memref<10112x128xf32, #tpu.memory_space<vmem_shared>>
        tpu.enqueue_indirect_dma source(%arg8 : memref<80x128xf32, #tpu.memory_space<vmem>>) target(%dma_start3A_172 : memref<10112x128xf32, #tpu.memory_space<vmem_shared>>) offsets(%dma_start3A_169 : memref<80xi32, #tpu.memory_space<vmem>>) semaphore(%run_scoped3A_166 : memref<!tpu.dma_semaphore, #tpu.memory_space<semaphore_mem>>) {add = true}
        %dma_wait3A_173 = arith.constant 0 : i32
        %dma_wait3A_174 = tpu.memref_slice %arg7[%mul3A_135, %dma_wait3A_173] : memref<32x80xi32, #tpu.memory_space<vmem>> -> memref<1x80xi32, #tpu.memory_space<vmem>>
        %dma_wait3A_175 = tpu.memref_squeeze %dma_wait3A_174 : memref<1x80xi32, #tpu.memory_space<vmem>> -> memref<80xi32, #tpu.memory_space<vmem>>
        %dma_wait3A_176 = arith.constant 0 : i32
        %dma_wait3A_177 = arith.constant 0 : i32
        %dma_wait3A_178 = tpu.memref_slice %arg10[%dma_wait3A_176, %dma_wait3A_177] : memref<10112x128xf32, #tpu.memory_space<vmem_shared>> -> memref<10112x128xf32, #tpu.memory_space<vmem_shared>>
        tpu.wait_indirect_dma semaphore(%run_scoped3A_166 : memref<!tpu.dma_semaphore, #tpu.memory_space<semaphore_mem>>) src(%arg8 : memref<80x128xf32, #tpu.memory_space<vmem>>) dst(%dma_wait3A_178 : memref<10112x128xf32, #tpu.memory_space<vmem_shared>>)
        tpu.yield
      }) : () -> ()
      %add3A_147 = arith.constant 2 : i32
      %add3A_148 = arith.addi %mul3A_135, %add3A_147 : i32
      %lt3A = arith.constant 32 : i32
      %lt3A_149 = arith.cmpi slt, %add3A_148, %lt3A : i32
      %convert_element_type3A = arith.extui %lt3A_149 : i1 to i32
      %cond3A = arith.constant 0 : i32
      %cond3A_150 = arith.cmpi ne, %convert_element_type3A, %cond3A : i32
      scf.if %cond3A_150 {
        %add3A_166 = arith.constant 2 : i32
        %add3A_167 = arith.addi %mul3A_135, %add3A_166 : i32
        %dma_start3A_168 = arith.constant 0 : i32
        %dma_start3A_169 = tpu.memref_slice %arg6[%add3A_167, %dma_start3A_168] : memref<32x80xi32, #tpu.memory_space<vmem>> -> memref<1x80xi32, #tpu.memory_space<vmem>>
        %dma_start3A_170 = tpu.memref_squeeze %dma_start3A_169 : memref<1x80xi32, #tpu.memory_space<vmem>> -> memref<80xi32, #tpu.memory_space<vmem>>
        %dma_start3A_171 = arith.constant 0 : i32
        %dma_start3A_172 = arith.constant 0 : i32
        %dma_start3A_173 = tpu.memref_slice %arg2[%dma_start3A_171, %dma_start3A_172] : memref<10112x128xf32, #tpu.memory_space<hbm>> -> memref<10112x128xf32, #tpu.memory_space<hbm>>
        %dma_start3A_174 = tpu.memref_slice %arg11[%scan3A_117] : memref<4x!tpu.dma_semaphore, #tpu.memory_space<semaphore_mem>> -> memref<1x!tpu.dma_semaphore, #tpu.memory_space<semaphore_mem>>
        %dma_start3A_175 = tpu.memref_squeeze %dma_start3A_174 : memref<1x!tpu.dma_semaphore, #tpu.memory_space<semaphore_mem>> -> memref<!tpu.dma_semaphore, #tpu.memory_space<semaphore_mem>>
        tpu.enqueue_indirect_dma source(%dma_start3A_173 : memref<10112x128xf32, #tpu.memory_space<hbm>>) target(%arg8 : memref<80x128xf32, #tpu.memory_space<vmem>>) offsets(%dma_start3A_170 : memref<80xi32, #tpu.memory_space<vmem>>) semaphore(%dma_start3A_175 : memref<!tpu.dma_semaphore, #tpu.memory_space<semaphore_mem>>)
      } else {
      }
      %dma_wait3A_151 = arith.constant 0 : i32
      %dma_wait3A_152 = tpu.memref_slice %arg6[%add3A_139, %dma_wait3A_151] : memref<32x80xi32, #tpu.memory_space<vmem>> -> memref<1x80xi32, #tpu.memory_space<vmem>>
      %dma_wait3A_153 = tpu.memref_squeeze %dma_wait3A_152 : memref<1x80xi32, #tpu.memory_space<vmem>> -> memref<80xi32, #tpu.memory_space<vmem>>
      %dma_wait3A_154 = arith.constant 0 : i32
      %dma_wait3A_155 = arith.constant 0 : i32
      %dma_wait3A_156 = tpu.memref_slice %arg2[%dma_wait3A_154, %dma_wait3A_155] : memref<10112x128xf32, #tpu.memory_space<hbm>> -> memref<10112x128xf32, #tpu.memory_space<hbm>>
      %dma_wait3A_157 = tpu.memref_slice %arg11[%scan3A_118] : memref<4x!tpu.dma_semaphore, #tpu.memory_space<semaphore_mem>> -> memref<1x!tpu.dma_semaphore, #tpu.memory_space<semaphore_mem>>
      %dma_wait3A_158 = tpu.memref_squeeze %dma_wait3A_157 : memref<1x!tpu.dma_semaphore, #tpu.memory_space<semaphore_mem>> -> memref<!tpu.dma_semaphore, #tpu.memory_space<semaphore_mem>>
      tpu.wait_indirect_dma semaphore(%dma_wait3A_158 : memref<!tpu.dma_semaphore, #tpu.memory_space<semaphore_mem>>) src(%dma_wait3A_156 : memref<10112x128xf32, #tpu.memory_space<hbm>>) dst(%arg9 : memref<80x128xf32, #tpu.memory_space<vmem>>)
      "tpu.region"() ({
        %run_scoped3A_166 = tpu.sem_alloc : memref<!tpu.dma_semaphore, #tpu.memory_space<semaphore_mem>>
        %dma_start3A_167 = arith.constant 0 : i32
        %dma_start3A_168 = tpu.memref_slice %arg7[%add3A_139, %dma_start3A_167] : memref<32x80xi32, #tpu.memory_space<vmem>> -> memref<1x80xi32, #tpu.memory_space<vmem>>
        %dma_start3A_169 = tpu.memref_squeeze %dma_start3A_168 : memref<1x80xi32, #tpu.memory_space<vmem>> -> memref<80xi32, #tpu.memory_space<vmem>>
        %dma_start3A_170 = arith.constant 0 : i32
        %dma_start3A_171 = arith.constant 0 : i32
        %dma_start3A_172 = tpu.memref_slice %arg10[%dma_start3A_170, %dma_start3A_171] : memref<10112x128xf32, #tpu.memory_space<vmem_shared>> -> memref<10112x128xf32, #tpu.memory_space<vmem_shared>>
        tpu.enqueue_indirect_dma source(%arg9 : memref<80x128xf32, #tpu.memory_space<vmem>>) target(%dma_start3A_172 : memref<10112x128xf32, #tpu.memory_space<vmem_shared>>) offsets(%dma_start3A_169 : memref<80xi32, #tpu.memory_space<vmem>>) semaphore(%run_scoped3A_166 : memref<!tpu.dma_semaphore, #tpu.memory_space<semaphore_mem>>) {add = true}
        %dma_wait3A_173 = arith.constant 0 : i32
        %dma_wait3A_174 = tpu.memref_slice %arg7[%add3A_139, %dma_wait3A_173] : memref<32x80xi32, #tpu.memory_space<vmem>> -> memref<1x80xi32, #tpu.memory_space<vmem>>
        %dma_wait3A_175 = tpu.memref_squeeze %dma_wait3A_174 : memref<1x80xi32, #tpu.memory_space<vmem>> -> memref<80xi32, #tpu.memory_space<vmem>>
        %dma_wait3A_176 = arith.constant 0 : i32
        %dma_wait3A_177 = arith.constant 0 : i32
        %dma_wait3A_178 = tpu.memref_slice %arg10[%dma_wait3A_176, %dma_wait3A_177] : memref<10112x128xf32, #tpu.memory_space<vmem_shared>> -> memref<10112x128xf32, #tpu.memory_space<vmem_shared>>
        tpu.wait_indirect_dma semaphore(%run_scoped3A_166 : memref<!tpu.dma_semaphore, #tpu.memory_space<semaphore_mem>>) src(%arg9 : memref<80x128xf32, #tpu.memory_space<vmem>>) dst(%dma_wait3A_178 : memref<10112x128xf32, #tpu.memory_space<vmem_shared>>)
        tpu.yield
      }) : () -> ()
      %add3A_159 = arith.constant 2 : i32
      %add3A_160 = arith.addi %add3A_139, %add3A_159 : i32
      %lt3A_161 = arith.constant 32 : i32
      %lt3A_162 = arith.cmpi slt, %add3A_160, %lt3A_161 : i32
      %convert_element_type3A_163 = arith.extui %lt3A_162 : i1 to i32
      %cond3A_164 = arith.constant 0 : i32
      %cond3A_165 = arith.cmpi ne, %convert_element_type3A_163, %cond3A_164 : i32
      scf.if %cond3A_165 {
        %add3A_166 = arith.constant 2 : i32
        %add3A_167 = arith.addi %add3A_139, %add3A_166 : i32
        %dma_start3A_168 = arith.constant 0 : i32
        %dma_start3A_169 = tpu.memref_slice %arg6[%add3A_167, %dma_start3A_168] : memref<32x80xi32, #tpu.memory_space<vmem>> -> memref<1x80xi32, #tpu.memory_space<vmem>>
        %dma_start3A_170 = tpu.memref_squeeze %dma_start3A_169 : memref<1x80xi32, #tpu.memory_space<vmem>> -> memref<80xi32, #tpu.memory_space<vmem>>
        %dma_start3A_171 = arith.constant 0 : i32
        %dma_start3A_172 = arith.constant 0 : i32
        %dma_start3A_173 = tpu.memref_slice %arg2[%dma_start3A_171, %dma_start3A_172] : memref<10112x128xf32, #tpu.memory_space<hbm>> -> memref<10112x128xf32, #tpu.memory_space<hbm>>
        %dma_start3A_174 = tpu.memref_slice %arg11[%scan3A_118] : memref<4x!tpu.dma_semaphore, #tpu.memory_space<semaphore_mem>> -> memref<1x!tpu.dma_semaphore, #tpu.memory_space<semaphore_mem>>
        %dma_start3A_175 = tpu.memref_squeeze %dma_start3A_174 : memref<1x!tpu.dma_semaphore, #tpu.memory_space<semaphore_mem>> -> memref<!tpu.dma_semaphore, #tpu.memory_space<semaphore_mem>>
        tpu.enqueue_indirect_dma source(%dma_start3A_173 : memref<10112x128xf32, #tpu.memory_space<hbm>>) target(%arg9 : memref<80x128xf32, #tpu.memory_space<vmem>>) offsets(%dma_start3A_170 : memref<80xi32, #tpu.memory_space<vmem>>) semaphore(%dma_start3A_175 : memref<!tpu.dma_semaphore, #tpu.memory_space<semaphore_mem>>)
      } else {
      }
    }
    %scan3A_123 = arith.constant 16 : i32
    %barrier3A_124 = arith.constant 0 : index
    tpu.barrier barrier_id(%barrier3A_124)
    %mul3A_125 = arith.constant 632 : i32
    %mul3A_126 = arith.muli %arg1, %mul3A_125 : i32
    %mul3A_127 = arith.constant 632 : i32
    %mul3A_128 = arith.muli %arg1, %mul3A_127 : i32
    "tpu.region"() ({
      %run_scoped3A_129 = tpu.sem_alloc : memref<!tpu.dma_semaphore, #tpu.memory_space<semaphore_mem>>
      %dma_start3A_130 = arith.constant 0 : i32
      %dma_start3A_131 = tpu.memref_slice %arg5[%arg0, %mul3A_128, %dma_start3A_130] : memref<2x10112x128xf32, #tpu.memory_space<hbm>> -> memref<1x632x128xf32, #tpu.memory_space<hbm>>
      %dma_start3A_132 = tpu.memref_squeeze %dma_start3A_131 : memref<1x632x128xf32, #tpu.memory_space<hbm>> -> memref<632x128xf32, #tpu.memory_space<hbm>>
      %dma_start3A_133 = arith.constant 0 : i32
      %dma_start3A_134 = tpu.memref_slice %arg10[%mul3A_126, %dma_start3A_133] : memref<10112x128xf32, #tpu.memory_space<vmem_shared>> -> memref<632x128xf32, #tpu.memory_space<vmem_shared>>
      tpu.enqueue_dma source(%dma_start3A_134 : memref<632x128xf32, #tpu.memory_space<vmem_shared>>) target(%dma_start3A_132 : memref<632x128xf32, #tpu.memory_space<hbm>>) target_semaphore(%run_scoped3A_129 : memref<!tpu.dma_semaphore, #tpu.memory_space<semaphore_mem>>)
      %dma_wait3A = arith.constant 0 : i32
      %dma_wait3A_135 = tpu.memref_slice %arg5[%arg0, %mul3A_128, %dma_wait3A] : memref<2x10112x128xf32, #tpu.memory_space<hbm>> -> memref<1x632x128xf32, #tpu.memory_space<hbm>>
      %dma_wait3A_136 = tpu.memref_squeeze %dma_wait3A_135 : memref<1x632x128xf32, #tpu.memory_space<hbm>> -> memref<632x128xf32, #tpu.memory_space<hbm>>
      %dma_wait3A_137 = arith.constant 0 : i32
      %dma_wait3A_138 = tpu.memref_slice %arg10[%mul3A_126, %dma_wait3A_137] : memref<10112x128xf32, #tpu.memory_space<vmem_shared>> -> memref<632x128xf32, #tpu.memory_space<vmem_shared>>
      tpu.wait_dma2 semaphore(%run_scoped3A_129 : memref<!tpu.dma_semaphore, #tpu.memory_space<semaphore_mem>>) src(%dma_wait3A_138 : memref<632x128xf32, #tpu.memory_space<vmem_shared>>) dst(%dma_wait3A_136 : memref<632x128xf32, #tpu.memory_space<hbm>>)
      tpu.yield
    }) : () -> ()
    return
  }
}

#map = affine_map<(d0, d1) -> (0, 0, 0)>
#map1 = affine_map<(d0, d1) -> (0)>
#map2 = affine_map<(d0, d1) -> (0, 0, 0, 0)>
module attributes {stable_mosaic.version = 14 : i64} {
  func.func @_deg_body(%arg0: i32, %arg1: i32, %arg2: memref<2x32x10240xi32, #tpu.memory_space<hbm>>, %arg3: memref<10112xf32, #tpu.memory_space<hbm>>, %arg4: memref<2x2x16x10112xf32, #tpu.memory_space<hbm>>, %arg5: memref<10240xi32, #tpu.memory_space<vmem>>, %arg6: memref<10240xi32, #tpu.memory_space<vmem>>, %arg7: memref<10112xf32, #tpu.memory_space<vmem>>, %arg8: memref<10112xf32, #tpu.memory_space<vmem>>) attributes {dimension_semantics = [#tpu.dimension_semantics<core_parallel>, #tpu.dimension_semantics<subcore_parallel>], iteration_bounds = array<i64: 2, 16>, scalar_prefetch = 0 : i64, scratch_operands = 4 : i64, tpu.core_type = #tpu.core_type<sc_vector_subcore>, window_params = [{transform_indices = #map}, {transform_indices = #map1}, {transform_indices = #map2}]} {
    %mul3A = arith.constant 16 : i32
    %mul3A_0 = arith.muli %arg0, %mul3A : i32
    %add3A = arith.addi %mul3A_0, %arg1 : i32
    %run_scoped3A = arith.constant 0 : i32
    "tpu.region"() ({
      %run_scoped3A_9 = tpu.sem_alloc : memref<!tpu.dma_semaphore, #tpu.memory_space<semaphore_mem>>
      %dma_start3A = arith.constant 0 : i32
      %dma_start3A_10 = tpu.memref_slice %arg2[%run_scoped3A, %add3A, %dma_start3A] : memref<2x32x10240xi32, #tpu.memory_space<hbm>> -> memref<1x1x10240xi32, #tpu.memory_space<hbm>>
      %dma_start3A_11 = tpu.memref_squeeze %dma_start3A_10 : memref<1x1x10240xi32, #tpu.memory_space<hbm>> -> memref<10240xi32, #tpu.memory_space<hbm>>
      %dma_start3A_12 = arith.constant 0 : i32
      %dma_start3A_13 = tpu.memref_slice %arg2[%run_scoped3A, %add3A, %dma_start3A_12] : memref<2x32x10240xi32, #tpu.memory_space<hbm>> -> memref<1x1x10240xi32, #tpu.memory_space<hbm>>
      %dma_start3A_14 = tpu.memref_squeeze %dma_start3A_13 : memref<1x1x10240xi32, #tpu.memory_space<hbm>> -> memref<10240xi32, #tpu.memory_space<hbm>>
      tpu.enqueue_dma source(%dma_start3A_14 : memref<10240xi32, #tpu.memory_space<hbm>>) target(%arg5 : memref<10240xi32, #tpu.memory_space<vmem>>) target_semaphore(%run_scoped3A_9 : memref<!tpu.dma_semaphore, #tpu.memory_space<semaphore_mem>>)
      %dma_wait3A = arith.constant 0 : i32
      %dma_wait3A_15 = tpu.memref_slice %arg2[%run_scoped3A, %add3A, %dma_wait3A] : memref<2x32x10240xi32, #tpu.memory_space<hbm>> -> memref<1x1x10240xi32, #tpu.memory_space<hbm>>
      %dma_wait3A_16 = tpu.memref_squeeze %dma_wait3A_15 : memref<1x1x10240xi32, #tpu.memory_space<hbm>> -> memref<10240xi32, #tpu.memory_space<hbm>>
      %dma_wait3A_17 = arith.constant 0 : i32
      %dma_wait3A_18 = tpu.memref_slice %arg2[%run_scoped3A, %add3A, %dma_wait3A_17] : memref<2x32x10240xi32, #tpu.memory_space<hbm>> -> memref<1x1x10240xi32, #tpu.memory_space<hbm>>
      %dma_wait3A_19 = tpu.memref_squeeze %dma_wait3A_18 : memref<1x1x10240xi32, #tpu.memory_space<hbm>> -> memref<10240xi32, #tpu.memory_space<hbm>>
      tpu.wait_dma2 semaphore(%run_scoped3A_9 : memref<!tpu.dma_semaphore, #tpu.memory_space<semaphore_mem>>) src(%dma_wait3A_19 : memref<10240xi32, #tpu.memory_space<hbm>>) dst(%arg5 : memref<10240xi32, #tpu.memory_space<vmem>>)
      tpu.yield
    }) : () -> ()
    %run_scoped3A_1 = arith.constant 1 : i32
    "tpu.region"() ({
      %run_scoped3A_9 = tpu.sem_alloc : memref<!tpu.dma_semaphore, #tpu.memory_space<semaphore_mem>>
      %dma_start3A = arith.constant 0 : i32
      %dma_start3A_10 = tpu.memref_slice %arg2[%run_scoped3A_1, %add3A, %dma_start3A] : memref<2x32x10240xi32, #tpu.memory_space<hbm>> -> memref<1x1x10240xi32, #tpu.memory_space<hbm>>
      %dma_start3A_11 = tpu.memref_squeeze %dma_start3A_10 : memref<1x1x10240xi32, #tpu.memory_space<hbm>> -> memref<10240xi32, #tpu.memory_space<hbm>>
      %dma_start3A_12 = arith.constant 0 : i32
      %dma_start3A_13 = tpu.memref_slice %arg2[%run_scoped3A_1, %add3A, %dma_start3A_12] : memref<2x32x10240xi32, #tpu.memory_space<hbm>> -> memref<1x1x10240xi32, #tpu.memory_space<hbm>>
      %dma_start3A_14 = tpu.memref_squeeze %dma_start3A_13 : memref<1x1x10240xi32, #tpu.memory_space<hbm>> -> memref<10240xi32, #tpu.memory_space<hbm>>
      tpu.enqueue_dma source(%dma_start3A_14 : memref<10240xi32, #tpu.memory_space<hbm>>) target(%arg6 : memref<10240xi32, #tpu.memory_space<vmem>>) target_semaphore(%run_scoped3A_9 : memref<!tpu.dma_semaphore, #tpu.memory_space<semaphore_mem>>)
      %dma_wait3A = arith.constant 0 : i32
      %dma_wait3A_15 = tpu.memref_slice %arg2[%run_scoped3A_1, %add3A, %dma_wait3A] : memref<2x32x10240xi32, #tpu.memory_space<hbm>> -> memref<1x1x10240xi32, #tpu.memory_space<hbm>>
      %dma_wait3A_16 = tpu.memref_squeeze %dma_wait3A_15 : memref<1x1x10240xi32, #tpu.memory_space<hbm>> -> memref<10240xi32, #tpu.memory_space<hbm>>
      %dma_wait3A_17 = arith.constant 0 : i32
      %dma_wait3A_18 = tpu.memref_slice %arg2[%run_scoped3A_1, %add3A, %dma_wait3A_17] : memref<2x32x10240xi32, #tpu.memory_space<hbm>> -> memref<1x1x10240xi32, #tpu.memory_space<hbm>>
      %dma_wait3A_19 = tpu.memref_squeeze %dma_wait3A_18 : memref<1x1x10240xi32, #tpu.memory_space<hbm>> -> memref<10240xi32, #tpu.memory_space<hbm>>
      tpu.wait_dma2 semaphore(%run_scoped3A_9 : memref<!tpu.dma_semaphore, #tpu.memory_space<semaphore_mem>>) src(%dma_wait3A_19 : memref<10240xi32, #tpu.memory_space<hbm>>) dst(%arg6 : memref<10240xi32, #tpu.memory_space<vmem>>)
      tpu.yield
    }) : () -> ()
    "tpu.region"() ({
      %run_scoped3A_9 = tpu.sem_alloc : memref<!tpu.dma_semaphore, #tpu.memory_space<semaphore_mem>>
      tpu.enqueue_dma source(%arg3 : memref<10112xf32, #tpu.memory_space<hbm>>) target(%arg7 : memref<10112xf32, #tpu.memory_space<vmem>>) target_semaphore(%run_scoped3A_9 : memref<!tpu.dma_semaphore, #tpu.memory_space<semaphore_mem>>)
      tpu.wait_dma2 semaphore(%run_scoped3A_9 : memref<!tpu.dma_semaphore, #tpu.memory_space<semaphore_mem>>) src(%arg3 : memref<10112xf32, #tpu.memory_space<hbm>>) dst(%arg7 : memref<10112xf32, #tpu.memory_space<vmem>>)
      tpu.yield
    }) : () -> ()
    "tpu.region"() ({
      %run_scoped3A_9 = tpu.sem_alloc : memref<!tpu.dma_semaphore, #tpu.memory_space<semaphore_mem>>
      tpu.enqueue_dma source(%arg3 : memref<10112xf32, #tpu.memory_space<hbm>>) target(%arg8 : memref<10112xf32, #tpu.memory_space<vmem>>) target_semaphore(%run_scoped3A_9 : memref<!tpu.dma_semaphore, #tpu.memory_space<semaphore_mem>>)
      tpu.wait_dma2 semaphore(%run_scoped3A_9 : memref<!tpu.dma_semaphore, #tpu.memory_space<semaphore_mem>>) src(%arg3 : memref<10112xf32, #tpu.memory_space<hbm>>) dst(%arg8 : memref<10112xf32, #tpu.memory_space<vmem>>)
      tpu.yield
    }) : () -> ()
    %broadcast_in_dim3A = arith.constant 1.000000e+00 : f32
    %broadcast_in_dim3A_2 = vector.broadcast %broadcast_in_dim3A : f32 to vector<16xf32>
    %scan3A = arith.constant 0 : i32
    %scan3A_3 = arith.constant 640 : i32
    %scan3A_4 = arith.addi %scan3A, %scan3A_3 : i32
    %scan3A_5 = arith.constant 1 : i32
    scf.for %scan3A_9 = %scan3A to %scan3A_4 step %scan3A_5  : i32 {
      %mul3A_10 = arith.constant 1 : i32
      %mul3A_11 = arith.muli %scan3A_9, %mul3A_10 : i32
      %add3A_12 = arith.constant 0 : i32
      %add3A_13 = arith.addi %add3A_12, %mul3A_11 : i32
      %mul3A_14 = arith.constant 16 : i32
      %mul3A_15 = arith.muli %add3A_13, %mul3A_14 : i32
      %get3A = arith.index_cast %mul3A_15 : i32 to index
      %get3A_16 = tpu.vector_load %arg5[%get3A] {strides = array<i32>} : memref<10240xi32, #tpu.memory_space<vmem>>, vector<16xi32>,
      tpu.vector_store_idx %arg7[%get3A_16], %broadcast_in_dim3A_2 {add = true} : memref<10112xf32, #tpu.memory_space<vmem>>[vector<16xi32>], vector<16xf32>,
      %mul3A_17 = arith.constant 16 : i32
      %mul3A_18 = arith.muli %add3A_13, %mul3A_17 : i32
      %get3A_19 = arith.index_cast %mul3A_18 : i32 to index
      %get3A_20 = tpu.vector_load %arg6[%get3A_19] {strides = array<i32>} : memref<10240xi32, #tpu.memory_space<vmem>>, vector<16xi32>,
      tpu.vector_store_idx %arg8[%get3A_20], %broadcast_in_dim3A_2 {add = true} : memref<10112xf32, #tpu.memory_space<vmem>>[vector<16xi32>], vector<16xf32>,
    }
    %scan3A_6 = arith.constant 640 : i32
    %run_scoped3A_7 = arith.constant 0 : i32
    "tpu.region"() ({
      %run_scoped3A_9 = tpu.sem_alloc : memref<!tpu.dma_semaphore, #tpu.memory_space<semaphore_mem>>
      %dma_start3A = arith.constant 0 : i32
      %dma_start3A_10 = tpu.memref_slice %arg4[%run_scoped3A_7, %arg0, %arg1, %dma_start3A] : memref<2x2x16x10112xf32, #tpu.memory_space<hbm>> -> memref<1x1x1x10112xf32, #tpu.memory_space<hbm>>
      %dma_start3A_11 = tpu.memref_squeeze %dma_start3A_10 : memref<1x1x1x10112xf32, #tpu.memory_space<hbm>> -> memref<10112xf32, #tpu.memory_space<hbm>>
      %dma_start3A_12 = arith.constant 0 : i32
      %dma_start3A_13 = tpu.memref_slice %arg4[%run_scoped3A_7, %arg0, %arg1, %dma_start3A_12] : memref<2x2x16x10112xf32, #tpu.memory_space<hbm>> -> memref<1x1x1x10112xf32, #tpu.memory_space<hbm>>
      %dma_start3A_14 = tpu.memref_squeeze %dma_start3A_13 : memref<1x1x1x10112xf32, #tpu.memory_space<hbm>> -> memref<10112xf32, #tpu.memory_space<hbm>>
      tpu.enqueue_dma source(%arg7 : memref<10112xf32, #tpu.memory_space<vmem>>) target(%dma_start3A_14 : memref<10112xf32, #tpu.memory_space<hbm>>) target_semaphore(%run_scoped3A_9 : memref<!tpu.dma_semaphore, #tpu.memory_space<semaphore_mem>>)
      %dma_wait3A = arith.constant 0 : i32
      %dma_wait3A_15 = tpu.memref_slice %arg4[%run_scoped3A_7, %arg0, %arg1, %dma_wait3A] : memref<2x2x16x10112xf32, #tpu.memory_space<hbm>> -> memref<1x1x1x10112xf32, #tpu.memory_space<hbm>>
      %dma_wait3A_16 = tpu.memref_squeeze %dma_wait3A_15 : memref<1x1x1x10112xf32, #tpu.memory_space<hbm>> -> memref<10112xf32, #tpu.memory_space<hbm>>
      %dma_wait3A_17 = arith.constant 0 : i32
      %dma_wait3A_18 = tpu.memref_slice %arg4[%run_scoped3A_7, %arg0, %arg1, %dma_wait3A_17] : memref<2x2x16x10112xf32, #tpu.memory_space<hbm>> -> memref<1x1x1x10112xf32, #tpu.memory_space<hbm>>
      %dma_wait3A_19 = tpu.memref_squeeze %dma_wait3A_18 : memref<1x1x1x10112xf32, #tpu.memory_space<hbm>> -> memref<10112xf32, #tpu.memory_space<hbm>>
      tpu.wait_dma2 semaphore(%run_scoped3A_9 : memref<!tpu.dma_semaphore, #tpu.memory_space<semaphore_mem>>) src(%arg7 : memref<10112xf32, #tpu.memory_space<vmem>>) dst(%dma_wait3A_19 : memref<10112xf32, #tpu.memory_space<hbm>>)
      tpu.yield
    }) : () -> ()
    %run_scoped3A_8 = arith.constant 1 : i32
    "tpu.region"() ({
      %run_scoped3A_9 = tpu.sem_alloc : memref<!tpu.dma_semaphore, #tpu.memory_space<semaphore_mem>>
      %dma_start3A = arith.constant 0 : i32
      %dma_start3A_10 = tpu.memref_slice %arg4[%run_scoped3A_8, %arg0, %arg1, %dma_start3A] : memref<2x2x16x10112xf32, #tpu.memory_space<hbm>> -> memref<1x1x1x10112xf32, #tpu.memory_space<hbm>>
      %dma_start3A_11 = tpu.memref_squeeze %dma_start3A_10 : memref<1x1x1x10112xf32, #tpu.memory_space<hbm>> -> memref<10112xf32, #tpu.memory_space<hbm>>
      %dma_start3A_12 = arith.constant 0 : i32
      %dma_start3A_13 = tpu.memref_slice %arg4[%run_scoped3A_8, %arg0, %arg1, %dma_start3A_12] : memref<2x2x16x10112xf32, #tpu.memory_space<hbm>> -> memref<1x1x1x10112xf32, #tpu.memory_space<hbm>>
      %dma_start3A_14 = tpu.memref_squeeze %dma_start3A_13 : memref<1x1x1x10112xf32, #tpu.memory_space<hbm>> -> memref<10112xf32, #tpu.memory_space<hbm>>
      tpu.enqueue_dma source(%arg8 : memref<10112xf32, #tpu.memory_space<vmem>>) target(%dma_start3A_14 : memref<10112xf32, #tpu.memory_space<hbm>>) target_semaphore(%run_scoped3A_9 : memref<!tpu.dma_semaphore, #tpu.memory_space<semaphore_mem>>)
      %dma_wait3A = arith.constant 0 : i32
      %dma_wait3A_15 = tpu.memref_slice %arg4[%run_scoped3A_8, %arg0, %arg1, %dma_wait3A] : memref<2x2x16x10112xf32, #tpu.memory_space<hbm>> -> memref<1x1x1x10112xf32, #tpu.memory_space<hbm>>
      %dma_wait3A_16 = tpu.memref_squeeze %dma_wait3A_15 : memref<1x1x1x10112xf32, #tpu.memory_space<hbm>> -> memref<10112xf32, #tpu.memory_space<hbm>>
      %dma_wait3A_17 = arith.constant 0 : i32
      %dma_wait3A_18 = tpu.memref_slice %arg4[%run_scoped3A_8, %arg0, %arg1, %dma_wait3A_17] : memref<2x2x16x10112xf32, #tpu.memory_space<hbm>> -> memref<1x1x1x10112xf32, #tpu.memory_space<hbm>>
      %dma_wait3A_19 = tpu.memref_squeeze %dma_wait3A_18 : memref<1x1x1x10112xf32, #tpu.memory_space<hbm>> -> memref<10112xf32, #tpu.memory_space<hbm>>
      tpu.wait_dma2 semaphore(%run_scoped3A_9 : memref<!tpu.dma_semaphore, #tpu.memory_space<semaphore_mem>>) src(%arg8 : memref<10112xf32, #tpu.memory_space<vmem>>) dst(%dma_wait3A_19 : memref<10112xf32, #tpu.memory_space<hbm>>)
      tpu.yield
    }) : () -> ()
    return
  }
}

#map = affine_map<(d0, d1) -> (0, 0)>
#map1 = affine_map<(d0, d1) -> (0, 0, 0, 0, 0)>
#map2 = affine_map<(d0, d1) -> (0, 0, 0)>
module attributes {stable_mosaic.version = 14 : i64} {
  func.func @_spmm_body(%arg0: i32, %arg1: i32, %arg2: memref<10112x128xf32, #tpu.memory_space<hbm>>, %arg3: memref<2x32x4x32x80xi32, #tpu.memory_space<hbm>>, %arg4: memref<632x128xf32, #tpu.memory_space<hbm>>, %arg5: memref<2x10112x128xf32, #tpu.memory_space<hbm>>, %arg6: memref<32x80xi32, #tpu.memory_space<vmem>>, %arg7: memref<32x80xi32, #tpu.memory_space<vmem>>, %arg8: memref<80x128xf32, #tpu.memory_space<vmem>>, %arg9: memref<80x128xf32, #tpu.memory_space<vmem>>, %arg10: memref<10112x128xf32, #tpu.memory_space<vmem_shared>>, %arg11: memref<4x!tpu.dma_semaphore, #tpu.memory_space<semaphore_mem>>) attributes {dimension_semantics = [#tpu.dimension_semantics<core_parallel>, #tpu.dimension_semantics<subcore_parallel>], iteration_bounds = array<i64: 2, 16>, scalar_prefetch = 0 : i64, scratch_operands = 6 : i64, tpu.core_type = #tpu.core_type<sc_vector_subcore>, window_params = [{transform_indices = #map}, {transform_indices = #map1}, {transform_indices = #map}, {transform_indices = #map2}]} {
    %mul3A = arith.constant 16 : i32
    %mul3A_0 = arith.muli %arg0, %mul3A : i32
    %add3A = arith.addi %mul3A_0, %arg1 : i32
    %mul3A_1 = arith.constant 632 : i32
    %mul3A_2 = arith.muli %arg1, %mul3A_1 : i32
    "tpu.region"() ({
      %run_scoped3A_129 = tpu.sem_alloc : memref<!tpu.dma_semaphore, #tpu.memory_space<semaphore_mem>>
      %dma_start3A_130 = arith.constant 0 : i32
      %dma_start3A_131 = tpu.memref_slice %arg10[%mul3A_2, %dma_start3A_130] : memref<10112x128xf32, #tpu.memory_space<vmem_shared>> -> memref<632x128xf32, #tpu.memory_space<vmem_shared>>
      tpu.enqueue_dma source(%arg4 : memref<632x128xf32, #tpu.memory_space<hbm>>) target(%dma_start3A_131 : memref<632x128xf32, #tpu.memory_space<vmem_shared>>) target_semaphore(%run_scoped3A_129 : memref<!tpu.dma_semaphore, #tpu.memory_space<semaphore_mem>>)
      %dma_wait3A = arith.constant 0 : i32
      %dma_wait3A_132 = tpu.memref_slice %arg10[%mul3A_2, %dma_wait3A] : memref<10112x128xf32, #tpu.memory_space<vmem_shared>> -> memref<632x128xf32, #tpu.memory_space<vmem_shared>>
      tpu.wait_dma2 semaphore(%run_scoped3A_129 : memref<!tpu.dma_semaphore, #tpu.memory_space<semaphore_mem>>) src(%arg4 : memref<632x128xf32, #tpu.memory_space<hbm>>) dst(%dma_wait3A_132 : memref<632x128xf32, #tpu.memory_space<vmem_shared>>)
      tpu.yield
    }) : () -> ()
    %barrier3A = arith.constant 0 : index
    tpu.barrier barrier_id(%barrier3A)
    %run_scoped3A = arith.constant 0 : i32
    %run_scoped3A_3 = arith.constant 0 : i32
    "tpu.region"() ({
      %run_scoped3A_129 = tpu.sem_alloc : memref<!tpu.dma_semaphore, #tpu.memory_space<semaphore_mem>>
      %dma_start3A_130 = arith.constant 0 : i32
      %dma_start3A_131 = arith.constant 0 : i32
      %dma_start3A_132 = tpu.memref_slice %arg3[%run_scoped3A, %add3A, %run_scoped3A_3, %dma_start3A_130, %dma_start3A_131] : memref<2x32x4x32x80xi32, #tpu.memory_space<hbm>> -> memref<1x1x1x32x80xi32, #tpu.memory_space<hbm>>
      %dma_start3A_133 = tpu.memref_squeeze %dma_start3A_132 : memref<1x1x1x32x80xi32, #tpu.memory_space<hbm>> -> memref<32x80xi32, #tpu.memory_space<hbm>>
      %dma_start3A_134 = arith.constant 0 : i32
      %dma_start3A_135 = arith.constant 0 : i32
      %dma_start3A_136 = tpu.memref_slice %arg3[%run_scoped3A, %add3A, %run_scoped3A_3, %dma_start3A_134, %dma_start3A_135] : memref<2x32x4x32x80xi32, #tpu.memory_space<hbm>> -> memref<1x1x1x32x80xi32, #tpu.memory_space<hbm>>
      %dma_start3A_137 = tpu.memref_squeeze %dma_start3A_136 : memref<1x1x1x32x80xi32, #tpu.memory_space<hbm>> -> memref<32x80xi32, #tpu.memory_space<hbm>>
      tpu.enqueue_dma source(%dma_start3A_137 : memref<32x80xi32, #tpu.memory_space<hbm>>) target(%arg6 : memref<32x80xi32, #tpu.memory_space<vmem>>) target_semaphore(%run_scoped3A_129 : memref<!tpu.dma_semaphore, #tpu.memory_space<semaphore_mem>>)
      %dma_wait3A = arith.constant 0 : i32
      %dma_wait3A_138 = arith.constant 0 : i32
      %dma_wait3A_139 = tpu.memref_slice %arg3[%run_scoped3A, %add3A, %run_scoped3A_3, %dma_wait3A, %dma_wait3A_138] : memref<2x32x4x32x80xi32, #tpu.memory_space<hbm>> -> memref<1x1x1x32x80xi32, #tpu.memory_space<hbm>>
      %dma_wait3A_140 = tpu.memref_squeeze %dma_wait3A_139 : memref<1x1x1x32x80xi32, #tpu.memory_space<hbm>> -> memref<32x80xi32, #tpu.memory_space<hbm>>
      %dma_wait3A_141 = arith.constant 0 : i32
      %dma_wait3A_142 = arith.constant 0 : i32
      %dma_wait3A_143 = tpu.memref_slice %arg3[%run_scoped3A, %add3A, %run_scoped3A_3, %dma_wait3A_141, %dma_wait3A_142] : memref<2x32x4x32x80xi32, #tpu.memory_space<hbm>> -> memref<1x1x1x32x80xi32, #tpu.memory_space<hbm>>
      %dma_wait3A_144 = tpu.memref_squeeze %dma_wait3A_143 : memref<1x1x1x32x80xi32, #tpu.memory_space<hbm>> -> memref<32x80xi32, #tpu.memory_space<hbm>>
      tpu.wait_dma2 semaphore(%run_scoped3A_129 : memref<!tpu.dma_semaphore, #tpu.memory_space<semaphore_mem>>) src(%dma_wait3A_144 : memref<32x80xi32, #tpu.memory_space<hbm>>) dst(%arg6 : memref<32x80xi32, #tpu.memory_space<vmem>>)
      tpu.yield
    }) : () -> ()
    %run_scoped3A_4 = arith.constant 1 : i32
    %run_scoped3A_5 = arith.constant 0 : i32
    "tpu.region"() ({
      %run_scoped3A_129 = tpu.sem_alloc : memref<!tpu.dma_semaphore, #tpu.memory_space<semaphore_mem>>
      %dma_start3A_130 = arith.constant 0 : i32
      %dma_start3A_131 = arith.constant 0 : i32
      %dma_start3A_132 = tpu.memref_slice %arg3[%run_scoped3A_4, %add3A, %run_scoped3A_5, %dma_start3A_130, %dma_start3A_131] : memref<2x32x4x32x80xi32, #tpu.memory_space<hbm>> -> memref<1x1x1x32x80xi32, #tpu.memory_space<hbm>>
      %dma_start3A_133 = tpu.memref_squeeze %dma_start3A_132 : memref<1x1x1x32x80xi32, #tpu.memory_space<hbm>> -> memref<32x80xi32, #tpu.memory_space<hbm>>
      %dma_start3A_134 = arith.constant 0 : i32
      %dma_start3A_135 = arith.constant 0 : i32
      %dma_start3A_136 = tpu.memref_slice %arg3[%run_scoped3A_4, %add3A, %run_scoped3A_5, %dma_start3A_134, %dma_start3A_135] : memref<2x32x4x32x80xi32, #tpu.memory_space<hbm>> -> memref<1x1x1x32x80xi32, #tpu.memory_space<hbm>>
      %dma_start3A_137 = tpu.memref_squeeze %dma_start3A_136 : memref<1x1x1x32x80xi32, #tpu.memory_space<hbm>> -> memref<32x80xi32, #tpu.memory_space<hbm>>
      tpu.enqueue_dma source(%dma_start3A_137 : memref<32x80xi32, #tpu.memory_space<hbm>>) target(%arg7 : memref<32x80xi32, #tpu.memory_space<vmem>>) target_semaphore(%run_scoped3A_129 : memref<!tpu.dma_semaphore, #tpu.memory_space<semaphore_mem>>)
      %dma_wait3A = arith.constant 0 : i32
      %dma_wait3A_138 = arith.constant 0 : i32
      %dma_wait3A_139 = tpu.memref_slice %arg3[%run_scoped3A_4, %add3A, %run_scoped3A_5, %dma_wait3A, %dma_wait3A_138] : memref<2x32x4x32x80xi32, #tpu.memory_space<hbm>> -> memref<1x1x1x32x80xi32, #tpu.memory_space<hbm>>
      %dma_wait3A_140 = tpu.memref_squeeze %dma_wait3A_139 : memref<1x1x1x32x80xi32, #tpu.memory_space<hbm>> -> memref<32x80xi32, #tpu.memory_space<hbm>>
      %dma_wait3A_141 = arith.constant 0 : i32
      %dma_wait3A_142 = arith.constant 0 : i32
      %dma_wait3A_143 = tpu.memref_slice %arg3[%run_scoped3A_4, %add3A, %run_scoped3A_5, %dma_wait3A_141, %dma_wait3A_142] : memref<2x32x4x32x80xi32, #tpu.memory_space<hbm>> -> memref<1x1x1x32x80xi32, #tpu.memory_space<hbm>>
      %dma_wait3A_144 = tpu.memref_squeeze %dma_wait3A_143 : memref<1x1x1x32x80xi32, #tpu.memory_space<hbm>> -> memref<32x80xi32, #tpu.memory_space<hbm>>
      tpu.wait_dma2 semaphore(%run_scoped3A_129 : memref<!tpu.dma_semaphore, #tpu.memory_space<semaphore_mem>>) src(%dma_wait3A_144 : memref<32x80xi32, #tpu.memory_space<hbm>>) dst(%arg7 : memref<32x80xi32, #tpu.memory_space<vmem>>)
      tpu.yield
    }) : () -> ()
    %dma_start3A = arith.constant 0 : i32
    %dma_start3A_6 = arith.constant 0 : i32
    %dma_start3A_7 = arith.constant 0 : i32
    %dma_start3A_8 = tpu.memref_slice %arg6[%dma_start3A, %dma_start3A_7] : memref<32x80xi32, #tpu.memory_space<vmem>> -> memref<1x80xi32, #tpu.memory_space<vmem>>
    %dma_start3A_9 = tpu.memref_squeeze %dma_start3A_8 : memref<1x80xi32, #tpu.memory_space<vmem>> -> memref<80xi32, #tpu.memory_space<vmem>>
    %dma_start3A_10 = arith.constant 0 : i32
    %dma_start3A_11 = arith.constant 0 : i32
    %dma_start3A_12 = tpu.memref_slice %arg2[%dma_start3A_10, %dma_start3A_11] : memref<10112x128xf32, #tpu.memory_space<hbm>> -> memref<10112x128xf32, #tpu.memory_space<hbm>>
    %dma_start3A_13 = tpu.memref_slice %arg11[%dma_start3A_6] : memref<4x!tpu.dma_semaphore, #tpu.memory_space<semaphore_mem>> -> memref<1x!tpu.dma_semaphore, #tpu.memory_space<semaphore_mem>>
    %dma_start3A_14 = tpu.memref_squeeze %dma_start3A_13 : memref<1x!tpu.dma_semaphore, #tpu.memory_space<semaphore_mem>> -> memref<!tpu.dma_semaphore, #tpu.memory_space<semaphore_mem>>
    tpu.enqueue_indirect_dma source(%dma_start3A_12 : memref<10112x128xf32, #tpu.memory_space<hbm>>) target(%arg8 : memref<80x128xf32, #tpu.memory_space<vmem>>) offsets(%dma_start3A_9 : memref<80xi32, #tpu.memory_space<vmem>>) semaphore(%dma_start3A_14 : memref<!tpu.dma_semaphore, #tpu.memory_space<semaphore_mem>>)
    %dma_start3A_15 = arith.constant 1 : i32
    %dma_start3A_16 = arith.constant 1 : i32
    %dma_start3A_17 = arith.constant 0 : i32
    %dma_start3A_18 = tpu.memref_slice %arg6[%dma_start3A_15, %dma_start3A_17] : memref<32x80xi32, #tpu.memory_space<vmem>> -> memref<1x80xi32, #tpu.memory_space<vmem>>
    %dma_start3A_19 = tpu.memref_squeeze %dma_start3A_18 : memref<1x80xi32, #tpu.memory_space<vmem>> -> memref<80xi32, #tpu.memory_space<vmem>>
    %dma_start3A_20 = arith.constant 0 : i32
    %dma_start3A_21 = arith.constant 0 : i32
    %dma_start3A_22 = tpu.memref_slice %arg2[%dma_start3A_20, %dma_start3A_21] : memref<10112x128xf32, #tpu.memory_space<hbm>> -> memref<10112x128xf32, #tpu.memory_space<hbm>>
    %dma_start3A_23 = tpu.memref_slice %arg11[%dma_start3A_16] : memref<4x!tpu.dma_semaphore, #tpu.memory_space<semaphore_mem>> -> memref<1x!tpu.dma_semaphore, #tpu.memory_space<semaphore_mem>>
    %dma_start3A_24 = tpu.memref_squeeze %dma_start3A_23 : memref<1x!tpu.dma_semaphore, #tpu.memory_space<semaphore_mem>> -> memref<!tpu.dma_semaphore, #tpu.memory_space<semaphore_mem>>
    tpu.enqueue_indirect_dma source(%dma_start3A_22 : memref<10112x128xf32, #tpu.memory_space<hbm>>) target(%arg9 : memref<80x128xf32, #tpu.memory_space<vmem>>) offsets(%dma_start3A_19 : memref<80xi32, #tpu.memory_space<vmem>>) semaphore(%dma_start3A_24 : memref<!tpu.dma_semaphore, #tpu.memory_space<semaphore_mem>>)
    %scan3A = arith.constant 0 : i32
    %scan3A_25 = arith.constant 1 : i32
    %scan3A_26 = arith.constant 0 : i32
    %scan3A_27 = arith.constant 16 : i32
    %scan3A_28 = arith.addi %scan3A_26, %scan3A_27 : i32
    %scan3A_29 = arith.constant 1 : i32
    scf.for %scan3A_129 = %scan3A_26 to %scan3A_28 step %scan3A_29  : i32 {
      %mul3A_130 = arith.constant 1 : i32
      %mul3A_131 = arith.muli %scan3A_129, %mul3A_130 : i32
      %add3A_132 = arith.constant 0 : i32
      %add3A_133 = arith.addi %add3A_132, %mul3A_131 : i32
      %mul3A_134 = arith.constant 2 : i32
      %mul3A_135 = arith.muli %mul3A_134, %add3A_133 : i32
      %mul3A_136 = arith.constant 2 : i32
      %mul3A_137 = arith.muli %mul3A_136, %add3A_133 : i32
      %add3A_138 = arith.constant 1 : i32
      %add3A_139 = arith.addi %mul3A_137, %add3A_138 : i32
      %dma_wait3A = arith.constant 0 : i32
      %dma_wait3A_140 = tpu.memref_slice %arg6[%mul3A_135, %dma_wait3A] : memref<32x80xi32, #tpu.memory_space<vmem>> -> memref<1x80xi32, #tpu.memory_space<vmem>>
      %dma_wait3A_141 = tpu.memref_squeeze %dma_wait3A_140 : memref<1x80xi32, #tpu.memory_space<vmem>> -> memref<80xi32, #tpu.memory_space<vmem>>
      %dma_wait3A_142 = arith.constant 0 : i32
      %dma_wait3A_143 = arith.constant 0 : i32
      %dma_wait3A_144 = tpu.memref_slice %arg2[%dma_wait3A_142, %dma_wait3A_143] : memref<10112x128xf32, #tpu.memory_space<hbm>> -> memref<10112x128xf32, #tpu.memory_space<hbm>>
      %dma_wait3A_145 = tpu.memref_slice %arg11[%scan3A] : memref<4x!tpu.dma_semaphore, #tpu.memory_space<semaphore_mem>> -> memref<1x!tpu.dma_semaphore, #tpu.memory_space<semaphore_mem>>
      %dma_wait3A_146 = tpu.memref_squeeze %dma_wait3A_145 : memref<1x!tpu.dma_semaphore, #tpu.memory_space<semaphore_mem>> -> memref<!tpu.dma_semaphore, #tpu.memory_space<semaphore_mem>>
      tpu.wait_indirect_dma semaphore(%dma_wait3A_146 : memref<!tpu.dma_semaphore, #tpu.memory_space<semaphore_mem>>) src(%dma_wait3A_144 : memref<10112x128xf32, #tpu.memory_space<hbm>>) dst(%arg8 : memref<80x128xf32, #tpu.memory_space<vmem>>)
      "tpu.region"() ({
        %run_scoped3A_166 = tpu.sem_alloc : memref<!tpu.dma_semaphore, #tpu.memory_space<semaphore_mem>>
        %dma_start3A_167 = arith.constant 0 : i32
        %dma_start3A_168 = tpu.memref_slice %arg7[%mul3A_135, %dma_start3A_167] : memref<32x80xi32, #tpu.memory_space<vmem>> -> memref<1x80xi32, #tpu.memory_space<vmem>>
        %dma_start3A_169 = tpu.memref_squeeze %dma_start3A_168 : memref<1x80xi32, #tpu.memory_space<vmem>> -> memref<80xi32, #tpu.memory_space<vmem>>
        %dma_start3A_170 = arith.constant 0 : i32
        %dma_start3A_171 = arith.constant 0 : i32
        %dma_start3A_172 = tpu.memref_slice %arg10[%dma_start3A_170, %dma_start3A_171] : memref<10112x128xf32, #tpu.memory_space<vmem_shared>> -> memref<10112x128xf32, #tpu.memory_space<vmem_shared>>
        tpu.enqueue_indirect_dma source(%arg8 : memref<80x128xf32, #tpu.memory_space<vmem>>) target(%dma_start3A_172 : memref<10112x128xf32, #tpu.memory_space<vmem_shared>>) offsets(%dma_start3A_169 : memref<80xi32, #tpu.memory_space<vmem>>) semaphore(%run_scoped3A_166 : memref<!tpu.dma_semaphore, #tpu.memory_space<semaphore_mem>>) {add = true}
        %dma_wait3A_173 = arith.constant 0 : i32
        %dma_wait3A_174 = tpu.memref_slice %arg7[%mul3A_135, %dma_wait3A_173] : memref<32x80xi32, #tpu.memory_space<vmem>> -> memref<1x80xi32, #tpu.memory_space<vmem>>
        %dma_wait3A_175 = tpu.memref_squeeze %dma_wait3A_174 : memref<1x80xi32, #tpu.memory_space<vmem>> -> memref<80xi32, #tpu.memory_space<vmem>>
        %dma_wait3A_176 = arith.constant 0 : i32
        %dma_wait3A_177 = arith.constant 0 : i32
        %dma_wait3A_178 = tpu.memref_slice %arg10[%dma_wait3A_176, %dma_wait3A_177] : memref<10112x128xf32, #tpu.memory_space<vmem_shared>> -> memref<10112x128xf32, #tpu.memory_space<vmem_shared>>
        tpu.wait_indirect_dma semaphore(%run_scoped3A_166 : memref<!tpu.dma_semaphore, #tpu.memory_space<semaphore_mem>>) src(%arg8 : memref<80x128xf32, #tpu.memory_space<vmem>>) dst(%dma_wait3A_178 : memref<10112x128xf32, #tpu.memory_space<vmem_shared>>)
        tpu.yield
      }) : () -> ()
      %add3A_147 = arith.constant 2 : i32
      %add3A_148 = arith.addi %mul3A_135, %add3A_147 : i32
      %lt3A = arith.constant 32 : i32
      %lt3A_149 = arith.cmpi slt, %add3A_148, %lt3A : i32
      %convert_element_type3A = arith.extui %lt3A_149 : i1 to i32
      %cond3A = arith.constant 0 : i32
      %cond3A_150 = arith.cmpi ne, %convert_element_type3A, %cond3A : i32
      scf.if %cond3A_150 {
        %add3A_166 = arith.constant 2 : i32
        %add3A_167 = arith.addi %mul3A_135, %add3A_166 : i32
        %dma_start3A_168 = arith.constant 0 : i32
        %dma_start3A_169 = tpu.memref_slice %arg6[%add3A_167, %dma_start3A_168] : memref<32x80xi32, #tpu.memory_space<vmem>> -> memref<1x80xi32, #tpu.memory_space<vmem>>
        %dma_start3A_170 = tpu.memref_squeeze %dma_start3A_169 : memref<1x80xi32, #tpu.memory_space<vmem>> -> memref<80xi32, #tpu.memory_space<vmem>>
        %dma_start3A_171 = arith.constant 0 : i32
        %dma_start3A_172 = arith.constant 0 : i32
        %dma_start3A_173 = tpu.memref_slice %arg2[%dma_start3A_171, %dma_start3A_172] : memref<10112x128xf32, #tpu.memory_space<hbm>> -> memref<10112x128xf32, #tpu.memory_space<hbm>>
        %dma_start3A_174 = tpu.memref_slice %arg11[%scan3A] : memref<4x!tpu.dma_semaphore, #tpu.memory_space<semaphore_mem>> -> memref<1x!tpu.dma_semaphore, #tpu.memory_space<semaphore_mem>>
        %dma_start3A_175 = tpu.memref_squeeze %dma_start3A_174 : memref<1x!tpu.dma_semaphore, #tpu.memory_space<semaphore_mem>> -> memref<!tpu.dma_semaphore, #tpu.memory_space<semaphore_mem>>
        tpu.enqueue_indirect_dma source(%dma_start3A_173 : memref<10112x128xf32, #tpu.memory_space<hbm>>) target(%arg8 : memref<80x128xf32, #tpu.memory_space<vmem>>) offsets(%dma_start3A_170 : memref<80xi32, #tpu.memory_space<vmem>>) semaphore(%dma_start3A_175 : memref<!tpu.dma_semaphore, #tpu.memory_space<semaphore_mem>>)
      } else {
      }
      %dma_wait3A_151 = arith.constant 0 : i32
      %dma_wait3A_152 = tpu.memref_slice %arg6[%add3A_139, %dma_wait3A_151] : memref<32x80xi32, #tpu.memory_space<vmem>> -> memref<1x80xi32, #tpu.memory_space<vmem>>
      %dma_wait3A_153 = tpu.memref_squeeze %dma_wait3A_152 : memref<1x80xi32, #tpu.memory_space<vmem>> -> memref<80xi32, #tpu.memory_space<vmem>>
      %dma_wait3A_154 = arith.constant 0 : i32
      %dma_wait3A_155 = arith.constant 0 : i32
      %dma_wait3A_156 = tpu.memref_slice %arg2[%dma_wait3A_154, %dma_wait3A_155] : memref<10112x128xf32, #tpu.memory_space<hbm>> -> memref<10112x128xf32, #tpu.memory_space<hbm>>
      %dma_wait3A_157 = tpu.memref_slice %arg11[%scan3A_25] : memref<4x!tpu.dma_semaphore, #tpu.memory_space<semaphore_mem>> -> memref<1x!tpu.dma_semaphore, #tpu.memory_space<semaphore_mem>>
      %dma_wait3A_158 = tpu.memref_squeeze %dma_wait3A_157 : memref<1x!tpu.dma_semaphore, #tpu.memory_space<semaphore_mem>> -> memref<!tpu.dma_semaphore, #tpu.memory_space<semaphore_mem>>
      tpu.wait_indirect_dma semaphore(%dma_wait3A_158 : memref<!tpu.dma_semaphore, #tpu.memory_space<semaphore_mem>>) src(%dma_wait3A_156 : memref<10112x128xf32, #tpu.memory_space<hbm>>) dst(%arg9 : memref<80x128xf32, #tpu.memory_space<vmem>>)
      "tpu.region"() ({
        %run_scoped3A_166 = tpu.sem_alloc : memref<!tpu.dma_semaphore, #tpu.memory_space<semaphore_mem>>
        %dma_start3A_167 = arith.constant 0 : i32
        %dma_start3A_168 = tpu.memref_slice %arg7[%add3A_139, %dma_start3A_167] : memref<32x80xi32, #tpu.memory_space<vmem>> -> memref<1x80xi32, #tpu.memory_space<vmem>>
        %dma_start3A_169 = tpu.memref_squeeze %dma_start3A_168 : memref<1x80xi32, #tpu.memory_space<vmem>> -> memref<80xi32, #tpu.memory_space<vmem>>
        %dma_start3A_170 = arith.constant 0 : i32
        %dma_start3A_171 = arith.constant 0 : i32
        %dma_start3A_172 = tpu.memref_slice %arg10[%dma_start3A_170, %dma_start3A_171] : memref<10112x128xf32, #tpu.memory_space<vmem_shared>> -> memref<10112x128xf32, #tpu.memory_space<vmem_shared>>
        tpu.enqueue_indirect_dma source(%arg9 : memref<80x128xf32, #tpu.memory_space<vmem>>) target(%dma_start3A_172 : memref<10112x128xf32, #tpu.memory_space<vmem_shared>>) offsets(%dma_start3A_169 : memref<80xi32, #tpu.memory_space<vmem>>) semaphore(%run_scoped3A_166 : memref<!tpu.dma_semaphore, #tpu.memory_space<semaphore_mem>>) {add = true}
        %dma_wait3A_173 = arith.constant 0 : i32
        %dma_wait3A_174 = tpu.memref_slice %arg7[%add3A_139, %dma_wait3A_173] : memref<32x80xi32, #tpu.memory_space<vmem>> -> memref<1x80xi32, #tpu.memory_space<vmem>>
        %dma_wait3A_175 = tpu.memref_squeeze %dma_wait3A_174 : memref<1x80xi32, #tpu.memory_space<vmem>> -> memref<80xi32, #tpu.memory_space<vmem>>
        %dma_wait3A_176 = arith.constant 0 : i32
        %dma_wait3A_177 = arith.constant 0 : i32
        %dma_wait3A_178 = tpu.memref_slice %arg10[%dma_wait3A_176, %dma_wait3A_177] : memref<10112x128xf32, #tpu.memory_space<vmem_shared>> -> memref<10112x128xf32, #tpu.memory_space<vmem_shared>>
        tpu.wait_indirect_dma semaphore(%run_scoped3A_166 : memref<!tpu.dma_semaphore, #tpu.memory_space<semaphore_mem>>) src(%arg9 : memref<80x128xf32, #tpu.memory_space<vmem>>) dst(%dma_wait3A_178 : memref<10112x128xf32, #tpu.memory_space<vmem_shared>>)
        tpu.yield
      }) : () -> ()
      %add3A_159 = arith.constant 2 : i32
      %add3A_160 = arith.addi %add3A_139, %add3A_159 : i32
      %lt3A_161 = arith.constant 32 : i32
      %lt3A_162 = arith.cmpi slt, %add3A_160, %lt3A_161 : i32
      %convert_element_type3A_163 = arith.extui %lt3A_162 : i1 to i32
      %cond3A_164 = arith.constant 0 : i32
      %cond3A_165 = arith.cmpi ne, %convert_element_type3A_163, %cond3A_164 : i32
      scf.if %cond3A_165 {
        %add3A_166 = arith.constant 2 : i32
        %add3A_167 = arith.addi %add3A_139, %add3A_166 : i32
        %dma_start3A_168 = arith.constant 0 : i32
        %dma_start3A_169 = tpu.memref_slice %arg6[%add3A_167, %dma_start3A_168] : memref<32x80xi32, #tpu.memory_space<vmem>> -> memref<1x80xi32, #tpu.memory_space<vmem>>
        %dma_start3A_170 = tpu.memref_squeeze %dma_start3A_169 : memref<1x80xi32, #tpu.memory_space<vmem>> -> memref<80xi32, #tpu.memory_space<vmem>>
        %dma_start3A_171 = arith.constant 0 : i32
        %dma_start3A_172 = arith.constant 0 : i32
        %dma_start3A_173 = tpu.memref_slice %arg2[%dma_start3A_171, %dma_start3A_172] : memref<10112x128xf32, #tpu.memory_space<hbm>> -> memref<10112x128xf32, #tpu.memory_space<hbm>>
        %dma_start3A_174 = tpu.memref_slice %arg11[%scan3A_25] : memref<4x!tpu.dma_semaphore, #tpu.memory_space<semaphore_mem>> -> memref<1x!tpu.dma_semaphore, #tpu.memory_space<semaphore_mem>>
        %dma_start3A_175 = tpu.memref_squeeze %dma_start3A_174 : memref<1x!tpu.dma_semaphore, #tpu.memory_space<semaphore_mem>> -> memref<!tpu.dma_semaphore, #tpu.memory_space<semaphore_mem>>
        tpu.enqueue_indirect_dma source(%dma_start3A_173 : memref<10112x128xf32, #tpu.memory_space<hbm>>) target(%arg9 : memref<80x128xf32, #tpu.memory_space<vmem>>) offsets(%dma_start3A_170 : memref<80xi32, #tpu.memory_space<vmem>>) semaphore(%dma_start3A_175 : memref<!tpu.dma_semaphore, #tpu.memory_space<semaphore_mem>>)
      } else {
      }
    }
    %scan3A_30 = arith.constant 16 : i32
    %run_scoped3A_31 = arith.constant 0 : i32
    %run_scoped3A_32 = arith.constant 1 : i32
    "tpu.region"() ({
      %run_scoped3A_129 = tpu.sem_alloc : memref<!tpu.dma_semaphore, #tpu.memory_space<semaphore_mem>>
      %dma_start3A_130 = arith.constant 0 : i32
      %dma_start3A_131 = arith.constant 0 : i32
      %dma_start3A_132 = tpu.memref_slice %arg3[%run_scoped3A_31, %add3A, %run_scoped3A_32, %dma_start3A_130, %dma_start3A_131] : memref<2x32x4x32x80xi32, #tpu.memory_space<hbm>> -> memref<1x1x1x32x80xi32, #tpu.memory_space<hbm>>
      %dma_start3A_133 = tpu.memref_squeeze %dma_start3A_132 : memref<1x1x1x32x80xi32, #tpu.memory_space<hbm>> -> memref<32x80xi32, #tpu.memory_space<hbm>>
      %dma_start3A_134 = arith.constant 0 : i32
      %dma_start3A_135 = arith.constant 0 : i32
      %dma_start3A_136 = tpu.memref_slice %arg3[%run_scoped3A_31, %add3A, %run_scoped3A_32, %dma_start3A_134, %dma_start3A_135] : memref<2x32x4x32x80xi32, #tpu.memory_space<hbm>> -> memref<1x1x1x32x80xi32, #tpu.memory_space<hbm>>
      %dma_start3A_137 = tpu.memref_squeeze %dma_start3A_136 : memref<1x1x1x32x80xi32, #tpu.memory_space<hbm>> -> memref<32x80xi32, #tpu.memory_space<hbm>>
      tpu.enqueue_dma source(%dma_start3A_137 : memref<32x80xi32, #tpu.memory_space<hbm>>) target(%arg6 : memref<32x80xi32, #tpu.memory_space<vmem>>) target_semaphore(%run_scoped3A_129 : memref<!tpu.dma_semaphore, #tpu.memory_space<semaphore_mem>>)
      %dma_wait3A = arith.constant 0 : i32
      %dma_wait3A_138 = arith.constant 0 : i32
      %dma_wait3A_139 = tpu.memref_slice %arg3[%run_scoped3A_31, %add3A, %run_scoped3A_32, %dma_wait3A, %dma_wait3A_138] : memref<2x32x4x32x80xi32, #tpu.memory_space<hbm>> -> memref<1x1x1x32x80xi32, #tpu.memory_space<hbm>>
      %dma_wait3A_140 = tpu.memref_squeeze %dma_wait3A_139 : memref<1x1x1x32x80xi32, #tpu.memory_space<hbm>> -> memref<32x80xi32, #tpu.memory_space<hbm>>
      %dma_wait3A_141 = arith.constant 0 : i32
      %dma_wait3A_142 = arith.constant 0 : i32
      %dma_wait3A_143 = tpu.memref_slice %arg3[%run_scoped3A_31, %add3A, %run_scoped3A_32, %dma_wait3A_141, %dma_wait3A_142] : memref<2x32x4x32x80xi32, #tpu.memory_space<hbm>> -> memref<1x1x1x32x80xi32, #tpu.memory_space<hbm>>
      %dma_wait3A_144 = tpu.memref_squeeze %dma_wait3A_143 : memref<1x1x1x32x80xi32, #tpu.memory_space<hbm>> -> memref<32x80xi32, #tpu.memory_space<hbm>>
      tpu.wait_dma2 semaphore(%run_scoped3A_129 : memref<!tpu.dma_semaphore, #tpu.memory_space<semaphore_mem>>) src(%dma_wait3A_144 : memref<32x80xi32, #tpu.memory_space<hbm>>) dst(%arg6 : memref<32x80xi32, #tpu.memory_space<vmem>>)
      tpu.yield
    }) : () -> ()
    %run_scoped3A_33 = arith.constant 1 : i32
    %run_scoped3A_34 = arith.constant 1 : i32
    "tpu.region"() ({
      %run_scoped3A_129 = tpu.sem_alloc : memref<!tpu.dma_semaphore, #tpu.memory_space<semaphore_mem>>
      %dma_start3A_130 = arith.constant 0 : i32
      %dma_start3A_131 = arith.constant 0 : i32
      %dma_start3A_132 = tpu.memref_slice %arg3[%run_scoped3A_33, %add3A, %run_scoped3A_34, %dma_start3A_130, %dma_start3A_131] : memref<2x32x4x32x80xi32, #tpu.memory_space<hbm>> -> memref<1x1x1x32x80xi32, #tpu.memory_space<hbm>>
      %dma_start3A_133 = tpu.memref_squeeze %dma_start3A_132 : memref<1x1x1x32x80xi32, #tpu.memory_space<hbm>> -> memref<32x80xi32, #tpu.memory_space<hbm>>
      %dma_start3A_134 = arith.constant 0 : i32
      %dma_start3A_135 = arith.constant 0 : i32
      %dma_start3A_136 = tpu.memref_slice %arg3[%run_scoped3A_33, %add3A, %run_scoped3A_34, %dma_start3A_134, %dma_start3A_135] : memref<2x32x4x32x80xi32, #tpu.memory_space<hbm>> -> memref<1x1x1x32x80xi32, #tpu.memory_space<hbm>>
      %dma_start3A_137 = tpu.memref_squeeze %dma_start3A_136 : memref<1x1x1x32x80xi32, #tpu.memory_space<hbm>> -> memref<32x80xi32, #tpu.memory_space<hbm>>
      tpu.enqueue_dma source(%dma_start3A_137 : memref<32x80xi32, #tpu.memory_space<hbm>>) target(%arg7 : memref<32x80xi32, #tpu.memory_space<vmem>>) target_semaphore(%run_scoped3A_129 : memref<!tpu.dma_semaphore, #tpu.memory_space<semaphore_mem>>)
      %dma_wait3A = arith.constant 0 : i32
      %dma_wait3A_138 = arith.constant 0 : i32
      %dma_wait3A_139 = tpu.memref_slice %arg3[%run_scoped3A_33, %add3A, %run_scoped3A_34, %dma_wait3A, %dma_wait3A_138] : memref<2x32x4x32x80xi32, #tpu.memory_space<hbm>> -> memref<1x1x1x32x80xi32, #tpu.memory_space<hbm>>
      %dma_wait3A_140 = tpu.memref_squeeze %dma_wait3A_139 : memref<1x1x1x32x80xi32, #tpu.memory_space<hbm>> -> memref<32x80xi32, #tpu.memory_space<hbm>>
      %dma_wait3A_141 = arith.constant 0 : i32
      %dma_wait3A_142 = arith.constant 0 : i32
      %dma_wait3A_143 = tpu.memref_slice %arg3[%run_scoped3A_33, %add3A, %run_scoped3A_34, %dma_wait3A_141, %dma_wait3A_142] : memref<2x32x4x32x80xi32, #tpu.memory_space<hbm>> -> memref<1x1x1x32x80xi32, #tpu.memory_space<hbm>>
      %dma_wait3A_144 = tpu.memref_squeeze %dma_wait3A_143 : memref<1x1x1x32x80xi32, #tpu.memory_space<hbm>> -> memref<32x80xi32, #tpu.memory_space<hbm>>
      tpu.wait_dma2 semaphore(%run_scoped3A_129 : memref<!tpu.dma_semaphore, #tpu.memory_space<semaphore_mem>>) src(%dma_wait3A_144 : memref<32x80xi32, #tpu.memory_space<hbm>>) dst(%arg7 : memref<32x80xi32, #tpu.memory_space<vmem>>)
      tpu.yield
    }) : () -> ()
    %dma_start3A_35 = arith.constant 0 : i32
    %dma_start3A_36 = arith.constant 0 : i32
    %dma_start3A_37 = arith.constant 0 : i32
    %dma_start3A_38 = tpu.memref_slice %arg6[%dma_start3A_35, %dma_start3A_37] : memref<32x80xi32, #tpu.memory_space<vmem>> -> memref<1x80xi32, #tpu.memory_space<vmem>>
    %dma_start3A_39 = tpu.memref_squeeze %dma_start3A_38 : memref<1x80xi32, #tpu.memory_space<vmem>> -> memref<80xi32, #tpu.memory_space<vmem>>
    %dma_start3A_40 = arith.constant 0 : i32
    %dma_start3A_41 = arith.constant 0 : i32
    %dma_start3A_42 = tpu.memref_slice %arg2[%dma_start3A_40, %dma_start3A_41] : memref<10112x128xf32, #tpu.memory_space<hbm>> -> memref<10112x128xf32, #tpu.memory_space<hbm>>
    %dma_start3A_43 = tpu.memref_slice %arg11[%dma_start3A_36] : memref<4x!tpu.dma_semaphore, #tpu.memory_space<semaphore_mem>> -> memref<1x!tpu.dma_semaphore, #tpu.memory_space<semaphore_mem>>
    %dma_start3A_44 = tpu.memref_squeeze %dma_start3A_43 : memref<1x!tpu.dma_semaphore, #tpu.memory_space<semaphore_mem>> -> memref<!tpu.dma_semaphore, #tpu.memory_space<semaphore_mem>>
    tpu.enqueue_indirect_dma source(%dma_start3A_42 : memref<10112x128xf32, #tpu.memory_space<hbm>>) target(%arg8 : memref<80x128xf32, #tpu.memory_space<vmem>>) offsets(%dma_start3A_39 : memref<80xi32, #tpu.memory_space<vmem>>) semaphore(%dma_start3A_44 : memref<!tpu.dma_semaphore, #tpu.memory_space<semaphore_mem>>)
    %dma_start3A_45 = arith.constant 1 : i32
    %dma_start3A_46 = arith.constant 1 : i32
    %dma_start3A_47 = arith.constant 0 : i32
    %dma_start3A_48 = tpu.memref_slice %arg6[%dma_start3A_45, %dma_start3A_47] : memref<32x80xi32, #tpu.memory_space<vmem>> -> memref<1x80xi32, #tpu.memory_space<vmem>>
    %dma_start3A_49 = tpu.memref_squeeze %dma_start3A_48 : memref<1x80xi32, #tpu.memory_space<vmem>> -> memref<80xi32, #tpu.memory_space<vmem>>
    %dma_start3A_50 = arith.constant 0 : i32
    %dma_start3A_51 = arith.constant 0 : i32
    %dma_start3A_52 = tpu.memref_slice %arg2[%dma_start3A_50, %dma_start3A_51] : memref<10112x128xf32, #tpu.memory_space<hbm>> -> memref<10112x128xf32, #tpu.memory_space<hbm>>
    %dma_start3A_53 = tpu.memref_slice %arg11[%dma_start3A_46] : memref<4x!tpu.dma_semaphore, #tpu.memory_space<semaphore_mem>> -> memref<1x!tpu.dma_semaphore, #tpu.memory_space<semaphore_mem>>
    %dma_start3A_54 = tpu.memref_squeeze %dma_start3A_53 : memref<1x!tpu.dma_semaphore, #tpu.memory_space<semaphore_mem>> -> memref<!tpu.dma_semaphore, #tpu.memory_space<semaphore_mem>>
    tpu.enqueue_indirect_dma source(%dma_start3A_52 : memref<10112x128xf32, #tpu.memory_space<hbm>>) target(%arg9 : memref<80x128xf32, #tpu.memory_space<vmem>>) offsets(%dma_start3A_49 : memref<80xi32, #tpu.memory_space<vmem>>) semaphore(%dma_start3A_54 : memref<!tpu.dma_semaphore, #tpu.memory_space<semaphore_mem>>)
    %scan3A_55 = arith.constant 0 : i32
    %scan3A_56 = arith.constant 1 : i32
    %scan3A_57 = arith.constant 0 : i32
    %scan3A_58 = arith.constant 16 : i32
    %scan3A_59 = arith.addi %scan3A_57, %scan3A_58 : i32
    %scan3A_60 = arith.constant 1 : i32
    scf.for %scan3A_129 = %scan3A_57 to %scan3A_59 step %scan3A_60  : i32 {
      %mul3A_130 = arith.constant 1 : i32
      %mul3A_131 = arith.muli %scan3A_129, %mul3A_130 : i32
      %add3A_132 = arith.constant 0 : i32
      %add3A_133 = arith.addi %add3A_132, %mul3A_131 : i32
      %mul3A_134 = arith.constant 2 : i32
      %mul3A_135 = arith.muli %mul3A_134, %add3A_133 : i32
      %mul3A_136 = arith.constant 2 : i32
      %mul3A_137 = arith.muli %mul3A_136, %add3A_133 : i32
      %add3A_138 = arith.constant 1 : i32
      %add3A_139 = arith.addi %mul3A_137, %add3A_138 : i32
      %dma_wait3A = arith.constant 0 : i32
      %dma_wait3A_140 = tpu.memref_slice %arg6[%mul3A_135, %dma_wait3A] : memref<32x80xi32, #tpu.memory_space<vmem>> -> memref<1x80xi32, #tpu.memory_space<vmem>>
      %dma_wait3A_141 = tpu.memref_squeeze %dma_wait3A_140 : memref<1x80xi32, #tpu.memory_space<vmem>> -> memref<80xi32, #tpu.memory_space<vmem>>
      %dma_wait3A_142 = arith.constant 0 : i32
      %dma_wait3A_143 = arith.constant 0 : i32
      %dma_wait3A_144 = tpu.memref_slice %arg2[%dma_wait3A_142, %dma_wait3A_143] : memref<10112x128xf32, #tpu.memory_space<hbm>> -> memref<10112x128xf32, #tpu.memory_space<hbm>>
      %dma_wait3A_145 = tpu.memref_slice %arg11[%scan3A_55] : memref<4x!tpu.dma_semaphore, #tpu.memory_space<semaphore_mem>> -> memref<1x!tpu.dma_semaphore, #tpu.memory_space<semaphore_mem>>
      %dma_wait3A_146 = tpu.memref_squeeze %dma_wait3A_145 : memref<1x!tpu.dma_semaphore, #tpu.memory_space<semaphore_mem>> -> memref<!tpu.dma_semaphore, #tpu.memory_space<semaphore_mem>>
      tpu.wait_indirect_dma semaphore(%dma_wait3A_146 : memref<!tpu.dma_semaphore, #tpu.memory_space<semaphore_mem>>) src(%dma_wait3A_144 : memref<10112x128xf32, #tpu.memory_space<hbm>>) dst(%arg8 : memref<80x128xf32, #tpu.memory_space<vmem>>)
      "tpu.region"() ({
        %run_scoped3A_166 = tpu.sem_alloc : memref<!tpu.dma_semaphore, #tpu.memory_space<semaphore_mem>>
        %dma_start3A_167 = arith.constant 0 : i32
        %dma_start3A_168 = tpu.memref_slice %arg7[%mul3A_135, %dma_start3A_167] : memref<32x80xi32, #tpu.memory_space<vmem>> -> memref<1x80xi32, #tpu.memory_space<vmem>>
        %dma_start3A_169 = tpu.memref_squeeze %dma_start3A_168 : memref<1x80xi32, #tpu.memory_space<vmem>> -> memref<80xi32, #tpu.memory_space<vmem>>
        %dma_start3A_170 = arith.constant 0 : i32
        %dma_start3A_171 = arith.constant 0 : i32
        %dma_start3A_172 = tpu.memref_slice %arg10[%dma_start3A_170, %dma_start3A_171] : memref<10112x128xf32, #tpu.memory_space<vmem_shared>> -> memref<10112x128xf32, #tpu.memory_space<vmem_shared>>
        tpu.enqueue_indirect_dma source(%arg8 : memref<80x128xf32, #tpu.memory_space<vmem>>) target(%dma_start3A_172 : memref<10112x128xf32, #tpu.memory_space<vmem_shared>>) offsets(%dma_start3A_169 : memref<80xi32, #tpu.memory_space<vmem>>) semaphore(%run_scoped3A_166 : memref<!tpu.dma_semaphore, #tpu.memory_space<semaphore_mem>>) {add = true}
        %dma_wait3A_173 = arith.constant 0 : i32
        %dma_wait3A_174 = tpu.memref_slice %arg7[%mul3A_135, %dma_wait3A_173] : memref<32x80xi32, #tpu.memory_space<vmem>> -> memref<1x80xi32, #tpu.memory_space<vmem>>
        %dma_wait3A_175 = tpu.memref_squeeze %dma_wait3A_174 : memref<1x80xi32, #tpu.memory_space<vmem>> -> memref<80xi32, #tpu.memory_space<vmem>>
        %dma_wait3A_176 = arith.constant 0 : i32
        %dma_wait3A_177 = arith.constant 0 : i32
        %dma_wait3A_178 = tpu.memref_slice %arg10[%dma_wait3A_176, %dma_wait3A_177] : memref<10112x128xf32, #tpu.memory_space<vmem_shared>> -> memref<10112x128xf32, #tpu.memory_space<vmem_shared>>
        tpu.wait_indirect_dma semaphore(%run_scoped3A_166 : memref<!tpu.dma_semaphore, #tpu.memory_space<semaphore_mem>>) src(%arg8 : memref<80x128xf32, #tpu.memory_space<vmem>>) dst(%dma_wait3A_178 : memref<10112x128xf32, #tpu.memory_space<vmem_shared>>)
        tpu.yield
      }) : () -> ()
      %add3A_147 = arith.constant 2 : i32
      %add3A_148 = arith.addi %mul3A_135, %add3A_147 : i32
      %lt3A = arith.constant 32 : i32
      %lt3A_149 = arith.cmpi slt, %add3A_148, %lt3A : i32
      %convert_element_type3A = arith.extui %lt3A_149 : i1 to i32
      %cond3A = arith.constant 0 : i32
      %cond3A_150 = arith.cmpi ne, %convert_element_type3A, %cond3A : i32
      scf.if %cond3A_150 {
        %add3A_166 = arith.constant 2 : i32
        %add3A_167 = arith.addi %mul3A_135, %add3A_166 : i32
        %dma_start3A_168 = arith.constant 0 : i32
        %dma_start3A_169 = tpu.memref_slice %arg6[%add3A_167, %dma_start3A_168] : memref<32x80xi32, #tpu.memory_space<vmem>> -> memref<1x80xi32, #tpu.memory_space<vmem>>
        %dma_start3A_170 = tpu.memref_squeeze %dma_start3A_169 : memref<1x80xi32, #tpu.memory_space<vmem>> -> memref<80xi32, #tpu.memory_space<vmem>>
        %dma_start3A_171 = arith.constant 0 : i32
        %dma_start3A_172 = arith.constant 0 : i32
        %dma_start3A_173 = tpu.memref_slice %arg2[%dma_start3A_171, %dma_start3A_172] : memref<10112x128xf32, #tpu.memory_space<hbm>> -> memref<10112x128xf32, #tpu.memory_space<hbm>>
        %dma_start3A_174 = tpu.memref_slice %arg11[%scan3A_55] : memref<4x!tpu.dma_semaphore, #tpu.memory_space<semaphore_mem>> -> memref<1x!tpu.dma_semaphore, #tpu.memory_space<semaphore_mem>>
        %dma_start3A_175 = tpu.memref_squeeze %dma_start3A_174 : memref<1x!tpu.dma_semaphore, #tpu.memory_space<semaphore_mem>> -> memref<!tpu.dma_semaphore, #tpu.memory_space<semaphore_mem>>
        tpu.enqueue_indirect_dma source(%dma_start3A_173 : memref<10112x128xf32, #tpu.memory_space<hbm>>) target(%arg8 : memref<80x128xf32, #tpu.memory_space<vmem>>) offsets(%dma_start3A_170 : memref<80xi32, #tpu.memory_space<vmem>>) semaphore(%dma_start3A_175 : memref<!tpu.dma_semaphore, #tpu.memory_space<semaphore_mem>>)
      } else {
      }
      %dma_wait3A_151 = arith.constant 0 : i32
      %dma_wait3A_152 = tpu.memref_slice %arg6[%add3A_139, %dma_wait3A_151] : memref<32x80xi32, #tpu.memory_space<vmem>> -> memref<1x80xi32, #tpu.memory_space<vmem>>
      %dma_wait3A_153 = tpu.memref_squeeze %dma_wait3A_152 : memref<1x80xi32, #tpu.memory_space<vmem>> -> memref<80xi32, #tpu.memory_space<vmem>>
      %dma_wait3A_154 = arith.constant 0 : i32
      %dma_wait3A_155 = arith.constant 0 : i32
      %dma_wait3A_156 = tpu.memref_slice %arg2[%dma_wait3A_154, %dma_wait3A_155] : memref<10112x128xf32, #tpu.memory_space<hbm>> -> memref<10112x128xf32, #tpu.memory_space<hbm>>
      %dma_wait3A_157 = tpu.memref_slice %arg11[%scan3A_56] : memref<4x!tpu.dma_semaphore, #tpu.memory_space<semaphore_mem>> -> memref<1x!tpu.dma_semaphore, #tpu.memory_space<semaphore_mem>>
      %dma_wait3A_158 = tpu.memref_squeeze %dma_wait3A_157 : memref<1x!tpu.dma_semaphore, #tpu.memory_space<semaphore_mem>> -> memref<!tpu.dma_semaphore, #tpu.memory_space<semaphore_mem>>
      tpu.wait_indirect_dma semaphore(%dma_wait3A_158 : memref<!tpu.dma_semaphore, #tpu.memory_space<semaphore_mem>>) src(%dma_wait3A_156 : memref<10112x128xf32, #tpu.memory_space<hbm>>) dst(%arg9 : memref<80x128xf32, #tpu.memory_space<vmem>>)
      "tpu.region"() ({
        %run_scoped3A_166 = tpu.sem_alloc : memref<!tpu.dma_semaphore, #tpu.memory_space<semaphore_mem>>
        %dma_start3A_167 = arith.constant 0 : i32
        %dma_start3A_168 = tpu.memref_slice %arg7[%add3A_139, %dma_start3A_167] : memref<32x80xi32, #tpu.memory_space<vmem>> -> memref<1x80xi32, #tpu.memory_space<vmem>>
        %dma_start3A_169 = tpu.memref_squeeze %dma_start3A_168 : memref<1x80xi32, #tpu.memory_space<vmem>> -> memref<80xi32, #tpu.memory_space<vmem>>
        %dma_start3A_170 = arith.constant 0 : i32
        %dma_start3A_171 = arith.constant 0 : i32
        %dma_start3A_172 = tpu.memref_slice %arg10[%dma_start3A_170, %dma_start3A_171] : memref<10112x128xf32, #tpu.memory_space<vmem_shared>> -> memref<10112x128xf32, #tpu.memory_space<vmem_shared>>
        tpu.enqueue_indirect_dma source(%arg9 : memref<80x128xf32, #tpu.memory_space<vmem>>) target(%dma_start3A_172 : memref<10112x128xf32, #tpu.memory_space<vmem_shared>>) offsets(%dma_start3A_169 : memref<80xi32, #tpu.memory_space<vmem>>) semaphore(%run_scoped3A_166 : memref<!tpu.dma_semaphore, #tpu.memory_space<semaphore_mem>>) {add = true}
        %dma_wait3A_173 = arith.constant 0 : i32
        %dma_wait3A_174 = tpu.memref_slice %arg7[%add3A_139, %dma_wait3A_173] : memref<32x80xi32, #tpu.memory_space<vmem>> -> memref<1x80xi32, #tpu.memory_space<vmem>>
        %dma_wait3A_175 = tpu.memref_squeeze %dma_wait3A_174 : memref<1x80xi32, #tpu.memory_space<vmem>> -> memref<80xi32, #tpu.memory_space<vmem>>
        %dma_wait3A_176 = arith.constant 0 : i32
        %dma_wait3A_177 = arith.constant 0 : i32
        %dma_wait3A_178 = tpu.memref_slice %arg10[%dma_wait3A_176, %dma_wait3A_177] : memref<10112x128xf32, #tpu.memory_space<vmem_shared>> -> memref<10112x128xf32, #tpu.memory_space<vmem_shared>>
        tpu.wait_indirect_dma semaphore(%run_scoped3A_166 : memref<!tpu.dma_semaphore, #tpu.memory_space<semaphore_mem>>) src(%arg9 : memref<80x128xf32, #tpu.memory_space<vmem>>) dst(%dma_wait3A_178 : memref<10112x128xf32, #tpu.memory_space<vmem_shared>>)
        tpu.yield
      }) : () -> ()
      %add3A_159 = arith.constant 2 : i32
      %add3A_160 = arith.addi %add3A_139, %add3A_159 : i32
      %lt3A_161 = arith.constant 32 : i32
      %lt3A_162 = arith.cmpi slt, %add3A_160, %lt3A_161 : i32
      %convert_element_type3A_163 = arith.extui %lt3A_162 : i1 to i32
      %cond3A_164 = arith.constant 0 : i32
      %cond3A_165 = arith.cmpi ne, %convert_element_type3A_163, %cond3A_164 : i32
      scf.if %cond3A_165 {
        %add3A_166 = arith.constant 2 : i32
        %add3A_167 = arith.addi %add3A_139, %add3A_166 : i32
        %dma_start3A_168 = arith.constant 0 : i32
        %dma_start3A_169 = tpu.memref_slice %arg6[%add3A_167, %dma_start3A_168] : memref<32x80xi32, #tpu.memory_space<vmem>> -> memref<1x80xi32, #tpu.memory_space<vmem>>
        %dma_start3A_170 = tpu.memref_squeeze %dma_start3A_169 : memref<1x80xi32, #tpu.memory_space<vmem>> -> memref<80xi32, #tpu.memory_space<vmem>>
        %dma_start3A_171 = arith.constant 0 : i32
        %dma_start3A_172 = arith.constant 0 : i32
        %dma_start3A_173 = tpu.memref_slice %arg2[%dma_start3A_171, %dma_start3A_172] : memref<10112x128xf32, #tpu.memory_space<hbm>> -> memref<10112x128xf32, #tpu.memory_space<hbm>>
        %dma_start3A_174 = tpu.memref_slice %arg11[%scan3A_56] : memref<4x!tpu.dma_semaphore, #tpu.memory_space<semaphore_mem>> -> memref<1x!tpu.dma_semaphore, #tpu.memory_space<semaphore_mem>>
        %dma_start3A_175 = tpu.memref_squeeze %dma_start3A_174 : memref<1x!tpu.dma_semaphore, #tpu.memory_space<semaphore_mem>> -> memref<!tpu.dma_semaphore, #tpu.memory_space<semaphore_mem>>
        tpu.enqueue_indirect_dma source(%dma_start3A_173 : memref<10112x128xf32, #tpu.memory_space<hbm>>) target(%arg9 : memref<80x128xf32, #tpu.memory_space<vmem>>) offsets(%dma_start3A_170 : memref<80xi32, #tpu.memory_space<vmem>>) semaphore(%dma_start3A_175 : memref<!tpu.dma_semaphore, #tpu.memory_space<semaphore_mem>>)
      } else {
      }
    }
    %scan3A_61 = arith.constant 16 : i32
    %run_scoped3A_62 = arith.constant 0 : i32
    %run_scoped3A_63 = arith.constant 2 : i32
    "tpu.region"() ({
      %run_scoped3A_129 = tpu.sem_alloc : memref<!tpu.dma_semaphore, #tpu.memory_space<semaphore_mem>>
      %dma_start3A_130 = arith.constant 0 : i32
      %dma_start3A_131 = arith.constant 0 : i32
      %dma_start3A_132 = tpu.memref_slice %arg3[%run_scoped3A_62, %add3A, %run_scoped3A_63, %dma_start3A_130, %dma_start3A_131] : memref<2x32x4x32x80xi32, #tpu.memory_space<hbm>> -> memref<1x1x1x32x80xi32, #tpu.memory_space<hbm>>
      %dma_start3A_133 = tpu.memref_squeeze %dma_start3A_132 : memref<1x1x1x32x80xi32, #tpu.memory_space<hbm>> -> memref<32x80xi32, #tpu.memory_space<hbm>>
      %dma_start3A_134 = arith.constant 0 : i32
      %dma_start3A_135 = arith.constant 0 : i32
      %dma_start3A_136 = tpu.memref_slice %arg3[%run_scoped3A_62, %add3A, %run_scoped3A_63, %dma_start3A_134, %dma_start3A_135] : memref<2x32x4x32x80xi32, #tpu.memory_space<hbm>> -> memref<1x1x1x32x80xi32, #tpu.memory_space<hbm>>
      %dma_start3A_137 = tpu.memref_squeeze %dma_start3A_136 : memref<1x1x1x32x80xi32, #tpu.memory_space<hbm>> -> memref<32x80xi32, #tpu.memory_space<hbm>>
      tpu.enqueue_dma source(%dma_start3A_137 : memref<32x80xi32, #tpu.memory_space<hbm>>) target(%arg6 : memref<32x80xi32, #tpu.memory_space<vmem>>) target_semaphore(%run_scoped3A_129 : memref<!tpu.dma_semaphore, #tpu.memory_space<semaphore_mem>>)
      %dma_wait3A = arith.constant 0 : i32
      %dma_wait3A_138 = arith.constant 0 : i32
      %dma_wait3A_139 = tpu.memref_slice %arg3[%run_scoped3A_62, %add3A, %run_scoped3A_63, %dma_wait3A, %dma_wait3A_138] : memref<2x32x4x32x80xi32, #tpu.memory_space<hbm>> -> memref<1x1x1x32x80xi32, #tpu.memory_space<hbm>>
      %dma_wait3A_140 = tpu.memref_squeeze %dma_wait3A_139 : memref<1x1x1x32x80xi32, #tpu.memory_space<hbm>> -> memref<32x80xi32, #tpu.memory_space<hbm>>
      %dma_wait3A_141 = arith.constant 0 : i32
      %dma_wait3A_142 = arith.constant 0 : i32
      %dma_wait3A_143 = tpu.memref_slice %arg3[%run_scoped3A_62, %add3A, %run_scoped3A_63, %dma_wait3A_141, %dma_wait3A_142] : memref<2x32x4x32x80xi32, #tpu.memory_space<hbm>> -> memref<1x1x1x32x80xi32, #tpu.memory_space<hbm>>
      %dma_wait3A_144 = tpu.memref_squeeze %dma_wait3A_143 : memref<1x1x1x32x80xi32, #tpu.memory_space<hbm>> -> memref<32x80xi32, #tpu.memory_space<hbm>>
      tpu.wait_dma2 semaphore(%run_scoped3A_129 : memref<!tpu.dma_semaphore, #tpu.memory_space<semaphore_mem>>) src(%dma_wait3A_144 : memref<32x80xi32, #tpu.memory_space<hbm>>) dst(%arg6 : memref<32x80xi32, #tpu.memory_space<vmem>>)
      tpu.yield
    }) : () -> ()
    %run_scoped3A_64 = arith.constant 1 : i32
    %run_scoped3A_65 = arith.constant 2 : i32
    "tpu.region"() ({
      %run_scoped3A_129 = tpu.sem_alloc : memref<!tpu.dma_semaphore, #tpu.memory_space<semaphore_mem>>
      %dma_start3A_130 = arith.constant 0 : i32
      %dma_start3A_131 = arith.constant 0 : i32
      %dma_start3A_132 = tpu.memref_slice %arg3[%run_scoped3A_64, %add3A, %run_scoped3A_65, %dma_start3A_130, %dma_start3A_131] : memref<2x32x4x32x80xi32, #tpu.memory_space<hbm>> -> memref<1x1x1x32x80xi32, #tpu.memory_space<hbm>>
      %dma_start3A_133 = tpu.memref_squeeze %dma_start3A_132 : memref<1x1x1x32x80xi32, #tpu.memory_space<hbm>> -> memref<32x80xi32, #tpu.memory_space<hbm>>
      %dma_start3A_134 = arith.constant 0 : i32
      %dma_start3A_135 = arith.constant 0 : i32
      %dma_start3A_136 = tpu.memref_slice %arg3[%run_scoped3A_64, %add3A, %run_scoped3A_65, %dma_start3A_134, %dma_start3A_135] : memref<2x32x4x32x80xi32, #tpu.memory_space<hbm>> -> memref<1x1x1x32x80xi32, #tpu.memory_space<hbm>>
      %dma_start3A_137 = tpu.memref_squeeze %dma_start3A_136 : memref<1x1x1x32x80xi32, #tpu.memory_space<hbm>> -> memref<32x80xi32, #tpu.memory_space<hbm>>
      tpu.enqueue_dma source(%dma_start3A_137 : memref<32x80xi32, #tpu.memory_space<hbm>>) target(%arg7 : memref<32x80xi32, #tpu.memory_space<vmem>>) target_semaphore(%run_scoped3A_129 : memref<!tpu.dma_semaphore, #tpu.memory_space<semaphore_mem>>)
      %dma_wait3A = arith.constant 0 : i32
      %dma_wait3A_138 = arith.constant 0 : i32
      %dma_wait3A_139 = tpu.memref_slice %arg3[%run_scoped3A_64, %add3A, %run_scoped3A_65, %dma_wait3A, %dma_wait3A_138] : memref<2x32x4x32x80xi32, #tpu.memory_space<hbm>> -> memref<1x1x1x32x80xi32, #tpu.memory_space<hbm>>
      %dma_wait3A_140 = tpu.memref_squeeze %dma_wait3A_139 : memref<1x1x1x32x80xi32, #tpu.memory_space<hbm>> -> memref<32x80xi32, #tpu.memory_space<hbm>>
      %dma_wait3A_141 = arith.constant 0 : i32
      %dma_wait3A_142 = arith.constant 0 : i32
      %dma_wait3A_143 = tpu.memref_slice %arg3[%run_scoped3A_64, %add3A, %run_scoped3A_65, %dma_wait3A_141, %dma_wait3A_142] : memref<2x32x4x32x80xi32, #tpu.memory_space<hbm>> -> memref<1x1x1x32x80xi32, #tpu.memory_space<hbm>>
      %dma_wait3A_144 = tpu.memref_squeeze %dma_wait3A_143 : memref<1x1x1x32x80xi32, #tpu.memory_space<hbm>> -> memref<32x80xi32, #tpu.memory_space<hbm>>
      tpu.wait_dma2 semaphore(%run_scoped3A_129 : memref<!tpu.dma_semaphore, #tpu.memory_space<semaphore_mem>>) src(%dma_wait3A_144 : memref<32x80xi32, #tpu.memory_space<hbm>>) dst(%arg7 : memref<32x80xi32, #tpu.memory_space<vmem>>)
      tpu.yield
    }) : () -> ()
    %dma_start3A_66 = arith.constant 0 : i32
    %dma_start3A_67 = arith.constant 0 : i32
    %dma_start3A_68 = arith.constant 0 : i32
    %dma_start3A_69 = tpu.memref_slice %arg6[%dma_start3A_66, %dma_start3A_68] : memref<32x80xi32, #tpu.memory_space<vmem>> -> memref<1x80xi32, #tpu.memory_space<vmem>>
    %dma_start3A_70 = tpu.memref_squeeze %dma_start3A_69 : memref<1x80xi32, #tpu.memory_space<vmem>> -> memref<80xi32, #tpu.memory_space<vmem>>
    %dma_start3A_71 = arith.constant 0 : i32
    %dma_start3A_72 = arith.constant 0 : i32
    %dma_start3A_73 = tpu.memref_slice %arg2[%dma_start3A_71, %dma_start3A_72] : memref<10112x128xf32, #tpu.memory_space<hbm>> -> memref<10112x128xf32, #tpu.memory_space<hbm>>
    %dma_start3A_74 = tpu.memref_slice %arg11[%dma_start3A_67] : memref<4x!tpu.dma_semaphore, #tpu.memory_space<semaphore_mem>> -> memref<1x!tpu.dma_semaphore, #tpu.memory_space<semaphore_mem>>
    %dma_start3A_75 = tpu.memref_squeeze %dma_start3A_74 : memref<1x!tpu.dma_semaphore, #tpu.memory_space<semaphore_mem>> -> memref<!tpu.dma_semaphore, #tpu.memory_space<semaphore_mem>>
    tpu.enqueue_indirect_dma source(%dma_start3A_73 : memref<10112x128xf32, #tpu.memory_space<hbm>>) target(%arg8 : memref<80x128xf32, #tpu.memory_space<vmem>>) offsets(%dma_start3A_70 : memref<80xi32, #tpu.memory_space<vmem>>) semaphore(%dma_start3A_75 : memref<!tpu.dma_semaphore, #tpu.memory_space<semaphore_mem>>)
    %dma_start3A_76 = arith.constant 1 : i32
    %dma_start3A_77 = arith.constant 1 : i32
    %dma_start3A_78 = arith.constant 0 : i32
    %dma_start3A_79 = tpu.memref_slice %arg6[%dma_start3A_76, %dma_start3A_78] : memref<32x80xi32, #tpu.memory_space<vmem>> -> memref<1x80xi32, #tpu.memory_space<vmem>>
    %dma_start3A_80 = tpu.memref_squeeze %dma_start3A_79 : memref<1x80xi32, #tpu.memory_space<vmem>> -> memref<80xi32, #tpu.memory_space<vmem>>
    %dma_start3A_81 = arith.constant 0 : i32
    %dma_start3A_82 = arith.constant 0 : i32
    %dma_start3A_83 = tpu.memref_slice %arg2[%dma_start3A_81, %dma_start3A_82] : memref<10112x128xf32, #tpu.memory_space<hbm>> -> memref<10112x128xf32, #tpu.memory_space<hbm>>
    %dma_start3A_84 = tpu.memref_slice %arg11[%dma_start3A_77] : memref<4x!tpu.dma_semaphore, #tpu.memory_space<semaphore_mem>> -> memref<1x!tpu.dma_semaphore, #tpu.memory_space<semaphore_mem>>
    %dma_start3A_85 = tpu.memref_squeeze %dma_start3A_84 : memref<1x!tpu.dma_semaphore, #tpu.memory_space<semaphore_mem>> -> memref<!tpu.dma_semaphore, #tpu.memory_space<semaphore_mem>>
    tpu.enqueue_indirect_dma source(%dma_start3A_83 : memref<10112x128xf32, #tpu.memory_space<hbm>>) target(%arg9 : memref<80x128xf32, #tpu.memory_space<vmem>>) offsets(%dma_start3A_80 : memref<80xi32, #tpu.memory_space<vmem>>) semaphore(%dma_start3A_85 : memref<!tpu.dma_semaphore, #tpu.memory_space<semaphore_mem>>)
    %scan3A_86 = arith.constant 0 : i32
    %scan3A_87 = arith.constant 1 : i32
    %scan3A_88 = arith.constant 0 : i32
    %scan3A_89 = arith.constant 16 : i32
    %scan3A_90 = arith.addi %scan3A_88, %scan3A_89 : i32
    %scan3A_91 = arith.constant 1 : i32
    scf.for %scan3A_129 = %scan3A_88 to %scan3A_90 step %scan3A_91  : i32 {
      %mul3A_130 = arith.constant 1 : i32
      %mul3A_131 = arith.muli %scan3A_129, %mul3A_130 : i32
      %add3A_132 = arith.constant 0 : i32
      %add3A_133 = arith.addi %add3A_132, %mul3A_131 : i32
      %mul3A_134 = arith.constant 2 : i32
      %mul3A_135 = arith.muli %mul3A_134, %add3A_133 : i32
      %mul3A_136 = arith.constant 2 : i32
      %mul3A_137 = arith.muli %mul3A_136, %add3A_133 : i32
      %add3A_138 = arith.constant 1 : i32
      %add3A_139 = arith.addi %mul3A_137, %add3A_138 : i32
      %dma_wait3A = arith.constant 0 : i32
      %dma_wait3A_140 = tpu.memref_slice %arg6[%mul3A_135, %dma_wait3A] : memref<32x80xi32, #tpu.memory_space<vmem>> -> memref<1x80xi32, #tpu.memory_space<vmem>>
      %dma_wait3A_141 = tpu.memref_squeeze %dma_wait3A_140 : memref<1x80xi32, #tpu.memory_space<vmem>> -> memref<80xi32, #tpu.memory_space<vmem>>
      %dma_wait3A_142 = arith.constant 0 : i32
      %dma_wait3A_143 = arith.constant 0 : i32
      %dma_wait3A_144 = tpu.memref_slice %arg2[%dma_wait3A_142, %dma_wait3A_143] : memref<10112x128xf32, #tpu.memory_space<hbm>> -> memref<10112x128xf32, #tpu.memory_space<hbm>>
      %dma_wait3A_145 = tpu.memref_slice %arg11[%scan3A_86] : memref<4x!tpu.dma_semaphore, #tpu.memory_space<semaphore_mem>> -> memref<1x!tpu.dma_semaphore, #tpu.memory_space<semaphore_mem>>
      %dma_wait3A_146 = tpu.memref_squeeze %dma_wait3A_145 : memref<1x!tpu.dma_semaphore, #tpu.memory_space<semaphore_mem>> -> memref<!tpu.dma_semaphore, #tpu.memory_space<semaphore_mem>>
      tpu.wait_indirect_dma semaphore(%dma_wait3A_146 : memref<!tpu.dma_semaphore, #tpu.memory_space<semaphore_mem>>) src(%dma_wait3A_144 : memref<10112x128xf32, #tpu.memory_space<hbm>>) dst(%arg8 : memref<80x128xf32, #tpu.memory_space<vmem>>)
      "tpu.region"() ({
        %run_scoped3A_166 = tpu.sem_alloc : memref<!tpu.dma_semaphore, #tpu.memory_space<semaphore_mem>>
        %dma_start3A_167 = arith.constant 0 : i32
        %dma_start3A_168 = tpu.memref_slice %arg7[%mul3A_135, %dma_start3A_167] : memref<32x80xi32, #tpu.memory_space<vmem>> -> memref<1x80xi32, #tpu.memory_space<vmem>>
        %dma_start3A_169 = tpu.memref_squeeze %dma_start3A_168 : memref<1x80xi32, #tpu.memory_space<vmem>> -> memref<80xi32, #tpu.memory_space<vmem>>
        %dma_start3A_170 = arith.constant 0 : i32
        %dma_start3A_171 = arith.constant 0 : i32
        %dma_start3A_172 = tpu.memref_slice %arg10[%dma_start3A_170, %dma_start3A_171] : memref<10112x128xf32, #tpu.memory_space<vmem_shared>> -> memref<10112x128xf32, #tpu.memory_space<vmem_shared>>
        tpu.enqueue_indirect_dma source(%arg8 : memref<80x128xf32, #tpu.memory_space<vmem>>) target(%dma_start3A_172 : memref<10112x128xf32, #tpu.memory_space<vmem_shared>>) offsets(%dma_start3A_169 : memref<80xi32, #tpu.memory_space<vmem>>) semaphore(%run_scoped3A_166 : memref<!tpu.dma_semaphore, #tpu.memory_space<semaphore_mem>>) {add = true}
        %dma_wait3A_173 = arith.constant 0 : i32
        %dma_wait3A_174 = tpu.memref_slice %arg7[%mul3A_135, %dma_wait3A_173] : memref<32x80xi32, #tpu.memory_space<vmem>> -> memref<1x80xi32, #tpu.memory_space<vmem>>
        %dma_wait3A_175 = tpu.memref_squeeze %dma_wait3A_174 : memref<1x80xi32, #tpu.memory_space<vmem>> -> memref<80xi32, #tpu.memory_space<vmem>>
        %dma_wait3A_176 = arith.constant 0 : i32
        %dma_wait3A_177 = arith.constant 0 : i32
        %dma_wait3A_178 = tpu.memref_slice %arg10[%dma_wait3A_176, %dma_wait3A_177] : memref<10112x128xf32, #tpu.memory_space<vmem_shared>> -> memref<10112x128xf32, #tpu.memory_space<vmem_shared>>
        tpu.wait_indirect_dma semaphore(%run_scoped3A_166 : memref<!tpu.dma_semaphore, #tpu.memory_space<semaphore_mem>>) src(%arg8 : memref<80x128xf32, #tpu.memory_space<vmem>>) dst(%dma_wait3A_178 : memref<10112x128xf32, #tpu.memory_space<vmem_shared>>)
        tpu.yield
      }) : () -> ()
      %add3A_147 = arith.constant 2 : i32
      %add3A_148 = arith.addi %mul3A_135, %add3A_147 : i32
      %lt3A = arith.constant 32 : i32
      %lt3A_149 = arith.cmpi slt, %add3A_148, %lt3A : i32
      %convert_element_type3A = arith.extui %lt3A_149 : i1 to i32
      %cond3A = arith.constant 0 : i32
      %cond3A_150 = arith.cmpi ne, %convert_element_type3A, %cond3A : i32
      scf.if %cond3A_150 {
        %add3A_166 = arith.constant 2 : i32
        %add3A_167 = arith.addi %mul3A_135, %add3A_166 : i32
        %dma_start3A_168 = arith.constant 0 : i32
        %dma_start3A_169 = tpu.memref_slice %arg6[%add3A_167, %dma_start3A_168] : memref<32x80xi32, #tpu.memory_space<vmem>> -> memref<1x80xi32, #tpu.memory_space<vmem>>
        %dma_start3A_170 = tpu.memref_squeeze %dma_start3A_169 : memref<1x80xi32, #tpu.memory_space<vmem>> -> memref<80xi32, #tpu.memory_space<vmem>>
        %dma_start3A_171 = arith.constant 0 : i32
        %dma_start3A_172 = arith.constant 0 : i32
        %dma_start3A_173 = tpu.memref_slice %arg2[%dma_start3A_171, %dma_start3A_172] : memref<10112x128xf32, #tpu.memory_space<hbm>> -> memref<10112x128xf32, #tpu.memory_space<hbm>>
        %dma_start3A_174 = tpu.memref_slice %arg11[%scan3A_86] : memref<4x!tpu.dma_semaphore, #tpu.memory_space<semaphore_mem>> -> memref<1x!tpu.dma_semaphore, #tpu.memory_space<semaphore_mem>>
        %dma_start3A_175 = tpu.memref_squeeze %dma_start3A_174 : memref<1x!tpu.dma_semaphore, #tpu.memory_space<semaphore_mem>> -> memref<!tpu.dma_semaphore, #tpu.memory_space<semaphore_mem>>
        tpu.enqueue_indirect_dma source(%dma_start3A_173 : memref<10112x128xf32, #tpu.memory_space<hbm>>) target(%arg8 : memref<80x128xf32, #tpu.memory_space<vmem>>) offsets(%dma_start3A_170 : memref<80xi32, #tpu.memory_space<vmem>>) semaphore(%dma_start3A_175 : memref<!tpu.dma_semaphore, #tpu.memory_space<semaphore_mem>>)
      } else {
      }
      %dma_wait3A_151 = arith.constant 0 : i32
      %dma_wait3A_152 = tpu.memref_slice %arg6[%add3A_139, %dma_wait3A_151] : memref<32x80xi32, #tpu.memory_space<vmem>> -> memref<1x80xi32, #tpu.memory_space<vmem>>
      %dma_wait3A_153 = tpu.memref_squeeze %dma_wait3A_152 : memref<1x80xi32, #tpu.memory_space<vmem>> -> memref<80xi32, #tpu.memory_space<vmem>>
      %dma_wait3A_154 = arith.constant 0 : i32
      %dma_wait3A_155 = arith.constant 0 : i32
      %dma_wait3A_156 = tpu.memref_slice %arg2[%dma_wait3A_154, %dma_wait3A_155] : memref<10112x128xf32, #tpu.memory_space<hbm>> -> memref<10112x128xf32, #tpu.memory_space<hbm>>
      %dma_wait3A_157 = tpu.memref_slice %arg11[%scan3A_87] : memref<4x!tpu.dma_semaphore, #tpu.memory_space<semaphore_mem>> -> memref<1x!tpu.dma_semaphore, #tpu.memory_space<semaphore_mem>>
      %dma_wait3A_158 = tpu.memref_squeeze %dma_wait3A_157 : memref<1x!tpu.dma_semaphore, #tpu.memory_space<semaphore_mem>> -> memref<!tpu.dma_semaphore, #tpu.memory_space<semaphore_mem>>
      tpu.wait_indirect_dma semaphore(%dma_wait3A_158 : memref<!tpu.dma_semaphore, #tpu.memory_space<semaphore_mem>>) src(%dma_wait3A_156 : memref<10112x128xf32, #tpu.memory_space<hbm>>) dst(%arg9 : memref<80x128xf32, #tpu.memory_space<vmem>>)
      "tpu.region"() ({
        %run_scoped3A_166 = tpu.sem_alloc : memref<!tpu.dma_semaphore, #tpu.memory_space<semaphore_mem>>
        %dma_start3A_167 = arith.constant 0 : i32
        %dma_start3A_168 = tpu.memref_slice %arg7[%add3A_139, %dma_start3A_167] : memref<32x80xi32, #tpu.memory_space<vmem>> -> memref<1x80xi32, #tpu.memory_space<vmem>>
        %dma_start3A_169 = tpu.memref_squeeze %dma_start3A_168 : memref<1x80xi32, #tpu.memory_space<vmem>> -> memref<80xi32, #tpu.memory_space<vmem>>
        %dma_start3A_170 = arith.constant 0 : i32
        %dma_start3A_171 = arith.constant 0 : i32
        %dma_start3A_172 = tpu.memref_slice %arg10[%dma_start3A_170, %dma_start3A_171] : memref<10112x128xf32, #tpu.memory_space<vmem_shared>> -> memref<10112x128xf32, #tpu.memory_space<vmem_shared>>
        tpu.enqueue_indirect_dma source(%arg9 : memref<80x128xf32, #tpu.memory_space<vmem>>) target(%dma_start3A_172 : memref<10112x128xf32, #tpu.memory_space<vmem_shared>>) offsets(%dma_start3A_169 : memref<80xi32, #tpu.memory_space<vmem>>) semaphore(%run_scoped3A_166 : memref<!tpu.dma_semaphore, #tpu.memory_space<semaphore_mem>>) {add = true}
        %dma_wait3A_173 = arith.constant 0 : i32
        %dma_wait3A_174 = tpu.memref_slice %arg7[%add3A_139, %dma_wait3A_173] : memref<32x80xi32, #tpu.memory_space<vmem>> -> memref<1x80xi32, #tpu.memory_space<vmem>>
        %dma_wait3A_175 = tpu.memref_squeeze %dma_wait3A_174 : memref<1x80xi32, #tpu.memory_space<vmem>> -> memref<80xi32, #tpu.memory_space<vmem>>
        %dma_wait3A_176 = arith.constant 0 : i32
        %dma_wait3A_177 = arith.constant 0 : i32
        %dma_wait3A_178 = tpu.memref_slice %arg10[%dma_wait3A_176, %dma_wait3A_177] : memref<10112x128xf32, #tpu.memory_space<vmem_shared>> -> memref<10112x128xf32, #tpu.memory_space<vmem_shared>>
        tpu.wait_indirect_dma semaphore(%run_scoped3A_166 : memref<!tpu.dma_semaphore, #tpu.memory_space<semaphore_mem>>) src(%arg9 : memref<80x128xf32, #tpu.memory_space<vmem>>) dst(%dma_wait3A_178 : memref<10112x128xf32, #tpu.memory_space<vmem_shared>>)
        tpu.yield
      }) : () -> ()
      %add3A_159 = arith.constant 2 : i32
      %add3A_160 = arith.addi %add3A_139, %add3A_159 : i32
      %lt3A_161 = arith.constant 32 : i32
      %lt3A_162 = arith.cmpi slt, %add3A_160, %lt3A_161 : i32
      %convert_element_type3A_163 = arith.extui %lt3A_162 : i1 to i32
      %cond3A_164 = arith.constant 0 : i32
      %cond3A_165 = arith.cmpi ne, %convert_element_type3A_163, %cond3A_164 : i32
      scf.if %cond3A_165 {
        %add3A_166 = arith.constant 2 : i32
        %add3A_167 = arith.addi %add3A_139, %add3A_166 : i32
        %dma_start3A_168 = arith.constant 0 : i32
        %dma_start3A_169 = tpu.memref_slice %arg6[%add3A_167, %dma_start3A_168] : memref<32x80xi32, #tpu.memory_space<vmem>> -> memref<1x80xi32, #tpu.memory_space<vmem>>
        %dma_start3A_170 = tpu.memref_squeeze %dma_start3A_169 : memref<1x80xi32, #tpu.memory_space<vmem>> -> memref<80xi32, #tpu.memory_space<vmem>>
        %dma_start3A_171 = arith.constant 0 : i32
        %dma_start3A_172 = arith.constant 0 : i32
        %dma_start3A_173 = tpu.memref_slice %arg2[%dma_start3A_171, %dma_start3A_172] : memref<10112x128xf32, #tpu.memory_space<hbm>> -> memref<10112x128xf32, #tpu.memory_space<hbm>>
        %dma_start3A_174 = tpu.memref_slice %arg11[%scan3A_87] : memref<4x!tpu.dma_semaphore, #tpu.memory_space<semaphore_mem>> -> memref<1x!tpu.dma_semaphore, #tpu.memory_space<semaphore_mem>>
        %dma_start3A_175 = tpu.memref_squeeze %dma_start3A_174 : memref<1x!tpu.dma_semaphore, #tpu.memory_space<semaphore_mem>> -> memref<!tpu.dma_semaphore, #tpu.memory_space<semaphore_mem>>
        tpu.enqueue_indirect_dma source(%dma_start3A_173 : memref<10112x128xf32, #tpu.memory_space<hbm>>) target(%arg9 : memref<80x128xf32, #tpu.memory_space<vmem>>) offsets(%dma_start3A_170 : memref<80xi32, #tpu.memory_space<vmem>>) semaphore(%dma_start3A_175 : memref<!tpu.dma_semaphore, #tpu.memory_space<semaphore_mem>>)
      } else {
      }
    }
    %scan3A_92 = arith.constant 16 : i32
    %run_scoped3A_93 = arith.constant 0 : i32
    %run_scoped3A_94 = arith.constant 3 : i32
    "tpu.region"() ({
      %run_scoped3A_129 = tpu.sem_alloc : memref<!tpu.dma_semaphore, #tpu.memory_space<semaphore_mem>>
      %dma_start3A_130 = arith.constant 0 : i32
      %dma_start3A_131 = arith.constant 0 : i32
      %dma_start3A_132 = tpu.memref_slice %arg3[%run_scoped3A_93, %add3A, %run_scoped3A_94, %dma_start3A_130, %dma_start3A_131] : memref<2x32x4x32x80xi32, #tpu.memory_space<hbm>> -> memref<1x1x1x32x80xi32, #tpu.memory_space<hbm>>
      %dma_start3A_133 = tpu.memref_squeeze %dma_start3A_132 : memref<1x1x1x32x80xi32, #tpu.memory_space<hbm>> -> memref<32x80xi32, #tpu.memory_space<hbm>>
      %dma_start3A_134 = arith.constant 0 : i32
      %dma_start3A_135 = arith.constant 0 : i32
      %dma_start3A_136 = tpu.memref_slice %arg3[%run_scoped3A_93, %add3A, %run_scoped3A_94, %dma_start3A_134, %dma_start3A_135] : memref<2x32x4x32x80xi32, #tpu.memory_space<hbm>> -> memref<1x1x1x32x80xi32, #tpu.memory_space<hbm>>
      %dma_start3A_137 = tpu.memref_squeeze %dma_start3A_136 : memref<1x1x1x32x80xi32, #tpu.memory_space<hbm>> -> memref<32x80xi32, #tpu.memory_space<hbm>>
      tpu.enqueue_dma source(%dma_start3A_137 : memref<32x80xi32, #tpu.memory_space<hbm>>) target(%arg6 : memref<32x80xi32, #tpu.memory_space<vmem>>) target_semaphore(%run_scoped3A_129 : memref<!tpu.dma_semaphore, #tpu.memory_space<semaphore_mem>>)
      %dma_wait3A = arith.constant 0 : i32
      %dma_wait3A_138 = arith.constant 0 : i32
      %dma_wait3A_139 = tpu.memref_slice %arg3[%run_scoped3A_93, %add3A, %run_scoped3A_94, %dma_wait3A, %dma_wait3A_138] : memref<2x32x4x32x80xi32, #tpu.memory_space<hbm>> -> memref<1x1x1x32x80xi32, #tpu.memory_space<hbm>>
      %dma_wait3A_140 = tpu.memref_squeeze %dma_wait3A_139 : memref<1x1x1x32x80xi32, #tpu.memory_space<hbm>> -> memref<32x80xi32, #tpu.memory_space<hbm>>
      %dma_wait3A_141 = arith.constant 0 : i32
      %dma_wait3A_142 = arith.constant 0 : i32
      %dma_wait3A_143 = tpu.memref_slice %arg3[%run_scoped3A_93, %add3A, %run_scoped3A_94, %dma_wait3A_141, %dma_wait3A_142] : memref<2x32x4x32x80xi32, #tpu.memory_space<hbm>> -> memref<1x1x1x32x80xi32, #tpu.memory_space<hbm>>
      %dma_wait3A_144 = tpu.memref_squeeze %dma_wait3A_143 : memref<1x1x1x32x80xi32, #tpu.memory_space<hbm>> -> memref<32x80xi32, #tpu.memory_space<hbm>>
      tpu.wait_dma2 semaphore(%run_scoped3A_129 : memref<!tpu.dma_semaphore, #tpu.memory_space<semaphore_mem>>) src(%dma_wait3A_144 : memref<32x80xi32, #tpu.memory_space<hbm>>) dst(%arg6 : memref<32x80xi32, #tpu.memory_space<vmem>>)
      tpu.yield
    }) : () -> ()
    %run_scoped3A_95 = arith.constant 1 : i32
    %run_scoped3A_96 = arith.constant 3 : i32
    "tpu.region"() ({
      %run_scoped3A_129 = tpu.sem_alloc : memref<!tpu.dma_semaphore, #tpu.memory_space<semaphore_mem>>
      %dma_start3A_130 = arith.constant 0 : i32
      %dma_start3A_131 = arith.constant 0 : i32
      %dma_start3A_132 = tpu.memref_slice %arg3[%run_scoped3A_95, %add3A, %run_scoped3A_96, %dma_start3A_130, %dma_start3A_131] : memref<2x32x4x32x80xi32, #tpu.memory_space<hbm>> -> memref<1x1x1x32x80xi32, #tpu.memory_space<hbm>>
      %dma_start3A_133 = tpu.memref_squeeze %dma_start3A_132 : memref<1x1x1x32x80xi32, #tpu.memory_space<hbm>> -> memref<32x80xi32, #tpu.memory_space<hbm>>
      %dma_start3A_134 = arith.constant 0 : i32
      %dma_start3A_135 = arith.constant 0 : i32
      %dma_start3A_136 = tpu.memref_slice %arg3[%run_scoped3A_95, %add3A, %run_scoped3A_96, %dma_start3A_134, %dma_start3A_135] : memref<2x32x4x32x80xi32, #tpu.memory_space<hbm>> -> memref<1x1x1x32x80xi32, #tpu.memory_space<hbm>>
      %dma_start3A_137 = tpu.memref_squeeze %dma_start3A_136 : memref<1x1x1x32x80xi32, #tpu.memory_space<hbm>> -> memref<32x80xi32, #tpu.memory_space<hbm>>
      tpu.enqueue_dma source(%dma_start3A_137 : memref<32x80xi32, #tpu.memory_space<hbm>>) target(%arg7 : memref<32x80xi32, #tpu.memory_space<vmem>>) target_semaphore(%run_scoped3A_129 : memref<!tpu.dma_semaphore, #tpu.memory_space<semaphore_mem>>)
      %dma_wait3A = arith.constant 0 : i32
      %dma_wait3A_138 = arith.constant 0 : i32
      %dma_wait3A_139 = tpu.memref_slice %arg3[%run_scoped3A_95, %add3A, %run_scoped3A_96, %dma_wait3A, %dma_wait3A_138] : memref<2x32x4x32x80xi32, #tpu.memory_space<hbm>> -> memref<1x1x1x32x80xi32, #tpu.memory_space<hbm>>
      %dma_wait3A_140 = tpu.memref_squeeze %dma_wait3A_139 : memref<1x1x1x32x80xi32, #tpu.memory_space<hbm>> -> memref<32x80xi32, #tpu.memory_space<hbm>>
      %dma_wait3A_141 = arith.constant 0 : i32
      %dma_wait3A_142 = arith.constant 0 : i32
      %dma_wait3A_143 = tpu.memref_slice %arg3[%run_scoped3A_95, %add3A, %run_scoped3A_96, %dma_wait3A_141, %dma_wait3A_142] : memref<2x32x4x32x80xi32, #tpu.memory_space<hbm>> -> memref<1x1x1x32x80xi32, #tpu.memory_space<hbm>>
      %dma_wait3A_144 = tpu.memref_squeeze %dma_wait3A_143 : memref<1x1x1x32x80xi32, #tpu.memory_space<hbm>> -> memref<32x80xi32, #tpu.memory_space<hbm>>
      tpu.wait_dma2 semaphore(%run_scoped3A_129 : memref<!tpu.dma_semaphore, #tpu.memory_space<semaphore_mem>>) src(%dma_wait3A_144 : memref<32x80xi32, #tpu.memory_space<hbm>>) dst(%arg7 : memref<32x80xi32, #tpu.memory_space<vmem>>)
      tpu.yield
    }) : () -> ()
    %dma_start3A_97 = arith.constant 0 : i32
    %dma_start3A_98 = arith.constant 0 : i32
    %dma_start3A_99 = arith.constant 0 : i32
    %dma_start3A_100 = tpu.memref_slice %arg6[%dma_start3A_97, %dma_start3A_99] : memref<32x80xi32, #tpu.memory_space<vmem>> -> memref<1x80xi32, #tpu.memory_space<vmem>>
    %dma_start3A_101 = tpu.memref_squeeze %dma_start3A_100 : memref<1x80xi32, #tpu.memory_space<vmem>> -> memref<80xi32, #tpu.memory_space<vmem>>
    %dma_start3A_102 = arith.constant 0 : i32
    %dma_start3A_103 = arith.constant 0 : i32
    %dma_start3A_104 = tpu.memref_slice %arg2[%dma_start3A_102, %dma_start3A_103] : memref<10112x128xf32, #tpu.memory_space<hbm>> -> memref<10112x128xf32, #tpu.memory_space<hbm>>
    %dma_start3A_105 = tpu.memref_slice %arg11[%dma_start3A_98] : memref<4x!tpu.dma_semaphore, #tpu.memory_space<semaphore_mem>> -> memref<1x!tpu.dma_semaphore, #tpu.memory_space<semaphore_mem>>
    %dma_start3A_106 = tpu.memref_squeeze %dma_start3A_105 : memref<1x!tpu.dma_semaphore, #tpu.memory_space<semaphore_mem>> -> memref<!tpu.dma_semaphore, #tpu.memory_space<semaphore_mem>>
    tpu.enqueue_indirect_dma source(%dma_start3A_104 : memref<10112x128xf32, #tpu.memory_space<hbm>>) target(%arg8 : memref<80x128xf32, #tpu.memory_space<vmem>>) offsets(%dma_start3A_101 : memref<80xi32, #tpu.memory_space<vmem>>) semaphore(%dma_start3A_106 : memref<!tpu.dma_semaphore, #tpu.memory_space<semaphore_mem>>)
    %dma_start3A_107 = arith.constant 1 : i32
    %dma_start3A_108 = arith.constant 1 : i32
    %dma_start3A_109 = arith.constant 0 : i32
    %dma_start3A_110 = tpu.memref_slice %arg6[%dma_start3A_107, %dma_start3A_109] : memref<32x80xi32, #tpu.memory_space<vmem>> -> memref<1x80xi32, #tpu.memory_space<vmem>>
    %dma_start3A_111 = tpu.memref_squeeze %dma_start3A_110 : memref<1x80xi32, #tpu.memory_space<vmem>> -> memref<80xi32, #tpu.memory_space<vmem>>
    %dma_start3A_112 = arith.constant 0 : i32
    %dma_start3A_113 = arith.constant 0 : i32
    %dma_start3A_114 = tpu.memref_slice %arg2[%dma_start3A_112, %dma_start3A_113] : memref<10112x128xf32, #tpu.memory_space<hbm>> -> memref<10112x128xf32, #tpu.memory_space<hbm>>
    %dma_start3A_115 = tpu.memref_slice %arg11[%dma_start3A_108] : memref<4x!tpu.dma_semaphore, #tpu.memory_space<semaphore_mem>> -> memref<1x!tpu.dma_semaphore, #tpu.memory_space<semaphore_mem>>
    %dma_start3A_116 = tpu.memref_squeeze %dma_start3A_115 : memref<1x!tpu.dma_semaphore, #tpu.memory_space<semaphore_mem>> -> memref<!tpu.dma_semaphore, #tpu.memory_space<semaphore_mem>>
    tpu.enqueue_indirect_dma source(%dma_start3A_114 : memref<10112x128xf32, #tpu.memory_space<hbm>>) target(%arg9 : memref<80x128xf32, #tpu.memory_space<vmem>>) offsets(%dma_start3A_111 : memref<80xi32, #tpu.memory_space<vmem>>) semaphore(%dma_start3A_116 : memref<!tpu.dma_semaphore, #tpu.memory_space<semaphore_mem>>)
    %scan3A_117 = arith.constant 0 : i32
    %scan3A_118 = arith.constant 1 : i32
    %scan3A_119 = arith.constant 0 : i32
    %scan3A_120 = arith.constant 16 : i32
    %scan3A_121 = arith.addi %scan3A_119, %scan3A_120 : i32
    %scan3A_122 = arith.constant 1 : i32
    scf.for %scan3A_129 = %scan3A_119 to %scan3A_121 step %scan3A_122  : i32 {
      %mul3A_130 = arith.constant 1 : i32
      %mul3A_131 = arith.muli %scan3A_129, %mul3A_130 : i32
      %add3A_132 = arith.constant 0 : i32
      %add3A_133 = arith.addi %add3A_132, %mul3A_131 : i32
      %mul3A_134 = arith.constant 2 : i32
      %mul3A_135 = arith.muli %mul3A_134, %add3A_133 : i32
      %mul3A_136 = arith.constant 2 : i32
      %mul3A_137 = arith.muli %mul3A_136, %add3A_133 : i32
      %add3A_138 = arith.constant 1 : i32
      %add3A_139 = arith.addi %mul3A_137, %add3A_138 : i32
      %dma_wait3A = arith.constant 0 : i32
      %dma_wait3A_140 = tpu.memref_slice %arg6[%mul3A_135, %dma_wait3A] : memref<32x80xi32, #tpu.memory_space<vmem>> -> memref<1x80xi32, #tpu.memory_space<vmem>>
      %dma_wait3A_141 = tpu.memref_squeeze %dma_wait3A_140 : memref<1x80xi32, #tpu.memory_space<vmem>> -> memref<80xi32, #tpu.memory_space<vmem>>
      %dma_wait3A_142 = arith.constant 0 : i32
      %dma_wait3A_143 = arith.constant 0 : i32
      %dma_wait3A_144 = tpu.memref_slice %arg2[%dma_wait3A_142, %dma_wait3A_143] : memref<10112x128xf32, #tpu.memory_space<hbm>> -> memref<10112x128xf32, #tpu.memory_space<hbm>>
      %dma_wait3A_145 = tpu.memref_slice %arg11[%scan3A_117] : memref<4x!tpu.dma_semaphore, #tpu.memory_space<semaphore_mem>> -> memref<1x!tpu.dma_semaphore, #tpu.memory_space<semaphore_mem>>
      %dma_wait3A_146 = tpu.memref_squeeze %dma_wait3A_145 : memref<1x!tpu.dma_semaphore, #tpu.memory_space<semaphore_mem>> -> memref<!tpu.dma_semaphore, #tpu.memory_space<semaphore_mem>>
      tpu.wait_indirect_dma semaphore(%dma_wait3A_146 : memref<!tpu.dma_semaphore, #tpu.memory_space<semaphore_mem>>) src(%dma_wait3A_144 : memref<10112x128xf32, #tpu.memory_space<hbm>>) dst(%arg8 : memref<80x128xf32, #tpu.memory_space<vmem>>)
      "tpu.region"() ({
        %run_scoped3A_166 = tpu.sem_alloc : memref<!tpu.dma_semaphore, #tpu.memory_space<semaphore_mem>>
        %dma_start3A_167 = arith.constant 0 : i32
        %dma_start3A_168 = tpu.memref_slice %arg7[%mul3A_135, %dma_start3A_167] : memref<32x80xi32, #tpu.memory_space<vmem>> -> memref<1x80xi32, #tpu.memory_space<vmem>>
        %dma_start3A_169 = tpu.memref_squeeze %dma_start3A_168 : memref<1x80xi32, #tpu.memory_space<vmem>> -> memref<80xi32, #tpu.memory_space<vmem>>
        %dma_start3A_170 = arith.constant 0 : i32
        %dma_start3A_171 = arith.constant 0 : i32
        %dma_start3A_172 = tpu.memref_slice %arg10[%dma_start3A_170, %dma_start3A_171] : memref<10112x128xf32, #tpu.memory_space<vmem_shared>> -> memref<10112x128xf32, #tpu.memory_space<vmem_shared>>
        tpu.enqueue_indirect_dma source(%arg8 : memref<80x128xf32, #tpu.memory_space<vmem>>) target(%dma_start3A_172 : memref<10112x128xf32, #tpu.memory_space<vmem_shared>>) offsets(%dma_start3A_169 : memref<80xi32, #tpu.memory_space<vmem>>) semaphore(%run_scoped3A_166 : memref<!tpu.dma_semaphore, #tpu.memory_space<semaphore_mem>>) {add = true}
        %dma_wait3A_173 = arith.constant 0 : i32
        %dma_wait3A_174 = tpu.memref_slice %arg7[%mul3A_135, %dma_wait3A_173] : memref<32x80xi32, #tpu.memory_space<vmem>> -> memref<1x80xi32, #tpu.memory_space<vmem>>
        %dma_wait3A_175 = tpu.memref_squeeze %dma_wait3A_174 : memref<1x80xi32, #tpu.memory_space<vmem>> -> memref<80xi32, #tpu.memory_space<vmem>>
        %dma_wait3A_176 = arith.constant 0 : i32
        %dma_wait3A_177 = arith.constant 0 : i32
        %dma_wait3A_178 = tpu.memref_slice %arg10[%dma_wait3A_176, %dma_wait3A_177] : memref<10112x128xf32, #tpu.memory_space<vmem_shared>> -> memref<10112x128xf32, #tpu.memory_space<vmem_shared>>
        tpu.wait_indirect_dma semaphore(%run_scoped3A_166 : memref<!tpu.dma_semaphore, #tpu.memory_space<semaphore_mem>>) src(%arg8 : memref<80x128xf32, #tpu.memory_space<vmem>>) dst(%dma_wait3A_178 : memref<10112x128xf32, #tpu.memory_space<vmem_shared>>)
        tpu.yield
      }) : () -> ()
      %add3A_147 = arith.constant 2 : i32
      %add3A_148 = arith.addi %mul3A_135, %add3A_147 : i32
      %lt3A = arith.constant 32 : i32
      %lt3A_149 = arith.cmpi slt, %add3A_148, %lt3A : i32
      %convert_element_type3A = arith.extui %lt3A_149 : i1 to i32
      %cond3A = arith.constant 0 : i32
      %cond3A_150 = arith.cmpi ne, %convert_element_type3A, %cond3A : i32
      scf.if %cond3A_150 {
        %add3A_166 = arith.constant 2 : i32
        %add3A_167 = arith.addi %mul3A_135, %add3A_166 : i32
        %dma_start3A_168 = arith.constant 0 : i32
        %dma_start3A_169 = tpu.memref_slice %arg6[%add3A_167, %dma_start3A_168] : memref<32x80xi32, #tpu.memory_space<vmem>> -> memref<1x80xi32, #tpu.memory_space<vmem>>
        %dma_start3A_170 = tpu.memref_squeeze %dma_start3A_169 : memref<1x80xi32, #tpu.memory_space<vmem>> -> memref<80xi32, #tpu.memory_space<vmem>>
        %dma_start3A_171 = arith.constant 0 : i32
        %dma_start3A_172 = arith.constant 0 : i32
        %dma_start3A_173 = tpu.memref_slice %arg2[%dma_start3A_171, %dma_start3A_172] : memref<10112x128xf32, #tpu.memory_space<hbm>> -> memref<10112x128xf32, #tpu.memory_space<hbm>>
        %dma_start3A_174 = tpu.memref_slice %arg11[%scan3A_117] : memref<4x!tpu.dma_semaphore, #tpu.memory_space<semaphore_mem>> -> memref<1x!tpu.dma_semaphore, #tpu.memory_space<semaphore_mem>>
        %dma_start3A_175 = tpu.memref_squeeze %dma_start3A_174 : memref<1x!tpu.dma_semaphore, #tpu.memory_space<semaphore_mem>> -> memref<!tpu.dma_semaphore, #tpu.memory_space<semaphore_mem>>
        tpu.enqueue_indirect_dma source(%dma_start3A_173 : memref<10112x128xf32, #tpu.memory_space<hbm>>) target(%arg8 : memref<80x128xf32, #tpu.memory_space<vmem>>) offsets(%dma_start3A_170 : memref<80xi32, #tpu.memory_space<vmem>>) semaphore(%dma_start3A_175 : memref<!tpu.dma_semaphore, #tpu.memory_space<semaphore_mem>>)
      } else {
      }
      %dma_wait3A_151 = arith.constant 0 : i32
      %dma_wait3A_152 = tpu.memref_slice %arg6[%add3A_139, %dma_wait3A_151] : memref<32x80xi32, #tpu.memory_space<vmem>> -> memref<1x80xi32, #tpu.memory_space<vmem>>
      %dma_wait3A_153 = tpu.memref_squeeze %dma_wait3A_152 : memref<1x80xi32, #tpu.memory_space<vmem>> -> memref<80xi32, #tpu.memory_space<vmem>>
      %dma_wait3A_154 = arith.constant 0 : i32
      %dma_wait3A_155 = arith.constant 0 : i32
      %dma_wait3A_156 = tpu.memref_slice %arg2[%dma_wait3A_154, %dma_wait3A_155] : memref<10112x128xf32, #tpu.memory_space<hbm>> -> memref<10112x128xf32, #tpu.memory_space<hbm>>
      %dma_wait3A_157 = tpu.memref_slice %arg11[%scan3A_118] : memref<4x!tpu.dma_semaphore, #tpu.memory_space<semaphore_mem>> -> memref<1x!tpu.dma_semaphore, #tpu.memory_space<semaphore_mem>>
      %dma_wait3A_158 = tpu.memref_squeeze %dma_wait3A_157 : memref<1x!tpu.dma_semaphore, #tpu.memory_space<semaphore_mem>> -> memref<!tpu.dma_semaphore, #tpu.memory_space<semaphore_mem>>
      tpu.wait_indirect_dma semaphore(%dma_wait3A_158 : memref<!tpu.dma_semaphore, #tpu.memory_space<semaphore_mem>>) src(%dma_wait3A_156 : memref<10112x128xf32, #tpu.memory_space<hbm>>) dst(%arg9 : memref<80x128xf32, #tpu.memory_space<vmem>>)
      "tpu.region"() ({
        %run_scoped3A_166 = tpu.sem_alloc : memref<!tpu.dma_semaphore, #tpu.memory_space<semaphore_mem>>
        %dma_start3A_167 = arith.constant 0 : i32
        %dma_start3A_168 = tpu.memref_slice %arg7[%add3A_139, %dma_start3A_167] : memref<32x80xi32, #tpu.memory_space<vmem>> -> memref<1x80xi32, #tpu.memory_space<vmem>>
        %dma_start3A_169 = tpu.memref_squeeze %dma_start3A_168 : memref<1x80xi32, #tpu.memory_space<vmem>> -> memref<80xi32, #tpu.memory_space<vmem>>
        %dma_start3A_170 = arith.constant 0 : i32
        %dma_start3A_171 = arith.constant 0 : i32
        %dma_start3A_172 = tpu.memref_slice %arg10[%dma_start3A_170, %dma_start3A_171] : memref<10112x128xf32, #tpu.memory_space<vmem_shared>> -> memref<10112x128xf32, #tpu.memory_space<vmem_shared>>
        tpu.enqueue_indirect_dma source(%arg9 : memref<80x128xf32, #tpu.memory_space<vmem>>) target(%dma_start3A_172 : memref<10112x128xf32, #tpu.memory_space<vmem_shared>>) offsets(%dma_start3A_169 : memref<80xi32, #tpu.memory_space<vmem>>) semaphore(%run_scoped3A_166 : memref<!tpu.dma_semaphore, #tpu.memory_space<semaphore_mem>>) {add = true}
        %dma_wait3A_173 = arith.constant 0 : i32
        %dma_wait3A_174 = tpu.memref_slice %arg7[%add3A_139, %dma_wait3A_173] : memref<32x80xi32, #tpu.memory_space<vmem>> -> memref<1x80xi32, #tpu.memory_space<vmem>>
        %dma_wait3A_175 = tpu.memref_squeeze %dma_wait3A_174 : memref<1x80xi32, #tpu.memory_space<vmem>> -> memref<80xi32, #tpu.memory_space<vmem>>
        %dma_wait3A_176 = arith.constant 0 : i32
        %dma_wait3A_177 = arith.constant 0 : i32
        %dma_wait3A_178 = tpu.memref_slice %arg10[%dma_wait3A_176, %dma_wait3A_177] : memref<10112x128xf32, #tpu.memory_space<vmem_shared>> -> memref<10112x128xf32, #tpu.memory_space<vmem_shared>>
        tpu.wait_indirect_dma semaphore(%run_scoped3A_166 : memref<!tpu.dma_semaphore, #tpu.memory_space<semaphore_mem>>) src(%arg9 : memref<80x128xf32, #tpu.memory_space<vmem>>) dst(%dma_wait3A_178 : memref<10112x128xf32, #tpu.memory_space<vmem_shared>>)
        tpu.yield
      }) : () -> ()
      %add3A_159 = arith.constant 2 : i32
      %add3A_160 = arith.addi %add3A_139, %add3A_159 : i32
      %lt3A_161 = arith.constant 32 : i32
      %lt3A_162 = arith.cmpi slt, %add3A_160, %lt3A_161 : i32
      %convert_element_type3A_163 = arith.extui %lt3A_162 : i1 to i32
      %cond3A_164 = arith.constant 0 : i32
      %cond3A_165 = arith.cmpi ne, %convert_element_type3A_163, %cond3A_164 : i32
      scf.if %cond3A_165 {
        %add3A_166 = arith.constant 2 : i32
        %add3A_167 = arith.addi %add3A_139, %add3A_166 : i32
        %dma_start3A_168 = arith.constant 0 : i32
        %dma_start3A_169 = tpu.memref_slice %arg6[%add3A_167, %dma_start3A_168] : memref<32x80xi32, #tpu.memory_space<vmem>> -> memref<1x80xi32, #tpu.memory_space<vmem>>
        %dma_start3A_170 = tpu.memref_squeeze %dma_start3A_169 : memref<1x80xi32, #tpu.memory_space<vmem>> -> memref<80xi32, #tpu.memory_space<vmem>>
        %dma_start3A_171 = arith.constant 0 : i32
        %dma_start3A_172 = arith.constant 0 : i32
        %dma_start3A_173 = tpu.memref_slice %arg2[%dma_start3A_171, %dma_start3A_172] : memref<10112x128xf32, #tpu.memory_space<hbm>> -> memref<10112x128xf32, #tpu.memory_space<hbm>>
        %dma_start3A_174 = tpu.memref_slice %arg11[%scan3A_118] : memref<4x!tpu.dma_semaphore, #tpu.memory_space<semaphore_mem>> -> memref<1x!tpu.dma_semaphore, #tpu.memory_space<semaphore_mem>>
        %dma_start3A_175 = tpu.memref_squeeze %dma_start3A_174 : memref<1x!tpu.dma_semaphore, #tpu.memory_space<semaphore_mem>> -> memref<!tpu.dma_semaphore, #tpu.memory_space<semaphore_mem>>
        tpu.enqueue_indirect_dma source(%dma_start3A_173 : memref<10112x128xf32, #tpu.memory_space<hbm>>) target(%arg9 : memref<80x128xf32, #tpu.memory_space<vmem>>) offsets(%dma_start3A_170 : memref<80xi32, #tpu.memory_space<vmem>>) semaphore(%dma_start3A_175 : memref<!tpu.dma_semaphore, #tpu.memory_space<semaphore_mem>>)
      } else {
      }
    }
    %scan3A_123 = arith.constant 16 : i32
    %barrier3A_124 = arith.constant 0 : index
    tpu.barrier barrier_id(%barrier3A_124)
    %mul3A_125 = arith.constant 632 : i32
    %mul3A_126 = arith.muli %arg1, %mul3A_125 : i32
    %mul3A_127 = arith.constant 632 : i32
    %mul3A_128 = arith.muli %arg1, %mul3A_127 : i32
    "tpu.region"() ({
      %run_scoped3A_129 = tpu.sem_alloc : memref<!tpu.dma_semaphore, #tpu.memory_space<semaphore_mem>>
      %dma_start3A_130 = arith.constant 0 : i32
      %dma_start3A_131 = tpu.memref_slice %arg5[%arg0, %mul3A_128, %dma_start3A_130] : memref<2x10112x128xf32, #tpu.memory_space<hbm>> -> memref<1x632x128xf32, #tpu.memory_space<hbm>>
      %dma_start3A_132 = tpu.memref_squeeze %dma_start3A_131 : memref<1x632x128xf32, #tpu.memory_space<hbm>> -> memref<632x128xf32, #tpu.memory_space<hbm>>
      %dma_start3A_133 = arith.constant 0 : i32
      %dma_start3A_134 = tpu.memref_slice %arg10[%mul3A_126, %dma_start3A_133] : memref<10112x128xf32, #tpu.memory_space<vmem_shared>> -> memref<632x128xf32, #tpu.memory_space<vmem_shared>>
      tpu.enqueue_dma source(%dma_start3A_134 : memref<632x128xf32, #tpu.memory_space<vmem_shared>>) target(%dma_start3A_132 : memref<632x128xf32, #tpu.memory_space<hbm>>) target_semaphore(%run_scoped3A_129 : memref<!tpu.dma_semaphore, #tpu.memory_space<semaphore_mem>>)
      %dma_wait3A = arith.constant 0 : i32
      %dma_wait3A_135 = tpu.memref_slice %arg5[%arg0, %mul3A_128, %dma_wait3A] : memref<2x10112x128xf32, #tpu.memory_space<hbm>> -> memref<1x632x128xf32, #tpu.memory_space<hbm>>
      %dma_wait3A_136 = tpu.memref_squeeze %dma_wait3A_135 : memref<1x632x128xf32, #tpu.memory_space<hbm>> -> memref<632x128xf32, #tpu.memory_space<hbm>>
      %dma_wait3A_137 = arith.constant 0 : i32
      %dma_wait3A_138 = tpu.memref_slice %arg10[%mul3A_126, %dma_wait3A_137] : memref<10112x128xf32, #tpu.memory_space<vmem_shared>> -> memref<632x128xf32, #tpu.memory_space<vmem_shared>>
      tpu.wait_dma2 semaphore(%run_scoped3A_129 : memref<!tpu.dma_semaphore, #tpu.memory_space<semaphore_mem>>) src(%dma_wait3A_138 : memref<632x128xf32, #tpu.memory_space<vmem_shared>>) dst(%dma_wait3A_136 : memref<632x128xf32, #tpu.memory_space<hbm>>)
      tpu.yield
    }) : () -> ()
    return
  }
}

#map = affine_map<(d0, d1) -> (0, 0)>
#map1 = affine_map<(d0, d1) -> (0, 0, 0, 0, 0)>
#map2 = affine_map<(d0, d1) -> (0, 0, 0)>
module attributes {stable_mosaic.version = 14 : i64} {
  func.func @_spmm_body(%arg0: i32, %arg1: i32, %arg2: memref<10112x128xf32, #tpu.memory_space<hbm>>, %arg3: memref<2x32x4x32x80xi32, #tpu.memory_space<hbm>>, %arg4: memref<632x128xf32, #tpu.memory_space<hbm>>, %arg5: memref<2x10112x128xf32, #tpu.memory_space<hbm>>, %arg6: memref<32x80xi32, #tpu.memory_space<vmem>>, %arg7: memref<32x80xi32, #tpu.memory_space<vmem>>, %arg8: memref<80x128xf32, #tpu.memory_space<vmem>>, %arg9: memref<80x128xf32, #tpu.memory_space<vmem>>, %arg10: memref<10112x128xf32, #tpu.memory_space<vmem_shared>>, %arg11: memref<4x!tpu.dma_semaphore, #tpu.memory_space<semaphore_mem>>) attributes {dimension_semantics = [#tpu.dimension_semantics<core_parallel>, #tpu.dimension_semantics<subcore_parallel>], iteration_bounds = array<i64: 2, 16>, scalar_prefetch = 0 : i64, scratch_operands = 6 : i64, tpu.core_type = #tpu.core_type<sc_vector_subcore>, window_params = [{transform_indices = #map}, {transform_indices = #map1}, {transform_indices = #map}, {transform_indices = #map2}]} {
    %mul3A = arith.constant 16 : i32
    %mul3A_0 = arith.muli %arg0, %mul3A : i32
    %add3A = arith.addi %mul3A_0, %arg1 : i32
    %mul3A_1 = arith.constant 632 : i32
    %mul3A_2 = arith.muli %arg1, %mul3A_1 : i32
    "tpu.region"() ({
      %run_scoped3A_129 = tpu.sem_alloc : memref<!tpu.dma_semaphore, #tpu.memory_space<semaphore_mem>>
      %dma_start3A_130 = arith.constant 0 : i32
      %dma_start3A_131 = tpu.memref_slice %arg10[%mul3A_2, %dma_start3A_130] : memref<10112x128xf32, #tpu.memory_space<vmem_shared>> -> memref<632x128xf32, #tpu.memory_space<vmem_shared>>
      tpu.enqueue_dma source(%arg4 : memref<632x128xf32, #tpu.memory_space<hbm>>) target(%dma_start3A_131 : memref<632x128xf32, #tpu.memory_space<vmem_shared>>) target_semaphore(%run_scoped3A_129 : memref<!tpu.dma_semaphore, #tpu.memory_space<semaphore_mem>>)
      %dma_wait3A = arith.constant 0 : i32
      %dma_wait3A_132 = tpu.memref_slice %arg10[%mul3A_2, %dma_wait3A] : memref<10112x128xf32, #tpu.memory_space<vmem_shared>> -> memref<632x128xf32, #tpu.memory_space<vmem_shared>>
      tpu.wait_dma2 semaphore(%run_scoped3A_129 : memref<!tpu.dma_semaphore, #tpu.memory_space<semaphore_mem>>) src(%arg4 : memref<632x128xf32, #tpu.memory_space<hbm>>) dst(%dma_wait3A_132 : memref<632x128xf32, #tpu.memory_space<vmem_shared>>)
      tpu.yield
    }) : () -> ()
    %barrier3A = arith.constant 0 : index
    tpu.barrier barrier_id(%barrier3A)
    %run_scoped3A = arith.constant 0 : i32
    %run_scoped3A_3 = arith.constant 0 : i32
    "tpu.region"() ({
      %run_scoped3A_129 = tpu.sem_alloc : memref<!tpu.dma_semaphore, #tpu.memory_space<semaphore_mem>>
      %dma_start3A_130 = arith.constant 0 : i32
      %dma_start3A_131 = arith.constant 0 : i32
      %dma_start3A_132 = tpu.memref_slice %arg3[%run_scoped3A, %add3A, %run_scoped3A_3, %dma_start3A_130, %dma_start3A_131] : memref<2x32x4x32x80xi32, #tpu.memory_space<hbm>> -> memref<1x1x1x32x80xi32, #tpu.memory_space<hbm>>
      %dma_start3A_133 = tpu.memref_squeeze %dma_start3A_132 : memref<1x1x1x32x80xi32, #tpu.memory_space<hbm>> -> memref<32x80xi32, #tpu.memory_space<hbm>>
      %dma_start3A_134 = arith.constant 0 : i32
      %dma_start3A_135 = arith.constant 0 : i32
      %dma_start3A_136 = tpu.memref_slice %arg3[%run_scoped3A, %add3A, %run_scoped3A_3, %dma_start3A_134, %dma_start3A_135] : memref<2x32x4x32x80xi32, #tpu.memory_space<hbm>> -> memref<1x1x1x32x80xi32, #tpu.memory_space<hbm>>
      %dma_start3A_137 = tpu.memref_squeeze %dma_start3A_136 : memref<1x1x1x32x80xi32, #tpu.memory_space<hbm>> -> memref<32x80xi32, #tpu.memory_space<hbm>>
      tpu.enqueue_dma source(%dma_start3A_137 : memref<32x80xi32, #tpu.memory_space<hbm>>) target(%arg6 : memref<32x80xi32, #tpu.memory_space<vmem>>) target_semaphore(%run_scoped3A_129 : memref<!tpu.dma_semaphore, #tpu.memory_space<semaphore_mem>>)
      %dma_wait3A = arith.constant 0 : i32
      %dma_wait3A_138 = arith.constant 0 : i32
      %dma_wait3A_139 = tpu.memref_slice %arg3[%run_scoped3A, %add3A, %run_scoped3A_3, %dma_wait3A, %dma_wait3A_138] : memref<2x32x4x32x80xi32, #tpu.memory_space<hbm>> -> memref<1x1x1x32x80xi32, #tpu.memory_space<hbm>>
      %dma_wait3A_140 = tpu.memref_squeeze %dma_wait3A_139 : memref<1x1x1x32x80xi32, #tpu.memory_space<hbm>> -> memref<32x80xi32, #tpu.memory_space<hbm>>
      %dma_wait3A_141 = arith.constant 0 : i32
      %dma_wait3A_142 = arith.constant 0 : i32
      %dma_wait3A_143 = tpu.memref_slice %arg3[%run_scoped3A, %add3A, %run_scoped3A_3, %dma_wait3A_141, %dma_wait3A_142] : memref<2x32x4x32x80xi32, #tpu.memory_space<hbm>> -> memref<1x1x1x32x80xi32, #tpu.memory_space<hbm>>
      %dma_wait3A_144 = tpu.memref_squeeze %dma_wait3A_143 : memref<1x1x1x32x80xi32, #tpu.memory_space<hbm>> -> memref<32x80xi32, #tpu.memory_space<hbm>>
      tpu.wait_dma2 semaphore(%run_scoped3A_129 : memref<!tpu.dma_semaphore, #tpu.memory_space<semaphore_mem>>) src(%dma_wait3A_144 : memref<32x80xi32, #tpu.memory_space<hbm>>) dst(%arg6 : memref<32x80xi32, #tpu.memory_space<vmem>>)
      tpu.yield
    }) : () -> ()
    %run_scoped3A_4 = arith.constant 1 : i32
    %run_scoped3A_5 = arith.constant 0 : i32
    "tpu.region"() ({
      %run_scoped3A_129 = tpu.sem_alloc : memref<!tpu.dma_semaphore, #tpu.memory_space<semaphore_mem>>
      %dma_start3A_130 = arith.constant 0 : i32
      %dma_start3A_131 = arith.constant 0 : i32
      %dma_start3A_132 = tpu.memref_slice %arg3[%run_scoped3A_4, %add3A, %run_scoped3A_5, %dma_start3A_130, %dma_start3A_131] : memref<2x32x4x32x80xi32, #tpu.memory_space<hbm>> -> memref<1x1x1x32x80xi32, #tpu.memory_space<hbm>>
      %dma_start3A_133 = tpu.memref_squeeze %dma_start3A_132 : memref<1x1x1x32x80xi32, #tpu.memory_space<hbm>> -> memref<32x80xi32, #tpu.memory_space<hbm>>
      %dma_start3A_134 = arith.constant 0 : i32
      %dma_start3A_135 = arith.constant 0 : i32
      %dma_start3A_136 = tpu.memref_slice %arg3[%run_scoped3A_4, %add3A, %run_scoped3A_5, %dma_start3A_134, %dma_start3A_135] : memref<2x32x4x32x80xi32, #tpu.memory_space<hbm>> -> memref<1x1x1x32x80xi32, #tpu.memory_space<hbm>>
      %dma_start3A_137 = tpu.memref_squeeze %dma_start3A_136 : memref<1x1x1x32x80xi32, #tpu.memory_space<hbm>> -> memref<32x80xi32, #tpu.memory_space<hbm>>
      tpu.enqueue_dma source(%dma_start3A_137 : memref<32x80xi32, #tpu.memory_space<hbm>>) target(%arg7 : memref<32x80xi32, #tpu.memory_space<vmem>>) target_semaphore(%run_scoped3A_129 : memref<!tpu.dma_semaphore, #tpu.memory_space<semaphore_mem>>)
      %dma_wait3A = arith.constant 0 : i32
      %dma_wait3A_138 = arith.constant 0 : i32
      %dma_wait3A_139 = tpu.memref_slice %arg3[%run_scoped3A_4, %add3A, %run_scoped3A_5, %dma_wait3A, %dma_wait3A_138] : memref<2x32x4x32x80xi32, #tpu.memory_space<hbm>> -> memref<1x1x1x32x80xi32, #tpu.memory_space<hbm>>
      %dma_wait3A_140 = tpu.memref_squeeze %dma_wait3A_139 : memref<1x1x1x32x80xi32, #tpu.memory_space<hbm>> -> memref<32x80xi32, #tpu.memory_space<hbm>>
      %dma_wait3A_141 = arith.constant 0 : i32
      %dma_wait3A_142 = arith.constant 0 : i32
      %dma_wait3A_143 = tpu.memref_slice %arg3[%run_scoped3A_4, %add3A, %run_scoped3A_5, %dma_wait3A_141, %dma_wait3A_142] : memref<2x32x4x32x80xi32, #tpu.memory_space<hbm>> -> memref<1x1x1x32x80xi32, #tpu.memory_space<hbm>>
      %dma_wait3A_144 = tpu.memref_squeeze %dma_wait3A_143 : memref<1x1x1x32x80xi32, #tpu.memory_space<hbm>> -> memref<32x80xi32, #tpu.memory_space<hbm>>
      tpu.wait_dma2 semaphore(%run_scoped3A_129 : memref<!tpu.dma_semaphore, #tpu.memory_space<semaphore_mem>>) src(%dma_wait3A_144 : memref<32x80xi32, #tpu.memory_space<hbm>>) dst(%arg7 : memref<32x80xi32, #tpu.memory_space<vmem>>)
      tpu.yield
    }) : () -> ()
    %dma_start3A = arith.constant 0 : i32
    %dma_start3A_6 = arith.constant 0 : i32
    %dma_start3A_7 = arith.constant 0 : i32
    %dma_start3A_8 = tpu.memref_slice %arg6[%dma_start3A, %dma_start3A_7] : memref<32x80xi32, #tpu.memory_space<vmem>> -> memref<1x80xi32, #tpu.memory_space<vmem>>
    %dma_start3A_9 = tpu.memref_squeeze %dma_start3A_8 : memref<1x80xi32, #tpu.memory_space<vmem>> -> memref<80xi32, #tpu.memory_space<vmem>>
    %dma_start3A_10 = arith.constant 0 : i32
    %dma_start3A_11 = arith.constant 0 : i32
    %dma_start3A_12 = tpu.memref_slice %arg2[%dma_start3A_10, %dma_start3A_11] : memref<10112x128xf32, #tpu.memory_space<hbm>> -> memref<10112x128xf32, #tpu.memory_space<hbm>>
    %dma_start3A_13 = tpu.memref_slice %arg11[%dma_start3A_6] : memref<4x!tpu.dma_semaphore, #tpu.memory_space<semaphore_mem>> -> memref<1x!tpu.dma_semaphore, #tpu.memory_space<semaphore_mem>>
    %dma_start3A_14 = tpu.memref_squeeze %dma_start3A_13 : memref<1x!tpu.dma_semaphore, #tpu.memory_space<semaphore_mem>> -> memref<!tpu.dma_semaphore, #tpu.memory_space<semaphore_mem>>
    tpu.enqueue_indirect_dma source(%dma_start3A_12 : memref<10112x128xf32, #tpu.memory_space<hbm>>) target(%arg8 : memref<80x128xf32, #tpu.memory_space<vmem>>) offsets(%dma_start3A_9 : memref<80xi32, #tpu.memory_space<vmem>>) semaphore(%dma_start3A_14 : memref<!tpu.dma_semaphore, #tpu.memory_space<semaphore_mem>>)
    %dma_start3A_15 = arith.constant 1 : i32
    %dma_start3A_16 = arith.constant 1 : i32
    %dma_start3A_17 = arith.constant 0 : i32
    %dma_start3A_18 = tpu.memref_slice %arg6[%dma_start3A_15, %dma_start3A_17] : memref<32x80xi32, #tpu.memory_space<vmem>> -> memref<1x80xi32, #tpu.memory_space<vmem>>
    %dma_start3A_19 = tpu.memref_squeeze %dma_start3A_18 : memref<1x80xi32, #tpu.memory_space<vmem>> -> memref<80xi32, #tpu.memory_space<vmem>>
    %dma_start3A_20 = arith.constant 0 : i32
    %dma_start3A_21 = arith.constant 0 : i32
    %dma_start3A_22 = tpu.memref_slice %arg2[%dma_start3A_20, %dma_start3A_21] : memref<10112x128xf32, #tpu.memory_space<hbm>> -> memref<10112x128xf32, #tpu.memory_space<hbm>>
    %dma_start3A_23 = tpu.memref_slice %arg11[%dma_start3A_16] : memref<4x!tpu.dma_semaphore, #tpu.memory_space<semaphore_mem>> -> memref<1x!tpu.dma_semaphore, #tpu.memory_space<semaphore_mem>>
    %dma_start3A_24 = tpu.memref_squeeze %dma_start3A_23 : memref<1x!tpu.dma_semaphore, #tpu.memory_space<semaphore_mem>> -> memref<!tpu.dma_semaphore, #tpu.memory_space<semaphore_mem>>
    tpu.enqueue_indirect_dma source(%dma_start3A_22 : memref<10112x128xf32, #tpu.memory_space<hbm>>) target(%arg9 : memref<80x128xf32, #tpu.memory_space<vmem>>) offsets(%dma_start3A_19 : memref<80xi32, #tpu.memory_space<vmem>>) semaphore(%dma_start3A_24 : memref<!tpu.dma_semaphore, #tpu.memory_space<semaphore_mem>>)
    %scan3A = arith.constant 0 : i32
    %scan3A_25 = arith.constant 1 : i32
    %scan3A_26 = arith.constant 0 : i32
    %scan3A_27 = arith.constant 16 : i32
    %scan3A_28 = arith.addi %scan3A_26, %scan3A_27 : i32
    %scan3A_29 = arith.constant 1 : i32
    scf.for %scan3A_129 = %scan3A_26 to %scan3A_28 step %scan3A_29  : i32 {
      %mul3A_130 = arith.constant 1 : i32
      %mul3A_131 = arith.muli %scan3A_129, %mul3A_130 : i32
      %add3A_132 = arith.constant 0 : i32
      %add3A_133 = arith.addi %add3A_132, %mul3A_131 : i32
      %mul3A_134 = arith.constant 2 : i32
      %mul3A_135 = arith.muli %mul3A_134, %add3A_133 : i32
      %mul3A_136 = arith.constant 2 : i32
      %mul3A_137 = arith.muli %mul3A_136, %add3A_133 : i32
      %add3A_138 = arith.constant 1 : i32
      %add3A_139 = arith.addi %mul3A_137, %add3A_138 : i32
      %dma_wait3A = arith.constant 0 : i32
      %dma_wait3A_140 = tpu.memref_slice %arg6[%mul3A_135, %dma_wait3A] : memref<32x80xi32, #tpu.memory_space<vmem>> -> memref<1x80xi32, #tpu.memory_space<vmem>>
      %dma_wait3A_141 = tpu.memref_squeeze %dma_wait3A_140 : memref<1x80xi32, #tpu.memory_space<vmem>> -> memref<80xi32, #tpu.memory_space<vmem>>
      %dma_wait3A_142 = arith.constant 0 : i32
      %dma_wait3A_143 = arith.constant 0 : i32
      %dma_wait3A_144 = tpu.memref_slice %arg2[%dma_wait3A_142, %dma_wait3A_143] : memref<10112x128xf32, #tpu.memory_space<hbm>> -> memref<10112x128xf32, #tpu.memory_space<hbm>>
      %dma_wait3A_145 = tpu.memref_slice %arg11[%scan3A] : memref<4x!tpu.dma_semaphore, #tpu.memory_space<semaphore_mem>> -> memref<1x!tpu.dma_semaphore, #tpu.memory_space<semaphore_mem>>
      %dma_wait3A_146 = tpu.memref_squeeze %dma_wait3A_145 : memref<1x!tpu.dma_semaphore, #tpu.memory_space<semaphore_mem>> -> memref<!tpu.dma_semaphore, #tpu.memory_space<semaphore_mem>>
      tpu.wait_indirect_dma semaphore(%dma_wait3A_146 : memref<!tpu.dma_semaphore, #tpu.memory_space<semaphore_mem>>) src(%dma_wait3A_144 : memref<10112x128xf32, #tpu.memory_space<hbm>>) dst(%arg8 : memref<80x128xf32, #tpu.memory_space<vmem>>)
      "tpu.region"() ({
        %run_scoped3A_166 = tpu.sem_alloc : memref<!tpu.dma_semaphore, #tpu.memory_space<semaphore_mem>>
        %dma_start3A_167 = arith.constant 0 : i32
        %dma_start3A_168 = tpu.memref_slice %arg7[%mul3A_135, %dma_start3A_167] : memref<32x80xi32, #tpu.memory_space<vmem>> -> memref<1x80xi32, #tpu.memory_space<vmem>>
        %dma_start3A_169 = tpu.memref_squeeze %dma_start3A_168 : memref<1x80xi32, #tpu.memory_space<vmem>> -> memref<80xi32, #tpu.memory_space<vmem>>
        %dma_start3A_170 = arith.constant 0 : i32
        %dma_start3A_171 = arith.constant 0 : i32
        %dma_start3A_172 = tpu.memref_slice %arg10[%dma_start3A_170, %dma_start3A_171] : memref<10112x128xf32, #tpu.memory_space<vmem_shared>> -> memref<10112x128xf32, #tpu.memory_space<vmem_shared>>
        tpu.enqueue_indirect_dma source(%arg8 : memref<80x128xf32, #tpu.memory_space<vmem>>) target(%dma_start3A_172 : memref<10112x128xf32, #tpu.memory_space<vmem_shared>>) offsets(%dma_start3A_169 : memref<80xi32, #tpu.memory_space<vmem>>) semaphore(%run_scoped3A_166 : memref<!tpu.dma_semaphore, #tpu.memory_space<semaphore_mem>>) {add = true}
        %dma_wait3A_173 = arith.constant 0 : i32
        %dma_wait3A_174 = tpu.memref_slice %arg7[%mul3A_135, %dma_wait3A_173] : memref<32x80xi32, #tpu.memory_space<vmem>> -> memref<1x80xi32, #tpu.memory_space<vmem>>
        %dma_wait3A_175 = tpu.memref_squeeze %dma_wait3A_174 : memref<1x80xi32, #tpu.memory_space<vmem>> -> memref<80xi32, #tpu.memory_space<vmem>>
        %dma_wait3A_176 = arith.constant 0 : i32
        %dma_wait3A_177 = arith.constant 0 : i32
        %dma_wait3A_178 = tpu.memref_slice %arg10[%dma_wait3A_176, %dma_wait3A_177] : memref<10112x128xf32, #tpu.memory_space<vmem_shared>> -> memref<10112x128xf32, #tpu.memory_space<vmem_shared>>
        tpu.wait_indirect_dma semaphore(%run_scoped3A_166 : memref<!tpu.dma_semaphore, #tpu.memory_space<semaphore_mem>>) src(%arg8 : memref<80x128xf32, #tpu.memory_space<vmem>>) dst(%dma_wait3A_178 : memref<10112x128xf32, #tpu.memory_space<vmem_shared>>)
        tpu.yield
      }) : () -> ()
      %add3A_147 = arith.constant 2 : i32
      %add3A_148 = arith.addi %mul3A_135, %add3A_147 : i32
      %lt3A = arith.constant 32 : i32
      %lt3A_149 = arith.cmpi slt, %add3A_148, %lt3A : i32
      %convert_element_type3A = arith.extui %lt3A_149 : i1 to i32
      %cond3A = arith.constant 0 : i32
      %cond3A_150 = arith.cmpi ne, %convert_element_type3A, %cond3A : i32
      scf.if %cond3A_150 {
        %add3A_166 = arith.constant 2 : i32
        %add3A_167 = arith.addi %mul3A_135, %add3A_166 : i32
        %dma_start3A_168 = arith.constant 0 : i32
        %dma_start3A_169 = tpu.memref_slice %arg6[%add3A_167, %dma_start3A_168] : memref<32x80xi32, #tpu.memory_space<vmem>> -> memref<1x80xi32, #tpu.memory_space<vmem>>
        %dma_start3A_170 = tpu.memref_squeeze %dma_start3A_169 : memref<1x80xi32, #tpu.memory_space<vmem>> -> memref<80xi32, #tpu.memory_space<vmem>>
        %dma_start3A_171 = arith.constant 0 : i32
        %dma_start3A_172 = arith.constant 0 : i32
        %dma_start3A_173 = tpu.memref_slice %arg2[%dma_start3A_171, %dma_start3A_172] : memref<10112x128xf32, #tpu.memory_space<hbm>> -> memref<10112x128xf32, #tpu.memory_space<hbm>>
        %dma_start3A_174 = tpu.memref_slice %arg11[%scan3A] : memref<4x!tpu.dma_semaphore, #tpu.memory_space<semaphore_mem>> -> memref<1x!tpu.dma_semaphore, #tpu.memory_space<semaphore_mem>>
        %dma_start3A_175 = tpu.memref_squeeze %dma_start3A_174 : memref<1x!tpu.dma_semaphore, #tpu.memory_space<semaphore_mem>> -> memref<!tpu.dma_semaphore, #tpu.memory_space<semaphore_mem>>
        tpu.enqueue_indirect_dma source(%dma_start3A_173 : memref<10112x128xf32, #tpu.memory_space<hbm>>) target(%arg8 : memref<80x128xf32, #tpu.memory_space<vmem>>) offsets(%dma_start3A_170 : memref<80xi32, #tpu.memory_space<vmem>>) semaphore(%dma_start3A_175 : memref<!tpu.dma_semaphore, #tpu.memory_space<semaphore_mem>>)
      } else {
      }
      %dma_wait3A_151 = arith.constant 0 : i32
      %dma_wait3A_152 = tpu.memref_slice %arg6[%add3A_139, %dma_wait3A_151] : memref<32x80xi32, #tpu.memory_space<vmem>> -> memref<1x80xi32, #tpu.memory_space<vmem>>
      %dma_wait3A_153 = tpu.memref_squeeze %dma_wait3A_152 : memref<1x80xi32, #tpu.memory_space<vmem>> -> memref<80xi32, #tpu.memory_space<vmem>>
      %dma_wait3A_154 = arith.constant 0 : i32
      %dma_wait3A_155 = arith.constant 0 : i32
      %dma_wait3A_156 = tpu.memref_slice %arg2[%dma_wait3A_154, %dma_wait3A_155] : memref<10112x128xf32, #tpu.memory_space<hbm>> -> memref<10112x128xf32, #tpu.memory_space<hbm>>
      %dma_wait3A_157 = tpu.memref_slice %arg11[%scan3A_25] : memref<4x!tpu.dma_semaphore, #tpu.memory_space<semaphore_mem>> -> memref<1x!tpu.dma_semaphore, #tpu.memory_space<semaphore_mem>>
      %dma_wait3A_158 = tpu.memref_squeeze %dma_wait3A_157 : memref<1x!tpu.dma_semaphore, #tpu.memory_space<semaphore_mem>> -> memref<!tpu.dma_semaphore, #tpu.memory_space<semaphore_mem>>
      tpu.wait_indirect_dma semaphore(%dma_wait3A_158 : memref<!tpu.dma_semaphore, #tpu.memory_space<semaphore_mem>>) src(%dma_wait3A_156 : memref<10112x128xf32, #tpu.memory_space<hbm>>) dst(%arg9 : memref<80x128xf32, #tpu.memory_space<vmem>>)
      "tpu.region"() ({
        %run_scoped3A_166 = tpu.sem_alloc : memref<!tpu.dma_semaphore, #tpu.memory_space<semaphore_mem>>
        %dma_start3A_167 = arith.constant 0 : i32
        %dma_start3A_168 = tpu.memref_slice %arg7[%add3A_139, %dma_start3A_167] : memref<32x80xi32, #tpu.memory_space<vmem>> -> memref<1x80xi32, #tpu.memory_space<vmem>>
        %dma_start3A_169 = tpu.memref_squeeze %dma_start3A_168 : memref<1x80xi32, #tpu.memory_space<vmem>> -> memref<80xi32, #tpu.memory_space<vmem>>
        %dma_start3A_170 = arith.constant 0 : i32
        %dma_start3A_171 = arith.constant 0 : i32
        %dma_start3A_172 = tpu.memref_slice %arg10[%dma_start3A_170, %dma_start3A_171] : memref<10112x128xf32, #tpu.memory_space<vmem_shared>> -> memref<10112x128xf32, #tpu.memory_space<vmem_shared>>
        tpu.enqueue_indirect_dma source(%arg9 : memref<80x128xf32, #tpu.memory_space<vmem>>) target(%dma_start3A_172 : memref<10112x128xf32, #tpu.memory_space<vmem_shared>>) offsets(%dma_start3A_169 : memref<80xi32, #tpu.memory_space<vmem>>) semaphore(%run_scoped3A_166 : memref<!tpu.dma_semaphore, #tpu.memory_space<semaphore_mem>>) {add = true}
        %dma_wait3A_173 = arith.constant 0 : i32
        %dma_wait3A_174 = tpu.memref_slice %arg7[%add3A_139, %dma_wait3A_173] : memref<32x80xi32, #tpu.memory_space<vmem>> -> memref<1x80xi32, #tpu.memory_space<vmem>>
        %dma_wait3A_175 = tpu.memref_squeeze %dma_wait3A_174 : memref<1x80xi32, #tpu.memory_space<vmem>> -> memref<80xi32, #tpu.memory_space<vmem>>
        %dma_wait3A_176 = arith.constant 0 : i32
        %dma_wait3A_177 = arith.constant 0 : i32
        %dma_wait3A_178 = tpu.memref_slice %arg10[%dma_wait3A_176, %dma_wait3A_177] : memref<10112x128xf32, #tpu.memory_space<vmem_shared>> -> memref<10112x128xf32, #tpu.memory_space<vmem_shared>>
        tpu.wait_indirect_dma semaphore(%run_scoped3A_166 : memref<!tpu.dma_semaphore, #tpu.memory_space<semaphore_mem>>) src(%arg9 : memref<80x128xf32, #tpu.memory_space<vmem>>) dst(%dma_wait3A_178 : memref<10112x128xf32, #tpu.memory_space<vmem_shared>>)
        tpu.yield
      }) : () -> ()
      %add3A_159 = arith.constant 2 : i32
      %add3A_160 = arith.addi %add3A_139, %add3A_159 : i32
      %lt3A_161 = arith.constant 32 : i32
      %lt3A_162 = arith.cmpi slt, %add3A_160, %lt3A_161 : i32
      %convert_element_type3A_163 = arith.extui %lt3A_162 : i1 to i32
      %cond3A_164 = arith.constant 0 : i32
      %cond3A_165 = arith.cmpi ne, %convert_element_type3A_163, %cond3A_164 : i32
      scf.if %cond3A_165 {
        %add3A_166 = arith.constant 2 : i32
        %add3A_167 = arith.addi %add3A_139, %add3A_166 : i32
        %dma_start3A_168 = arith.constant 0 : i32
        %dma_start3A_169 = tpu.memref_slice %arg6[%add3A_167, %dma_start3A_168] : memref<32x80xi32, #tpu.memory_space<vmem>> -> memref<1x80xi32, #tpu.memory_space<vmem>>
        %dma_start3A_170 = tpu.memref_squeeze %dma_start3A_169 : memref<1x80xi32, #tpu.memory_space<vmem>> -> memref<80xi32, #tpu.memory_space<vmem>>
        %dma_start3A_171 = arith.constant 0 : i32
        %dma_start3A_172 = arith.constant 0 : i32
        %dma_start3A_173 = tpu.memref_slice %arg2[%dma_start3A_171, %dma_start3A_172] : memref<10112x128xf32, #tpu.memory_space<hbm>> -> memref<10112x128xf32, #tpu.memory_space<hbm>>
        %dma_start3A_174 = tpu.memref_slice %arg11[%scan3A_25] : memref<4x!tpu.dma_semaphore, #tpu.memory_space<semaphore_mem>> -> memref<1x!tpu.dma_semaphore, #tpu.memory_space<semaphore_mem>>
        %dma_start3A_175 = tpu.memref_squeeze %dma_start3A_174 : memref<1x!tpu.dma_semaphore, #tpu.memory_space<semaphore_mem>> -> memref<!tpu.dma_semaphore, #tpu.memory_space<semaphore_mem>>
        tpu.enqueue_indirect_dma source(%dma_start3A_173 : memref<10112x128xf32, #tpu.memory_space<hbm>>) target(%arg9 : memref<80x128xf32, #tpu.memory_space<vmem>>) offsets(%dma_start3A_170 : memref<80xi32, #tpu.memory_space<vmem>>) semaphore(%dma_start3A_175 : memref<!tpu.dma_semaphore, #tpu.memory_space<semaphore_mem>>)
      } else {
      }
    }
    %scan3A_30 = arith.constant 16 : i32
    %run_scoped3A_31 = arith.constant 0 : i32
    %run_scoped3A_32 = arith.constant 1 : i32
    "tpu.region"() ({
      %run_scoped3A_129 = tpu.sem_alloc : memref<!tpu.dma_semaphore, #tpu.memory_space<semaphore_mem>>
      %dma_start3A_130 = arith.constant 0 : i32
      %dma_start3A_131 = arith.constant 0 : i32
      %dma_start3A_132 = tpu.memref_slice %arg3[%run_scoped3A_31, %add3A, %run_scoped3A_32, %dma_start3A_130, %dma_start3A_131] : memref<2x32x4x32x80xi32, #tpu.memory_space<hbm>> -> memref<1x1x1x32x80xi32, #tpu.memory_space<hbm>>
      %dma_start3A_133 = tpu.memref_squeeze %dma_start3A_132 : memref<1x1x1x32x80xi32, #tpu.memory_space<hbm>> -> memref<32x80xi32, #tpu.memory_space<hbm>>
      %dma_start3A_134 = arith.constant 0 : i32
      %dma_start3A_135 = arith.constant 0 : i32
      %dma_start3A_136 = tpu.memref_slice %arg3[%run_scoped3A_31, %add3A, %run_scoped3A_32, %dma_start3A_134, %dma_start3A_135] : memref<2x32x4x32x80xi32, #tpu.memory_space<hbm>> -> memref<1x1x1x32x80xi32, #tpu.memory_space<hbm>>
      %dma_start3A_137 = tpu.memref_squeeze %dma_start3A_136 : memref<1x1x1x32x80xi32, #tpu.memory_space<hbm>> -> memref<32x80xi32, #tpu.memory_space<hbm>>
      tpu.enqueue_dma source(%dma_start3A_137 : memref<32x80xi32, #tpu.memory_space<hbm>>) target(%arg6 : memref<32x80xi32, #tpu.memory_space<vmem>>) target_semaphore(%run_scoped3A_129 : memref<!tpu.dma_semaphore, #tpu.memory_space<semaphore_mem>>)
      %dma_wait3A = arith.constant 0 : i32
      %dma_wait3A_138 = arith.constant 0 : i32
      %dma_wait3A_139 = tpu.memref_slice %arg3[%run_scoped3A_31, %add3A, %run_scoped3A_32, %dma_wait3A, %dma_wait3A_138] : memref<2x32x4x32x80xi32, #tpu.memory_space<hbm>> -> memref<1x1x1x32x80xi32, #tpu.memory_space<hbm>>
      %dma_wait3A_140 = tpu.memref_squeeze %dma_wait3A_139 : memref<1x1x1x32x80xi32, #tpu.memory_space<hbm>> -> memref<32x80xi32, #tpu.memory_space<hbm>>
      %dma_wait3A_141 = arith.constant 0 : i32
      %dma_wait3A_142 = arith.constant 0 : i32
      %dma_wait3A_143 = tpu.memref_slice %arg3[%run_scoped3A_31, %add3A, %run_scoped3A_32, %dma_wait3A_141, %dma_wait3A_142] : memref<2x32x4x32x80xi32, #tpu.memory_space<hbm>> -> memref<1x1x1x32x80xi32, #tpu.memory_space<hbm>>
      %dma_wait3A_144 = tpu.memref_squeeze %dma_wait3A_143 : memref<1x1x1x32x80xi32, #tpu.memory_space<hbm>> -> memref<32x80xi32, #tpu.memory_space<hbm>>
      tpu.wait_dma2 semaphore(%run_scoped3A_129 : memref<!tpu.dma_semaphore, #tpu.memory_space<semaphore_mem>>) src(%dma_wait3A_144 : memref<32x80xi32, #tpu.memory_space<hbm>>) dst(%arg6 : memref<32x80xi32, #tpu.memory_space<vmem>>)
      tpu.yield
    }) : () -> ()
    %run_scoped3A_33 = arith.constant 1 : i32
    %run_scoped3A_34 = arith.constant 1 : i32
    "tpu.region"() ({
      %run_scoped3A_129 = tpu.sem_alloc : memref<!tpu.dma_semaphore, #tpu.memory_space<semaphore_mem>>
      %dma_start3A_130 = arith.constant 0 : i32
      %dma_start3A_131 = arith.constant 0 : i32
      %dma_start3A_132 = tpu.memref_slice %arg3[%run_scoped3A_33, %add3A, %run_scoped3A_34, %dma_start3A_130, %dma_start3A_131] : memref<2x32x4x32x80xi32, #tpu.memory_space<hbm>> -> memref<1x1x1x32x80xi32, #tpu.memory_space<hbm>>
      %dma_start3A_133 = tpu.memref_squeeze %dma_start3A_132 : memref<1x1x1x32x80xi32, #tpu.memory_space<hbm>> -> memref<32x80xi32, #tpu.memory_space<hbm>>
      %dma_start3A_134 = arith.constant 0 : i32
      %dma_start3A_135 = arith.constant 0 : i32
      %dma_start3A_136 = tpu.memref_slice %arg3[%run_scoped3A_33, %add3A, %run_scoped3A_34, %dma_start3A_134, %dma_start3A_135] : memref<2x32x4x32x80xi32, #tpu.memory_space<hbm>> -> memref<1x1x1x32x80xi32, #tpu.memory_space<hbm>>
      %dma_start3A_137 = tpu.memref_squeeze %dma_start3A_136 : memref<1x1x1x32x80xi32, #tpu.memory_space<hbm>> -> memref<32x80xi32, #tpu.memory_space<hbm>>
      tpu.enqueue_dma source(%dma_start3A_137 : memref<32x80xi32, #tpu.memory_space<hbm>>) target(%arg7 : memref<32x80xi32, #tpu.memory_space<vmem>>) target_semaphore(%run_scoped3A_129 : memref<!tpu.dma_semaphore, #tpu.memory_space<semaphore_mem>>)
      %dma_wait3A = arith.constant 0 : i32
      %dma_wait3A_138 = arith.constant 0 : i32
      %dma_wait3A_139 = tpu.memref_slice %arg3[%run_scoped3A_33, %add3A, %run_scoped3A_34, %dma_wait3A, %dma_wait3A_138] : memref<2x32x4x32x80xi32, #tpu.memory_space<hbm>> -> memref<1x1x1x32x80xi32, #tpu.memory_space<hbm>>
      %dma_wait3A_140 = tpu.memref_squeeze %dma_wait3A_139 : memref<1x1x1x32x80xi32, #tpu.memory_space<hbm>> -> memref<32x80xi32, #tpu.memory_space<hbm>>
      %dma_wait3A_141 = arith.constant 0 : i32
      %dma_wait3A_142 = arith.constant 0 : i32
      %dma_wait3A_143 = tpu.memref_slice %arg3[%run_scoped3A_33, %add3A, %run_scoped3A_34, %dma_wait3A_141, %dma_wait3A_142] : memref<2x32x4x32x80xi32, #tpu.memory_space<hbm>> -> memref<1x1x1x32x80xi32, #tpu.memory_space<hbm>>
      %dma_wait3A_144 = tpu.memref_squeeze %dma_wait3A_143 : memref<1x1x1x32x80xi32, #tpu.memory_space<hbm>> -> memref<32x80xi32, #tpu.memory_space<hbm>>
      tpu.wait_dma2 semaphore(%run_scoped3A_129 : memref<!tpu.dma_semaphore, #tpu.memory_space<semaphore_mem>>) src(%dma_wait3A_144 : memref<32x80xi32, #tpu.memory_space<hbm>>) dst(%arg7 : memref<32x80xi32, #tpu.memory_space<vmem>>)
      tpu.yield
    }) : () -> ()
    %dma_start3A_35 = arith.constant 0 : i32
    %dma_start3A_36 = arith.constant 0 : i32
    %dma_start3A_37 = arith.constant 0 : i32
    %dma_start3A_38 = tpu.memref_slice %arg6[%dma_start3A_35, %dma_start3A_37] : memref<32x80xi32, #tpu.memory_space<vmem>> -> memref<1x80xi32, #tpu.memory_space<vmem>>
    %dma_start3A_39 = tpu.memref_squeeze %dma_start3A_38 : memref<1x80xi32, #tpu.memory_space<vmem>> -> memref<80xi32, #tpu.memory_space<vmem>>
    %dma_start3A_40 = arith.constant 0 : i32
    %dma_start3A_41 = arith.constant 0 : i32
    %dma_start3A_42 = tpu.memref_slice %arg2[%dma_start3A_40, %dma_start3A_41] : memref<10112x128xf32, #tpu.memory_space<hbm>> -> memref<10112x128xf32, #tpu.memory_space<hbm>>
    %dma_start3A_43 = tpu.memref_slice %arg11[%dma_start3A_36] : memref<4x!tpu.dma_semaphore, #tpu.memory_space<semaphore_mem>> -> memref<1x!tpu.dma_semaphore, #tpu.memory_space<semaphore_mem>>
    %dma_start3A_44 = tpu.memref_squeeze %dma_start3A_43 : memref<1x!tpu.dma_semaphore, #tpu.memory_space<semaphore_mem>> -> memref<!tpu.dma_semaphore, #tpu.memory_space<semaphore_mem>>
    tpu.enqueue_indirect_dma source(%dma_start3A_42 : memref<10112x128xf32, #tpu.memory_space<hbm>>) target(%arg8 : memref<80x128xf32, #tpu.memory_space<vmem>>) offsets(%dma_start3A_39 : memref<80xi32, #tpu.memory_space<vmem>>) semaphore(%dma_start3A_44 : memref<!tpu.dma_semaphore, #tpu.memory_space<semaphore_mem>>)
    %dma_start3A_45 = arith.constant 1 : i32
    %dma_start3A_46 = arith.constant 1 : i32
    %dma_start3A_47 = arith.constant 0 : i32
    %dma_start3A_48 = tpu.memref_slice %arg6[%dma_start3A_45, %dma_start3A_47] : memref<32x80xi32, #tpu.memory_space<vmem>> -> memref<1x80xi32, #tpu.memory_space<vmem>>
    %dma_start3A_49 = tpu.memref_squeeze %dma_start3A_48 : memref<1x80xi32, #tpu.memory_space<vmem>> -> memref<80xi32, #tpu.memory_space<vmem>>
    %dma_start3A_50 = arith.constant 0 : i32
    %dma_start3A_51 = arith.constant 0 : i32
    %dma_start3A_52 = tpu.memref_slice %arg2[%dma_start3A_50, %dma_start3A_51] : memref<10112x128xf32, #tpu.memory_space<hbm>> -> memref<10112x128xf32, #tpu.memory_space<hbm>>
    %dma_start3A_53 = tpu.memref_slice %arg11[%dma_start3A_46] : memref<4x!tpu.dma_semaphore, #tpu.memory_space<semaphore_mem>> -> memref<1x!tpu.dma_semaphore, #tpu.memory_space<semaphore_mem>>
    %dma_start3A_54 = tpu.memref_squeeze %dma_start3A_53 : memref<1x!tpu.dma_semaphore, #tpu.memory_space<semaphore_mem>> -> memref<!tpu.dma_semaphore, #tpu.memory_space<semaphore_mem>>
    tpu.enqueue_indirect_dma source(%dma_start3A_52 : memref<10112x128xf32, #tpu.memory_space<hbm>>) target(%arg9 : memref<80x128xf32, #tpu.memory_space<vmem>>) offsets(%dma_start3A_49 : memref<80xi32, #tpu.memory_space<vmem>>) semaphore(%dma_start3A_54 : memref<!tpu.dma_semaphore, #tpu.memory_space<semaphore_mem>>)
    %scan3A_55 = arith.constant 0 : i32
    %scan3A_56 = arith.constant 1 : i32
    %scan3A_57 = arith.constant 0 : i32
    %scan3A_58 = arith.constant 16 : i32
    %scan3A_59 = arith.addi %scan3A_57, %scan3A_58 : i32
    %scan3A_60 = arith.constant 1 : i32
    scf.for %scan3A_129 = %scan3A_57 to %scan3A_59 step %scan3A_60  : i32 {
      %mul3A_130 = arith.constant 1 : i32
      %mul3A_131 = arith.muli %scan3A_129, %mul3A_130 : i32
      %add3A_132 = arith.constant 0 : i32
      %add3A_133 = arith.addi %add3A_132, %mul3A_131 : i32
      %mul3A_134 = arith.constant 2 : i32
      %mul3A_135 = arith.muli %mul3A_134, %add3A_133 : i32
      %mul3A_136 = arith.constant 2 : i32
      %mul3A_137 = arith.muli %mul3A_136, %add3A_133 : i32
      %add3A_138 = arith.constant 1 : i32
      %add3A_139 = arith.addi %mul3A_137, %add3A_138 : i32
      %dma_wait3A = arith.constant 0 : i32
      %dma_wait3A_140 = tpu.memref_slice %arg6[%mul3A_135, %dma_wait3A] : memref<32x80xi32, #tpu.memory_space<vmem>> -> memref<1x80xi32, #tpu.memory_space<vmem>>
      %dma_wait3A_141 = tpu.memref_squeeze %dma_wait3A_140 : memref<1x80xi32, #tpu.memory_space<vmem>> -> memref<80xi32, #tpu.memory_space<vmem>>
      %dma_wait3A_142 = arith.constant 0 : i32
      %dma_wait3A_143 = arith.constant 0 : i32
      %dma_wait3A_144 = tpu.memref_slice %arg2[%dma_wait3A_142, %dma_wait3A_143] : memref<10112x128xf32, #tpu.memory_space<hbm>> -> memref<10112x128xf32, #tpu.memory_space<hbm>>
      %dma_wait3A_145 = tpu.memref_slice %arg11[%scan3A_55] : memref<4x!tpu.dma_semaphore, #tpu.memory_space<semaphore_mem>> -> memref<1x!tpu.dma_semaphore, #tpu.memory_space<semaphore_mem>>
      %dma_wait3A_146 = tpu.memref_squeeze %dma_wait3A_145 : memref<1x!tpu.dma_semaphore, #tpu.memory_space<semaphore_mem>> -> memref<!tpu.dma_semaphore, #tpu.memory_space<semaphore_mem>>
      tpu.wait_indirect_dma semaphore(%dma_wait3A_146 : memref<!tpu.dma_semaphore, #tpu.memory_space<semaphore_mem>>) src(%dma_wait3A_144 : memref<10112x128xf32, #tpu.memory_space<hbm>>) dst(%arg8 : memref<80x128xf32, #tpu.memory_space<vmem>>)
      "tpu.region"() ({
        %run_scoped3A_166 = tpu.sem_alloc : memref<!tpu.dma_semaphore, #tpu.memory_space<semaphore_mem>>
        %dma_start3A_167 = arith.constant 0 : i32
        %dma_start3A_168 = tpu.memref_slice %arg7[%mul3A_135, %dma_start3A_167] : memref<32x80xi32, #tpu.memory_space<vmem>> -> memref<1x80xi32, #tpu.memory_space<vmem>>
        %dma_start3A_169 = tpu.memref_squeeze %dma_start3A_168 : memref<1x80xi32, #tpu.memory_space<vmem>> -> memref<80xi32, #tpu.memory_space<vmem>>
        %dma_start3A_170 = arith.constant 0 : i32
        %dma_start3A_171 = arith.constant 0 : i32
        %dma_start3A_172 = tpu.memref_slice %arg10[%dma_start3A_170, %dma_start3A_171] : memref<10112x128xf32, #tpu.memory_space<vmem_shared>> -> memref<10112x128xf32, #tpu.memory_space<vmem_shared>>
        tpu.enqueue_indirect_dma source(%arg8 : memref<80x128xf32, #tpu.memory_space<vmem>>) target(%dma_start3A_172 : memref<10112x128xf32, #tpu.memory_space<vmem_shared>>) offsets(%dma_start3A_169 : memref<80xi32, #tpu.memory_space<vmem>>) semaphore(%run_scoped3A_166 : memref<!tpu.dma_semaphore, #tpu.memory_space<semaphore_mem>>) {add = true}
        %dma_wait3A_173 = arith.constant 0 : i32
        %dma_wait3A_174 = tpu.memref_slice %arg7[%mul3A_135, %dma_wait3A_173] : memref<32x80xi32, #tpu.memory_space<vmem>> -> memref<1x80xi32, #tpu.memory_space<vmem>>
        %dma_wait3A_175 = tpu.memref_squeeze %dma_wait3A_174 : memref<1x80xi32, #tpu.memory_space<vmem>> -> memref<80xi32, #tpu.memory_space<vmem>>
        %dma_wait3A_176 = arith.constant 0 : i32
        %dma_wait3A_177 = arith.constant 0 : i32
        %dma_wait3A_178 = tpu.memref_slice %arg10[%dma_wait3A_176, %dma_wait3A_177] : memref<10112x128xf32, #tpu.memory_space<vmem_shared>> -> memref<10112x128xf32, #tpu.memory_space<vmem_shared>>
        tpu.wait_indirect_dma semaphore(%run_scoped3A_166 : memref<!tpu.dma_semaphore, #tpu.memory_space<semaphore_mem>>) src(%arg8 : memref<80x128xf32, #tpu.memory_space<vmem>>) dst(%dma_wait3A_178 : memref<10112x128xf32, #tpu.memory_space<vmem_shared>>)
        tpu.yield
      }) : () -> ()
      %add3A_147 = arith.constant 2 : i32
      %add3A_148 = arith.addi %mul3A_135, %add3A_147 : i32
      %lt3A = arith.constant 32 : i32
      %lt3A_149 = arith.cmpi slt, %add3A_148, %lt3A : i32
      %convert_element_type3A = arith.extui %lt3A_149 : i1 to i32
      %cond3A = arith.constant 0 : i32
      %cond3A_150 = arith.cmpi ne, %convert_element_type3A, %cond3A : i32
      scf.if %cond3A_150 {
        %add3A_166 = arith.constant 2 : i32
        %add3A_167 = arith.addi %mul3A_135, %add3A_166 : i32
        %dma_start3A_168 = arith.constant 0 : i32
        %dma_start3A_169 = tpu.memref_slice %arg6[%add3A_167, %dma_start3A_168] : memref<32x80xi32, #tpu.memory_space<vmem>> -> memref<1x80xi32, #tpu.memory_space<vmem>>
        %dma_start3A_170 = tpu.memref_squeeze %dma_start3A_169 : memref<1x80xi32, #tpu.memory_space<vmem>> -> memref<80xi32, #tpu.memory_space<vmem>>
        %dma_start3A_171 = arith.constant 0 : i32
        %dma_start3A_172 = arith.constant 0 : i32
        %dma_start3A_173 = tpu.memref_slice %arg2[%dma_start3A_171, %dma_start3A_172] : memref<10112x128xf32, #tpu.memory_space<hbm>> -> memref<10112x128xf32, #tpu.memory_space<hbm>>
        %dma_start3A_174 = tpu.memref_slice %arg11[%scan3A_55] : memref<4x!tpu.dma_semaphore, #tpu.memory_space<semaphore_mem>> -> memref<1x!tpu.dma_semaphore, #tpu.memory_space<semaphore_mem>>
        %dma_start3A_175 = tpu.memref_squeeze %dma_start3A_174 : memref<1x!tpu.dma_semaphore, #tpu.memory_space<semaphore_mem>> -> memref<!tpu.dma_semaphore, #tpu.memory_space<semaphore_mem>>
        tpu.enqueue_indirect_dma source(%dma_start3A_173 : memref<10112x128xf32, #tpu.memory_space<hbm>>) target(%arg8 : memref<80x128xf32, #tpu.memory_space<vmem>>) offsets(%dma_start3A_170 : memref<80xi32, #tpu.memory_space<vmem>>) semaphore(%dma_start3A_175 : memref<!tpu.dma_semaphore, #tpu.memory_space<semaphore_mem>>)
      } else {
      }
      %dma_wait3A_151 = arith.constant 0 : i32
      %dma_wait3A_152 = tpu.memref_slice %arg6[%add3A_139, %dma_wait3A_151] : memref<32x80xi32, #tpu.memory_space<vmem>> -> memref<1x80xi32, #tpu.memory_space<vmem>>
      %dma_wait3A_153 = tpu.memref_squeeze %dma_wait3A_152 : memref<1x80xi32, #tpu.memory_space<vmem>> -> memref<80xi32, #tpu.memory_space<vmem>>
      %dma_wait3A_154 = arith.constant 0 : i32
      %dma_wait3A_155 = arith.constant 0 : i32
      %dma_wait3A_156 = tpu.memref_slice %arg2[%dma_wait3A_154, %dma_wait3A_155] : memref<10112x128xf32, #tpu.memory_space<hbm>> -> memref<10112x128xf32, #tpu.memory_space<hbm>>
      %dma_wait3A_157 = tpu.memref_slice %arg11[%scan3A_56] : memref<4x!tpu.dma_semaphore, #tpu.memory_space<semaphore_mem>> -> memref<1x!tpu.dma_semaphore, #tpu.memory_space<semaphore_mem>>
      %dma_wait3A_158 = tpu.memref_squeeze %dma_wait3A_157 : memref<1x!tpu.dma_semaphore, #tpu.memory_space<semaphore_mem>> -> memref<!tpu.dma_semaphore, #tpu.memory_space<semaphore_mem>>
      tpu.wait_indirect_dma semaphore(%dma_wait3A_158 : memref<!tpu.dma_semaphore, #tpu.memory_space<semaphore_mem>>) src(%dma_wait3A_156 : memref<10112x128xf32, #tpu.memory_space<hbm>>) dst(%arg9 : memref<80x128xf32, #tpu.memory_space<vmem>>)
      "tpu.region"() ({
        %run_scoped3A_166 = tpu.sem_alloc : memref<!tpu.dma_semaphore, #tpu.memory_space<semaphore_mem>>
        %dma_start3A_167 = arith.constant 0 : i32
        %dma_start3A_168 = tpu.memref_slice %arg7[%add3A_139, %dma_start3A_167] : memref<32x80xi32, #tpu.memory_space<vmem>> -> memref<1x80xi32, #tpu.memory_space<vmem>>
        %dma_start3A_169 = tpu.memref_squeeze %dma_start3A_168 : memref<1x80xi32, #tpu.memory_space<vmem>> -> memref<80xi32, #tpu.memory_space<vmem>>
        %dma_start3A_170 = arith.constant 0 : i32
        %dma_start3A_171 = arith.constant 0 : i32
        %dma_start3A_172 = tpu.memref_slice %arg10[%dma_start3A_170, %dma_start3A_171] : memref<10112x128xf32, #tpu.memory_space<vmem_shared>> -> memref<10112x128xf32, #tpu.memory_space<vmem_shared>>
        tpu.enqueue_indirect_dma source(%arg9 : memref<80x128xf32, #tpu.memory_space<vmem>>) target(%dma_start3A_172 : memref<10112x128xf32, #tpu.memory_space<vmem_shared>>) offsets(%dma_start3A_169 : memref<80xi32, #tpu.memory_space<vmem>>) semaphore(%run_scoped3A_166 : memref<!tpu.dma_semaphore, #tpu.memory_space<semaphore_mem>>) {add = true}
        %dma_wait3A_173 = arith.constant 0 : i32
        %dma_wait3A_174 = tpu.memref_slice %arg7[%add3A_139, %dma_wait3A_173] : memref<32x80xi32, #tpu.memory_space<vmem>> -> memref<1x80xi32, #tpu.memory_space<vmem>>
        %dma_wait3A_175 = tpu.memref_squeeze %dma_wait3A_174 : memref<1x80xi32, #tpu.memory_space<vmem>> -> memref<80xi32, #tpu.memory_space<vmem>>
        %dma_wait3A_176 = arith.constant 0 : i32
        %dma_wait3A_177 = arith.constant 0 : i32
        %dma_wait3A_178 = tpu.memref_slice %arg10[%dma_wait3A_176, %dma_wait3A_177] : memref<10112x128xf32, #tpu.memory_space<vmem_shared>> -> memref<10112x128xf32, #tpu.memory_space<vmem_shared>>
        tpu.wait_indirect_dma semaphore(%run_scoped3A_166 : memref<!tpu.dma_semaphore, #tpu.memory_space<semaphore_mem>>) src(%arg9 : memref<80x128xf32, #tpu.memory_space<vmem>>) dst(%dma_wait3A_178 : memref<10112x128xf32, #tpu.memory_space<vmem_shared>>)
        tpu.yield
      }) : () -> ()
      %add3A_159 = arith.constant 2 : i32
      %add3A_160 = arith.addi %add3A_139, %add3A_159 : i32
      %lt3A_161 = arith.constant 32 : i32
      %lt3A_162 = arith.cmpi slt, %add3A_160, %lt3A_161 : i32
      %convert_element_type3A_163 = arith.extui %lt3A_162 : i1 to i32
      %cond3A_164 = arith.constant 0 : i32
      %cond3A_165 = arith.cmpi ne, %convert_element_type3A_163, %cond3A_164 : i32
      scf.if %cond3A_165 {
        %add3A_166 = arith.constant 2 : i32
        %add3A_167 = arith.addi %add3A_139, %add3A_166 : i32
        %dma_start3A_168 = arith.constant 0 : i32
        %dma_start3A_169 = tpu.memref_slice %arg6[%add3A_167, %dma_start3A_168] : memref<32x80xi32, #tpu.memory_space<vmem>> -> memref<1x80xi32, #tpu.memory_space<vmem>>
        %dma_start3A_170 = tpu.memref_squeeze %dma_start3A_169 : memref<1x80xi32, #tpu.memory_space<vmem>> -> memref<80xi32, #tpu.memory_space<vmem>>
        %dma_start3A_171 = arith.constant 0 : i32
        %dma_start3A_172 = arith.constant 0 : i32
        %dma_start3A_173 = tpu.memref_slice %arg2[%dma_start3A_171, %dma_start3A_172] : memref<10112x128xf32, #tpu.memory_space<hbm>> -> memref<10112x128xf32, #tpu.memory_space<hbm>>
        %dma_start3A_174 = tpu.memref_slice %arg11[%scan3A_56] : memref<4x!tpu.dma_semaphore, #tpu.memory_space<semaphore_mem>> -> memref<1x!tpu.dma_semaphore, #tpu.memory_space<semaphore_mem>>
        %dma_start3A_175 = tpu.memref_squeeze %dma_start3A_174 : memref<1x!tpu.dma_semaphore, #tpu.memory_space<semaphore_mem>> -> memref<!tpu.dma_semaphore, #tpu.memory_space<semaphore_mem>>
        tpu.enqueue_indirect_dma source(%dma_start3A_173 : memref<10112x128xf32, #tpu.memory_space<hbm>>) target(%arg9 : memref<80x128xf32, #tpu.memory_space<vmem>>) offsets(%dma_start3A_170 : memref<80xi32, #tpu.memory_space<vmem>>) semaphore(%dma_start3A_175 : memref<!tpu.dma_semaphore, #tpu.memory_space<semaphore_mem>>)
      } else {
      }
    }
    %scan3A_61 = arith.constant 16 : i32
    %run_scoped3A_62 = arith.constant 0 : i32
    %run_scoped3A_63 = arith.constant 2 : i32
    "tpu.region"() ({
      %run_scoped3A_129 = tpu.sem_alloc : memref<!tpu.dma_semaphore, #tpu.memory_space<semaphore_mem>>
      %dma_start3A_130 = arith.constant 0 : i32
      %dma_start3A_131 = arith.constant 0 : i32
      %dma_start3A_132 = tpu.memref_slice %arg3[%run_scoped3A_62, %add3A, %run_scoped3A_63, %dma_start3A_130, %dma_start3A_131] : memref<2x32x4x32x80xi32, #tpu.memory_space<hbm>> -> memref<1x1x1x32x80xi32, #tpu.memory_space<hbm>>
      %dma_start3A_133 = tpu.memref_squeeze %dma_start3A_132 : memref<1x1x1x32x80xi32, #tpu.memory_space<hbm>> -> memref<32x80xi32, #tpu.memory_space<hbm>>
      %dma_start3A_134 = arith.constant 0 : i32
      %dma_start3A_135 = arith.constant 0 : i32
      %dma_start3A_136 = tpu.memref_slice %arg3[%run_scoped3A_62, %add3A, %run_scoped3A_63, %dma_start3A_134, %dma_start3A_135] : memref<2x32x4x32x80xi32, #tpu.memory_space<hbm>> -> memref<1x1x1x32x80xi32, #tpu.memory_space<hbm>>
      %dma_start3A_137 = tpu.memref_squeeze %dma_start3A_136 : memref<1x1x1x32x80xi32, #tpu.memory_space<hbm>> -> memref<32x80xi32, #tpu.memory_space<hbm>>
      tpu.enqueue_dma source(%dma_start3A_137 : memref<32x80xi32, #tpu.memory_space<hbm>>) target(%arg6 : memref<32x80xi32, #tpu.memory_space<vmem>>) target_semaphore(%run_scoped3A_129 : memref<!tpu.dma_semaphore, #tpu.memory_space<semaphore_mem>>)
      %dma_wait3A = arith.constant 0 : i32
      %dma_wait3A_138 = arith.constant 0 : i32
      %dma_wait3A_139 = tpu.memref_slice %arg3[%run_scoped3A_62, %add3A, %run_scoped3A_63, %dma_wait3A, %dma_wait3A_138] : memref<2x32x4x32x80xi32, #tpu.memory_space<hbm>> -> memref<1x1x1x32x80xi32, #tpu.memory_space<hbm>>
      %dma_wait3A_140 = tpu.memref_squeeze %dma_wait3A_139 : memref<1x1x1x32x80xi32, #tpu.memory_space<hbm>> -> memref<32x80xi32, #tpu.memory_space<hbm>>
      %dma_wait3A_141 = arith.constant 0 : i32
      %dma_wait3A_142 = arith.constant 0 : i32
      %dma_wait3A_143 = tpu.memref_slice %arg3[%run_scoped3A_62, %add3A, %run_scoped3A_63, %dma_wait3A_141, %dma_wait3A_142] : memref<2x32x4x32x80xi32, #tpu.memory_space<hbm>> -> memref<1x1x1x32x80xi32, #tpu.memory_space<hbm>>
      %dma_wait3A_144 = tpu.memref_squeeze %dma_wait3A_143 : memref<1x1x1x32x80xi32, #tpu.memory_space<hbm>> -> memref<32x80xi32, #tpu.memory_space<hbm>>
      tpu.wait_dma2 semaphore(%run_scoped3A_129 : memref<!tpu.dma_semaphore, #tpu.memory_space<semaphore_mem>>) src(%dma_wait3A_144 : memref<32x80xi32, #tpu.memory_space<hbm>>) dst(%arg6 : memref<32x80xi32, #tpu.memory_space<vmem>>)
      tpu.yield
    }) : () -> ()
    %run_scoped3A_64 = arith.constant 1 : i32
    %run_scoped3A_65 = arith.constant 2 : i32
    "tpu.region"() ({
      %run_scoped3A_129 = tpu.sem_alloc : memref<!tpu.dma_semaphore, #tpu.memory_space<semaphore_mem>>
      %dma_start3A_130 = arith.constant 0 : i32
      %dma_start3A_131 = arith.constant 0 : i32
      %dma_start3A_132 = tpu.memref_slice %arg3[%run_scoped3A_64, %add3A, %run_scoped3A_65, %dma_start3A_130, %dma_start3A_131] : memref<2x32x4x32x80xi32, #tpu.memory_space<hbm>> -> memref<1x1x1x32x80xi32, #tpu.memory_space<hbm>>
      %dma_start3A_133 = tpu.memref_squeeze %dma_start3A_132 : memref<1x1x1x32x80xi32, #tpu.memory_space<hbm>> -> memref<32x80xi32, #tpu.memory_space<hbm>>
      %dma_start3A_134 = arith.constant 0 : i32
      %dma_start3A_135 = arith.constant 0 : i32
      %dma_start3A_136 = tpu.memref_slice %arg3[%run_scoped3A_64, %add3A, %run_scoped3A_65, %dma_start3A_134, %dma_start3A_135] : memref<2x32x4x32x80xi32, #tpu.memory_space<hbm>> -> memref<1x1x1x32x80xi32, #tpu.memory_space<hbm>>
      %dma_start3A_137 = tpu.memref_squeeze %dma_start3A_136 : memref<1x1x1x32x80xi32, #tpu.memory_space<hbm>> -> memref<32x80xi32, #tpu.memory_space<hbm>>
      tpu.enqueue_dma source(%dma_start3A_137 : memref<32x80xi32, #tpu.memory_space<hbm>>) target(%arg7 : memref<32x80xi32, #tpu.memory_space<vmem>>) target_semaphore(%run_scoped3A_129 : memref<!tpu.dma_semaphore, #tpu.memory_space<semaphore_mem>>)
      %dma_wait3A = arith.constant 0 : i32
      %dma_wait3A_138 = arith.constant 0 : i32
      %dma_wait3A_139 = tpu.memref_slice %arg3[%run_scoped3A_64, %add3A, %run_scoped3A_65, %dma_wait3A, %dma_wait3A_138] : memref<2x32x4x32x80xi32, #tpu.memory_space<hbm>> -> memref<1x1x1x32x80xi32, #tpu.memory_space<hbm>>
      %dma_wait3A_140 = tpu.memref_squeeze %dma_wait3A_139 : memref<1x1x1x32x80xi32, #tpu.memory_space<hbm>> -> memref<32x80xi32, #tpu.memory_space<hbm>>
      %dma_wait3A_141 = arith.constant 0 : i32
      %dma_wait3A_142 = arith.constant 0 : i32
      %dma_wait3A_143 = tpu.memref_slice %arg3[%run_scoped3A_64, %add3A, %run_scoped3A_65, %dma_wait3A_141, %dma_wait3A_142] : memref<2x32x4x32x80xi32, #tpu.memory_space<hbm>> -> memref<1x1x1x32x80xi32, #tpu.memory_space<hbm>>
      %dma_wait3A_144 = tpu.memref_squeeze %dma_wait3A_143 : memref<1x1x1x32x80xi32, #tpu.memory_space<hbm>> -> memref<32x80xi32, #tpu.memory_space<hbm>>
      tpu.wait_dma2 semaphore(%run_scoped3A_129 : memref<!tpu.dma_semaphore, #tpu.memory_space<semaphore_mem>>) src(%dma_wait3A_144 : memref<32x80xi32, #tpu.memory_space<hbm>>) dst(%arg7 : memref<32x80xi32, #tpu.memory_space<vmem>>)
      tpu.yield
    }) : () -> ()
    %dma_start3A_66 = arith.constant 0 : i32
    %dma_start3A_67 = arith.constant 0 : i32
    %dma_start3A_68 = arith.constant 0 : i32
    %dma_start3A_69 = tpu.memref_slice %arg6[%dma_start3A_66, %dma_start3A_68] : memref<32x80xi32, #tpu.memory_space<vmem>> -> memref<1x80xi32, #tpu.memory_space<vmem>>
    %dma_start3A_70 = tpu.memref_squeeze %dma_start3A_69 : memref<1x80xi32, #tpu.memory_space<vmem>> -> memref<80xi32, #tpu.memory_space<vmem>>
    %dma_start3A_71 = arith.constant 0 : i32
    %dma_start3A_72 = arith.constant 0 : i32
    %dma_start3A_73 = tpu.memref_slice %arg2[%dma_start3A_71, %dma_start3A_72] : memref<10112x128xf32, #tpu.memory_space<hbm>> -> memref<10112x128xf32, #tpu.memory_space<hbm>>
    %dma_start3A_74 = tpu.memref_slice %arg11[%dma_start3A_67] : memref<4x!tpu.dma_semaphore, #tpu.memory_space<semaphore_mem>> -> memref<1x!tpu.dma_semaphore, #tpu.memory_space<semaphore_mem>>
    %dma_start3A_75 = tpu.memref_squeeze %dma_start3A_74 : memref<1x!tpu.dma_semaphore, #tpu.memory_space<semaphore_mem>> -> memref<!tpu.dma_semaphore, #tpu.memory_space<semaphore_mem>>
    tpu.enqueue_indirect_dma source(%dma_start3A_73 : memref<10112x128xf32, #tpu.memory_space<hbm>>) target(%arg8 : memref<80x128xf32, #tpu.memory_space<vmem>>) offsets(%dma_start3A_70 : memref<80xi32, #tpu.memory_space<vmem>>) semaphore(%dma_start3A_75 : memref<!tpu.dma_semaphore, #tpu.memory_space<semaphore_mem>>)
    %dma_start3A_76 = arith.constant 1 : i32
    %dma_start3A_77 = arith.constant 1 : i32
    %dma_start3A_78 = arith.constant 0 : i32
    %dma_start3A_79 = tpu.memref_slice %arg6[%dma_start3A_76, %dma_start3A_78] : memref<32x80xi32, #tpu.memory_space<vmem>> -> memref<1x80xi32, #tpu.memory_space<vmem>>
    %dma_start3A_80 = tpu.memref_squeeze %dma_start3A_79 : memref<1x80xi32, #tpu.memory_space<vmem>> -> memref<80xi32, #tpu.memory_space<vmem>>
    %dma_start3A_81 = arith.constant 0 : i32
    %dma_start3A_82 = arith.constant 0 : i32
    %dma_start3A_83 = tpu.memref_slice %arg2[%dma_start3A_81, %dma_start3A_82] : memref<10112x128xf32, #tpu.memory_space<hbm>> -> memref<10112x128xf32, #tpu.memory_space<hbm>>
    %dma_start3A_84 = tpu.memref_slice %arg11[%dma_start3A_77] : memref<4x!tpu.dma_semaphore, #tpu.memory_space<semaphore_mem>> -> memref<1x!tpu.dma_semaphore, #tpu.memory_space<semaphore_mem>>
    %dma_start3A_85 = tpu.memref_squeeze %dma_start3A_84 : memref<1x!tpu.dma_semaphore, #tpu.memory_space<semaphore_mem>> -> memref<!tpu.dma_semaphore, #tpu.memory_space<semaphore_mem>>
    tpu.enqueue_indirect_dma source(%dma_start3A_83 : memref<10112x128xf32, #tpu.memory_space<hbm>>) target(%arg9 : memref<80x128xf32, #tpu.memory_space<vmem>>) offsets(%dma_start3A_80 : memref<80xi32, #tpu.memory_space<vmem>>) semaphore(%dma_start3A_85 : memref<!tpu.dma_semaphore, #tpu.memory_space<semaphore_mem>>)
    %scan3A_86 = arith.constant 0 : i32
    %scan3A_87 = arith.constant 1 : i32
    %scan3A_88 = arith.constant 0 : i32
    %scan3A_89 = arith.constant 16 : i32
    %scan3A_90 = arith.addi %scan3A_88, %scan3A_89 : i32
    %scan3A_91 = arith.constant 1 : i32
    scf.for %scan3A_129 = %scan3A_88 to %scan3A_90 step %scan3A_91  : i32 {
      %mul3A_130 = arith.constant 1 : i32
      %mul3A_131 = arith.muli %scan3A_129, %mul3A_130 : i32
      %add3A_132 = arith.constant 0 : i32
      %add3A_133 = arith.addi %add3A_132, %mul3A_131 : i32
      %mul3A_134 = arith.constant 2 : i32
      %mul3A_135 = arith.muli %mul3A_134, %add3A_133 : i32
      %mul3A_136 = arith.constant 2 : i32
      %mul3A_137 = arith.muli %mul3A_136, %add3A_133 : i32
      %add3A_138 = arith.constant 1 : i32
      %add3A_139 = arith.addi %mul3A_137, %add3A_138 : i32
      %dma_wait3A = arith.constant 0 : i32
      %dma_wait3A_140 = tpu.memref_slice %arg6[%mul3A_135, %dma_wait3A] : memref<32x80xi32, #tpu.memory_space<vmem>> -> memref<1x80xi32, #tpu.memory_space<vmem>>
      %dma_wait3A_141 = tpu.memref_squeeze %dma_wait3A_140 : memref<1x80xi32, #tpu.memory_space<vmem>> -> memref<80xi32, #tpu.memory_space<vmem>>
      %dma_wait3A_142 = arith.constant 0 : i32
      %dma_wait3A_143 = arith.constant 0 : i32
      %dma_wait3A_144 = tpu.memref_slice %arg2[%dma_wait3A_142, %dma_wait3A_143] : memref<10112x128xf32, #tpu.memory_space<hbm>> -> memref<10112x128xf32, #tpu.memory_space<hbm>>
      %dma_wait3A_145 = tpu.memref_slice %arg11[%scan3A_86] : memref<4x!tpu.dma_semaphore, #tpu.memory_space<semaphore_mem>> -> memref<1x!tpu.dma_semaphore, #tpu.memory_space<semaphore_mem>>
      %dma_wait3A_146 = tpu.memref_squeeze %dma_wait3A_145 : memref<1x!tpu.dma_semaphore, #tpu.memory_space<semaphore_mem>> -> memref<!tpu.dma_semaphore, #tpu.memory_space<semaphore_mem>>
      tpu.wait_indirect_dma semaphore(%dma_wait3A_146 : memref<!tpu.dma_semaphore, #tpu.memory_space<semaphore_mem>>) src(%dma_wait3A_144 : memref<10112x128xf32, #tpu.memory_space<hbm>>) dst(%arg8 : memref<80x128xf32, #tpu.memory_space<vmem>>)
      "tpu.region"() ({
        %run_scoped3A_166 = tpu.sem_alloc : memref<!tpu.dma_semaphore, #tpu.memory_space<semaphore_mem>>
        %dma_start3A_167 = arith.constant 0 : i32
        %dma_start3A_168 = tpu.memref_slice %arg7[%mul3A_135, %dma_start3A_167] : memref<32x80xi32, #tpu.memory_space<vmem>> -> memref<1x80xi32, #tpu.memory_space<vmem>>
        %dma_start3A_169 = tpu.memref_squeeze %dma_start3A_168 : memref<1x80xi32, #tpu.memory_space<vmem>> -> memref<80xi32, #tpu.memory_space<vmem>>
        %dma_start3A_170 = arith.constant 0 : i32
        %dma_start3A_171 = arith.constant 0 : i32
        %dma_start3A_172 = tpu.memref_slice %arg10[%dma_start3A_170, %dma_start3A_171] : memref<10112x128xf32, #tpu.memory_space<vmem_shared>> -> memref<10112x128xf32, #tpu.memory_space<vmem_shared>>
        tpu.enqueue_indirect_dma source(%arg8 : memref<80x128xf32, #tpu.memory_space<vmem>>) target(%dma_start3A_172 : memref<10112x128xf32, #tpu.memory_space<vmem_shared>>) offsets(%dma_start3A_169 : memref<80xi32, #tpu.memory_space<vmem>>) semaphore(%run_scoped3A_166 : memref<!tpu.dma_semaphore, #tpu.memory_space<semaphore_mem>>) {add = true}
        %dma_wait3A_173 = arith.constant 0 : i32
        %dma_wait3A_174 = tpu.memref_slice %arg7[%mul3A_135, %dma_wait3A_173] : memref<32x80xi32, #tpu.memory_space<vmem>> -> memref<1x80xi32, #tpu.memory_space<vmem>>
        %dma_wait3A_175 = tpu.memref_squeeze %dma_wait3A_174 : memref<1x80xi32, #tpu.memory_space<vmem>> -> memref<80xi32, #tpu.memory_space<vmem>>
        %dma_wait3A_176 = arith.constant 0 : i32
        %dma_wait3A_177 = arith.constant 0 : i32
        %dma_wait3A_178 = tpu.memref_slice %arg10[%dma_wait3A_176, %dma_wait3A_177] : memref<10112x128xf32, #tpu.memory_space<vmem_shared>> -> memref<10112x128xf32, #tpu.memory_space<vmem_shared>>
        tpu.wait_indirect_dma semaphore(%run_scoped3A_166 : memref<!tpu.dma_semaphore, #tpu.memory_space<semaphore_mem>>) src(%arg8 : memref<80x128xf32, #tpu.memory_space<vmem>>) dst(%dma_wait3A_178 : memref<10112x128xf32, #tpu.memory_space<vmem_shared>>)
        tpu.yield
      }) : () -> ()
      %add3A_147 = arith.constant 2 : i32
      %add3A_148 = arith.addi %mul3A_135, %add3A_147 : i32
      %lt3A = arith.constant 32 : i32
      %lt3A_149 = arith.cmpi slt, %add3A_148, %lt3A : i32
      %convert_element_type3A = arith.extui %lt3A_149 : i1 to i32
      %cond3A = arith.constant 0 : i32
      %cond3A_150 = arith.cmpi ne, %convert_element_type3A, %cond3A : i32
      scf.if %cond3A_150 {
        %add3A_166 = arith.constant 2 : i32
        %add3A_167 = arith.addi %mul3A_135, %add3A_166 : i32
        %dma_start3A_168 = arith.constant 0 : i32
        %dma_start3A_169 = tpu.memref_slice %arg6[%add3A_167, %dma_start3A_168] : memref<32x80xi32, #tpu.memory_space<vmem>> -> memref<1x80xi32, #tpu.memory_space<vmem>>
        %dma_start3A_170 = tpu.memref_squeeze %dma_start3A_169 : memref<1x80xi32, #tpu.memory_space<vmem>> -> memref<80xi32, #tpu.memory_space<vmem>>
        %dma_start3A_171 = arith.constant 0 : i32
        %dma_start3A_172 = arith.constant 0 : i32
        %dma_start3A_173 = tpu.memref_slice %arg2[%dma_start3A_171, %dma_start3A_172] : memref<10112x128xf32, #tpu.memory_space<hbm>> -> memref<10112x128xf32, #tpu.memory_space<hbm>>
        %dma_start3A_174 = tpu.memref_slice %arg11[%scan3A_86] : memref<4x!tpu.dma_semaphore, #tpu.memory_space<semaphore_mem>> -> memref<1x!tpu.dma_semaphore, #tpu.memory_space<semaphore_mem>>
        %dma_start3A_175 = tpu.memref_squeeze %dma_start3A_174 : memref<1x!tpu.dma_semaphore, #tpu.memory_space<semaphore_mem>> -> memref<!tpu.dma_semaphore, #tpu.memory_space<semaphore_mem>>
        tpu.enqueue_indirect_dma source(%dma_start3A_173 : memref<10112x128xf32, #tpu.memory_space<hbm>>) target(%arg8 : memref<80x128xf32, #tpu.memory_space<vmem>>) offsets(%dma_start3A_170 : memref<80xi32, #tpu.memory_space<vmem>>) semaphore(%dma_start3A_175 : memref<!tpu.dma_semaphore, #tpu.memory_space<semaphore_mem>>)
      } else {
      }
      %dma_wait3A_151 = arith.constant 0 : i32
      %dma_wait3A_152 = tpu.memref_slice %arg6[%add3A_139, %dma_wait3A_151] : memref<32x80xi32, #tpu.memory_space<vmem>> -> memref<1x80xi32, #tpu.memory_space<vmem>>
      %dma_wait3A_153 = tpu.memref_squeeze %dma_wait3A_152 : memref<1x80xi32, #tpu.memory_space<vmem>> -> memref<80xi32, #tpu.memory_space<vmem>>
      %dma_wait3A_154 = arith.constant 0 : i32
      %dma_wait3A_155 = arith.constant 0 : i32
      %dma_wait3A_156 = tpu.memref_slice %arg2[%dma_wait3A_154, %dma_wait3A_155] : memref<10112x128xf32, #tpu.memory_space<hbm>> -> memref<10112x128xf32, #tpu.memory_space<hbm>>
      %dma_wait3A_157 = tpu.memref_slice %arg11[%scan3A_87] : memref<4x!tpu.dma_semaphore, #tpu.memory_space<semaphore_mem>> -> memref<1x!tpu.dma_semaphore, #tpu.memory_space<semaphore_mem>>
      %dma_wait3A_158 = tpu.memref_squeeze %dma_wait3A_157 : memref<1x!tpu.dma_semaphore, #tpu.memory_space<semaphore_mem>> -> memref<!tpu.dma_semaphore, #tpu.memory_space<semaphore_mem>>
      tpu.wait_indirect_dma semaphore(%dma_wait3A_158 : memref<!tpu.dma_semaphore, #tpu.memory_space<semaphore_mem>>) src(%dma_wait3A_156 : memref<10112x128xf32, #tpu.memory_space<hbm>>) dst(%arg9 : memref<80x128xf32, #tpu.memory_space<vmem>>)
      "tpu.region"() ({
        %run_scoped3A_166 = tpu.sem_alloc : memref<!tpu.dma_semaphore, #tpu.memory_space<semaphore_mem>>
        %dma_start3A_167 = arith.constant 0 : i32
        %dma_start3A_168 = tpu.memref_slice %arg7[%add3A_139, %dma_start3A_167] : memref<32x80xi32, #tpu.memory_space<vmem>> -> memref<1x80xi32, #tpu.memory_space<vmem>>
        %dma_start3A_169 = tpu.memref_squeeze %dma_start3A_168 : memref<1x80xi32, #tpu.memory_space<vmem>> -> memref<80xi32, #tpu.memory_space<vmem>>
        %dma_start3A_170 = arith.constant 0 : i32
        %dma_start3A_171 = arith.constant 0 : i32
        %dma_start3A_172 = tpu.memref_slice %arg10[%dma_start3A_170, %dma_start3A_171] : memref<10112x128xf32, #tpu.memory_space<vmem_shared>> -> memref<10112x128xf32, #tpu.memory_space<vmem_shared>>
        tpu.enqueue_indirect_dma source(%arg9 : memref<80x128xf32, #tpu.memory_space<vmem>>) target(%dma_start3A_172 : memref<10112x128xf32, #tpu.memory_space<vmem_shared>>) offsets(%dma_start3A_169 : memref<80xi32, #tpu.memory_space<vmem>>) semaphore(%run_scoped3A_166 : memref<!tpu.dma_semaphore, #tpu.memory_space<semaphore_mem>>) {add = true}
        %dma_wait3A_173 = arith.constant 0 : i32
        %dma_wait3A_174 = tpu.memref_slice %arg7[%add3A_139, %dma_wait3A_173] : memref<32x80xi32, #tpu.memory_space<vmem>> -> memref<1x80xi32, #tpu.memory_space<vmem>>
        %dma_wait3A_175 = tpu.memref_squeeze %dma_wait3A_174 : memref<1x80xi32, #tpu.memory_space<vmem>> -> memref<80xi32, #tpu.memory_space<vmem>>
        %dma_wait3A_176 = arith.constant 0 : i32
        %dma_wait3A_177 = arith.constant 0 : i32
        %dma_wait3A_178 = tpu.memref_slice %arg10[%dma_wait3A_176, %dma_wait3A_177] : memref<10112x128xf32, #tpu.memory_space<vmem_shared>> -> memref<10112x128xf32, #tpu.memory_space<vmem_shared>>
        tpu.wait_indirect_dma semaphore(%run_scoped3A_166 : memref<!tpu.dma_semaphore, #tpu.memory_space<semaphore_mem>>) src(%arg9 : memref<80x128xf32, #tpu.memory_space<vmem>>) dst(%dma_wait3A_178 : memref<10112x128xf32, #tpu.memory_space<vmem_shared>>)
        tpu.yield
      }) : () -> ()
      %add3A_159 = arith.constant 2 : i32
      %add3A_160 = arith.addi %add3A_139, %add3A_159 : i32
      %lt3A_161 = arith.constant 32 : i32
      %lt3A_162 = arith.cmpi slt, %add3A_160, %lt3A_161 : i32
      %convert_element_type3A_163 = arith.extui %lt3A_162 : i1 to i32
      %cond3A_164 = arith.constant 0 : i32
      %cond3A_165 = arith.cmpi ne, %convert_element_type3A_163, %cond3A_164 : i32
      scf.if %cond3A_165 {
        %add3A_166 = arith.constant 2 : i32
        %add3A_167 = arith.addi %add3A_139, %add3A_166 : i32
        %dma_start3A_168 = arith.constant 0 : i32
        %dma_start3A_169 = tpu.memref_slice %arg6[%add3A_167, %dma_start3A_168] : memref<32x80xi32, #tpu.memory_space<vmem>> -> memref<1x80xi32, #tpu.memory_space<vmem>>
        %dma_start3A_170 = tpu.memref_squeeze %dma_start3A_169 : memref<1x80xi32, #tpu.memory_space<vmem>> -> memref<80xi32, #tpu.memory_space<vmem>>
        %dma_start3A_171 = arith.constant 0 : i32
        %dma_start3A_172 = arith.constant 0 : i32
        %dma_start3A_173 = tpu.memref_slice %arg2[%dma_start3A_171, %dma_start3A_172] : memref<10112x128xf32, #tpu.memory_space<hbm>> -> memref<10112x128xf32, #tpu.memory_space<hbm>>
        %dma_start3A_174 = tpu.memref_slice %arg11[%scan3A_87] : memref<4x!tpu.dma_semaphore, #tpu.memory_space<semaphore_mem>> -> memref<1x!tpu.dma_semaphore, #tpu.memory_space<semaphore_mem>>
        %dma_start3A_175 = tpu.memref_squeeze %dma_start3A_174 : memref<1x!tpu.dma_semaphore, #tpu.memory_space<semaphore_mem>> -> memref<!tpu.dma_semaphore, #tpu.memory_space<semaphore_mem>>
        tpu.enqueue_indirect_dma source(%dma_start3A_173 : memref<10112x128xf32, #tpu.memory_space<hbm>>) target(%arg9 : memref<80x128xf32, #tpu.memory_space<vmem>>) offsets(%dma_start3A_170 : memref<80xi32, #tpu.memory_space<vmem>>) semaphore(%dma_start3A_175 : memref<!tpu.dma_semaphore, #tpu.memory_space<semaphore_mem>>)
      } else {
      }
    }
    %scan3A_92 = arith.constant 16 : i32
    %run_scoped3A_93 = arith.constant 0 : i32
    %run_scoped3A_94 = arith.constant 3 : i32
    "tpu.region"() ({
      %run_scoped3A_129 = tpu.sem_alloc : memref<!tpu.dma_semaphore, #tpu.memory_space<semaphore_mem>>
      %dma_start3A_130 = arith.constant 0 : i32
      %dma_start3A_131 = arith.constant 0 : i32
      %dma_start3A_132 = tpu.memref_slice %arg3[%run_scoped3A_93, %add3A, %run_scoped3A_94, %dma_start3A_130, %dma_start3A_131] : memref<2x32x4x32x80xi32, #tpu.memory_space<hbm>> -> memref<1x1x1x32x80xi32, #tpu.memory_space<hbm>>
      %dma_start3A_133 = tpu.memref_squeeze %dma_start3A_132 : memref<1x1x1x32x80xi32, #tpu.memory_space<hbm>> -> memref<32x80xi32, #tpu.memory_space<hbm>>
      %dma_start3A_134 = arith.constant 0 : i32
      %dma_start3A_135 = arith.constant 0 : i32
      %dma_start3A_136 = tpu.memref_slice %arg3[%run_scoped3A_93, %add3A, %run_scoped3A_94, %dma_start3A_134, %dma_start3A_135] : memref<2x32x4x32x80xi32, #tpu.memory_space<hbm>> -> memref<1x1x1x32x80xi32, #tpu.memory_space<hbm>>
      %dma_start3A_137 = tpu.memref_squeeze %dma_start3A_136 : memref<1x1x1x32x80xi32, #tpu.memory_space<hbm>> -> memref<32x80xi32, #tpu.memory_space<hbm>>
      tpu.enqueue_dma source(%dma_start3A_137 : memref<32x80xi32, #tpu.memory_space<hbm>>) target(%arg6 : memref<32x80xi32, #tpu.memory_space<vmem>>) target_semaphore(%run_scoped3A_129 : memref<!tpu.dma_semaphore, #tpu.memory_space<semaphore_mem>>)
      %dma_wait3A = arith.constant 0 : i32
      %dma_wait3A_138 = arith.constant 0 : i32
      %dma_wait3A_139 = tpu.memref_slice %arg3[%run_scoped3A_93, %add3A, %run_scoped3A_94, %dma_wait3A, %dma_wait3A_138] : memref<2x32x4x32x80xi32, #tpu.memory_space<hbm>> -> memref<1x1x1x32x80xi32, #tpu.memory_space<hbm>>
      %dma_wait3A_140 = tpu.memref_squeeze %dma_wait3A_139 : memref<1x1x1x32x80xi32, #tpu.memory_space<hbm>> -> memref<32x80xi32, #tpu.memory_space<hbm>>
      %dma_wait3A_141 = arith.constant 0 : i32
      %dma_wait3A_142 = arith.constant 0 : i32
      %dma_wait3A_143 = tpu.memref_slice %arg3[%run_scoped3A_93, %add3A, %run_scoped3A_94, %dma_wait3A_141, %dma_wait3A_142] : memref<2x32x4x32x80xi32, #tpu.memory_space<hbm>> -> memref<1x1x1x32x80xi32, #tpu.memory_space<hbm>>
      %dma_wait3A_144 = tpu.memref_squeeze %dma_wait3A_143 : memref<1x1x1x32x80xi32, #tpu.memory_space<hbm>> -> memref<32x80xi32, #tpu.memory_space<hbm>>
      tpu.wait_dma2 semaphore(%run_scoped3A_129 : memref<!tpu.dma_semaphore, #tpu.memory_space<semaphore_mem>>) src(%dma_wait3A_144 : memref<32x80xi32, #tpu.memory_space<hbm>>) dst(%arg6 : memref<32x80xi32, #tpu.memory_space<vmem>>)
      tpu.yield
    }) : () -> ()
    %run_scoped3A_95 = arith.constant 1 : i32
    %run_scoped3A_96 = arith.constant 3 : i32
    "tpu.region"() ({
      %run_scoped3A_129 = tpu.sem_alloc : memref<!tpu.dma_semaphore, #tpu.memory_space<semaphore_mem>>
      %dma_start3A_130 = arith.constant 0 : i32
      %dma_start3A_131 = arith.constant 0 : i32
      %dma_start3A_132 = tpu.memref_slice %arg3[%run_scoped3A_95, %add3A, %run_scoped3A_96, %dma_start3A_130, %dma_start3A_131] : memref<2x32x4x32x80xi32, #tpu.memory_space<hbm>> -> memref<1x1x1x32x80xi32, #tpu.memory_space<hbm>>
      %dma_start3A_133 = tpu.memref_squeeze %dma_start3A_132 : memref<1x1x1x32x80xi32, #tpu.memory_space<hbm>> -> memref<32x80xi32, #tpu.memory_space<hbm>>
      %dma_start3A_134 = arith.constant 0 : i32
      %dma_start3A_135 = arith.constant 0 : i32
      %dma_start3A_136 = tpu.memref_slice %arg3[%run_scoped3A_95, %add3A, %run_scoped3A_96, %dma_start3A_134, %dma_start3A_135] : memref<2x32x4x32x80xi32, #tpu.memory_space<hbm>> -> memref<1x1x1x32x80xi32, #tpu.memory_space<hbm>>
      %dma_start3A_137 = tpu.memref_squeeze %dma_start3A_136 : memref<1x1x1x32x80xi32, #tpu.memory_space<hbm>> -> memref<32x80xi32, #tpu.memory_space<hbm>>
      tpu.enqueue_dma source(%dma_start3A_137 : memref<32x80xi32, #tpu.memory_space<hbm>>) target(%arg7 : memref<32x80xi32, #tpu.memory_space<vmem>>) target_semaphore(%run_scoped3A_129 : memref<!tpu.dma_semaphore, #tpu.memory_space<semaphore_mem>>)
      %dma_wait3A = arith.constant 0 : i32
      %dma_wait3A_138 = arith.constant 0 : i32
      %dma_wait3A_139 = tpu.memref_slice %arg3[%run_scoped3A_95, %add3A, %run_scoped3A_96, %dma_wait3A, %dma_wait3A_138] : memref<2x32x4x32x80xi32, #tpu.memory_space<hbm>> -> memref<1x1x1x32x80xi32, #tpu.memory_space<hbm>>
      %dma_wait3A_140 = tpu.memref_squeeze %dma_wait3A_139 : memref<1x1x1x32x80xi32, #tpu.memory_space<hbm>> -> memref<32x80xi32, #tpu.memory_space<hbm>>
      %dma_wait3A_141 = arith.constant 0 : i32
      %dma_wait3A_142 = arith.constant 0 : i32
      %dma_wait3A_143 = tpu.memref_slice %arg3[%run_scoped3A_95, %add3A, %run_scoped3A_96, %dma_wait3A_141, %dma_wait3A_142] : memref<2x32x4x32x80xi32, #tpu.memory_space<hbm>> -> memref<1x1x1x32x80xi32, #tpu.memory_space<hbm>>
      %dma_wait3A_144 = tpu.memref_squeeze %dma_wait3A_143 : memref<1x1x1x32x80xi32, #tpu.memory_space<hbm>> -> memref<32x80xi32, #tpu.memory_space<hbm>>
      tpu.wait_dma2 semaphore(%run_scoped3A_129 : memref<!tpu.dma_semaphore, #tpu.memory_space<semaphore_mem>>) src(%dma_wait3A_144 : memref<32x80xi32, #tpu.memory_space<hbm>>) dst(%arg7 : memref<32x80xi32, #tpu.memory_space<vmem>>)
      tpu.yield
    }) : () -> ()
    %dma_start3A_97 = arith.constant 0 : i32
    %dma_start3A_98 = arith.constant 0 : i32
    %dma_start3A_99 = arith.constant 0 : i32
    %dma_start3A_100 = tpu.memref_slice %arg6[%dma_start3A_97, %dma_start3A_99] : memref<32x80xi32, #tpu.memory_space<vmem>> -> memref<1x80xi32, #tpu.memory_space<vmem>>
    %dma_start3A_101 = tpu.memref_squeeze %dma_start3A_100 : memref<1x80xi32, #tpu.memory_space<vmem>> -> memref<80xi32, #tpu.memory_space<vmem>>
    %dma_start3A_102 = arith.constant 0 : i32
    %dma_start3A_103 = arith.constant 0 : i32
    %dma_start3A_104 = tpu.memref_slice %arg2[%dma_start3A_102, %dma_start3A_103] : memref<10112x128xf32, #tpu.memory_space<hbm>> -> memref<10112x128xf32, #tpu.memory_space<hbm>>
    %dma_start3A_105 = tpu.memref_slice %arg11[%dma_start3A_98] : memref<4x!tpu.dma_semaphore, #tpu.memory_space<semaphore_mem>> -> memref<1x!tpu.dma_semaphore, #tpu.memory_space<semaphore_mem>>
    %dma_start3A_106 = tpu.memref_squeeze %dma_start3A_105 : memref<1x!tpu.dma_semaphore, #tpu.memory_space<semaphore_mem>> -> memref<!tpu.dma_semaphore, #tpu.memory_space<semaphore_mem>>
    tpu.enqueue_indirect_dma source(%dma_start3A_104 : memref<10112x128xf32, #tpu.memory_space<hbm>>) target(%arg8 : memref<80x128xf32, #tpu.memory_space<vmem>>) offsets(%dma_start3A_101 : memref<80xi32, #tpu.memory_space<vmem>>) semaphore(%dma_start3A_106 : memref<!tpu.dma_semaphore, #tpu.memory_space<semaphore_mem>>)
    %dma_start3A_107 = arith.constant 1 : i32
    %dma_start3A_108 = arith.constant 1 : i32
    %dma_start3A_109 = arith.constant 0 : i32
    %dma_start3A_110 = tpu.memref_slice %arg6[%dma_start3A_107, %dma_start3A_109] : memref<32x80xi32, #tpu.memory_space<vmem>> -> memref<1x80xi32, #tpu.memory_space<vmem>>
    %dma_start3A_111 = tpu.memref_squeeze %dma_start3A_110 : memref<1x80xi32, #tpu.memory_space<vmem>> -> memref<80xi32, #tpu.memory_space<vmem>>
    %dma_start3A_112 = arith.constant 0 : i32
    %dma_start3A_113 = arith.constant 0 : i32
    %dma_start3A_114 = tpu.memref_slice %arg2[%dma_start3A_112, %dma_start3A_113] : memref<10112x128xf32, #tpu.memory_space<hbm>> -> memref<10112x128xf32, #tpu.memory_space<hbm>>
    %dma_start3A_115 = tpu.memref_slice %arg11[%dma_start3A_108] : memref<4x!tpu.dma_semaphore, #tpu.memory_space<semaphore_mem>> -> memref<1x!tpu.dma_semaphore, #tpu.memory_space<semaphore_mem>>
    %dma_start3A_116 = tpu.memref_squeeze %dma_start3A_115 : memref<1x!tpu.dma_semaphore, #tpu.memory_space<semaphore_mem>> -> memref<!tpu.dma_semaphore, #tpu.memory_space<semaphore_mem>>
    tpu.enqueue_indirect_dma source(%dma_start3A_114 : memref<10112x128xf32, #tpu.memory_space<hbm>>) target(%arg9 : memref<80x128xf32, #tpu.memory_space<vmem>>) offsets(%dma_start3A_111 : memref<80xi32, #tpu.memory_space<vmem>>) semaphore(%dma_start3A_116 : memref<!tpu.dma_semaphore, #tpu.memory_space<semaphore_mem>>)
    %scan3A_117 = arith.constant 0 : i32
    %scan3A_118 = arith.constant 1 : i32
    %scan3A_119 = arith.constant 0 : i32
    %scan3A_120 = arith.constant 16 : i32
    %scan3A_121 = arith.addi %scan3A_119, %scan3A_120 : i32
    %scan3A_122 = arith.constant 1 : i32
    scf.for %scan3A_129 = %scan3A_119 to %scan3A_121 step %scan3A_122  : i32 {
      %mul3A_130 = arith.constant 1 : i32
      %mul3A_131 = arith.muli %scan3A_129, %mul3A_130 : i32
      %add3A_132 = arith.constant 0 : i32
      %add3A_133 = arith.addi %add3A_132, %mul3A_131 : i32
      %mul3A_134 = arith.constant 2 : i32
      %mul3A_135 = arith.muli %mul3A_134, %add3A_133 : i32
      %mul3A_136 = arith.constant 2 : i32
      %mul3A_137 = arith.muli %mul3A_136, %add3A_133 : i32
      %add3A_138 = arith.constant 1 : i32
      %add3A_139 = arith.addi %mul3A_137, %add3A_138 : i32
      %dma_wait3A = arith.constant 0 : i32
      %dma_wait3A_140 = tpu.memref_slice %arg6[%mul3A_135, %dma_wait3A] : memref<32x80xi32, #tpu.memory_space<vmem>> -> memref<1x80xi32, #tpu.memory_space<vmem>>
      %dma_wait3A_141 = tpu.memref_squeeze %dma_wait3A_140 : memref<1x80xi32, #tpu.memory_space<vmem>> -> memref<80xi32, #tpu.memory_space<vmem>>
      %dma_wait3A_142 = arith.constant 0 : i32
      %dma_wait3A_143 = arith.constant 0 : i32
      %dma_wait3A_144 = tpu.memref_slice %arg2[%dma_wait3A_142, %dma_wait3A_143] : memref<10112x128xf32, #tpu.memory_space<hbm>> -> memref<10112x128xf32, #tpu.memory_space<hbm>>
      %dma_wait3A_145 = tpu.memref_slice %arg11[%scan3A_117] : memref<4x!tpu.dma_semaphore, #tpu.memory_space<semaphore_mem>> -> memref<1x!tpu.dma_semaphore, #tpu.memory_space<semaphore_mem>>
      %dma_wait3A_146 = tpu.memref_squeeze %dma_wait3A_145 : memref<1x!tpu.dma_semaphore, #tpu.memory_space<semaphore_mem>> -> memref<!tpu.dma_semaphore, #tpu.memory_space<semaphore_mem>>
      tpu.wait_indirect_dma semaphore(%dma_wait3A_146 : memref<!tpu.dma_semaphore, #tpu.memory_space<semaphore_mem>>) src(%dma_wait3A_144 : memref<10112x128xf32, #tpu.memory_space<hbm>>) dst(%arg8 : memref<80x128xf32, #tpu.memory_space<vmem>>)
      "tpu.region"() ({
        %run_scoped3A_166 = tpu.sem_alloc : memref<!tpu.dma_semaphore, #tpu.memory_space<semaphore_mem>>
        %dma_start3A_167 = arith.constant 0 : i32
        %dma_start3A_168 = tpu.memref_slice %arg7[%mul3A_135, %dma_start3A_167] : memref<32x80xi32, #tpu.memory_space<vmem>> -> memref<1x80xi32, #tpu.memory_space<vmem>>
        %dma_start3A_169 = tpu.memref_squeeze %dma_start3A_168 : memref<1x80xi32, #tpu.memory_space<vmem>> -> memref<80xi32, #tpu.memory_space<vmem>>
        %dma_start3A_170 = arith.constant 0 : i32
        %dma_start3A_171 = arith.constant 0 : i32
        %dma_start3A_172 = tpu.memref_slice %arg10[%dma_start3A_170, %dma_start3A_171] : memref<10112x128xf32, #tpu.memory_space<vmem_shared>> -> memref<10112x128xf32, #tpu.memory_space<vmem_shared>>
        tpu.enqueue_indirect_dma source(%arg8 : memref<80x128xf32, #tpu.memory_space<vmem>>) target(%dma_start3A_172 : memref<10112x128xf32, #tpu.memory_space<vmem_shared>>) offsets(%dma_start3A_169 : memref<80xi32, #tpu.memory_space<vmem>>) semaphore(%run_scoped3A_166 : memref<!tpu.dma_semaphore, #tpu.memory_space<semaphore_mem>>) {add = true}
        %dma_wait3A_173 = arith.constant 0 : i32
        %dma_wait3A_174 = tpu.memref_slice %arg7[%mul3A_135, %dma_wait3A_173] : memref<32x80xi32, #tpu.memory_space<vmem>> -> memref<1x80xi32, #tpu.memory_space<vmem>>
        %dma_wait3A_175 = tpu.memref_squeeze %dma_wait3A_174 : memref<1x80xi32, #tpu.memory_space<vmem>> -> memref<80xi32, #tpu.memory_space<vmem>>
        %dma_wait3A_176 = arith.constant 0 : i32
        %dma_wait3A_177 = arith.constant 0 : i32
        %dma_wait3A_178 = tpu.memref_slice %arg10[%dma_wait3A_176, %dma_wait3A_177] : memref<10112x128xf32, #tpu.memory_space<vmem_shared>> -> memref<10112x128xf32, #tpu.memory_space<vmem_shared>>
        tpu.wait_indirect_dma semaphore(%run_scoped3A_166 : memref<!tpu.dma_semaphore, #tpu.memory_space<semaphore_mem>>) src(%arg8 : memref<80x128xf32, #tpu.memory_space<vmem>>) dst(%dma_wait3A_178 : memref<10112x128xf32, #tpu.memory_space<vmem_shared>>)
        tpu.yield
      }) : () -> ()
      %add3A_147 = arith.constant 2 : i32
      %add3A_148 = arith.addi %mul3A_135, %add3A_147 : i32
      %lt3A = arith.constant 32 : i32
      %lt3A_149 = arith.cmpi slt, %add3A_148, %lt3A : i32
      %convert_element_type3A = arith.extui %lt3A_149 : i1 to i32
      %cond3A = arith.constant 0 : i32
      %cond3A_150 = arith.cmpi ne, %convert_element_type3A, %cond3A : i32
      scf.if %cond3A_150 {
        %add3A_166 = arith.constant 2 : i32
        %add3A_167 = arith.addi %mul3A_135, %add3A_166 : i32
        %dma_start3A_168 = arith.constant 0 : i32
        %dma_start3A_169 = tpu.memref_slice %arg6[%add3A_167, %dma_start3A_168] : memref<32x80xi32, #tpu.memory_space<vmem>> -> memref<1x80xi32, #tpu.memory_space<vmem>>
        %dma_start3A_170 = tpu.memref_squeeze %dma_start3A_169 : memref<1x80xi32, #tpu.memory_space<vmem>> -> memref<80xi32, #tpu.memory_space<vmem>>
        %dma_start3A_171 = arith.constant 0 : i32
        %dma_start3A_172 = arith.constant 0 : i32
        %dma_start3A_173 = tpu.memref_slice %arg2[%dma_start3A_171, %dma_start3A_172] : memref<10112x128xf32, #tpu.memory_space<hbm>> -> memref<10112x128xf32, #tpu.memory_space<hbm>>
        %dma_start3A_174 = tpu.memref_slice %arg11[%scan3A_117] : memref<4x!tpu.dma_semaphore, #tpu.memory_space<semaphore_mem>> -> memref<1x!tpu.dma_semaphore, #tpu.memory_space<semaphore_mem>>
        %dma_start3A_175 = tpu.memref_squeeze %dma_start3A_174 : memref<1x!tpu.dma_semaphore, #tpu.memory_space<semaphore_mem>> -> memref<!tpu.dma_semaphore, #tpu.memory_space<semaphore_mem>>
        tpu.enqueue_indirect_dma source(%dma_start3A_173 : memref<10112x128xf32, #tpu.memory_space<hbm>>) target(%arg8 : memref<80x128xf32, #tpu.memory_space<vmem>>) offsets(%dma_start3A_170 : memref<80xi32, #tpu.memory_space<vmem>>) semaphore(%dma_start3A_175 : memref<!tpu.dma_semaphore, #tpu.memory_space<semaphore_mem>>)
      } else {
      }
      %dma_wait3A_151 = arith.constant 0 : i32
      %dma_wait3A_152 = tpu.memref_slice %arg6[%add3A_139, %dma_wait3A_151] : memref<32x80xi32, #tpu.memory_space<vmem>> -> memref<1x80xi32, #tpu.memory_space<vmem>>
      %dma_wait3A_153 = tpu.memref_squeeze %dma_wait3A_152 : memref<1x80xi32, #tpu.memory_space<vmem>> -> memref<80xi32, #tpu.memory_space<vmem>>
      %dma_wait3A_154 = arith.constant 0 : i32
      %dma_wait3A_155 = arith.constant 0 : i32
      %dma_wait3A_156 = tpu.memref_slice %arg2[%dma_wait3A_154, %dma_wait3A_155] : memref<10112x128xf32, #tpu.memory_space<hbm>> -> memref<10112x128xf32, #tpu.memory_space<hbm>>
      %dma_wait3A_157 = tpu.memref_slice %arg11[%scan3A_118] : memref<4x!tpu.dma_semaphore, #tpu.memory_space<semaphore_mem>> -> memref<1x!tpu.dma_semaphore, #tpu.memory_space<semaphore_mem>>
      %dma_wait3A_158 = tpu.memref_squeeze %dma_wait3A_157 : memref<1x!tpu.dma_semaphore, #tpu.memory_space<semaphore_mem>> -> memref<!tpu.dma_semaphore, #tpu.memory_space<semaphore_mem>>
      tpu.wait_indirect_dma semaphore(%dma_wait3A_158 : memref<!tpu.dma_semaphore, #tpu.memory_space<semaphore_mem>>) src(%dma_wait3A_156 : memref<10112x128xf32, #tpu.memory_space<hbm>>) dst(%arg9 : memref<80x128xf32, #tpu.memory_space<vmem>>)
      "tpu.region"() ({
        %run_scoped3A_166 = tpu.sem_alloc : memref<!tpu.dma_semaphore, #tpu.memory_space<semaphore_mem>>
        %dma_start3A_167 = arith.constant 0 : i32
        %dma_start3A_168 = tpu.memref_slice %arg7[%add3A_139, %dma_start3A_167] : memref<32x80xi32, #tpu.memory_space<vmem>> -> memref<1x80xi32, #tpu.memory_space<vmem>>
        %dma_start3A_169 = tpu.memref_squeeze %dma_start3A_168 : memref<1x80xi32, #tpu.memory_space<vmem>> -> memref<80xi32, #tpu.memory_space<vmem>>
        %dma_start3A_170 = arith.constant 0 : i32
        %dma_start3A_171 = arith.constant 0 : i32
        %dma_start3A_172 = tpu.memref_slice %arg10[%dma_start3A_170, %dma_start3A_171] : memref<10112x128xf32, #tpu.memory_space<vmem_shared>> -> memref<10112x128xf32, #tpu.memory_space<vmem_shared>>
        tpu.enqueue_indirect_dma source(%arg9 : memref<80x128xf32, #tpu.memory_space<vmem>>) target(%dma_start3A_172 : memref<10112x128xf32, #tpu.memory_space<vmem_shared>>) offsets(%dma_start3A_169 : memref<80xi32, #tpu.memory_space<vmem>>) semaphore(%run_scoped3A_166 : memref<!tpu.dma_semaphore, #tpu.memory_space<semaphore_mem>>) {add = true}
        %dma_wait3A_173 = arith.constant 0 : i32
        %dma_wait3A_174 = tpu.memref_slice %arg7[%add3A_139, %dma_wait3A_173] : memref<32x80xi32, #tpu.memory_space<vmem>> -> memref<1x80xi32, #tpu.memory_space<vmem>>
        %dma_wait3A_175 = tpu.memref_squeeze %dma_wait3A_174 : memref<1x80xi32, #tpu.memory_space<vmem>> -> memref<80xi32, #tpu.memory_space<vmem>>
        %dma_wait3A_176 = arith.constant 0 : i32
        %dma_wait3A_177 = arith.constant 0 : i32
        %dma_wait3A_178 = tpu.memref_slice %arg10[%dma_wait3A_176, %dma_wait3A_177] : memref<10112x128xf32, #tpu.memory_space<vmem_shared>> -> memref<10112x128xf32, #tpu.memory_space<vmem_shared>>
        tpu.wait_indirect_dma semaphore(%run_scoped3A_166 : memref<!tpu.dma_semaphore, #tpu.memory_space<semaphore_mem>>) src(%arg9 : memref<80x128xf32, #tpu.memory_space<vmem>>) dst(%dma_wait3A_178 : memref<10112x128xf32, #tpu.memory_space<vmem_shared>>)
        tpu.yield
      }) : () -> ()
      %add3A_159 = arith.constant 2 : i32
      %add3A_160 = arith.addi %add3A_139, %add3A_159 : i32
      %lt3A_161 = arith.constant 32 : i32
      %lt3A_162 = arith.cmpi slt, %add3A_160, %lt3A_161 : i32
      %convert_element_type3A_163 = arith.extui %lt3A_162 : i1 to i32
      %cond3A_164 = arith.constant 0 : i32
      %cond3A_165 = arith.cmpi ne, %convert_element_type3A_163, %cond3A_164 : i32
      scf.if %cond3A_165 {
        %add3A_166 = arith.constant 2 : i32
        %add3A_167 = arith.addi %add3A_139, %add3A_166 : i32
        %dma_start3A_168 = arith.constant 0 : i32
        %dma_start3A_169 = tpu.memref_slice %arg6[%add3A_167, %dma_start3A_168] : memref<32x80xi32, #tpu.memory_space<vmem>> -> memref<1x80xi32, #tpu.memory_space<vmem>>
        %dma_start3A_170 = tpu.memref_squeeze %dma_start3A_169 : memref<1x80xi32, #tpu.memory_space<vmem>> -> memref<80xi32, #tpu.memory_space<vmem>>
        %dma_start3A_171 = arith.constant 0 : i32
        %dma_start3A_172 = arith.constant 0 : i32
        %dma_start3A_173 = tpu.memref_slice %arg2[%dma_start3A_171, %dma_start3A_172] : memref<10112x128xf32, #tpu.memory_space<hbm>> -> memref<10112x128xf32, #tpu.memory_space<hbm>>
        %dma_start3A_174 = tpu.memref_slice %arg11[%scan3A_118] : memref<4x!tpu.dma_semaphore, #tpu.memory_space<semaphore_mem>> -> memref<1x!tpu.dma_semaphore, #tpu.memory_space<semaphore_mem>>
        %dma_start3A_175 = tpu.memref_squeeze %dma_start3A_174 : memref<1x!tpu.dma_semaphore, #tpu.memory_space<semaphore_mem>> -> memref<!tpu.dma_semaphore, #tpu.memory_space<semaphore_mem>>
        tpu.enqueue_indirect_dma source(%dma_start3A_173 : memref<10112x128xf32, #tpu.memory_space<hbm>>) target(%arg9 : memref<80x128xf32, #tpu.memory_space<vmem>>) offsets(%dma_start3A_170 : memref<80xi32, #tpu.memory_space<vmem>>) semaphore(%dma_start3A_175 : memref<!tpu.dma_semaphore, #tpu.memory_space<semaphore_mem>>)
      } else {
      }
    }
    %scan3A_123 = arith.constant 16 : i32
    %barrier3A_124 = arith.constant 0 : index
    tpu.barrier barrier_id(%barrier3A_124)
    %mul3A_125 = arith.constant 632 : i32
    %mul3A_126 = arith.muli %arg1, %mul3A_125 : i32
    %mul3A_127 = arith.constant 632 : i32
    %mul3A_128 = arith.muli %arg1, %mul3A_127 : i32
    "tpu.region"() ({
      %run_scoped3A_129 = tpu.sem_alloc : memref<!tpu.dma_semaphore, #tpu.memory_space<semaphore_mem>>
      %dma_start3A_130 = arith.constant 0 : i32
      %dma_start3A_131 = tpu.memref_slice %arg5[%arg0, %mul3A_128, %dma_start3A_130] : memref<2x10112x128xf32, #tpu.memory_space<hbm>> -> memref<1x632x128xf32, #tpu.memory_space<hbm>>
      %dma_start3A_132 = tpu.memref_squeeze %dma_start3A_131 : memref<1x632x128xf32, #tpu.memory_space<hbm>> -> memref<632x128xf32, #tpu.memory_space<hbm>>
      %dma_start3A_133 = arith.constant 0 : i32
      %dma_start3A_134 = tpu.memref_slice %arg10[%mul3A_126, %dma_start3A_133] : memref<10112x128xf32, #tpu.memory_space<vmem_shared>> -> memref<632x128xf32, #tpu.memory_space<vmem_shared>>
      tpu.enqueue_dma source(%dma_start3A_134 : memref<632x128xf32, #tpu.memory_space<vmem_shared>>) target(%dma_start3A_132 : memref<632x128xf32, #tpu.memory_space<hbm>>) target_semaphore(%run_scoped3A_129 : memref<!tpu.dma_semaphore, #tpu.memory_space<semaphore_mem>>)
      %dma_wait3A = arith.constant 0 : i32
      %dma_wait3A_135 = tpu.memref_slice %arg5[%arg0, %mul3A_128, %dma_wait3A] : memref<2x10112x128xf32, #tpu.memory_space<hbm>> -> memref<1x632x128xf32, #tpu.memory_space<hbm>>
      %dma_wait3A_136 = tpu.memref_squeeze %dma_wait3A_135 : memref<1x632x128xf32, #tpu.memory_space<hbm>> -> memref<632x128xf32, #tpu.memory_space<hbm>>
      %dma_wait3A_137 = arith.constant 0 : i32
      %dma_wait3A_138 = tpu.memref_slice %arg10[%mul3A_126, %dma_wait3A_137] : memref<10112x128xf32, #tpu.memory_space<vmem_shared>> -> memref<632x128xf32, #tpu.memory_space<vmem_shared>>
      tpu.wait_dma2 semaphore(%run_scoped3A_129 : memref<!tpu.dma_semaphore, #tpu.memory_space<semaphore_mem>>) src(%dma_wait3A_138 : memref<632x128xf32, #tpu.memory_space<vmem_shared>>) dst(%dma_wait3A_136 : memref<632x128xf32, #tpu.memory_space<hbm>>)
      tpu.yield
    }) : () -> ()
    return
  }
}

module attributes {stable_mosaic.version = 14 : i64} {
  func.func @_prep_body(%arg0: memref<2x2x16x10112xf32, #tpu.memory_space<vmem>>, %arg1: memref<10000x128xf32, #tpu.memory_space<vmem>>, %arg2: memref<10000x1xf32, #tpu.memory_space<vmem>>, %arg3: memref<10000x1xf32, #tpu.memory_space<vmem>>, %arg4: memref<10112x128xf32, #tpu.memory_space<vmem>>) attributes {dimension_semantics = [], scalar_prefetch = 0 : i64, scratch_operands = 0 : i64, tpu.core_type = #tpu.core_type<tc>} {
    %get3A = arith.constant 0 : index
    %get3A_0 = arith.constant 0 : index
    %get3A_1 = arith.constant 0 : index
    %get3A_2 = arith.constant 0 : index
    %get3A_3 = vector.load %arg0[%get3A, %get3A_0, %get3A_1, %get3A_2] : memref<2x2x16x10112xf32, #tpu.memory_space<vmem>>, vector<2x2x16x10112xf32>
    %slice3A = vector.extract_strided_slice %get3A_3 {offsets = [0, 0, 0, 0], sizes = [1, 2, 16, 10112], strides = [1, 1, 1, 1]} : vector<2x2x16x10112xf32> to vector<1x2x16x10112xf32>
    %squeeze3A = vector.shape_cast %slice3A : vector<1x2x16x10112xf32> to vector<2x16x10112xf32>
    %reshape3A = vector.shape_cast %squeeze3A : vector<2x16x10112xf32> to vector<32x10112xf32>
    %slice3A_4 = vector.extract_strided_slice %get3A_3 {offsets = [1, 0, 0, 0], sizes = [1, 2, 16, 10112], strides = [1, 1, 1, 1]} : vector<2x2x16x10112xf32> to vector<1x2x16x10112xf32>
    %squeeze3A_5 = vector.shape_cast %slice3A_4 : vector<1x2x16x10112xf32> to vector<2x16x10112xf32>
    %reshape3A_6 = vector.shape_cast %squeeze3A_5 : vector<2x16x10112xf32> to vector<32x10112xf32>
    %broadcast_in_dim3A = arith.constant 1.000000e+00 : f32
    %broadcast_in_dim3A_7 = vector.broadcast %broadcast_in_dim3A : f32 to vector<32x1xf32>
    %dot_general3A = arith.constant dense<0.000000e+00> : vector<10112x1xf32>
    %dot_general3A_8 = tpu.matmul %reshape3A, %broadcast_in_dim3A_7, %dot_general3A {dimension_numbers = #tpu.dot_dimension_numbers<[0], [0], [1], [1], [0, 1, 1, 1], [], []>, transpose_lhs_hint = false} : vector<32x10112xf32>, vector<32x1xf32>, vector<10112x1xf32> -> vector<10112x1xf32>
    %slice3A_9 = vector.extract_strided_slice %dot_general3A_8 {offsets = [0, 0], sizes = [10000, 1], strides = [1, 1]} : vector<10112x1xf32> to vector<10000x1xf32>
    %dot_general3A_10 = arith.constant dense<0.000000e+00> : vector<10112x1xf32>
    %dot_general3A_11 = tpu.matmul %reshape3A_6, %broadcast_in_dim3A_7, %dot_general3A_10 {dimension_numbers = #tpu.dot_dimension_numbers<[0], [0], [1], [1], [0, 1, 1, 1], [], []>, transpose_lhs_hint = false} : vector<32x10112xf32>, vector<32x1xf32>, vector<10112x1xf32> -> vector<10112x1xf32>
    %slice3A_12 = vector.extract_strided_slice %dot_general3A_11 {offsets = [0, 0], sizes = [10000, 1], strides = [1, 1]} : vector<10112x1xf32> to vector<10000x1xf32>
    %gt3A = arith.constant 0.000000e+00 : f32
    %gt3A_13 = vector.broadcast %gt3A : f32 to vector<10000x1xf32>
    %gt3A_14 = arith.cmpf ogt, %slice3A_9, %gt3A_13 : vector<10000x1xf32>
    %max3A = arith.constant 1.000000e+00 : f32
    %max3A_15 = vector.broadcast %max3A : f32 to vector<10000x1xf32>
    %max3A_16 = arith.maximumf %slice3A_9, %max3A_15 : vector<10000x1xf32>
    %rsqrt3A = math.rsqrt %max3A_16 : vector<10000x1xf32>
    %jit3A = arith.constant 0.000000e+00 : f32
    %broadcast_in_dim3A_17 = vector.broadcast %jit3A : f32 to vector<10000x1xf32>
    %select_n3A = arith.select %gt3A_14, %rsqrt3A, %broadcast_in_dim3A_17 : vector<10000x1xi1>, vector<10000x1xf32>
    %gt3A_18 = arith.constant 0.000000e+00 : f32
    %gt3A_19 = vector.broadcast %gt3A_18 : f32 to vector<10000x1xf32>
    %gt3A_20 = arith.cmpf ogt, %slice3A_12, %gt3A_19 : vector<10000x1xf32>
    %max3A_21 = arith.constant 1.000000e+00 : f32
    %max3A_22 = vector.broadcast %max3A_21 : f32 to vector<10000x1xf32>
    %max3A_23 = arith.maximumf %slice3A_12, %max3A_22 : vector<10000x1xf32>
    %rsqrt3A_24 = math.rsqrt %max3A_23 : vector<10000x1xf32>
    %jit3A_25 = arith.constant 0.000000e+00 : f32
    %broadcast_in_dim3A_26 = vector.broadcast %jit3A_25 : f32 to vector<10000x1xf32>
    %select_n3A_27 = arith.select %gt3A_20, %rsqrt3A_24, %broadcast_in_dim3A_26 : vector<10000x1xi1>, vector<10000x1xf32>
    %swap3A = arith.constant 0 : index
    %swap3A_28 = arith.constant 0 : index
    %swap3A_29 = vector.load %arg2[%swap3A, %swap3A_28] : memref<10000x1xf32, #tpu.memory_space<vmem>>, vector<10000x1xf32>
    tpu.vector_store %arg2[%swap3A, %swap3A_28], %select_n3A {strides = array<i32>} : memref<10000x1xf32, #tpu.memory_space<vmem>>, vector<10000x1xf32>,
    %swap3A_30 = arith.constant 0 : index
    %swap3A_31 = arith.constant 0 : index
    %swap3A_32 = vector.load %arg3[%swap3A_30, %swap3A_31] : memref<10000x1xf32, #tpu.memory_space<vmem>>, vector<10000x1xf32>
    tpu.vector_store %arg3[%swap3A_30, %swap3A_31], %select_n3A_27 {strides = array<i32>} : memref<10000x1xf32, #tpu.memory_space<vmem>>, vector<10000x1xf32>,
    %get3A_33 = arith.constant 0 : index
    %get3A_34 = arith.constant 0 : index
    %get3A_35 = vector.load %arg1[%get3A_33, %get3A_34] : memref<10000x128xf32, #tpu.memory_space<vmem>>, vector<10000x128xf32>
    %mul3A = vector.broadcast %select_n3A : vector<10000x1xf32> to vector<10000x128xf32>
    %mul3A_36 = arith.mulf %get3A_35, %mul3A : vector<10000x128xf32>
    %swap3A_37 = arith.constant 0 : index
    %swap3A_38 = arith.constant 0 : index
    %swap3A_39 = vector.load %arg4[%swap3A_37, %swap3A_38] : memref<10112x128xf32, #tpu.memory_space<vmem>>, vector<10000x128xf32>
    tpu.vector_store %arg4[%swap3A_37, %swap3A_38], %mul3A_36 {strides = array<i32>} : memref<10112x128xf32, #tpu.memory_space<vmem>>, vector<10000x128xf32>,
    %broadcast_in_dim3A_40 = arith.constant 0.000000e+00 : f32
    %broadcast_in_dim3A_41 = vector.broadcast %broadcast_in_dim3A_40 : f32 to vector<112x128xf32>
    %swap3A_42 = arith.constant 10000 : index
    %swap3A_43 = arith.constant 0 : index
    %swap3A_44 = vector.load %arg4[%swap3A_42, %swap3A_43] : memref<10112x128xf32, #tpu.memory_space<vmem>>, vector<112x128xf32>
    tpu.vector_store %arg4[%swap3A_42, %swap3A_43], %broadcast_in_dim3A_41 {strides = array<i32>} : memref<10112x128xf32, #tpu.memory_space<vmem>>, vector<112x128xf32>,
    return
  }
}

module attributes {stable_mosaic.version = 14 : i64} {
  func.func @_dense_body(%arg0: memref<2x10112x128xf32, #tpu.memory_space<vmem>>, %arg1: memref<10000x1xf32, #tpu.memory_space<vmem>>, %arg2: memref<10000x1xf32, #tpu.memory_space<vmem>>, %arg3: memref<128x128xf32, #tpu.memory_space<vmem>>, %arg4: memref<1x128xf32, #tpu.memory_space<vmem>>, %arg5: memref<1x128xf32, #tpu.memory_space<vmem>>, %arg6: memref<1x128xf32, #tpu.memory_space<vmem>>, %arg7: memref<10112x128xf32, #tpu.memory_space<vmem>>) attributes {dimension_semantics = [], scalar_prefetch = 0 : i64, scratch_operands = 0 : i64, tpu.core_type = #tpu.core_type<tc>} {
    %get3A = arith.constant 0 : index
    %get3A_0 = arith.constant 0 : index
    %get3A_1 = arith.constant 0 : index
    %get3A_2 = vector.load %arg0[%get3A, %get3A_0, %get3A_1] : memref<2x10112x128xf32, #tpu.memory_space<vmem>>, vector<1x10112x128xf32>
    %get3A_3 = vector.shape_cast %get3A_2 : vector<1x10112x128xf32> to vector<10112x128xf32>
    %slice3A = vector.extract_strided_slice %get3A_3 {offsets = [0, 0], sizes = [10000, 128], strides = [1, 1]} : vector<10112x128xf32> to vector<10000x128xf32>
    %get3A_4 = arith.constant 1 : index
    %get3A_5 = arith.constant 0 : index
    %get3A_6 = arith.constant 0 : index
    %get3A_7 = vector.load %arg0[%get3A_4, %get3A_5, %get3A_6] : memref<2x10112x128xf32, #tpu.memory_space<vmem>>, vector<1x10112x128xf32>
    %get3A_8 = vector.shape_cast %get3A_7 : vector<1x10112x128xf32> to vector<10112x128xf32>
    %slice3A_9 = vector.extract_strided_slice %get3A_8 {offsets = [0, 0], sizes = [10000, 128], strides = [1, 1]} : vector<10112x128xf32> to vector<10000x128xf32>
    %add3A = arith.addf %slice3A, %slice3A_9 : vector<10000x128xf32>
    %get3A_10 = arith.constant 0 : index
    %get3A_11 = arith.constant 0 : index
    %get3A_12 = vector.load %arg1[%get3A_10, %get3A_11] : memref<10000x1xf32, #tpu.memory_space<vmem>>, vector<10000x1xf32>
    %mul3A = vector.broadcast %get3A_12 : vector<10000x1xf32> to vector<10000x128xf32>
    %mul3A_13 = arith.mulf %add3A, %mul3A : vector<10000x128xf32>
    %get3A_14 = arith.constant 0 : index
    %get3A_15 = arith.constant 0 : index
    %get3A_16 = vector.load %arg3[%get3A_14, %get3A_15] : memref<128x128xf32, #tpu.memory_space<vmem>>, vector<128x128xf32>
    %dot_general3A = arith.constant dense<0.000000e+00> : vector<10000x128xf32>
    %dot_general3A_17 = tpu.matmul %mul3A_13, %get3A_16, %dot_general3A {dimension_numbers = #tpu.dot_dimension_numbers<[1], [0], [0], [1], [0, 0, 1, 1], [], []>, transpose_lhs_hint = false} : vector<10000x128xf32>, vector<128x128xf32>, vector<10000x128xf32> -> vector<10000x128xf32>
    %get3A_18 = arith.constant 0 : index
    %get3A_19 = arith.constant 0 : index
    %get3A_20 = vector.load %arg4[%get3A_18, %get3A_19] : memref<1x128xf32, #tpu.memory_space<vmem>>, vector<1x128xf32>
    %add3A_21 = vector.broadcast %get3A_20 : vector<1x128xf32> to vector<10000x128xf32>
    %add3A_22 = arith.addf %dot_general3A_17, %add3A_21 : vector<10000x128xf32>
    %reduce_sum3A = arith.constant dense<0.000000e+00> : vector<128xf32>
    %reduce_sum3A_23 = vector.multi_reduction <add>, %add3A_22, %reduce_sum3A [0] : vector<10000x128xf32> to vector<128xf32>
    %broadcast_in_dim3A = vector.shape_cast %reduce_sum3A_23 : vector<128xf32> to vector<1x128xf32>
    %div3A = arith.constant 1.000000e+04 : f32
    %div3A_24 = vector.broadcast %div3A : f32 to vector<1x128xf32>
    %div3A_25 = arith.divf %broadcast_in_dim3A, %div3A_24 : vector<1x128xf32>
    %sub3A = vector.broadcast %div3A_25 : vector<1x128xf32> to vector<10000x128xf32>
    %sub3A_26 = arith.subf %add3A_22, %sub3A : vector<10000x128xf32>
    %integer_pow3A = arith.mulf %sub3A_26, %sub3A_26 : vector<10000x128xf32>
    %reduce_sum3A_27 = arith.constant dense<0.000000e+00> : vector<128xf32>
    %reduce_sum3A_28 = vector.multi_reduction <add>, %integer_pow3A, %reduce_sum3A_27 [0] : vector<10000x128xf32> to vector<128xf32>
    %broadcast_in_dim3A_29 = vector.shape_cast %reduce_sum3A_28 : vector<128xf32> to vector<1x128xf32>
    %div3A_30 = arith.constant 1.000000e+04 : f32
    %div3A_31 = vector.broadcast %div3A_30 : f32 to vector<1x128xf32>
    %div3A_32 = arith.divf %broadcast_in_dim3A_29, %div3A_31 : vector<1x128xf32>
    %sub3A_33 = vector.broadcast %div3A_25 : vector<1x128xf32> to vector<10000x128xf32>
    %sub3A_34 = arith.subf %add3A_22, %sub3A_33 : vector<10000x128xf32>
    %add3A_35 = arith.constant 9.99999974E-6 : f32
    %add3A_36 = vector.broadcast %add3A_35 : f32 to vector<1x128xf32>
    %add3A_37 = arith.addf %div3A_32, %add3A_36 : vector<1x128xf32>
    %rsqrt3A = math.rsqrt %add3A_37 : vector<1x128xf32>
    %mul3A_38 = vector.broadcast %rsqrt3A : vector<1x128xf32> to vector<10000x128xf32>
    %mul3A_39 = arith.mulf %sub3A_34, %mul3A_38 : vector<10000x128xf32>
    %get3A_40 = arith.constant 0 : index
    %get3A_41 = arith.constant 0 : index
    %get3A_42 = vector.load %arg5[%get3A_40, %get3A_41] : memref<1x128xf32, #tpu.memory_space<vmem>>, vector<1x128xf32>
    %mul3A_43 = vector.broadcast %get3A_42 : vector<1x128xf32> to vector<10000x128xf32>
    %mul3A_44 = arith.mulf %mul3A_39, %mul3A_43 : vector<10000x128xf32>
    %get3A_45 = arith.constant 0 : index
    %get3A_46 = arith.constant 0 : index
    %get3A_47 = vector.load %arg6[%get3A_45, %get3A_46] : memref<1x128xf32, #tpu.memory_space<vmem>>, vector<1x128xf32>
    %add3A_48 = vector.broadcast %get3A_47 : vector<1x128xf32> to vector<10000x128xf32>
    %add3A_49 = arith.addf %mul3A_44, %add3A_48 : vector<10000x128xf32>
    %ge3A = arith.constant 0.000000e+00 : f32
    %ge3A_50 = vector.broadcast %ge3A : f32 to vector<10000x128xf32>
    %ge3A_51 = arith.cmpf oge, %add3A_49, %ge3A_50 : vector<10000x128xf32>
    %mul3A_52 = arith.constant 0.00999999977 : f32
    %mul3A_53 = vector.broadcast %mul3A_52 : f32 to vector<10000x128xf32>
    %mul3A_54 = arith.mulf %mul3A_53, %add3A_49 : vector<10000x128xf32>
    %select_n3A = arith.select %ge3A_51, %add3A_49, %mul3A_54 : vector<10000x128xi1>, vector<10000x128xf32>
    %get3A_55 = arith.constant 0 : index
    %get3A_56 = arith.constant 0 : index
    %get3A_57 = vector.load %arg2[%get3A_55, %get3A_56] : memref<10000x1xf32, #tpu.memory_space<vmem>>, vector<10000x1xf32>
    %mul3A_58 = vector.broadcast %get3A_57 : vector<10000x1xf32> to vector<10000x128xf32>
    %mul3A_59 = arith.mulf %select_n3A, %mul3A_58 : vector<10000x128xf32>
    %swap3A = arith.constant 0 : index
    %swap3A_60 = arith.constant 0 : index
    %swap3A_61 = vector.load %arg7[%swap3A, %swap3A_60] : memref<10112x128xf32, #tpu.memory_space<vmem>>, vector<10000x128xf32>
    tpu.vector_store %arg7[%swap3A, %swap3A_60], %mul3A_59 {strides = array<i32>} : memref<10112x128xf32, #tpu.memory_space<vmem>>, vector<10000x128xf32>,
    %broadcast_in_dim3A_62 = arith.constant 0.000000e+00 : f32
    %broadcast_in_dim3A_63 = vector.broadcast %broadcast_in_dim3A_62 : f32 to vector<112x128xf32>
    %swap3A_64 = arith.constant 10000 : index
    %swap3A_65 = arith.constant 0 : index
    %swap3A_66 = vector.load %arg7[%swap3A_64, %swap3A_65] : memref<10112x128xf32, #tpu.memory_space<vmem>>, vector<112x128xf32>
    tpu.vector_store %arg7[%swap3A_64, %swap3A_65], %broadcast_in_dim3A_63 {strides = array<i32>} : memref<10112x128xf32, #tpu.memory_space<vmem>>, vector<112x128xf32>,
    return
  }
}

module attributes {stable_mosaic.version = 14 : i64} {
  func.func @_dense_body(%arg0: memref<2x10112x128xf32, #tpu.memory_space<vmem>>, %arg1: memref<10000x1xf32, #tpu.memory_space<vmem>>, %arg2: memref<10000x1xf32, #tpu.memory_space<vmem>>, %arg3: memref<128x128xf32, #tpu.memory_space<vmem>>, %arg4: memref<1x128xf32, #tpu.memory_space<vmem>>, %arg5: memref<1x128xf32, #tpu.memory_space<vmem>>, %arg6: memref<1x128xf32, #tpu.memory_space<vmem>>, %arg7: memref<10112x128xf32, #tpu.memory_space<vmem>>) attributes {dimension_semantics = [], scalar_prefetch = 0 : i64, scratch_operands = 0 : i64, tpu.core_type = #tpu.core_type<tc>} {
    %get3A = arith.constant 0 : index
    %get3A_0 = arith.constant 0 : index
    %get3A_1 = arith.constant 0 : index
    %get3A_2 = vector.load %arg0[%get3A, %get3A_0, %get3A_1] : memref<2x10112x128xf32, #tpu.memory_space<vmem>>, vector<1x10112x128xf32>
    %get3A_3 = vector.shape_cast %get3A_2 : vector<1x10112x128xf32> to vector<10112x128xf32>
    %slice3A = vector.extract_strided_slice %get3A_3 {offsets = [0, 0], sizes = [10000, 128], strides = [1, 1]} : vector<10112x128xf32> to vector<10000x128xf32>
    %get3A_4 = arith.constant 1 : index
    %get3A_5 = arith.constant 0 : index
    %get3A_6 = arith.constant 0 : index
    %get3A_7 = vector.load %arg0[%get3A_4, %get3A_5, %get3A_6] : memref<2x10112x128xf32, #tpu.memory_space<vmem>>, vector<1x10112x128xf32>
    %get3A_8 = vector.shape_cast %get3A_7 : vector<1x10112x128xf32> to vector<10112x128xf32>
    %slice3A_9 = vector.extract_strided_slice %get3A_8 {offsets = [0, 0], sizes = [10000, 128], strides = [1, 1]} : vector<10112x128xf32> to vector<10000x128xf32>
    %add3A = arith.addf %slice3A, %slice3A_9 : vector<10000x128xf32>
    %get3A_10 = arith.constant 0 : index
    %get3A_11 = arith.constant 0 : index
    %get3A_12 = vector.load %arg1[%get3A_10, %get3A_11] : memref<10000x1xf32, #tpu.memory_space<vmem>>, vector<10000x1xf32>
    %mul3A = vector.broadcast %get3A_12 : vector<10000x1xf32> to vector<10000x128xf32>
    %mul3A_13 = arith.mulf %add3A, %mul3A : vector<10000x128xf32>
    %get3A_14 = arith.constant 0 : index
    %get3A_15 = arith.constant 0 : index
    %get3A_16 = vector.load %arg3[%get3A_14, %get3A_15] : memref<128x128xf32, #tpu.memory_space<vmem>>, vector<128x128xf32>
    %dot_general3A = arith.constant dense<0.000000e+00> : vector<10000x128xf32>
    %dot_general3A_17 = tpu.matmul %mul3A_13, %get3A_16, %dot_general3A {dimension_numbers = #tpu.dot_dimension_numbers<[1], [0], [0], [1], [0, 0, 1, 1], [], []>, transpose_lhs_hint = false} : vector<10000x128xf32>, vector<128x128xf32>, vector<10000x128xf32> -> vector<10000x128xf32>
    %get3A_18 = arith.constant 0 : index
    %get3A_19 = arith.constant 0 : index
    %get3A_20 = vector.load %arg4[%get3A_18, %get3A_19] : memref<1x128xf32, #tpu.memory_space<vmem>>, vector<1x128xf32>
    %add3A_21 = vector.broadcast %get3A_20 : vector<1x128xf32> to vector<10000x128xf32>
    %add3A_22 = arith.addf %dot_general3A_17, %add3A_21 : vector<10000x128xf32>
    %ge3A = arith.constant 0.000000e+00 : f32
    %ge3A_23 = vector.broadcast %ge3A : f32 to vector<10000x128xf32>
    %ge3A_24 = arith.cmpf oge, %add3A_22, %ge3A_23 : vector<10000x128xf32>
    %mul3A_25 = arith.constant 0.00999999977 : f32
    %mul3A_26 = vector.broadcast %mul3A_25 : f32 to vector<10000x128xf32>
    %mul3A_27 = arith.mulf %mul3A_26, %add3A_22 : vector<10000x128xf32>
    %select_n3A = arith.select %ge3A_24, %add3A_22, %mul3A_27 : vector<10000x128xi1>, vector<10000x128xf32>
    %get3A_28 = arith.constant 0 : index
    %get3A_29 = arith.constant 0 : index
    %get3A_30 = vector.load %arg2[%get3A_28, %get3A_29] : memref<10000x1xf32, #tpu.memory_space<vmem>>, vector<10000x1xf32>
    %mul3A_31 = vector.broadcast %get3A_30 : vector<10000x1xf32> to vector<10000x128xf32>
    %mul3A_32 = arith.mulf %select_n3A, %mul3A_31 : vector<10000x128xf32>
    %swap3A = arith.constant 0 : index
    %swap3A_33 = arith.constant 0 : index
    %swap3A_34 = vector.load %arg7[%swap3A, %swap3A_33] : memref<10112x128xf32, #tpu.memory_space<vmem>>, vector<10000x128xf32>
    tpu.vector_store %arg7[%swap3A, %swap3A_33], %mul3A_32 {strides = array<i32>} : memref<10112x128xf32, #tpu.memory_space<vmem>>, vector<10000x128xf32>,
    %broadcast_in_dim3A = arith.constant 0.000000e+00 : f32
    %broadcast_in_dim3A_35 = vector.broadcast %broadcast_in_dim3A : f32 to vector<112x128xf32>
    %swap3A_36 = arith.constant 10000 : index
    %swap3A_37 = arith.constant 0 : index
    %swap3A_38 = vector.load %arg7[%swap3A_36, %swap3A_37] : memref<10112x128xf32, #tpu.memory_space<vmem>>, vector<112x128xf32>
    tpu.vector_store %arg7[%swap3A_36, %swap3A_37], %broadcast_in_dim3A_35 {strides = array<i32>} : memref<10112x128xf32, #tpu.memory_space<vmem>>, vector<112x128xf32>,
    return
  }
}

module attributes {stable_mosaic.version = 14 : i64} {
  func.func @_final_body(%arg0: memref<2x10112x128xf32, #tpu.memory_space<vmem>>, %arg1: memref<10000x1xf32, #tpu.memory_space<vmem>>, %arg2: memref<128x128xf32, #tpu.memory_space<vmem>>, %arg3: memref<1x128xf32, #tpu.memory_space<vmem>>, %arg4: memref<128x40xf32, #tpu.memory_space<vmem>>, %arg5: memref<1x40xf32, #tpu.memory_space<vmem>>, %arg6: memref<10000x40xf32, #tpu.memory_space<vmem>>) attributes {dimension_semantics = [], scalar_prefetch = 0 : i64, scratch_operands = 0 : i64, tpu.core_type = #tpu.core_type<tc>} {
    %get3A = arith.constant 0 : index
    %get3A_0 = arith.constant 0 : index
    %get3A_1 = arith.constant 0 : index
    %get3A_2 = vector.load %arg0[%get3A, %get3A_0, %get3A_1] : memref<2x10112x128xf32, #tpu.memory_space<vmem>>, vector<1x10112x128xf32>
    %get3A_3 = vector.shape_cast %get3A_2 : vector<1x10112x128xf32> to vector<10112x128xf32>
    %slice3A = vector.extract_strided_slice %get3A_3 {offsets = [0, 0], sizes = [10000, 128], strides = [1, 1]} : vector<10112x128xf32> to vector<10000x128xf32>
    %get3A_4 = arith.constant 1 : index
    %get3A_5 = arith.constant 0 : index
    %get3A_6 = arith.constant 0 : index
    %get3A_7 = vector.load %arg0[%get3A_4, %get3A_5, %get3A_6] : memref<2x10112x128xf32, #tpu.memory_space<vmem>>, vector<1x10112x128xf32>
    %get3A_8 = vector.shape_cast %get3A_7 : vector<1x10112x128xf32> to vector<10112x128xf32>
    %slice3A_9 = vector.extract_strided_slice %get3A_8 {offsets = [0, 0], sizes = [10000, 128], strides = [1, 1]} : vector<10112x128xf32> to vector<10000x128xf32>
    %add3A = arith.addf %slice3A, %slice3A_9 : vector<10000x128xf32>
    %get3A_10 = arith.constant 0 : index
    %get3A_11 = arith.constant 0 : index
    %get3A_12 = vector.load %arg1[%get3A_10, %get3A_11] : memref<10000x1xf32, #tpu.memory_space<vmem>>, vector<10000x1xf32>
    %mul3A = vector.broadcast %get3A_12 : vector<10000x1xf32> to vector<10000x128xf32>
    %mul3A_13 = arith.mulf %add3A, %mul3A : vector<10000x128xf32>
    %get3A_14 = arith.constant 0 : index
    %get3A_15 = arith.constant 0 : index
    %get3A_16 = vector.load %arg2[%get3A_14, %get3A_15] : memref<128x128xf32, #tpu.memory_space<vmem>>, vector<128x128xf32>
    %dot_general3A = arith.constant dense<0.000000e+00> : vector<10000x128xf32>
    %dot_general3A_17 = tpu.matmul %mul3A_13, %get3A_16, %dot_general3A {dimension_numbers = #tpu.dot_dimension_numbers<[1], [0], [0], [1], [0, 0, 1, 1], [], []>, transpose_lhs_hint = false} : vector<10000x128xf32>, vector<128x128xf32>, vector<10000x128xf32> -> vector<10000x128xf32>
    %get3A_18 = arith.constant 0 : index
    %get3A_19 = arith.constant 0 : index
    %get3A_20 = vector.load %arg3[%get3A_18, %get3A_19] : memref<1x128xf32, #tpu.memory_space<vmem>>, vector<1x128xf32>
    %add3A_21 = vector.broadcast %get3A_20 : vector<1x128xf32> to vector<10000x128xf32>
    %add3A_22 = arith.addf %dot_general3A_17, %add3A_21 : vector<10000x128xf32>
    %ge3A = arith.constant 0.000000e+00 : f32
    %ge3A_23 = vector.broadcast %ge3A : f32 to vector<10000x128xf32>
    %ge3A_24 = arith.cmpf oge, %add3A_22, %ge3A_23 : vector<10000x128xf32>
    %mul3A_25 = arith.constant 0.00999999977 : f32
    %mul3A_26 = vector.broadcast %mul3A_25 : f32 to vector<10000x128xf32>
    %mul3A_27 = arith.mulf %mul3A_26, %add3A_22 : vector<10000x128xf32>
    %select_n3A = arith.select %ge3A_24, %add3A_22, %mul3A_27 : vector<10000x128xi1>, vector<10000x128xf32>
    %get3A_28 = arith.constant 0 : index
    %get3A_29 = arith.constant 0 : index
    %get3A_30 = vector.load %arg4[%get3A_28, %get3A_29] : memref<128x40xf32, #tpu.memory_space<vmem>>, vector<128x40xf32>
    %dot_general3A_31 = arith.constant dense<0.000000e+00> : vector<10000x40xf32>
    %dot_general3A_32 = tpu.matmul %select_n3A, %get3A_30, %dot_general3A_31 {dimension_numbers = #tpu.dot_dimension_numbers<[1], [0], [0], [1], [0, 0, 1, 1], [], []>, transpose_lhs_hint = false} : vector<10000x128xf32>, vector<128x40xf32>, vector<10000x40xf32> -> vector<10000x40xf32>
    %get3A_33 = arith.constant 0 : index
    %get3A_34 = arith.constant 0 : index
    %get3A_35 = vector.load %arg5[%get3A_33, %get3A_34] : memref<1x40xf32, #tpu.memory_space<vmem>>, vector<1x40xf32>
    %add3A_36 = vector.broadcast %get3A_35 : vector<1x40xf32> to vector<10000x40xf32>
    %add3A_37 = arith.addf %dot_general3A_32, %add3A_36 : vector<10000x40xf32>
    %swap3A = arith.constant 0 : index
    %swap3A_38 = arith.constant 0 : index
    %swap3A_39 = vector.load %arg6[%swap3A, %swap3A_38] : memref<10000x40xf32, #tpu.memory_space<vmem>>, vector<10000x40xf32>
    tpu.vector_store %arg6[%swap3A, %swap3A_38], %add3A_37 {strides = array<i32>} : memref<10000x40xf32, #tpu.memory_space<vmem>>, vector<10000x40xf32>,
    return
  }
}

</mosaic_0001>

<sc_bundles>
// kernel: kernel.12.cloned.1.call-start
scs
__scs_entry_jumppad:
0x0: {  	(pc) =	sbr.rel $0x88, $3  }
0x1: {  	(tag) =	ssettag $0x0;
	lr =	simm.s32 $0x1  }
0x2: {  	[smem:$0x3F91] =	sst lr;
	_ =	strace $0xD0000000  }
0x3: {  	_ = 	snop  }
0x4: {  	_ = 	snop  }
0x5: {  	_ = 	snop  }
0x6: {  	_ = 	snop  }
0x7: {  	_ = 	snop  }
__scs_overlays_trampoline_lowered:
0x8: {  	[smem:$0x3FA0] =	sst s0  }
0x9: {  	[smem:$0x3FA1] =	sst s1  }
0xa: {  	[smem:$0x3FA2] =	sst s2  }
0xb: {  	[smem:$0x3FA3] =	sst s3  }
0xc: {  	[smem:$0x3FA4] =	sst s4  }
0xd: {  	[smem:$0x3FA5] =	sst s5  }
0xe: {  	[smem:$0x3FA6] =	sst s6  }
0xf: {  	[smem:$0x3FA7] =	sst s7  }
0x10: {  	[smem:$0x3FA8] =	sst s8  }
0x11: {  	[smem:$0x3FA9] =	sst s9;
	s0 =	simm.s32 @!p0 $0x0  }
0x12: {  	s1 =	sld [smem:$0x3F8F];
	s0 =	simm.s32 @p0 $0x1  }
0x13: {  	[smem:$0x3FAA] =	sst s0;
	s0 =	simm.s32 @!p1 $0x0  }
0x14: {  	s2 =	sld [smem:$0x3F8E];
	s0 =	simm.s32 @p1 $0x1  }
0x15: {  	[smem:$0x3FAB] =	sst s0;
	s0 =	simm.s32 @!p2 $0x0  }
0x16: {  	s3 =	sld [smem:$0x3FDB];
	s0 =	simm.s32 @p2 $0x1  }
0x17: {  	s4 =	simm.s32 $0x1BF5;
	[smem:$0x3FAD] =	sst s0  }
0x18: {  	s0 =	sld [smem:$0x3F90];
	_ =	swait.ge [sflag:s4], $0x0  }
0x19: {  	s7 =	sld [smem:$0x3F91]  }
0x1a: {  	s8 =	sadd.s32 $0xFFFFE003, lr  }
0x1b: {  	s9 =	sadd.s32 $0xFFFFFEF7, lr;
	s5 =	simm.s32 $0xFFFFFFFF;
	p2 =	slt.u32 s8, $0xFFFFF086  }
0x1c: {  	p1 =	slt.u32 s9, $0xF7A;
	s5 =	simm.s32 @!p2 $0x0  }
0x1d: {  	s5 =	simm.s32 @p1 $0x1;
	p0 =	seq.s32 s7, s2  }
0x1e: {  	s7 =	smul.u32 @!p0 $0xF7A, s2;
	p2 =	seq.s32 @!p0 s5, $0x0  }
0x1f: {  	s9 =	smul.u32 $0xF7A, s1;
	s8 =	simm.s32 @!p0 $0x1BF5;
	p2 =	por !p2, p0  }
0x20: {  	[sflag:s8] =	ssyncset.s32 @!p0 $0xFFFFF086;
	s6 =	sadd.s32 @!p0 s3, s7;
	s7 =	simm.s32 @!p0 $0x108  }
0x21: {  	s3 =	sadd.s32 s3, s9;
	s6 =	sadd.s32 @!p0 $0x88, s6;
	s7 =	simm.s32 @p2 $0x1082  }
0x22: {  	[simem:s7], [sflag:s8] =	dma.local @!p0 [hbm:s6], $0xF7A  }
0x23: {  	s9 =	sor.u32 $0xD0000000, s2;
	s6 =	simm.s32 $0x108;
	_ =	swait.ge @!p0 [sflag:s8], $0x0  }
0x24: {  	s3 =	sadd.s32 $0x88, s3;
	s6 =	simm.s32 @!p1 $0x1082;
	[sflag:s4] =	ssyncset.s32 $0xFFFFF086  }
0x25: {  	[simem:s6], [sflag:s4] =	dma.local [hbm:s3], $0xF7A  }
0x26: {  	[smem:$0x3F91] =	sst s1;
	(tag) =	ssettag s2;
	_ =	strace s9  }
0x27: {  	s1 =	sld [smem:$0x3FA1]  }
0x28: {  	s2 =	sld [smem:$0x3FA2]  }
0x29: {  	s4 =	sld [smem:$0x3FA4]  }
0x2a: {  	p0 =	seq.s32 s5, $0x0;
	s5 =	sld [smem:$0x3FA5]  }
0x2b: {  	s6 =	sld [smem:$0x3FA6]  }
0x2c: {  	s7 =	sld [smem:$0x3FA7]  }
0x2d: {  	s3 =	simm.s32 $0x108;
	s8 =	sld [smem:$0x3FA8]  }
0x2e: {  	s3 =	simm.s32 @!p0 $0x1082;
	s9 =	sld [smem:$0x3FA9]  }
0x2f: {  	lr =	sadd.s32 s0, s3;
	s0 =	sld [smem:$0x3FA0]  }
0x30: {  	s3 =	sld [smem:$0x3FA3]  }
0x31: {  	[smem:$0x3FAC] =	sst s10  }
0x32: {  	s10 =	sld [smem:$0x3FAA];
	_ =	sdelay $0x3  }
0x33: {  	p0 =	seq.s32 s10, $0x1;
	s10 =	sld [smem:$0x3FAC];
	_ =	sdelay $0x3  }
0x34: {  	[smem:$0x3FAC] =	sst s10  }
0x35: {  	s10 =	sld [smem:$0x3FAB];
	_ =	sdelay $0x3  }
0x36: {  	p1 =	seq.s32 s10, $0x1;
	s10 =	sld [smem:$0x3FAC];
	_ =	sdelay $0x3  }
0x37: {  	[smem:$0x3FAC] =	sst s10  }
0x38: {  	s10 =	sld [smem:$0x3FAD]  }
0x39: {  	_ = 	snop;
	(pc) =	sbr.ind lr, $3  }
0x3a: {  	_ = 	snop  }
0x3b: {  	_ = 	snop  }
0x3c: {  	p2 =	seq.s32 s10, $0x1;
	s10 =	sld [smem:$0x3FAC]  }
0x3d: {  	_ =	shalt  }
0x3e: {  	_ =	shalt  }
0x3f: {  	_ =	shalt  }
0x40: {  	_ =	shalt  }
0x41: {  	_ =	shalt  }
0x42: {  	_ =	shalt  }
0x43: {  	_ =	shalt  }
0x44: {  	_ =	shalt  }
0x45: {  	_ =	shalt  }
0x46: {  	_ =	shalt  }
0x47: {  	_ =	shalt  }
0x48: {  	_ =	shalt  }
0x49: {  	_ =	shalt  }
0x4a: {  	_ =	shalt  }
0x4b: {  	_ =	shalt  }
0x4c: {  	_ =	shalt  }
0x4d: {  	_ =	shalt  }
0x4e: {  	_ =	shalt  }
0x4f: {  	_ =	shalt  }
0x50: {  	_ =	shalt  }
0x51: {  	_ =	shalt  }
0x52: {  	_ =	shalt  }
0x53: {  	_ =	shalt  }
0x54: {  	_ =	shalt  }
0x55: {  	_ =	shalt  }
0x56: {  	_ =	shalt  }
0x57: {  	_ =	shalt  }
0x58: {  	_ =	shalt  }
0x59: {  	_ =	shalt  }
0x5a: {  	_ =	shalt  }
0x5b: {  	_ =	shalt  }
0x5c: {  	_ =	shalt  }
0x5d: {  	_ =	shalt  }
0x5e: {  	_ =	shalt  }
0x5f: {  	_ =	shalt  }
0x60: {  	_ =	shalt  }
0x61: {  	_ =	shalt  }
0x62: {  	_ =	shalt  }
0x63: {  	_ =	shalt  }
0x64: {  	_ =	shalt  }
0x65: {  	_ =	shalt  }
0x66: {  	_ =	shalt  }
0x67: {  	_ =	shalt  }
0x68: {  	_ =	shalt  }
0x69: {  	_ =	shalt  }
0x6a: {  	_ =	shalt  }
0x6b: {  	_ =	shalt  }
0x6c: {  	_ =	shalt  }
0x6d: {  	_ =	shalt  }
0x6e: {  	_ =	shalt  }
0x6f: {  	_ =	shalt  }
0x70: {  	_ =	shalt  }
0x71: {  	_ =	shalt  }
0x72: {  	_ =	shalt  }
0x73: {  	_ =	shalt  }
0x74: {  	_ =	shalt  }
0x75: {  	_ =	shalt  }
0x76: {  	_ =	shalt  }
0x77: {  	_ =	shalt  }
0x78: {  	_ =	shalt  }
0x79: {  	_ =	shalt  }
0x7a: {  	_ =	shalt  }
0x7b: {  	_ =	shalt  }
0x7c: {  	_ =	shalt  }
0x7d: {  	_ =	shalt  }
0x7e: {  	_ =	shalt  }
0x7f: {  	_ =	shalt  }
0x80: {  	_ =	shalt  }
0x81: {  	_ =	shalt  }
0x82: {  	_ =	shalt  }
0x83: {  	_ =	shalt  }
0x84: {  	_ =	shalt  }
0x85: {  	_ =	shalt  }
0x86: {  	_ =	shalt  }
0x87: {  	_ =	shalt  }
.Lfunc_end0:
.L_simem_size_0:
called_computation_lowered:
.L_overlay_start_0:
0x88: {  	s2 =	sld [smem:$0x3FD9]  }
0x89: {  	s3 =	sld [smem:$0x3FFE];
	_ =	sdelay $0x1  }
0x8a: {  	s1 =	srdreg.scid  }
0x8b: {  	s0 =	sand.u32 $0x1, s1  }
0x8c: {  	s17 =	sshll.u32 s0, $0xA;
	s2 =	sadd.s32 s3, s2  }
0x8d: {  	s2 =	sadd.s32 s2, s17  }
0x8e: {  	[smem:$0x3FB8] =	sst s2  }
0x8f: {  	_ = 	snop  }
0x90: {  	s2 =	sld [smem:$0x3FD0];
	(tm) =	ssettm $0x1  }
0x91: {  	s18 =	sld [smem:$0x3FFB];
	_ =	sdelay $0x3  }
0x92: {  	_ =	strace s18  }
0x93: {  	s3 =	sld [smem:$0x3FFC];
	_ =	sdelay $0x3  }
0x94: {  	_ =	strace s3  }
0x95: {  	s3 =	sld [smem:$0x3FFD];
	_ =	sdelay $0x3  }
0x96: {  	_ =	strace s3  }
0x97: {  	_ =	strace $0x8FFFFFFF  }
0x98: {  	s19 =	sld [smem:$0x3FDB];
	_ =	sdelay $0x1  }
0x99: {  	s4 =	simm.s32 $_scs_section_size  }
0x9a: {  	s5 =	simm.s32 $_size__tile_overlayer_lowered;
	s6 =	simm.s32 $_tile_overlayer_lowered  }
0x9b: {  	s22 =	simm.s32 $0x1BFF;
	s21 =	sshll.u32 s6, $0x1;
	s3 =	sadd.s32 s4, s19  }
0x9c: {  	s7 =	simm.s32 $0x0;
	s20 =	sshll.u32 s5, $0x1;
	s5 =	sadd.s32 s21, s3  }
0x9d: {  	[timem:s7], [sflag:s22] =	dma.local [hbm:s5], s20  }
0x9e: {  	_ =	swait.ge [sflag:s22], s20  }
0x9f: {  	s4 =	ssub.s32 $0x0, s20;
	[sflag:s22] =	ssyncset.done $0x0  }
0xa0: {  	[sflag:s22] =	ssyncadd.s32 s4;
	_ =	sdelay $0x1  }
0xa1: {  	s23 =	simm.s32 $0x1B8B  }
0xa2: {  	_ =	swait.ge [sflag:s23], $0x1  }
0xa3: {  	[sflag:s23] =	ssyncset.done $0x0  }
0xa4: {  	s25 =	simm.s32 $0x1B8E;
	s24 =	sld [smem:$0x3FFE];
	[sflag:s23] =	ssyncadd.s32 $0xFFFFFFFF  }
0xa5: {  	s26 =	simm.s32 $execute0_lowered;
	[smem:$0x3FD2] =	sst s25  }
0xa6: {  	s5 =	sshll.u32 s26, $0x1;
	_ =	strace $0x80000046;
	[dreg:$0x1] =	wrdreg $0xFFFFFFFF  }
0xa7: {  	s28 =	simm.s32 $_size_execute0_lowered;
	s3 =	sadd.s32 s3, s5;
	[dreg:$0x0] =	wrdreg $0x0  }
0xa8: {  	s5 =	sshll.u32 s28, $0x1;
	[dreg:$0x2] =	wrdreg s3  }
0xa9: {  	[dreg:$0x3] =	wrdreg s5  }
0xaa: {  	[dreg:$0x4] =	wrdreg $0xC0  }
0xab: {  	_ =	task [dreg:s7], $0x5FFFF  }
0xac: {  	[dreg:$0x1] =	wrdreg $0xFFFFFFFF  }
0xad: {  	[dreg:$0x0] =	wrdreg $0x60  }
0xae: {  	[dreg:$0x2] =	wrdreg s24  }
0xaf: {  	[dreg:$0x3] =	wrdreg s2  }
0xb0: {  	[dreg:$0x4] =	wrdreg $0x9  }
0xb1: {  	_ =	task.clear_ibuf [dreg:s7], $0x5FFFF;
	_ =	strace $0x90000046  }
0xb2: {  	s29 =	simm.s32 $0x9;
	_ =	strace $0x80000048  }
0xb3: {  	_ =	swait.ge [sflag:s29], $0x1  }
0xb4: {  	[sflag:s29] =	ssyncadd.s32 $0xFFFFFFFF  }
0xb5: {  	_ =	strace $0x90000048  }
0xb6: {  	_ =	sfence  }
0xb7: {  	s30 =	sld [smem:$0x0];
	_ =	sdelay $0x2  }
0xb8: {  	s31 =	sshll.u32 s1, $0xD;
	s1 =	sshrl.u32 s1, $0x2  }
0xb9: {  	s3 =	sand.u32 $0x4000, s31;
	s1 =	sadd.s32 s1, s30  }
0xba: {  	s0 =	sor.u32 s3, s0;
	s1 =	sshll.u32 s1, $0x11  }
0xbb: {  	s0 =	sor.u32 s1, s0  }
0xbc: {  	s0 =	sadd.s32 $0x8F2B, s0  }
0xbd: {  	[sflag:s0] =	ssyncadd.remote.s32 $0x1  }
0xbe: {  	_ =	sfence.sel $0xFFFF  }
0xbf: {  	[dreg:$0x0] =	wrdreg $0xFFFFFFFF;
	(pc) =	sbr.abs _section_cstart, $3  }
0xc0: {  	[dreg:$0x1] =	wrdreg $0xFFFFFFFF  }
0xc1: {  	_ =	task.clear_ibuf [dreg:s7], $0x2FFFF;
	_ =	strace $0x9FFFFFFF  }
0xc2: {  	(tm) =	ssettm $0x7FFFFFFF  }
0xc3: {  	_ =	shalt  }
tec
execute0_lowered:
.L_overlay_start_1:
0x0: {  	(tag) =	ssettag $0x1  }
0x1: {  	s0 =	srdreg.scid;
	s4 =	rddreg [dreg:$0x0]  }
0x2: {  	s2 =	rddreg [dreg:$0x1];
	s1 =	stileid.u32;
	s3 =	simm.s32 $0x0  }
0x3: {  	s13 =	simm.s32 $0x5000;
	s5 =	sand.u32 $0x1, s0;
	s0 =	rddreg [dreg:$0x2]  }
0x4: {  	s14 =	simm.s32 $0x7780;
	s15 =	simm.s32 $0x0;
	[smem:$0x7FF] =	sst s3  }
0x5: {  	s7 =	sadd.s32 $0x4400, s4;
	s8 =	sshll.u32 s1, $0x7;
	s10 =	sshrl.u32 s1, $0x3  }
0x6: {  	s11 =	sadd.s32 $0x18400, s4;
	s6 =	sshll.u32 s5, $0x4;
	s9 =	smul.u32 $0x27800, s5  }
0x7: {  	_ =	strace $0x80000047;
	s10 =	smul.u32 $0x13C00, s10;
	s6 =	sor.u32 s1, s6  }
0x8: {  	s5 =	ssub.s32 $0x2, s5;
	s8 =	sand.u32 $0x380, s8;
	s6 =	sshrl.u32 s6, $0x3  }
0x9: {  	s26 =	sshrl.u32 s5, $0x1;
	s29 =	sadd.s32 s9, s10;
	s6 =	smul.u32 $0x14000, s6  }
0xa: {  	s12 =	ssub.s32 s5, s26;
	s9 =	simm.s32 $0x80;
	s5 =	sor.u32 s8, s29  }
0xb: {  	s10 =	simm.s32 $0x400;
	s30 =	sadd.s32 $0x4F000, s5;
	s6 =	sor.u32 s8, s6  }
0xc: {  	s8 =	sshrl.u32 s5, $0x3;
	s28 =	sshrl.u32 s6, $0x3;
	s6 =	sadd.s32 $0x50000, s6  }
0xd: {  	s31 =	sshrl.u32 s30, $0x3;
	s4 =	sadd.s32 s7, s28;
	s6 =	sshrl.u32 s6, $0x3  }
0xe: {  	s5 =	sadd.s32 s7, s6;
	s6 =	sadd.s32 s11, s8;
	s7 =	sadd.s32 s11, s31  }
0xf: {  	v0 =	vimm.f32 $1.000000000e+00;
	s8 =	smax.u32 s12, $0x1;
	s11 =	simm.s32 $0x1;
	s12 =	simm.s32 $0x2800  }
.LBB2_1:
0x10: {  	[tilespmem:s3], [sflag:$0x1] =	stream.strided.gather [hbm4b:s4+s9], $0x2800, s10, s9, $0x38;
	[tilespmem:$0x9F00] =	vst v63  }
0x11: {  	_ =	swait.ge [sflag:s11], $0x2800  }
0x12: {  	[sflag:s11] =	ssyncset.done $0x0  }
0x13: {  	[sflag:s11] =	ssyncadd.s32 $0xFFFFD800  }
0x14: {  	[tilespmem:s12], [sflag:$0x1] =	stream.strided.gather [hbm4b:s5+s9], $0x2800, s10, s9, $0x38;
	[tilespmem:$0x9F00] =	vst v63  }
0x15: {  	_ =	swait.ge [sflag:s11], $0x2800  }
0x16: {  	[sflag:s11] =	ssyncset.done $0x0  }
0x17: {  	[sflag:s11] =	ssyncadd.s32 $0xFFFFD800  }
0x18: {  	[tilespmem:s13], [sflag:$0x1] =	stream.linear.gather [hbm4b:s2+s3], $0x2780, $0x38;
	[tilespmem:$0x9F00] =	vst v63  }
0x19: {  	_ =	swait.ge [sflag:s11], $0x2780  }
0x1a: {  	[sflag:s11] =	ssyncset.done $0x0  }
0x1b: {  	[sflag:s11] =	ssyncadd.s32 $0xFFFFD880  }
0x1c: {  	[tilespmem:s14], [sflag:$0x1] =	stream.linear.gather [hbm4b:s2+s3], $0x2780, $0x38;
	[tilespmem:$0x9F00] =	vst v63  }
0x1d: {  	_ =	swait.ge [sflag:s11], $0x2780  }
0x1e: {  	[sflag:s11] =	ssyncset.done $0x0  }
0x1f: {  	s17 =	simm.s32 $0x0;
	s16 =	simm.s32 $0x40;
	[sflag:s11] =	ssyncadd.s32 $0xFFFFD880  }
.LBB2_2:
0x20: {  	p0 =	sne.s32 s16, $0x9FC0;
	v1 =	vld [tilespmem:s17+$0x0];
	_ =	sdelay $0x7  }
0x21: {  	[tilespmem:v1+s13+$0x0] =	vst.idx.add.f32.msk $0xffff, v0  }
0x22: {  	v1 =	vld [tilespmem:s17+$0x2800];
	_ =	sdelay $0x3  }
.Ltmp0:
0x23: {  	(pc) =	sbr.rel @p0 .LBB2_2-.Ltmp0, $2  }
0x24: {  	_ =	sdelay $0x2  }
0x25: {  	s17 =	sshra.s32 s16, $0x2;
	s16 =	sadd.s32 $0x40, s16;
	[tilespmem:v1+s14+$0x0] =	vst.idx.add.f32.msk $0xffff, v0  }
0x26: {  	v1 =	vld [tilespmem:s17+$0x0];
	_ =	sdelay $0x7  }
0x27: {  	[tilespmem:v1+s13+$0x0] =	vst.idx.add.f32.msk $0xffff, v0  }
0x28: {  	v1 =	vld [tilespmem:s17+$0x2800];
	_ =	sdelay $0x7  }
0x29: {  	[tilespmem:v1+s14+$0x0] =	vst.idx.add.f32.msk $0xffff, v0  }
0x2a: {  	[hbm4b:s6+s9] =	stream.strided.scatter [tilespmem:s13], [sflag:$0x1], $0x2780, s10, s9, $0x38;
	[tilespmem:$0x9F00] =	vst v63  }
0x2b: {  	s15 =	sadd.s32 $0x1, s15;
	_ =	swait.ge [sflag:s11], $0x2780  }
0x2c: {  	p0 =	sne.s32 s15, s8;
	[sflag:s11] =	ssyncset.done $0x0  }
.Ltmp1:
0x2d: {  	[sflag:s11] =	ssyncadd.s32 $0xFFFFD880;
	(pc) =	sbr.rel @p0 .LBB2_1-.Ltmp1, $4  }
0x2e: {  	[hbm4b:s7+s9] =	stream.strided.scatter [tilespmem:s14], [sflag:$0x1], $0x2780, s10, s9, $0x38;
	[tilespmem:$0x9F00] =	vst v63  }
0x2f: {  	_ =	swait.ge [sflag:s11], $0x2780  }
0x30: {  	[sflag:s11] =	ssyncset.done $0x0  }
0x31: {  	[sflag:s11] =	ssyncadd.s32 $0xFFFFD880  }
0x32: {  	_ =	sfence.sel $0x180000  }
0x33: {  	[bflag:$0x0] =	sbarrier.arrive $0xFFFF  }
0x34: {  	p0 =	sne.s32 s1, $0x0;
	_ =	strace $0x90000047  }
0x35: {  	s0 =	sadd.s32 @!p0 $0x100000, s0;
	[bflag:$0x2] =	sbarrier.arrive $0xFFFF  }
0x36: {  	[sflag:s0] =	ssyncadd.tile.s32 @!p0 $0x1;
	_ =	shalt  }
.Lfunc_end2:
_tile_overlayer_lowered:
.L_overlay_start_2:
0x37: {  	(tag) =	ssettag $0x2  }
0x38: {  	s0 =	rddreg [dreg:$0x0];
	s2 =	stileid.u32  }
0x39: {  	s1 =	rddreg [dreg:$0x1];
	p0 =	sne.s32 s2, $0x0  }
0x3a: {  	s3 =	rddreg [dreg:$0x2];
	[bflag:$0x3] =	sbarrier.arrive $0xFFFF;
	s2 =	simm.s32 @!p0 $0x1C01  }
0x3b: {  	[timem:s3], [sflag:s2] =	dma.local @!p0 [hbm:s0], s1  }
0x3c: {  	s0 =	simm.s32 @!p0 $0x1  }
0x3d: {  	_ =	swait.ge @!p0 [sflag:s0], s1  }
0x3e: {  	s1 =	ssub.s32 @!p0 $0x0, s1;
	[sflag:s0] =	ssyncset.done @!p0 $0x0  }
0x3f: {  	[sflag:s0] =	ssyncadd.s32 @!p0 s1  }
0x40: {  	[bflag:$0x3] =	sbarrier.arrive $0xFFFF  }
0x41: {  	_ =	shalt  }

// kernel: kernel.15.cloned.1.call-start
scs
__scs_entry_jumppad:
0x0: {  	(pc) =	sbr.rel $0x88, $3  }
0x1: {  	(tag) =	ssettag $0x0;
	lr =	simm.s32 $0x1  }
0x2: {  	[smem:$0x3F91] =	sst lr;
	_ =	strace $0xD0000000  }
0x3: {  	_ = 	snop  }
0x4: {  	_ = 	snop  }
0x5: {  	_ = 	snop  }
0x6: {  	_ = 	snop  }
0x7: {  	_ = 	snop  }
__scs_overlays_trampoline_lowered:
0x8: {  	[smem:$0x3FA0] =	sst s0  }
0x9: {  	[smem:$0x3FA1] =	sst s1  }
0xa: {  	[smem:$0x3FA2] =	sst s2  }
0xb: {  	[smem:$0x3FA3] =	sst s3  }
0xc: {  	[smem:$0x3FA4] =	sst s4  }
0xd: {  	[smem:$0x3FA5] =	sst s5  }
0xe: {  	[smem:$0x3FA6] =	sst s6  }
0xf: {  	[smem:$0x3FA7] =	sst s7  }
0x10: {  	[smem:$0x3FA8] =	sst s8  }
0x11: {  	[smem:$0x3FA9] =	sst s9;
	s0 =	simm.s32 @!p0 $0x0  }
0x12: {  	s1 =	sld [smem:$0x3F8F];
	s0 =	simm.s32 @p0 $0x1  }
0x13: {  	[smem:$0x3FAA] =	sst s0;
	s0 =	simm.s32 @!p1 $0x0  }
0x14: {  	s2 =	sld [smem:$0x3F8E];
	s0 =	simm.s32 @p1 $0x1  }
0x15: {  	[smem:$0x3FAB] =	sst s0;
	s0 =	simm.s32 @!p2 $0x0  }
0x16: {  	s3 =	sld [smem:$0x3FDB];
	s0 =	simm.s32 @p2 $0x1  }
0x17: {  	s4 =	simm.s32 $0x1BF5;
	[smem:$0x3FAD] =	sst s0  }
0x18: {  	s0 =	sld [smem:$0x3F90];
	_ =	swait.ge [sflag:s4], $0x0  }
0x19: {  	s7 =	sld [smem:$0x3F91]  }
0x1a: {  	s8 =	sadd.s32 $0xFFFFE003, lr  }
0x1b: {  	s9 =	sadd.s32 $0xFFFFFEF7, lr;
	s5 =	simm.s32 $0xFFFFFFFF;
	p2 =	slt.u32 s8, $0xFFFFF086  }
0x1c: {  	p1 =	slt.u32 s9, $0xF7A;
	s5 =	simm.s32 @!p2 $0x0  }
0x1d: {  	s5 =	simm.s32 @p1 $0x1;
	p0 =	seq.s32 s7, s2  }
0x1e: {  	s7 =	smul.u32 @!p0 $0xF7A, s2;
	p2 =	seq.s32 @!p0 s5, $0x0  }
0x1f: {  	s9 =	smul.u32 $0xF7A, s1;
	s8 =	simm.s32 @!p0 $0x1BF5;
	p2 =	por !p2, p0  }
0x20: {  	[sflag:s8] =	ssyncset.s32 @!p0 $0xFFFFF086;
	s6 =	sadd.s32 @!p0 s3, s7;
	s7 =	simm.s32 @!p0 $0x108  }
0x21: {  	s3 =	sadd.s32 s3, s9;
	s6 =	sadd.s32 @!p0 $0x88, s6;
	s7 =	simm.s32 @p2 $0x1082  }
0x22: {  	[simem:s7], [sflag:s8] =	dma.local @!p0 [hbm:s6], $0xF7A  }
0x23: {  	s9 =	sor.u32 $0xD0000000, s2;
	s6 =	simm.s32 $0x108;
	_ =	swait.ge @!p0 [sflag:s8], $0x0  }
0x24: {  	s3 =	sadd.s32 $0x88, s3;
	s6 =	simm.s32 @!p1 $0x1082;
	[sflag:s4] =	ssyncset.s32 $0xFFFFF086  }
0x25: {  	[simem:s6], [sflag:s4] =	dma.local [hbm:s3], $0xF7A  }
0x26: {  	[smem:$0x3F91] =	sst s1;
	(tag) =	ssettag s2;
	_ =	strace s9  }
0x27: {  	s1 =	sld [smem:$0x3FA1]  }
0x28: {  	s2 =	sld [smem:$0x3FA2]  }
0x29: {  	s4 =	sld [smem:$0x3FA4]  }
0x2a: {  	p0 =	seq.s32 s5, $0x0;
	s5 =	sld [smem:$0x3FA5]  }
0x2b: {  	s6 =	sld [smem:$0x3FA6]  }
0x2c: {  	s7 =	sld [smem:$0x3FA7]  }
0x2d: {  	s3 =	simm.s32 $0x108;
	s8 =	sld [smem:$0x3FA8]  }
0x2e: {  	s3 =	simm.s32 @!p0 $0x1082;
	s9 =	sld [smem:$0x3FA9]  }
0x2f: {  	lr =	sadd.s32 s0, s3;
	s0 =	sld [smem:$0x3FA0]  }
0x30: {  	s3 =	sld [smem:$0x3FA3]  }
0x31: {  	[smem:$0x3FAC] =	sst s10  }
0x32: {  	s10 =	sld [smem:$0x3FAA];
	_ =	sdelay $0x3  }
0x33: {  	p0 =	seq.s32 s10, $0x1;
	s10 =	sld [smem:$0x3FAC];
	_ =	sdelay $0x3  }
0x34: {  	[smem:$0x3FAC] =	sst s10  }
0x35: {  	s10 =	sld [smem:$0x3FAB];
	_ =	sdelay $0x3  }
0x36: {  	p1 =	seq.s32 s10, $0x1;
	s10 =	sld [smem:$0x3FAC];
	_ =	sdelay $0x3  }
0x37: {  	[smem:$0x3FAC] =	sst s10  }
0x38: {  	s10 =	sld [smem:$0x3FAD]  }
0x39: {  	_ = 	snop;
	(pc) =	sbr.ind lr, $3  }
0x3a: {  	_ = 	snop  }
0x3b: {  	_ = 	snop  }
0x3c: {  	p2 =	seq.s32 s10, $0x1;
	s10 =	sld [smem:$0x3FAC]  }
0x3d: {  	_ =	shalt  }
0x3e: {  	_ =	shalt  }
0x3f: {  	_ =	shalt  }
0x40: {  	_ =	shalt  }
0x41: {  	_ =	shalt  }
0x42: {  	_ =	shalt  }
0x43: {  	_ =	shalt  }
0x44: {  	_ =	shalt  }
0x45: {  	_ =	shalt  }
0x46: {  	_ =	shalt  }
0x47: {  	_ =	shalt  }
0x48: {  	_ =	shalt  }
0x49: {  	_ =	shalt  }
0x4a: {  	_ =	shalt  }
0x4b: {  	_ =	shalt  }
0x4c: {  	_ =	shalt  }
0x4d: {  	_ =	shalt  }
0x4e: {  	_ =	shalt  }
0x4f: {  	_ =	shalt  }
0x50: {  	_ =	shalt  }
0x51: {  	_ =	shalt  }
0x52: {  	_ =	shalt  }
0x53: {  	_ =	shalt  }
0x54: {  	_ =	shalt  }
0x55: {  	_ =	shalt  }
0x56: {  	_ =	shalt  }
0x57: {  	_ =	shalt  }
0x58: {  	_ =	shalt  }
0x59: {  	_ =	shalt  }
0x5a: {  	_ =	shalt  }
0x5b: {  	_ =	shalt  }
0x5c: {  	_ =	shalt  }
0x5d: {  	_ =	shalt  }
0x5e: {  	_ =	shalt  }
0x5f: {  	_ =	shalt  }
0x60: {  	_ =	shalt  }
0x61: {  	_ =	shalt  }
0x62: {  	_ =	shalt  }
0x63: {  	_ =	shalt  }
0x64: {  	_ =	shalt  }
0x65: {  	_ =	shalt  }
0x66: {  	_ =	shalt  }
0x67: {  	_ =	shalt  }
0x68: {  	_ =	shalt  }
0x69: {  	_ =	shalt  }
0x6a: {  	_ =	shalt  }
0x6b: {  	_ =	shalt  }
0x6c: {  	_ =	shalt  }
0x6d: {  	_ =	shalt  }
0x6e: {  	_ =	shalt  }
0x6f: {  	_ =	shalt  }
0x70: {  	_ =	shalt  }
0x71: {  	_ =	shalt  }
0x72: {  	_ =	shalt  }
0x73: {  	_ =	shalt  }
0x74: {  	_ =	shalt  }
0x75: {  	_ =	shalt  }
0x76: {  	_ =	shalt  }
0x77: {  	_ =	shalt  }
0x78: {  	_ =	shalt  }
0x79: {  	_ =	shalt  }
0x7a: {  	_ =	shalt  }
0x7b: {  	_ =	shalt  }
0x7c: {  	_ =	shalt  }
0x7d: {  	_ =	shalt  }
0x7e: {  	_ =	shalt  }
0x7f: {  	_ =	shalt  }
0x80: {  	_ =	shalt  }
0x81: {  	_ =	shalt  }
0x82: {  	_ =	shalt  }
0x83: {  	_ =	shalt  }
0x84: {  	_ =	shalt  }
0x85: {  	_ =	shalt  }
0x86: {  	_ =	shalt  }
0x87: {  	_ =	shalt  }
.Lfunc_end0:
.L_simem_size_0:
called_computation.1_lowered:
.L_overlay_start_0:
0x88: {  	s2 =	sld [smem:$0x3FD9]  }
0x89: {  	s3 =	sld [smem:$0x3FFE];
	_ =	sdelay $0x1  }
0x8a: {  	s1 =	srdreg.scid  }
0x8b: {  	s0 =	sand.u32 $0x1, s1  }
0x8c: {  	s17 =	sshll.u32 s0, $0xA;
	s2 =	sadd.s32 s3, s2  }
0x8d: {  	s2 =	sadd.s32 s2, s17  }
0x8e: {  	[smem:$0x3FB8] =	sst s2  }
0x8f: {  	_ = 	snop  }
0x90: {  	s2 =	sld [smem:$0x3FD0];
	(tm) =	ssettm $0x1  }
0x91: {  	s18 =	sld [smem:$0x3FFB];
	_ =	sdelay $0x3  }
0x92: {  	_ =	strace s18  }
0x93: {  	s3 =	sld [smem:$0x3FFC];
	_ =	sdelay $0x3  }
0x94: {  	_ =	strace s3  }
0x95: {  	s3 =	sld [smem:$0x3FFD];
	_ =	sdelay $0x3  }
0x96: {  	_ =	strace s3  }
0x97: {  	_ =	strace $0x8FFFFFFF  }
0x98: {  	s19 =	sld [smem:$0x3FDB];
	_ =	sdelay $0x1  }
0x99: {  	s4 =	simm.s32 $_scs_section_size  }
0x9a: {  	s5 =	simm.s32 $_size__tile_overlayer_lowered;
	s6 =	simm.s32 $_tile_overlayer_lowered  }
0x9b: {  	s22 =	simm.s32 $0x1BFF;
	s21 =	sshll.u32 s6, $0x1;
	s3 =	sadd.s32 s4, s19  }
0x9c: {  	s7 =	simm.s32 $0x0;
	s20 =	sshll.u32 s5, $0x1;
	s5 =	sadd.s32 s21, s3  }
0x9d: {  	[timem:s7], [sflag:s22] =	dma.local [hbm:s5], s20  }
0x9e: {  	_ =	swait.ge [sflag:s22], s20  }
0x9f: {  	s4 =	ssub.s32 $0x0, s20;
	[sflag:s22] =	ssyncset.done $0x0  }
0xa0: {  	[sflag:s22] =	ssyncadd.s32 s4;
	_ =	sdelay $0x1  }
0xa1: {  	s23 =	simm.s32 $0x1B8B  }
0xa2: {  	_ =	swait.ge [sflag:s23], $0x1  }
0xa3: {  	[sflag:s23] =	ssyncset.done $0x0  }
0xa4: {  	s25 =	simm.s32 $0x1B8E;
	s24 =	sld [smem:$0x3FFE];
	[sflag:s23] =	ssyncadd.s32 $0xFFFFFFFF  }
0xa5: {  	s26 =	simm.s32 $execute0_lowered;
	[smem:$0x3FD2] =	sst s25  }
0xa6: {  	s5 =	sshll.u32 s26, $0x1;
	_ =	strace $0x80000049;
	[dreg:$0x1] =	wrdreg $0xFFFFFFFF  }
0xa7: {  	s28 =	simm.s32 $_size_execute0_lowered;
	s3 =	sadd.s32 s3, s5;
	[dreg:$0x0] =	wrdreg $0x0  }
0xa8: {  	s5 =	sshll.u32 s28, $0x1;
	[dreg:$0x2] =	wrdreg s3  }
0xa9: {  	[dreg:$0x3] =	wrdreg s5  }
0xaa: {  	[dreg:$0x4] =	wrdreg $0xC0  }
0xab: {  	_ =	task [dreg:s7], $0x5FFFF  }
0xac: {  	[dreg:$0x1] =	wrdreg $0xFFFFFFFF  }
0xad: {  	[dreg:$0x0] =	wrdreg $0x60  }
0xae: {  	[dreg:$0x2] =	wrdreg s24  }
0xaf: {  	[dreg:$0x3] =	wrdreg s2  }
0xb0: {  	[dreg:$0x4] =	wrdreg $0x70000  }
0xb1: {  	[dreg:$0x5] =	wrdreg $0x9  }
0xb2: {  	_ =	task.clear_ibuf [dreg:s7], $0x6FFFF;
	_ =	strace $0x90000049  }
0xb3: {  	s29 =	simm.s32 $0x9;
	_ =	strace $0x8000004B  }
0xb4: {  	_ =	swait.ge [sflag:s29], $0x1  }
0xb5: {  	[sflag:s29] =	ssyncadd.s32 $0xFFFFFFFF  }
0xb6: {  	_ =	strace $0x9000004B  }
0xb7: {  	_ =	sfence  }
0xb8: {  	s30 =	sld [smem:$0x0];
	_ =	sdelay $0x2  }
0xb9: {  	s31 =	sshll.u32 s1, $0xD;
	s1 =	sshrl.u32 s1, $0x2  }
0xba: {  	s3 =	sand.u32 $0x4000, s31;
	s1 =	sadd.s32 s1, s30  }
0xbb: {  	s0 =	sor.u32 s3, s0;
	s1 =	sshll.u32 s1, $0x11  }
0xbc: {  	s0 =	sor.u32 s1, s0  }
0xbd: {  	s0 =	sadd.s32 $0x8F2B, s0  }
0xbe: {  	[sflag:s0] =	ssyncadd.remote.s32 $0x1  }
0xbf: {  	_ =	sfence.sel $0xFFFF  }
0xc0: {  	[dreg:$0x0] =	wrdreg $0xFFFFFFFF;
	(pc) =	sbr.abs _section_cstart, $3  }
0xc1: {  	[dreg:$0x1] =	wrdreg $0xFFFFFFFF  }
0xc2: {  	_ =	task.clear_ibuf [dreg:s7], $0x2FFFF;
	_ =	strace $0x9FFFFFFF  }
0xc3: {  	(tm) =	ssettm $0x7FFFFFFF  }
tec
execute0_lowered:
.L_overlay_start_1:
0x0: {  	(tag) =	ssettag $0x1  }
0x1: {  	s6 =	rddreg [dreg:$0x0]  }
0x2: {  	s1 =	rddreg [dreg:$0x1]  }
0x3: {  	s2 =	rddreg [dreg:$0x2];
	s3 =	srdreg.scid  }
0x4: {  	s4 =	simm.s32 $0x0;
	s18 =	simm.s32 $0x5;
	s19 =	simm.s32 $0x1000  }
0x5: {  	s20 =	simm.s32 $0x50;
	s21 =	simm.s32 $0x2000;
	s22 =	simm.s32 $0x80  }
0x6: {  	s23 =	simm.s32 $0x4800;
	s24 =	simm.s32 $0x1;
	s28 =	simm.s32 $0x1F80  }
0x7: {  	s29 =	simm.s32 $0x0;
	s7 =	sand.u32 $0x1, s3;
	s3 =	stileid.u32  }
0x8: {  	[smem:$0x7FF] =	sst s4;
	s5 =	sadd.s32 $0x4400, s6;
	s8 =	smul.u32 $0x13C000, s7  }
0x9: {  	s9 =	smul.u32 $0x13C00, s3;
	_ =	strace $0x8000004A;
	s10 =	sshll.u32 s7, $0xF  }
0xa: {  	s11 =	sshll.u32 s3, $0xB;
	s7 =	ssub.s32 $0x2, s7;
	s25 =	smul.u32 $0x4F000, s3  }
0xb: {  	s31 =	sshll.u32 s3, $0x6;
	s10 =	sor.u32 s11, s10;
	s26 =	sshrl.u32 s7, $0x1  }
0xc: {  	s8 =	sadd.s32 s9, s8;
	s14 =	sadd.s32 s10, s6;
	s16 =	ssub.s32 s7, s26  }
0xd: {  	s30 =	sshrl.u32 s25, $0x2;
	s25 =	simm.s32 $0x2;
	s26 =	simm.s32 $0x1F00  }
0xe: {  	s8 =	sshrl.u32 s8, $0x3;
	s17 =	sadd.s32 s30, s2;
	s7 =	sadd.s32 $0x2C000, s14  }
0xf: {  	s9 =	sadd.s32 $0x2C200, s14;
	s10 =	sadd.s32 $0x3C200, s14;
	s11 =	sadd.s32 $0x2C400, s14  }
0x10: {  	s12 =	sadd.s32 $0x3C400, s14;
	s13 =	sadd.s32 $0x2C600, s14;
	s16 =	smax.u32 s16, $0x1  }
0x11: {  	s15 =	sadd.s32 s8, s6;
	s6 =	sor.u32 $0x1C05, s31;
	s8 =	sadd.s32 $0x3C000, s14  }
0x12: {  	s14 =	sadd.s32 $0x3C600, s14;
	s17 =	sshrl.u32 s17, $0x3;
	s15 =	sadd.s32 $0x4C000, s15  }
.LBB2_1:
0x13: {  	[spmem:s17], [sflag:s6] =	dma.local [hbm:s1], $0x2780  }
0x14: {  	_ =	swait.ge [sflag:s18], $0x2780  }
0x15: {  	[sflag:s18] =	ssyncset.done $0x0  }
0x16: {  	[sflag:s18] =	ssyncadd.s32 $0xFFFFD880  }
0x17: {  	[bflag:$0x0] =	sbarrier.arrive $0xFFFF  }
0x18: {  	[tilespmem:s4], [sflag:$0x5] =	stream.linear.gather [hbm4b:s7+s4], $0x1000, $0x38;
	[tilespmem:$0x1AC00] =	vst v63  }
0x19: {  	_ =	swait.ge [sflag:s18], $0x1000  }
0x1a: {  	[sflag:s18] =	ssyncset.done $0x0  }
0x1b: {  	[sflag:s18] =	ssyncadd.s32 $0xFFFFF000  }
0x1c: {  	[tilespmem:s19], [sflag:$0x5] =	stream.linear.gather [hbm4b:s8+s4], $0x1000, $0x38;
	[tilespmem:$0x1AC00] =	vst v63  }
0x1d: {  	_ =	swait.ge [sflag:s18], $0x1000  }
0x1e: {  	[sflag:s18] =	ssyncset.done $0x0  }
0x1f: {  	[sflag:s18] =	ssyncadd.s32 $0xFFFFF000  }
0x20: {  	[tilespmem:s21], [sflag:$0x1] =	stream.indirect.gather [hbm4b:s5+s20], $0x80, s4, s20, $0xb8;
	[tilespmem:$0x1AC00] =	vst v63  }
0x21: {  	_ = 	snop  }
0x22: {  	[tilespmem:s23], [sflag:$0x2] =	stream.indirect.gather [hbm4b:s5+s20], $0x80, s22, s20, $0xb8;
	[tilespmem:$0x1AC00] =	vst v63  }
0x23: {  	_ =	swait.ge [sflag:s24], $0x2800  }
0x24: {  	[sflag:s24] =	ssyncset.done $0x0  }
0x25: {  	s30 =	simm.s32 $0x1000;
	[sflag:s24] =	ssyncadd.s32 $0xFFFFD800  }
0x26: {  	[spmem:s2] =	stream.indirect.scatter.add.f32 [tilespmem:s21], [sflag:$0x5], $0x80, s30, s20, $0xb8;
	[tilespmem:$0x1AC00] =	vst v63  }
0x27: {  	_ =	swait.ge [sflag:s18], $0x2800  }
0x28: {  	[sflag:s18] =	ssyncset.done $0x0  }
0x29: {  	s30 =	simm.s32 $0x100;
	[sflag:s18] =	ssyncadd.s32 $0xFFFFD800  }
0x2a: {  	[tilespmem:s21], [sflag:$0x1] =	stream.indirect.gather [hbm4b:s5+s20], $0x80, s30, s20, $0xb8;
	[tilespmem:$0x1AC00] =	vst v63  }
0x2b: {  	_ =	swait.ge [sflag:s25], $0x2800  }
0x2c: {  	[sflag:s25] =	ssyncset.done $0x0  }
0x2d: {  	s30 =	simm.s32 $0x1080;
	[sflag:s25] =	ssyncadd.s32 $0xFFFFD800  }
0x2e: {  	[spmem:s2] =	stream.indirect.scatter.add.f32 [tilespmem:s23], [sflag:$0x5], $0x80, s30, s20, $0xb8;
	[tilespmem:$0x1AC00] =	vst v63  }
0x2f: {  	_ =	swait.ge [sflag:s18], $0x2800  }
0x30: {  	[sflag:s18] =	ssyncset.done $0x0  }
0x31: {  	s31 =	simm.s32 $0x180;
	s30 =	simm.s32 $0x400;
	[sflag:s18] =	ssyncadd.s32 $0xFFFFD800  }
.LBB2_2:
0x32: {  	[tilespmem:s23], [sflag:$0x2] =	stream.indirect.gather [hbm4b:s5+s20], $0x80, s31, s20, $0xb8;
	[tilespmem:$0x1AC00] =	vst v63  }
0x33: {  	s31 =	smov.u32 s30  }
0x34: {  	p0 =	sne.s32 s30, $0x3800;
	s30 =	sadd.s32 $0x400, s30;
	_ =	swait.ge [sflag:s24], $0x2800  }
0x35: {  	s31 =	sshra.s32 s31, $0x2;
	[sflag:s24] =	ssyncset.done $0x0  }
0x36: {  	s0 =	sadd.s32 $0x1000, s31;
	[sflag:s24] =	ssyncadd.s32 $0xFFFFD800  }
0x37: {  	[spmem:s2] =	stream.indirect.scatter.add.f32 [tilespmem:s21], [sflag:$0x5], $0x80, s0, s20, $0xb8;
	[tilespmem:$0x1AC00] =	vst v63  }
0x38: {  	_ =	swait.ge [sflag:s18], $0x2800  }
0x39: {  	[sflag:s18] =	ssyncset.done $0x0  }
0x3a: {  	s0 =	sadd.s32 $0x100, s31;
	[sflag:s18] =	ssyncadd.s32 $0xFFFFD800  }
0x3b: {  	[tilespmem:s21], [sflag:$0x1] =	stream.indirect.gather [hbm4b:s5+s20], $0x80, s0, s20, $0xb8;
	[tilespmem:$0x1AC00] =	vst v63  }
0x3c: {  	_ =	swait.ge [sflag:s25], $0x2800  }
0x3d: {  	[sflag:s25] =	ssyncset.done $0x0  }
.Ltmp0:
0x3e: {  	s0 =	sadd.s32 $0x1080, s31;
	[sflag:s25] =	ssyncadd.s32 $0xFFFFD800;
	(pc) =	sbr.rel @p0 .LBB2_2-.Ltmp0, $4  }
0x3f: {  	[spmem:s2] =	stream.indirect.scatter.add.f32 [tilespmem:s23], [sflag:$0x5], $0x80, s0, s20, $0xb8;
	[tilespmem:$0x1AC00] =	vst v63  }
0x40: {  	_ =	swait.ge [sflag:s18], $0x2800  }
0x41: {  	[sflag:s18] =	ssyncset.done $0x0  }
0x42: {  	s31 =	sadd.s32 $0x180, s31;
	[sflag:s18] =	ssyncadd.s32 $0xFFFFD800  }
0x43: {  	[tilespmem:s23], [sflag:$0x2] =	stream.indirect.gather [hbm4b:s5+s20], $0x80, s31, s20, $0xb8;
	[tilespmem:$0x1AC00] =	vst v63  }
0x44: {  	_ =	swait.ge [sflag:s24], $0x2800  }
0x45: {  	[sflag:s24] =	ssyncset.done $0x0  }
0x46: {  	[sflag:s24] =	ssyncadd.s32 $0xFFFFD800  }
0x47: {  	[spmem:s2] =	stream.indirect.scatter.add.f32 [tilespmem:s21], [sflag:$0x5], $0x80, s26, s20, $0xb8;
	[tilespmem:$0x1AC00] =	vst v63  }
0x48: {  	_ =	swait.ge [sflag:s18], $0x2800  }
0x49: {  	[sflag:s18] =	ssyncset.done $0x0  }
0x4a: {  	[sflag:s18] =	ssyncadd.s32 $0xFFFFD800  }
0x4b: {  	_ =	swait.ge [sflag:s25], $0x2800  }
0x4c: {  	[sflag:s25] =	ssyncset.done $0x0  }
0x4d: {  	[sflag:s25] =	ssyncadd.s32 $0xFFFFD800  }
0x4e: {  	[spmem:s2] =	stream.indirect.scatter.add.f32 [tilespmem:s23], [sflag:$0x5], $0x80, s28, s20, $0xb8;
	[tilespmem:$0x1AC00] =	vst v63  }
0x4f: {  	_ =	swait.ge [sflag:s18], $0x2800  }
0x50: {  	[sflag:s18] =	ssyncset.done $0x0  }
0x51: {  	s0 =	simm.s32 $0x0;
	[sflag:s18] =	ssyncadd.s32 $0xFFFFD800  }
0x52: {  	[tilespmem:s0], [sflag:$0x5] =	stream.linear.gather [hbm4b:s9+s0], $0x1000, $0x38;
	[tilespmem:$0x1AC00] =	vst v63  }
0x53: {  	_ =	swait.ge [sflag:s18], $0x1000  }
0x54: {  	[sflag:s18] =	ssyncset.done $0x0  }
0x55: {  	[sflag:s18] =	ssyncadd.s32 $0xFFFFF000  }
0x56: {  	[tilespmem:s19], [sflag:$0x5] =	stream.linear.gather [hbm4b:s10+s0], $0x1000, $0x38;
	[tilespmem:$0x1AC00] =	vst v63  }
0x57: {  	_ =	swait.ge [sflag:s18], $0x1000  }
0x58: {  	[sflag:s18] =	ssyncset.done $0x0  }
0x59: {  	[sflag:s18] =	ssyncadd.s32 $0xFFFFF000  }
0x5a: {  	[tilespmem:s21], [sflag:$0x1] =	stream.indirect.gather [hbm4b:s5+s20], $0x80, s0, s20, $0xb8;
	[tilespmem:$0x1AC00] =	vst v63  }
0x5b: {  	_ = 	snop  }
0x5c: {  	[tilespmem:s23], [sflag:$0x2] =	stream.indirect.gather [hbm4b:s5+s20], $0x80, s22, s20, $0xb8;
	[tilespmem:$0x1AC00] =	vst v63  }
0x5d: {  	_ =	swait.ge [sflag:s24], $0x2800  }
0x5e: {  	[sflag:s24] =	ssyncset.done $0x0  }
0x5f: {  	s0 =	simm.s32 $0x1000;
	[sflag:s24] =	ssyncadd.s32 $0xFFFFD800  }
0x60: {  	[spmem:s2] =	stream.indirect.scatter.add.f32 [tilespmem:s21], [sflag:$0x5], $0x80, s0, s20, $0xb8;
	[tilespmem:$0x1AC00] =	vst v63  }
0x61: {  	_ =	swait.ge [sflag:s18], $0x2800  }
0x62: {  	[sflag:s18] =	ssyncset.done $0x0  }
0x63: {  	s0 =	simm.s32 $0x100;
	[sflag:s18] =	ssyncadd.s32 $0xFFFFD800  }
0x64: {  	[tilespmem:s21], [sflag:$0x1] =	stream.indirect.gather [hbm4b:s5+s20], $0x80, s0, s20, $0xb8;
	[tilespmem:$0x1AC00] =	vst v63  }
0x65: {  	_ =	swait.ge [sflag:s25], $0x2800  }
0x66: {  	[sflag:s25] =	ssyncset.done $0x0  }
0x67: {  	s0 =	simm.s32 $0x1080;
	[sflag:s25] =	ssyncadd.s32 $0xFFFFD800  }
0x68: {  	[spmem:s2] =	stream.indirect.scatter.add.f32 [tilespmem:s23], [sflag:$0x5], $0x80, s0, s20, $0xb8;
	[tilespmem:$0x1AC00] =	vst v63  }
0x69: {  	_ =	swait.ge [sflag:s18], $0x2800  }
0x6a: {  	[sflag:s18] =	ssyncset.done $0x0  }
0x6b: {  	s30 =	simm.s32 $0x400;
	s31 =	simm.s32 $0x180;
	[sflag:s18] =	ssyncadd.s32 $0xFFFFD800  }
.LBB2_4:
0x6c: {  	[tilespmem:s23], [sflag:$0x2] =	stream.indirect.gather [hbm4b:s5+s20], $0x80, s31, s20, $0xb8;
	[tilespmem:$0x1AC00] =	vst v63  }
0x6d: {  	s0 =	smov.u32 s30  }
0x6e: {  	p0 =	sne.s32 s30, $0x3800;
	s30 =	sadd.s32 $0x400, s30;
	_ =	swait.ge [sflag:s24], $0x2800  }
0x6f: {  	s0 =	sshra.s32 s0, $0x2;
	[sflag:s24] =	ssyncset.done $0x0  }
0x70: {  	s31 =	sadd.s32 $0x1000, s0;
	[sflag:s24] =	ssyncadd.s32 $0xFFFFD800  }
0x71: {  	[spmem:s2] =	stream.indirect.scatter.add.f32 [tilespmem:s21], [sflag:$0x5], $0x80, s31, s20, $0xb8;
	[tilespmem:$0x1AC00] =	vst v63  }
0x72: {  	_ =	swait.ge [sflag:s18], $0x2800  }
0x73: {  	[sflag:s18] =	ssyncset.done $0x0  }
0x74: {  	s31 =	sadd.s32 $0x100, s0;
	[sflag:s18] =	ssyncadd.s32 $0xFFFFD800  }
0x75: {  	[tilespmem:s21], [sflag:$0x1] =	stream.indirect.gather [hbm4b:s5+s20], $0x80, s31, s20, $0xb8;
	[tilespmem:$0x1AC00] =	vst v63  }
0x76: {  	_ =	swait.ge [sflag:s25], $0x2800  }
0x77: {  	[sflag:s25] =	ssyncset.done $0x0  }
.Ltmp1:
0x78: {  	s31 =	sadd.s32 $0x1080, s0;
	[sflag:s25] =	ssyncadd.s32 $0xFFFFD800;
	(pc) =	sbr.rel @p0 .LBB2_4-.Ltmp1, $4  }
0x79: {  	[spmem:s2] =	stream.indirect.scatter.add.f32 [tilespmem:s23], [sflag:$0x5], $0x80, s31, s20, $0xb8;
	[tilespmem:$0x1AC00] =	vst v63  }
0x7a: {  	_ =	swait.ge [sflag:s18], $0x2800  }
0x7b: {  	[sflag:s18] =	ssyncset.done $0x0  }
0x7c: {  	s31 =	sadd.s32 $0x180, s0;
	[sflag:s18] =	ssyncadd.s32 $0xFFFFD800  }
0x7d: {  	[tilespmem:s23], [sflag:$0x2] =	stream.indirect.gather [hbm4b:s5+s20], $0x80, s31, s20, $0xb8;
	[tilespmem:$0x1AC00] =	vst v63  }
0x7e: {  	_ =	swait.ge [sflag:s24], $0x2800  }
0x7f: {  	[sflag:s24] =	ssyncset.done $0x0  }
0x80: {  	[sflag:s24] =	ssyncadd.s32 $0xFFFFD800  }
0x81: {  	[spmem:s2] =	stream.indirect.scatter.add.f32 [tilespmem:s21], [sflag:$0x5], $0x80, s26, s20, $0xb8;
	[tilespmem:$0x1AC00] =	vst v63  }
0x82: {  	_ =	swait.ge [sflag:s18], $0x2800  }
0x83: {  	[sflag:s18] =	ssyncset.done $0x0  }
0x84: {  	[sflag:s18] =	ssyncadd.s32 $0xFFFFD800  }
0x85: {  	_ =	swait.ge [sflag:s25], $0x2800  }
0x86: {  	[sflag:s25] =	ssyncset.done $0x0  }
0x87: {  	[sflag:s25] =	ssyncadd.s32 $0xFFFFD800  }
0x88: {  	[spmem:s2] =	stream.indirect.scatter.add.f32 [tilespmem:s23], [sflag:$0x5], $0x80, s28, s20, $0xb8;
	[tilespmem:$0x1AC00] =	vst v63  }
0x89: {  	_ =	swait.ge [sflag:s18], $0x2800  }
0x8a: {  	[sflag:s18] =	ssyncset.done $0x0  }
0x8b: {  	s0 =	simm.s32 $0x0;
	[sflag:s18] =	ssyncadd.s32 $0xFFFFD800  }
0x8c: {  	[tilespmem:s0], [sflag:$0x5] =	stream.linear.gather [hbm4b:s11+s0], $0x1000, $0x38;
	[tilespmem:$0x1AC00] =	vst v63  }
0x8d: {  	_ =	swait.ge [sflag:s18], $0x1000  }
0x8e: {  	[sflag:s18] =	ssyncset.done $0x0  }
0x8f: {  	[sflag:s18] =	ssyncadd.s32 $0xFFFFF000  }
0x90: {  	[tilespmem:s19], [sflag:$0x5] =	stream.linear.gather [hbm4b:s12+s0], $0x1000, $0x38;
	[tilespmem:$0x1AC00] =	vst v63  }
0x91: {  	_ =	swait.ge [sflag:s18], $0x1000  }
0x92: {  	[sflag:s18] =	ssyncset.done $0x0  }
0x93: {  	[sflag:s18] =	ssyncadd.s32 $0xFFFFF000  }
0x94: {  	[tilespmem:s21], [sflag:$0x1] =	stream.indirect.gather [hbm4b:s5+s20], $0x80, s0, s20, $0xb8;
	[tilespmem:$0x1AC00] =	vst v63  }
0x95: {  	_ = 	snop  }
0x96: {  	[tilespmem:s23], [sflag:$0x2] =	stream.indirect.gather [hbm4b:s5+s20], $0x80, s22, s20, $0xb8;
	[tilespmem:$0x1AC00] =	vst v63  }
0x97: {  	_ =	swait.ge [sflag:s24], $0x2800  }
0x98: {  	[sflag:s24] =	ssyncset.done $0x0  }
0x99: {  	s0 =	simm.s32 $0x1000;
	[sflag:s24] =	ssyncadd.s32 $0xFFFFD800  }
0x9a: {  	[spmem:s2] =	stream.indirect.scatter.add.f32 [tilespmem:s21], [sflag:$0x5], $0x80, s0, s20, $0xb8;
	[tilespmem:$0x1AC00] =	vst v63  }
0x9b: {  	_ =	swait.ge [sflag:s18], $0x2800  }
0x9c: {  	[sflag:s18] =	ssyncset.done $0x0  }
0x9d: {  	s0 =	simm.s32 $0x100;
	[sflag:s18] =	ssyncadd.s32 $0xFFFFD800  }
0x9e: {  	[tilespmem:s21], [sflag:$0x1] =	stream.indirect.gather [hbm4b:s5+s20], $0x80, s0, s20, $0xb8;
	[tilespmem:$0x1AC00] =	vst v63  }
0x9f: {  	_ =	swait.ge [sflag:s25], $0x2800  }
0xa0: {  	[sflag:s25] =	ssyncset.done $0x0  }
0xa1: {  	s0 =	simm.s32 $0x1080;
	[sflag:s25] =	ssyncadd.s32 $0xFFFFD800  }
0xa2: {  	[spmem:s2] =	stream.indirect.scatter.add.f32 [tilespmem:s23], [sflag:$0x5], $0x80, s0, s20, $0xb8;
	[tilespmem:$0x1AC00] =	vst v63  }
0xa3: {  	_ =	swait.ge [sflag:s18], $0x2800  }
0xa4: {  	[sflag:s18] =	ssyncset.done $0x0  }
0xa5: {  	s30 =	simm.s32 $0x400;
	s31 =	simm.s32 $0x180;
	[sflag:s18] =	ssyncadd.s32 $0xFFFFD800  }
.LBB2_6:
0xa6: {  	[tilespmem:s23], [sflag:$0x2] =	stream.indirect.gather [hbm4b:s5+s20], $0x80, s31, s20, $0xb8;
	[tilespmem:$0x1AC00] =	vst v63  }
0xa7: {  	s0 =	smov.u32 s30  }
0xa8: {  	p0 =	sne.s32 s30, $0x3800;
	s30 =	sadd.s32 $0x400, s30;
	_ =	swait.ge [sflag:s24], $0x2800  }
0xa9: {  	s0 =	sshra.s32 s0, $0x2;
	[sflag:s24] =	ssyncset.done $0x0  }
0xaa: {  	s31 =	sadd.s32 $0x1000, s0;
	[sflag:s24] =	ssyncadd.s32 $0xFFFFD800  }
0xab: {  	[spmem:s2] =	stream.indirect.scatter.add.f32 [tilespmem:s21], [sflag:$0x5], $0x80, s31, s20, $0xb8;
	[tilespmem:$0x1AC00] =	vst v63  }
0xac: {  	_ =	swait.ge [sflag:s18], $0x2800  }
0xad: {  	[sflag:s18] =	ssyncset.done $0x0  }
0xae: {  	s31 =	sadd.s32 $0x100, s0;
	[sflag:s18] =	ssyncadd.s32 $0xFFFFD800  }
0xaf: {  	[tilespmem:s21], [sflag:$0x1] =	stream.indirect.gather [hbm4b:s5+s20], $0x80, s31, s20, $0xb8;
	[tilespmem:$0x1AC00] =	vst v63  }
0xb0: {  	_ =	swait.ge [sflag:s25], $0x2800  }
0xb1: {  	[sflag:s25] =	ssyncset.done $0x0  }
.Ltmp2:
0xb2: {  	s31 =	sadd.s32 $0x1080, s0;
	[sflag:s25] =	ssyncadd.s32 $0xFFFFD800;
	(pc) =	sbr.rel @p0 .LBB2_6-.Ltmp2, $4  }
0xb3: {  	[spmem:s2] =	stream.indirect.scatter.add.f32 [tilespmem:s23], [sflag:$0x5], $0x80, s31, s20, $0xb8;
	[tilespmem:$0x1AC00] =	vst v63  }
0xb4: {  	_ =	swait.ge [sflag:s18], $0x2800  }
0xb5: {  	[sflag:s18] =	ssyncset.done $0x0  }
0xb6: {  	s31 =	sadd.s32 $0x180, s0;
	[sflag:s18] =	ssyncadd.s32 $0xFFFFD800  }
0xb7: {  	[tilespmem:s23], [sflag:$0x2] =	stream.indirect.gather [hbm4b:s5+s20], $0x80, s31, s20, $0xb8;
	[tilespmem:$0x1AC00] =	vst v63  }
0xb8: {  	_ =	swait.ge [sflag:s24], $0x2800  }
0xb9: {  	[sflag:s24] =	ssyncset.done $0x0  }
0xba: {  	[sflag:s24] =	ssyncadd.s32 $0xFFFFD800  }
0xbb: {  	[spmem:s2] =	stream.indirect.scatter.add.f32 [tilespmem:s21], [sflag:$0x5], $0x80, s26, s20, $0xb8;
	[tilespmem:$0x1AC00] =	vst v63  }
0xbc: {  	_ =	swait.ge [sflag:s18], $0x2800  }
0xbd: {  	[sflag:s18] =	ssyncset.done $0x0  }
0xbe: {  	[sflag:s18] =	ssyncadd.s32 $0xFFFFD800  }
0xbf: {  	_ =	swait.ge [sflag:s25], $0x2800  }
0xc0: {  	[sflag:s25] =	ssyncset.done $0x0  }
0xc1: {  	[sflag:s25] =	ssyncadd.s32 $0xFFFFD800  }
0xc2: {  	[spmem:s2] =	stream.indirect.scatter.add.f32 [tilespmem:s23], [sflag:$0x5], $0x80, s28, s20, $0xb8;
	[tilespmem:$0x1AC00] =	vst v63  }
0xc3: {  	_ =	swait.ge [sflag:s18], $0x2800  }
0xc4: {  	[sflag:s18] =	ssyncset.done $0x0  }
0xc5: {  	s0 =	simm.s32 $0x0;
	[sflag:s18] =	ssyncadd.s32 $0xFFFFD800  }
0xc6: {  	[tilespmem:s0], [sflag:$0x5] =	stream.linear.gather [hbm4b:s13+s0], $0x1000, $0x38;
	[tilespmem:$0x1AC00] =	vst v63  }
0xc7: {  	_ =	swait.ge [sflag:s18], $0x1000  }
0xc8: {  	[sflag:s18] =	ssyncset.done $0x0  }
0xc9: {  	[sflag:s18] =	ssyncadd.s32 $0xFFFFF000  }
0xca: {  	[tilespmem:s19], [sflag:$0x5] =	stream.linear.gather [hbm4b:s14+s0], $0x1000, $0x38;
	[tilespmem:$0x1AC00] =	vst v63  }
0xcb: {  	_ =	swait.ge [sflag:s18], $0x1000  }
0xcc: {  	[sflag:s18] =	ssyncset.done $0x0  }
0xcd: {  	[sflag:s18] =	ssyncadd.s32 $0xFFFFF000  }
0xce: {  	[tilespmem:s21], [sflag:$0x1] =	stream.indirect.gather [hbm4b:s5+s20], $0x80, s0, s20, $0xb8;
	[tilespmem:$0x1AC00] =	vst v63  }
0xcf: {  	_ = 	snop  }
0xd0: {  	[tilespmem:s23], [sflag:$0x2] =	stream.indirect.gather [hbm4b:s5+s20], $0x80, s22, s20, $0xb8;
	[tilespmem:$0x1AC00] =	vst v63  }
0xd1: {  	_ =	swait.ge [sflag:s24], $0x2800  }
0xd2: {  	[sflag:s24] =	ssyncset.done $0x0  }
0xd3: {  	s0 =	simm.s32 $0x1000;
	[sflag:s24] =	ssyncadd.s32 $0xFFFFD800  }
0xd4: {  	[spmem:s2] =	stream.indirect.scatter.add.f32 [tilespmem:s21], [sflag:$0x5], $0x80, s0, s20, $0xb8;
	[tilespmem:$0x1AC00] =	vst v63  }
0xd5: {  	_ =	swait.ge [sflag:s18], $0x2800  }
0xd6: {  	[sflag:s18] =	ssyncset.done $0x0  }
0xd7: {  	s0 =	simm.s32 $0x100;
	[sflag:s18] =	ssyncadd.s32 $0xFFFFD800  }
0xd8: {  	[tilespmem:s21], [sflag:$0x1] =	stream.indirect.gather [hbm4b:s5+s20], $0x80, s0, s20, $0xb8;
	[tilespmem:$0x1AC00] =	vst v63  }
0xd9: {  	_ =	swait.ge [sflag:s25], $0x2800  }
0xda: {  	[sflag:s25] =	ssyncset.done $0x0  }
0xdb: {  	s0 =	simm.s32 $0x1080;
	[sflag:s25] =	ssyncadd.s32 $0xFFFFD800  }
0xdc: {  	[spmem:s2] =	stream.indirect.scatter.add.f32 [tilespmem:s23], [sflag:$0x5], $0x80, s0, s20, $0xb8;
	[tilespmem:$0x1AC00] =	vst v63  }
0xdd: {  	_ =	swait.ge [sflag:s18], $0x2800  }
0xde: {  	[sflag:s18] =	ssyncset.done $0x0  }
0xdf: {  	s30 =	simm.s32 $0x400;
	s31 =	simm.s32 $0x180;
	[sflag:s18] =	ssyncadd.s32 $0xFFFFD800  }
.LBB2_8:
0xe0: {  	[tilespmem:s23], [sflag:$0x2] =	stream.indirect.gather [hbm4b:s5+s20], $0x80, s31, s20, $0xb8;
	[tilespmem:$0x1AC00] =	vst v63  }
0xe1: {  	s0 =	smov.u32 s30  }
0xe2: {  	p0 =	sne.s32 s30, $0x3800;
	s30 =	sadd.s32 $0x400, s30;
	_ =	swait.ge [sflag:s24], $0x2800  }
0xe3: {  	s0 =	sshra.s32 s0, $0x2;
	[sflag:s24] =	ssyncset.done $0x0  }
0xe4: {  	s31 =	sadd.s32 $0x1000, s0;
	[sflag:s24] =	ssyncadd.s32 $0xFFFFD800  }
0xe5: {  	[spmem:s2] =	stream.indirect.scatter.add.f32 [tilespmem:s21], [sflag:$0x5], $0x80, s31, s20, $0xb8;
	[tilespmem:$0x1AC00] =	vst v63  }
0xe6: {  	_ =	swait.ge [sflag:s18], $0x2800  }
0xe7: {  	[sflag:s18] =	ssyncset.done $0x0  }
0xe8: {  	s31 =	sadd.s32 $0x100, s0;
	[sflag:s18] =	ssyncadd.s32 $0xFFFFD800  }
0xe9: {  	[tilespmem:s21], [sflag:$0x1] =	stream.indirect.gather [hbm4b:s5+s20], $0x80, s31, s20, $0xb8;
	[tilespmem:$0x1AC00] =	vst v63  }
0xea: {  	_ =	swait.ge [sflag:s25], $0x2800  }
0xeb: {  	[sflag:s25] =	ssyncset.done $0x0  }
.Ltmp3:
0xec: {  	s31 =	sadd.s32 $0x1080, s0;
	[sflag:s25] =	ssyncadd.s32 $0xFFFFD800;
	(pc) =	sbr.rel @p0 .LBB2_8-.Ltmp3, $4  }
0xed: {  	[spmem:s2] =	stream.indirect.scatter.add.f32 [tilespmem:s23], [sflag:$0x5], $0x80, s31, s20, $0xb8;
	[tilespmem:$0x1AC00] =	vst v63  }
0xee: {  	_ =	swait.ge [sflag:s18], $0x2800  }
0xef: {  	[sflag:s18] =	ssyncset.done $0x0  }
0xf0: {  	s31 =	sadd.s32 $0x180, s0;
	[sflag:s18] =	ssyncadd.s32 $0xFFFFD800  }
0xf1: {  	[tilespmem:s23], [sflag:$0x2] =	stream.indirect.gather [hbm4b:s5+s20], $0x80, s31, s20, $0xb8;
	[tilespmem:$0x1AC00] =	vst v63  }
0xf2: {  	_ =	swait.ge [sflag:s24], $0x2800  }
0xf3: {  	[sflag:s24] =	ssyncset.done $0x0  }
0xf4: {  	[sflag:s24] =	ssyncadd.s32 $0xFFFFD800  }
0xf5: {  	[spmem:s2] =	stream.indirect.scatter.add.f32 [tilespmem:s21], [sflag:$0x5], $0x80, s26, s20, $0xb8;
	[tilespmem:$0x1AC00] =	vst v63  }
0xf6: {  	_ =	swait.ge [sflag:s18], $0x2800  }
0xf7: {  	[sflag:s18] =	ssyncset.done $0x0  }
0xf8: {  	[sflag:s18] =	ssyncadd.s32 $0xFFFFD800  }
0xf9: {  	_ =	swait.ge [sflag:s25], $0x2800  }
0xfa: {  	[sflag:s25] =	ssyncset.done $0x0  }
0xfb: {  	[sflag:s25] =	ssyncadd.s32 $0xFFFFD800  }
0xfc: {  	[spmem:s2] =	stream.indirect.scatter.add.f32 [tilespmem:s23], [sflag:$0x5], $0x80, s28, s20, $0xb8;
	[tilespmem:$0x1AC00] =	vst v63  }
0xfd: {  	_ =	swait.ge [sflag:s18], $0x2800  }
0xfe: {  	s29 =	sadd.s32 $0x1, s29;
	[sflag:s18] =	ssyncset.done $0x0  }
0xff: {  	p0 =	sne.s32 s29, s16;
	[sflag:s18] =	ssyncadd.s32 $0xFFFFD800  }
.Ltmp4:
0x100: {  	[bflag:$0x0] =	sbarrier.arrive $0xFFFF;
	(pc) =	sbr.rel @p0 .LBB2_1-.Ltmp4, $4  }
0x101: {  	[hbm:s15], [sflag:s6] =	dma.local [spmem:s17], $0x2780  }
0x102: {  	_ =	swait.ge [sflag:s18], $0x2780  }
0x103: {  	[sflag:s18] =	ssyncset.done $0x0  }
0x104: {  	[sflag:s18] =	ssyncadd.s32 $0xFFFFD880  }
0x105: {  	_ =	sfence.sel $0x180000  }
0x106: {  	[bflag:$0x0] =	sbarrier.arrive $0xFFFF  }
0x107: {  	_ =	strace $0x9000004A  }
0x108: {  	[bflag:$0x2] =	sbarrier.arrive $0xFFFF  }
0x109: {  	p0 =	sne.s32 s3, $0x0;
	s0 =	rddreg [dreg:$0x3]  }
0x10a: {  	s0 =	sadd.s32 @!p0 $0x100000, s0  }
0x10b: {  	[sflag:s0] =	ssyncadd.tile.s32 @!p0 $0x1;
	_ =	shalt  }
.Lfunc_end2:
_tile_overlayer_lowered:
.L_overlay_start_2:
0x10c: {  	(tag) =	ssettag $0x2  }
0x10d: {  	s0 =	rddreg [dreg:$0x0];
	s2 =	stileid.u32  }
0x10e: {  	s1 =	rddreg [dreg:$0x1];
	p0 =	sne.s32 s2, $0x0  }
0x10f: {  	s3 =	rddreg [dreg:$0x2];
	[bflag:$0x3] =	sbarrier.arrive $0xFFFF;
	s2 =	simm.s32 @!p0 $0x1C05  }
0x110: {  	[timem:s3], [sflag:s2] =	dma.local @!p0 [hbm:s0], s1  }
0x111: {  	s0 =	simm.s32 @!p0 $0x5  }
0x112: {  	_ =	swait.ge @!p0 [sflag:s0], s1  }
0x113: {  	s1 =	ssub.s32 @!p0 $0x0, s1;
	[sflag:s0] =	ssyncset.done @!p0 $0x0  }
0x114: {  	[sflag:s0] =	ssyncadd.s32 @!p0 s1  }
0x115: {  	[bflag:$0x3] =	sbarrier.arrive $0xFFFF  }
0x116: {  	_ =	shalt  }

// kernel: kernel.18.cloned.1.call-start
scs
__scs_entry_jumppad:
0x0: {  	(pc) =	sbr.rel $0x88, $3  }
0x1: {  	(tag) =	ssettag $0x0;
	lr =	simm.s32 $0x1  }
0x2: {  	[smem:$0x3F91] =	sst lr;
	_ =	strace $0xD0000000  }
0x3: {  	_ = 	snop  }
0x4: {  	_ = 	snop  }
0x5: {  	_ = 	snop  }
0x6: {  	_ = 	snop  }
0x7: {  	_ = 	snop  }
__scs_overlays_trampoline_lowered:
0x8: {  	[smem:$0x3FA0] =	sst s0  }
0x9: {  	[smem:$0x3FA1] =	sst s1  }
0xa: {  	[smem:$0x3FA2] =	sst s2  }
0xb: {  	[smem:$0x3FA3] =	sst s3  }
0xc: {  	[smem:$0x3FA4] =	sst s4  }
0xd: {  	[smem:$0x3FA5] =	sst s5  }
0xe: {  	[smem:$0x3FA6] =	sst s6  }
0xf: {  	[smem:$0x3FA7] =	sst s7  }
0x10: {  	[smem:$0x3FA8] =	sst s8  }
0x11: {  	[smem:$0x3FA9] =	sst s9;
	s0 =	simm.s32 @!p0 $0x0  }
0x12: {  	s1 =	sld [smem:$0x3F8F];
	s0 =	simm.s32 @p0 $0x1  }
0x13: {  	[smem:$0x3FAA] =	sst s0;
	s0 =	simm.s32 @!p1 $0x0  }
0x14: {  	s2 =	sld [smem:$0x3F8E];
	s0 =	simm.s32 @p1 $0x1  }
0x15: {  	[smem:$0x3FAB] =	sst s0;
	s0 =	simm.s32 @!p2 $0x0  }
0x16: {  	s3 =	sld [smem:$0x3FDB];
	s0 =	simm.s32 @p2 $0x1  }
0x17: {  	s4 =	simm.s32 $0x1BF5;
	[smem:$0x3FAD] =	sst s0  }
0x18: {  	s0 =	sld [smem:$0x3F90];
	_ =	swait.ge [sflag:s4], $0x0  }
0x19: {  	s7 =	sld [smem:$0x3F91]  }
0x1a: {  	s8 =	sadd.s32 $0xFFFFE003, lr  }
0x1b: {  	s9 =	sadd.s32 $0xFFFFFEF7, lr;
	s5 =	simm.s32 $0xFFFFFFFF;
	p2 =	slt.u32 s8, $0xFFFFF086  }
0x1c: {  	p1 =	slt.u32 s9, $0xF7A;
	s5 =	simm.s32 @!p2 $0x0  }
0x1d: {  	s5 =	simm.s32 @p1 $0x1;
	p0 =	seq.s32 s7, s2  }
0x1e: {  	s7 =	smul.u32 @!p0 $0xF7A, s2;
	p2 =	seq.s32 @!p0 s5, $0x0  }
0x1f: {  	s9 =	smul.u32 $0xF7A, s1;
	s8 =	simm.s32 @!p0 $0x1BF5;
	p2 =	por !p2, p0  }
0x20: {  	[sflag:s8] =	ssyncset.s32 @!p0 $0xFFFFF086;
	s6 =	sadd.s32 @!p0 s3, s7;
	s7 =	simm.s32 @!p0 $0x108  }
0x21: {  	s3 =	sadd.s32 s3, s9;
	s6 =	sadd.s32 @!p0 $0x88, s6;
	s7 =	simm.s32 @p2 $0x1082  }
0x22: {  	[simem:s7], [sflag:s8] =	dma.local @!p0 [hbm:s6], $0xF7A  }
0x23: {  	s9 =	sor.u32 $0xD0000000, s2;
	s6 =	simm.s32 $0x108;
	_ =	swait.ge @!p0 [sflag:s8], $0x0  }
0x24: {  	s3 =	sadd.s32 $0x88, s3;
	s6 =	simm.s32 @!p1 $0x1082;
	[sflag:s4] =	ssyncset.s32 $0xFFFFF086  }
0x25: {  	[simem:s6], [sflag:s4] =	dma.local [hbm:s3], $0xF7A  }
0x26: {  	[smem:$0x3F91] =	sst s1;
	(tag) =	ssettag s2;
	_ =	strace s9  }
0x27: {  	s1 =	sld [smem:$0x3FA1]  }
0x28: {  	s2 =	sld [smem:$0x3FA2]  }
0x29: {  	s4 =	sld [smem:$0x3FA4]  }
0x2a: {  	p0 =	seq.s32 s5, $0x0;
	s5 =	sld [smem:$0x3FA5]  }
0x2b: {  	s6 =	sld [smem:$0x3FA6]  }
0x2c: {  	s7 =	sld [smem:$0x3FA7]  }
0x2d: {  	s3 =	simm.s32 $0x108;
	s8 =	sld [smem:$0x3FA8]  }
0x2e: {  	s3 =	simm.s32 @!p0 $0x1082;
	s9 =	sld [smem:$0x3FA9]  }
0x2f: {  	lr =	sadd.s32 s0, s3;
	s0 =	sld [smem:$0x3FA0]  }
0x30: {  	s3 =	sld [smem:$0x3FA3]  }
0x31: {  	[smem:$0x3FAC] =	sst s10  }
0x32: {  	s10 =	sld [smem:$0x3FAA];
	_ =	sdelay $0x3  }
0x33: {  	p0 =	seq.s32 s10, $0x1;
	s10 =	sld [smem:$0x3FAC];
	_ =	sdelay $0x3  }
0x34: {  	[smem:$0x3FAC] =	sst s10  }
0x35: {  	s10 =	sld [smem:$0x3FAB];
	_ =	sdelay $0x3  }
0x36: {  	p1 =	seq.s32 s10, $0x1;
	s10 =	sld [smem:$0x3FAC];
	_ =	sdelay $0x3  }
0x37: {  	[smem:$0x3FAC] =	sst s10  }
0x38: {  	s10 =	sld [smem:$0x3FAD]  }
0x39: {  	_ = 	snop;
	(pc) =	sbr.ind lr, $3  }
0x3a: {  	_ = 	snop  }
0x3b: {  	_ = 	snop  }
0x3c: {  	p2 =	seq.s32 s10, $0x1;
	s10 =	sld [smem:$0x3FAC]  }
0x3d: {  	_ =	shalt  }
0x3e: {  	_ =	shalt  }
0x3f: {  	_ =	shalt  }
0x40: {  	_ =	shalt  }
0x41: {  	_ =	shalt  }
0x42: {  	_ =	shalt  }
0x43: {  	_ =	shalt  }
0x44: {  	_ =	shalt  }
0x45: {  	_ =	shalt  }
0x46: {  	_ =	shalt  }
0x47: {  	_ =	shalt  }
0x48: {  	_ =	shalt  }
0x49: {  	_ =	shalt  }
0x4a: {  	_ =	shalt  }
0x4b: {  	_ =	shalt  }
0x4c: {  	_ =	shalt  }
0x4d: {  	_ =	shalt  }
0x4e: {  	_ =	shalt  }
0x4f: {  	_ =	shalt  }
0x50: {  	_ =	shalt  }
0x51: {  	_ =	shalt  }
0x52: {  	_ =	shalt  }
0x53: {  	_ =	shalt  }
0x54: {  	_ =	shalt  }
0x55: {  	_ =	shalt  }
0x56: {  	_ =	shalt  }
0x57: {  	_ =	shalt  }
0x58: {  	_ =	shalt  }
0x59: {  	_ =	shalt  }
0x5a: {  	_ =	shalt  }
0x5b: {  	_ =	shalt  }
0x5c: {  	_ =	shalt  }
0x5d: {  	_ =	shalt  }
0x5e: {  	_ =	shalt  }
0x5f: {  	_ =	shalt  }
0x60: {  	_ =	shalt  }
0x61: {  	_ =	shalt  }
0x62: {  	_ =	shalt  }
0x63: {  	_ =	shalt  }
0x64: {  	_ =	shalt  }
0x65: {  	_ =	shalt  }
0x66: {  	_ =	shalt  }
0x67: {  	_ =	shalt  }
0x68: {  	_ =	shalt  }
0x69: {  	_ =	shalt  }
0x6a: {  	_ =	shalt  }
0x6b: {  	_ =	shalt  }
0x6c: {  	_ =	shalt  }
0x6d: {  	_ =	shalt  }
0x6e: {  	_ =	shalt  }
0x6f: {  	_ =	shalt  }
0x70: {  	_ =	shalt  }
0x71: {  	_ =	shalt  }
0x72: {  	_ =	shalt  }
0x73: {  	_ =	shalt  }
0x74: {  	_ =	shalt  }
0x75: {  	_ =	shalt  }
0x76: {  	_ =	shalt  }
0x77: {  	_ =	shalt  }
0x78: {  	_ =	shalt  }
0x79: {  	_ =	shalt  }
0x7a: {  	_ =	shalt  }
0x7b: {  	_ =	shalt  }
0x7c: {  	_ =	shalt  }
0x7d: {  	_ =	shalt  }
0x7e: {  	_ =	shalt  }
0x7f: {  	_ =	shalt  }
0x80: {  	_ =	shalt  }
0x81: {  	_ =	shalt  }
0x82: {  	_ =	shalt  }
0x83: {  	_ =	shalt  }
0x84: {  	_ =	shalt  }
0x85: {  	_ =	shalt  }
0x86: {  	_ =	shalt  }
0x87: {  	_ =	shalt  }
.Lfunc_end0:
.L_simem_size_0:
called_computation.2_lowered:
.L_overlay_start_0:
0x88: {  	s2 =	sld [smem:$0x3FD9]  }
0x89: {  	s3 =	sld [smem:$0x3FFE];
	_ =	sdelay $0x1  }
0x8a: {  	s1 =	srdreg.scid  }
0x8b: {  	s0 =	sand.u32 $0x1, s1  }
0x8c: {  	s17 =	sshll.u32 s0, $0xA;
	s2 =	sadd.s32 s3, s2  }
0x8d: {  	s2 =	sadd.s32 s2, s17  }
0x8e: {  	[smem:$0x3FB8] =	sst s2  }
0x8f: {  	_ = 	snop  }
0x90: {  	s2 =	sld [smem:$0x3FD0];
	(tm) =	ssettm $0x1  }
0x91: {  	s18 =	sld [smem:$0x3FFB];
	_ =	sdelay $0x3  }
0x92: {  	_ =	strace s18  }
0x93: {  	s3 =	sld [smem:$0x3FFC];
	_ =	sdelay $0x3  }
0x94: {  	_ =	strace s3  }
0x95: {  	s3 =	sld [smem:$0x3FFD];
	_ =	sdelay $0x3  }
0x96: {  	_ =	strace s3  }
0x97: {  	_ =	strace $0x8FFFFFFF  }
0x98: {  	s19 =	sld [smem:$0x3FDB];
	_ =	sdelay $0x1  }
0x99: {  	s4 =	simm.s32 $_scs_section_size  }
0x9a: {  	s5 =	simm.s32 $_size__tile_overlayer_lowered;
	s6 =	simm.s32 $_tile_overlayer_lowered  }
0x9b: {  	s22 =	simm.s32 $0x1BFF;
	s21 =	sshll.u32 s6, $0x1;
	s3 =	sadd.s32 s4, s19  }
0x9c: {  	s7 =	simm.s32 $0x0;
	s20 =	sshll.u32 s5, $0x1;
	s5 =	sadd.s32 s21, s3  }
0x9d: {  	[timem:s7], [sflag:s22] =	dma.local [hbm:s5], s20  }
0x9e: {  	_ =	swait.ge [sflag:s22], s20  }
0x9f: {  	s4 =	ssub.s32 $0x0, s20;
	[sflag:s22] =	ssyncset.done $0x0  }
0xa0: {  	[sflag:s22] =	ssyncadd.s32 s4;
	_ =	sdelay $0x1  }
0xa1: {  	s23 =	simm.s32 $0x1B8B  }
0xa2: {  	_ =	swait.ge [sflag:s23], $0x1  }
0xa3: {  	[sflag:s23] =	ssyncset.done $0x0  }
0xa4: {  	s25 =	simm.s32 $0x1B8E;
	s24 =	sld [smem:$0x3FFE];
	[sflag:s23] =	ssyncadd.s32 $0xFFFFFFFF  }
0xa5: {  	s26 =	simm.s32 $execute0_lowered;
	[smem:$0x3FD2] =	sst s25  }
0xa6: {  	s5 =	sshll.u32 s26, $0x1;
	_ =	strace $0x8000004C;
	[dreg:$0x1] =	wrdreg $0xFFFFFFFF  }
0xa7: {  	s28 =	simm.s32 $_size_execute0_lowered;
	s3 =	sadd.s32 s3, s5;
	[dreg:$0x0] =	wrdreg $0x0  }
0xa8: {  	s5 =	sshll.u32 s28, $0x1;
	[dreg:$0x2] =	wrdreg s3  }
0xa9: {  	[dreg:$0x3] =	wrdreg s5  }
0xaa: {  	[dreg:$0x4] =	wrdreg $0xC0  }
0xab: {  	_ =	task [dreg:s7], $0x5FFFF  }
0xac: {  	[dreg:$0x1] =	wrdreg $0xFFFFFFFF  }
0xad: {  	[dreg:$0x0] =	wrdreg $0x60  }
0xae: {  	[dreg:$0x2] =	wrdreg s24  }
0xaf: {  	[dreg:$0x3] =	wrdreg s2  }
0xb0: {  	[dreg:$0x4] =	wrdreg $0x70000  }
0xb1: {  	[dreg:$0x5] =	wrdreg $0x9  }
0xb2: {  	_ =	task.clear_ibuf [dreg:s7], $0x6FFFF;
	_ =	strace $0x9000004C  }
0xb3: {  	s29 =	simm.s32 $0x9;
	_ =	strace $0x8000004E  }
0xb4: {  	_ =	swait.ge [sflag:s29], $0x1  }
0xb5: {  	[sflag:s29] =	ssyncadd.s32 $0xFFFFFFFF  }
0xb6: {  	_ =	strace $0x9000004E  }
0xb7: {  	_ =	sfence  }
0xb8: {  	s30 =	sld [smem:$0x0];
	_ =	sdelay $0x2  }
0xb9: {  	s31 =	sshll.u32 s1, $0xD;
	s1 =	sshrl.u32 s1, $0x2  }
0xba: {  	s3 =	sand.u32 $0x4000, s31;
	s1 =	sadd.s32 s1, s30  }
0xbb: {  	s0 =	sor.u32 s3, s0;
	s1 =	sshll.u32 s1, $0x11  }
0xbc: {  	s0 =	sor.u32 s1, s0  }
0xbd: {  	s0 =	sadd.s32 $0x8F2B, s0  }
0xbe: {  	[sflag:s0] =	ssyncadd.remote.s32 $0x1  }
0xbf: {  	_ =	sfence.sel $0xFFFF  }
0xc0: {  	[dreg:$0x0] =	wrdreg $0xFFFFFFFF;
	(pc) =	sbr.abs _section_cstart, $3  }
0xc1: {  	[dreg:$0x1] =	wrdreg $0xFFFFFFFF  }
0xc2: {  	_ =	task.clear_ibuf [dreg:s7], $0x2FFFF;
	_ =	strace $0x9FFFFFFF  }
0xc3: {  	(tm) =	ssettm $0x7FFFFFFF  }
tec
execute0_lowered:
.L_overlay_start_1:
0x0: {  	(tag) =	ssettag $0x1  }
0x1: {  	s6 =	rddreg [dreg:$0x0]  }
0x2: {  	s1 =	rddreg [dreg:$0x1]  }
0x3: {  	s2 =	rddreg [dreg:$0x2];
	s3 =	srdreg.scid  }
0x4: {  	s4 =	simm.s32 $0x0;
	s18 =	simm.s32 $0x5;
	s19 =	simm.s32 $0x1000  }
0x5: {  	s20 =	simm.s32 $0x50;
	s21 =	simm.s32 $0x2000;
	s22 =	simm.s32 $0x80  }
0x6: {  	s23 =	simm.s32 $0x4800;
	s24 =	simm.s32 $0x1;
	s28 =	simm.s32 $0x1F80  }
0x7: {  	s29 =	simm.s32 $0x0;
	s7 =	sand.u32 $0x1, s3;
	s3 =	stileid.u32  }
0x8: {  	[smem:$0x7FF] =	sst s4;
	s5 =	sadd.s32 $0x4400, s6;
	s8 =	smul.u32 $0x13C000, s7  }
0x9: {  	s9 =	smul.u32 $0x13C00, s3;
	_ =	strace $0x8000004D;
	s10 =	sshll.u32 s7, $0xF  }
0xa: {  	s11 =	sshll.u32 s3, $0xB;
	s7 =	ssub.s32 $0x2, s7;
	s25 =	smul.u32 $0x4F000, s3  }
0xb: {  	s31 =	sshll.u32 s3, $0x6;
	s10 =	sor.u32 s11, s10;
	s26 =	sshrl.u32 s7, $0x1  }
0xc: {  	s8 =	sadd.s32 s9, s8;
	s14 =	sadd.s32 s10, s6;
	s16 =	ssub.s32 s7, s26  }
0xd: {  	s30 =	sshrl.u32 s25, $0x2;
	s25 =	simm.s32 $0x2;
	s26 =	simm.s32 $0x1F00  }
0xe: {  	s8 =	sshrl.u32 s8, $0x3;
	s17 =	sadd.s32 s30, s2;
	s7 =	sadd.s32 $0x2C000, s14  }
0xf: {  	s9 =	sadd.s32 $0x2C200, s14;
	s10 =	sadd.s32 $0x3C200, s14;
	s11 =	sadd.s32 $0x2C400, s14  }
0x10: {  	s12 =	sadd.s32 $0x3C400, s14;
	s13 =	sadd.s32 $0x2C600, s14;
	s16 =	smax.u32 s16, $0x1  }
0x11: {  	s15 =	sadd.s32 s8, s6;
	s6 =	sor.u32 $0x1C05, s31;
	s8 =	sadd.s32 $0x3C000, s14  }
0x12: {  	s14 =	sadd.s32 $0x3C600, s14;
	s17 =	sshrl.u32 s17, $0x3;
	s15 =	sadd.s32 $0x4C000, s15  }
.LBB2_1:
0x13: {  	[spmem:s17], [sflag:s6] =	dma.local [hbm:s1], $0x2780  }
0x14: {  	_ =	swait.ge [sflag:s18], $0x2780  }
0x15: {  	[sflag:s18] =	ssyncset.done $0x0  }
0x16: {  	[sflag:s18] =	ssyncadd.s32 $0xFFFFD880  }
0x17: {  	[bflag:$0x0] =	sbarrier.arrive $0xFFFF  }
0x18: {  	[tilespmem:s4], [sflag:$0x5] =	stream.linear.gather [hbm4b:s7+s4], $0x1000, $0x38;
	[tilespmem:$0x1AC00] =	vst v63  }
0x19: {  	_ =	swait.ge [sflag:s18], $0x1000  }
0x1a: {  	[sflag:s18] =	ssyncset.done $0x0  }
0x1b: {  	[sflag:s18] =	ssyncadd.s32 $0xFFFFF000  }
0x1c: {  	[tilespmem:s19], [sflag:$0x5] =	stream.linear.gather [hbm4b:s8+s4], $0x1000, $0x38;
	[tilespmem:$0x1AC00] =	vst v63  }
0x1d: {  	_ =	swait.ge [sflag:s18], $0x1000  }
0x1e: {  	[sflag:s18] =	ssyncset.done $0x0  }
0x1f: {  	[sflag:s18] =	ssyncadd.s32 $0xFFFFF000  }
0x20: {  	[tilespmem:s21], [sflag:$0x1] =	stream.indirect.gather [hbm4b:s5+s20], $0x80, s4, s20, $0xb8;
	[tilespmem:$0x1AC00] =	vst v63  }
0x21: {  	_ = 	snop  }
0x22: {  	[tilespmem:s23], [sflag:$0x2] =	stream.indirect.gather [hbm4b:s5+s20], $0x80, s22, s20, $0xb8;
	[tilespmem:$0x1AC00] =	vst v63  }
0x23: {  	_ =	swait.ge [sflag:s24], $0x2800  }
0x24: {  	[sflag:s24] =	ssyncset.done $0x0  }
0x25: {  	s30 =	simm.s32 $0x1000;
	[sflag:s24] =	ssyncadd.s32 $0xFFFFD800  }
0x26: {  	[spmem:s2] =	stream.indirect.scatter.add.f32 [tilespmem:s21], [sflag:$0x5], $0x80, s30, s20, $0xb8;
	[tilespmem:$0x1AC00] =	vst v63  }
0x27: {  	_ =	swait.ge [sflag:s18], $0x2800  }
0x28: {  	[sflag:s18] =	ssyncset.done $0x0  }
0x29: {  	s30 =	simm.s32 $0x100;
	[sflag:s18] =	ssyncadd.s32 $0xFFFFD800  }
0x2a: {  	[tilespmem:s21], [sflag:$0x1] =	stream.indirect.gather [hbm4b:s5+s20], $0x80, s30, s20, $0xb8;
	[tilespmem:$0x1AC00] =	vst v63  }
0x2b: {  	_ =	swait.ge [sflag:s25], $0x2800  }
0x2c: {  	[sflag:s25] =	ssyncset.done $0x0  }
0x2d: {  	s30 =	simm.s32 $0x1080;
	[sflag:s25] =	ssyncadd.s32 $0xFFFFD800  }
0x2e: {  	[spmem:s2] =	stream.indirect.scatter.add.f32 [tilespmem:s23], [sflag:$0x5], $0x80, s30, s20, $0xb8;
	[tilespmem:$0x1AC00] =	vst v63  }
0x2f: {  	_ =	swait.ge [sflag:s18], $0x2800  }
0x30: {  	[sflag:s18] =	ssyncset.done $0x0  }
0x31: {  	s31 =	simm.s32 $0x180;
	s30 =	simm.s32 $0x400;
	[sflag:s18] =	ssyncadd.s32 $0xFFFFD800  }
.LBB2_2:
0x32: {  	[tilespmem:s23], [sflag:$0x2] =	stream.indirect.gather [hbm4b:s5+s20], $0x80, s31, s20, $0xb8;
	[tilespmem:$0x1AC00] =	vst v63  }
0x33: {  	s31 =	smov.u32 s30  }
0x34: {  	p0 =	sne.s32 s30, $0x3800;
	s30 =	sadd.s32 $0x400, s30;
	_ =	swait.ge [sflag:s24], $0x2800  }
0x35: {  	s31 =	sshra.s32 s31, $0x2;
	[sflag:s24] =	ssyncset.done $0x0  }
0x36: {  	s0 =	sadd.s32 $0x1000, s31;
	[sflag:s24] =	ssyncadd.s32 $0xFFFFD800  }
0x37: {  	[spmem:s2] =	stream.indirect.scatter.add.f32 [tilespmem:s21], [sflag:$0x5], $0x80, s0, s20, $0xb8;
	[tilespmem:$0x1AC00] =	vst v63  }
0x38: {  	_ =	swait.ge [sflag:s18], $0x2800  }
0x39: {  	[sflag:s18] =	ssyncset.done $0x0  }
0x3a: {  	s0 =	sadd.s32 $0x100, s31;
	[sflag:s18] =	ssyncadd.s32 $0xFFFFD800  }
0x3b: {  	[tilespmem:s21], [sflag:$0x1] =	stream.indirect.gather [hbm4b:s5+s20], $0x80, s0, s20, $0xb8;
	[tilespmem:$0x1AC00] =	vst v63  }
0x3c: {  	_ =	swait.ge [sflag:s25], $0x2800  }
0x3d: {  	[sflag:s25] =	ssyncset.done $0x0  }
.Ltmp0:
0x3e: {  	s0 =	sadd.s32 $0x1080, s31;
	[sflag:s25] =	ssyncadd.s32 $0xFFFFD800;
	(pc) =	sbr.rel @p0 .LBB2_2-.Ltmp0, $4  }
0x3f: {  	[spmem:s2] =	stream.indirect.scatter.add.f32 [tilespmem:s23], [sflag:$0x5], $0x80, s0, s20, $0xb8;
	[tilespmem:$0x1AC00] =	vst v63  }
0x40: {  	_ =	swait.ge [sflag:s18], $0x2800  }
0x41: {  	[sflag:s18] =	ssyncset.done $0x0  }
0x42: {  	s31 =	sadd.s32 $0x180, s31;
	[sflag:s18] =	ssyncadd.s32 $0xFFFFD800  }
0x43: {  	[tilespmem:s23], [sflag:$0x2] =	stream.indirect.gather [hbm4b:s5+s20], $0x80, s31, s20, $0xb8;
	[tilespmem:$0x1AC00] =	vst v63  }
0x44: {  	_ =	swait.ge [sflag:s24], $0x2800  }
0x45: {  	[sflag:s24] =	ssyncset.done $0x0  }
0x46: {  	[sflag:s24] =	ssyncadd.s32 $0xFFFFD800  }
0x47: {  	[spmem:s2] =	stream.indirect.scatter.add.f32 [tilespmem:s21], [sflag:$0x5], $0x80, s26, s20, $0xb8;
	[tilespmem:$0x1AC00] =	vst v63  }
0x48: {  	_ =	swait.ge [sflag:s18], $0x2800  }
0x49: {  	[sflag:s18] =	ssyncset.done $0x0  }
0x4a: {  	[sflag:s18] =	ssyncadd.s32 $0xFFFFD800  }
0x4b: {  	_ =	swait.ge [sflag:s25], $0x2800  }
0x4c: {  	[sflag:s25] =	ssyncset.done $0x0  }
0x4d: {  	[sflag:s25] =	ssyncadd.s32 $0xFFFFD800  }
0x4e: {  	[spmem:s2] =	stream.indirect.scatter.add.f32 [tilespmem:s23], [sflag:$0x5], $0x80, s28, s20, $0xb8;
	[tilespmem:$0x1AC00] =	vst v63  }
0x4f: {  	_ =	swait.ge [sflag:s18], $0x2800  }
0x50: {  	[sflag:s18] =	ssyncset.done $0x0  }
0x51: {  	s0 =	simm.s32 $0x0;
	[sflag:s18] =	ssyncadd.s32 $0xFFFFD800  }
0x52: {  	[tilespmem:s0], [sflag:$0x5] =	stream.linear.gather [hbm4b:s9+s0], $0x1000, $0x38;
	[tilespmem:$0x1AC00] =	vst v63  }
0x53: {  	_ =	swait.ge [sflag:s18], $0x1000  }
0x54: {  	[sflag:s18] =	ssyncset.done $0x0  }
0x55: {  	[sflag:s18] =	ssyncadd.s32 $0xFFFFF000  }
0x56: {  	[tilespmem:s19], [sflag:$0x5] =	stream.linear.gather [hbm4b:s10+s0], $0x1000, $0x38;
	[tilespmem:$0x1AC00] =	vst v63  }
0x57: {  	_ =	swait.ge [sflag:s18], $0x1000  }
0x58: {  	[sflag:s18] =	ssyncset.done $0x0  }
0x59: {  	[sflag:s18] =	ssyncadd.s32 $0xFFFFF000  }
0x5a: {  	[tilespmem:s21], [sflag:$0x1] =	stream.indirect.gather [hbm4b:s5+s20], $0x80, s0, s20, $0xb8;
	[tilespmem:$0x1AC00] =	vst v63  }
0x5b: {  	_ = 	snop  }
0x5c: {  	[tilespmem:s23], [sflag:$0x2] =	stream.indirect.gather [hbm4b:s5+s20], $0x80, s22, s20, $0xb8;
	[tilespmem:$0x1AC00] =	vst v63  }
0x5d: {  	_ =	swait.ge [sflag:s24], $0x2800  }
0x5e: {  	[sflag:s24] =	ssyncset.done $0x0  }
0x5f: {  	s0 =	simm.s32 $0x1000;
	[sflag:s24] =	ssyncadd.s32 $0xFFFFD800  }
0x60: {  	[spmem:s2] =	stream.indirect.scatter.add.f32 [tilespmem:s21], [sflag:$0x5], $0x80, s0, s20, $0xb8;
	[tilespmem:$0x1AC00] =	vst v63  }
0x61: {  	_ =	swait.ge [sflag:s18], $0x2800  }
0x62: {  	[sflag:s18] =	ssyncset.done $0x0  }
0x63: {  	s0 =	simm.s32 $0x100;
	[sflag:s18] =	ssyncadd.s32 $0xFFFFD800  }
0x64: {  	[tilespmem:s21], [sflag:$0x1] =	stream.indirect.gather [hbm4b:s5+s20], $0x80, s0, s20, $0xb8;
	[tilespmem:$0x1AC00] =	vst v63  }
0x65: {  	_ =	swait.ge [sflag:s25], $0x2800  }
0x66: {  	[sflag:s25] =	ssyncset.done $0x0  }
0x67: {  	s0 =	simm.s32 $0x1080;
	[sflag:s25] =	ssyncadd.s32 $0xFFFFD800  }
0x68: {  	[spmem:s2] =	stream.indirect.scatter.add.f32 [tilespmem:s23], [sflag:$0x5], $0x80, s0, s20, $0xb8;
	[tilespmem:$0x1AC00] =	vst v63  }
0x69: {  	_ =	swait.ge [sflag:s18], $0x2800  }
0x6a: {  	[sflag:s18] =	ssyncset.done $0x0  }
0x6b: {  	s30 =	simm.s32 $0x400;
	s31 =	simm.s32 $0x180;
	[sflag:s18] =	ssyncadd.s32 $0xFFFFD800  }
.LBB2_4:
0x6c: {  	[tilespmem:s23], [sflag:$0x2] =	stream.indirect.gather [hbm4b:s5+s20], $0x80, s31, s20, $0xb8;
	[tilespmem:$0x1AC00] =	vst v63  }
0x6d: {  	s0 =	smov.u32 s30  }
0x6e: {  	p0 =	sne.s32 s30, $0x3800;
	s30 =	sadd.s32 $0x400, s30;
	_ =	swait.ge [sflag:s24], $0x2800  }
0x6f: {  	s0 =	sshra.s32 s0, $0x2;
	[sflag:s24] =	ssyncset.done $0x0  }
0x70: {  	s31 =	sadd.s32 $0x1000, s0;
	[sflag:s24] =	ssyncadd.s32 $0xFFFFD800  }
0x71: {  	[spmem:s2] =	stream.indirect.scatter.add.f32 [tilespmem:s21], [sflag:$0x5], $0x80, s31, s20, $0xb8;
	[tilespmem:$0x1AC00] =	vst v63  }
0x72: {  	_ =	swait.ge [sflag:s18], $0x2800  }
0x73: {  	[sflag:s18] =	ssyncset.done $0x0  }
0x74: {  	s31 =	sadd.s32 $0x100, s0;
	[sflag:s18] =	ssyncadd.s32 $0xFFFFD800  }
0x75: {  	[tilespmem:s21], [sflag:$0x1] =	stream.indirect.gather [hbm4b:s5+s20], $0x80, s31, s20, $0xb8;
	[tilespmem:$0x1AC00] =	vst v63  }
0x76: {  	_ =	swait.ge [sflag:s25], $0x2800  }
0x77: {  	[sflag:s25] =	ssyncset.done $0x0  }
.Ltmp1:
0x78: {  	s31 =	sadd.s32 $0x1080, s0;
	[sflag:s25] =	ssyncadd.s32 $0xFFFFD800;
	(pc) =	sbr.rel @p0 .LBB2_4-.Ltmp1, $4  }
0x79: {  	[spmem:s2] =	stream.indirect.scatter.add.f32 [tilespmem:s23], [sflag:$0x5], $0x80, s31, s20, $0xb8;
	[tilespmem:$0x1AC00] =	vst v63  }
0x7a: {  	_ =	swait.ge [sflag:s18], $0x2800  }
0x7b: {  	[sflag:s18] =	ssyncset.done $0x0  }
0x7c: {  	s31 =	sadd.s32 $0x180, s0;
	[sflag:s18] =	ssyncadd.s32 $0xFFFFD800  }
0x7d: {  	[tilespmem:s23], [sflag:$0x2] =	stream.indirect.gather [hbm4b:s5+s20], $0x80, s31, s20, $0xb8;
	[tilespmem:$0x1AC00] =	vst v63  }
0x7e: {  	_ =	swait.ge [sflag:s24], $0x2800  }
0x7f: {  	[sflag:s24] =	ssyncset.done $0x0  }
0x80: {  	[sflag:s24] =	ssyncadd.s32 $0xFFFFD800  }
0x81: {  	[spmem:s2] =	stream.indirect.scatter.add.f32 [tilespmem:s21], [sflag:$0x5], $0x80, s26, s20, $0xb8;
	[tilespmem:$0x1AC00] =	vst v63  }
0x82: {  	_ =	swait.ge [sflag:s18], $0x2800  }
0x83: {  	[sflag:s18] =	ssyncset.done $0x0  }
0x84: {  	[sflag:s18] =	ssyncadd.s32 $0xFFFFD800  }
0x85: {  	_ =	swait.ge [sflag:s25], $0x2800  }
0x86: {  	[sflag:s25] =	ssyncset.done $0x0  }
0x87: {  	[sflag:s25] =	ssyncadd.s32 $0xFFFFD800  }
0x88: {  	[spmem:s2] =	stream.indirect.scatter.add.f32 [tilespmem:s23], [sflag:$0x5], $0x80, s28, s20, $0xb8;
	[tilespmem:$0x1AC00] =	vst v63  }
0x89: {  	_ =	swait.ge [sflag:s18], $0x2800  }
0x8a: {  	[sflag:s18] =	ssyncset.done $0x0  }
0x8b: {  	s0 =	simm.s32 $0x0;
	[sflag:s18] =	ssyncadd.s32 $0xFFFFD800  }
0x8c: {  	[tilespmem:s0], [sflag:$0x5] =	stream.linear.gather [hbm4b:s11+s0], $0x1000, $0x38;
	[tilespmem:$0x1AC00] =	vst v63  }
0x8d: {  	_ =	swait.ge [sflag:s18], $0x1000  }
0x8e: {  	[sflag:s18] =	ssyncset.done $0x0  }
0x8f: {  	[sflag:s18] =	ssyncadd.s32 $0xFFFFF000  }
0x90: {  	[tilespmem:s19], [sflag:$0x5] =	stream.linear.gather [hbm4b:s12+s0], $0x1000, $0x38;
	[tilespmem:$0x1AC00] =	vst v63  }
0x91: {  	_ =	swait.ge [sflag:s18], $0x1000  }
0x92: {  	[sflag:s18] =	ssyncset.done $0x0  }
0x93: {  	[sflag:s18] =	ssyncadd.s32 $0xFFFFF000  }
0x94: {  	[tilespmem:s21], [sflag:$0x1] =	stream.indirect.gather [hbm4b:s5+s20], $0x80, s0, s20, $0xb8;
	[tilespmem:$0x1AC00] =	vst v63  }
0x95: {  	_ = 	snop  }
0x96: {  	[tilespmem:s23], [sflag:$0x2] =	stream.indirect.gather [hbm4b:s5+s20], $0x80, s22, s20, $0xb8;
	[tilespmem:$0x1AC00] =	vst v63  }
0x97: {  	_ =	swait.ge [sflag:s24], $0x2800  }
0x98: {  	[sflag:s24] =	ssyncset.done $0x0  }
0x99: {  	s0 =	simm.s32 $0x1000;
	[sflag:s24] =	ssyncadd.s32 $0xFFFFD800  }
0x9a: {  	[spmem:s2] =	stream.indirect.scatter.add.f32 [tilespmem:s21], [sflag:$0x5], $0x80, s0, s20, $0xb8;
	[tilespmem:$0x1AC00] =	vst v63  }
0x9b: {  	_ =	swait.ge [sflag:s18], $0x2800  }
0x9c: {  	[sflag:s18] =	ssyncset.done $0x0  }
0x9d: {  	s0 =	simm.s32 $0x100;
	[sflag:s18] =	ssyncadd.s32 $0xFFFFD800  }
0x9e: {  	[tilespmem:s21], [sflag:$0x1] =	stream.indirect.gather [hbm4b:s5+s20], $0x80, s0, s20, $0xb8;
	[tilespmem:$0x1AC00] =	vst v63  }
0x9f: {  	_ =	swait.ge [sflag:s25], $0x2800  }
0xa0: {  	[sflag:s25] =	ssyncset.done $0x0  }
0xa1: {  	s0 =	simm.s32 $0x1080;
	[sflag:s25] =	ssyncadd.s32 $0xFFFFD800  }
0xa2: {  	[spmem:s2] =	stream.indirect.scatter.add.f32 [tilespmem:s23], [sflag:$0x5], $0x80, s0, s20, $0xb8;
	[tilespmem:$0x1AC00] =	vst v63  }
0xa3: {  	_ =	swait.ge [sflag:s18], $0x2800  }
0xa4: {  	[sflag:s18] =	ssyncset.done $0x0  }
0xa5: {  	s30 =	simm.s32 $0x400;
	s31 =	simm.s32 $0x180;
	[sflag:s18] =	ssyncadd.s32 $0xFFFFD800  }
.LBB2_6:
0xa6: {  	[tilespmem:s23], [sflag:$0x2] =	stream.indirect.gather [hbm4b:s5+s20], $0x80, s31, s20, $0xb8;
	[tilespmem:$0x1AC00] =	vst v63  }
0xa7: {  	s0 =	smov.u32 s30  }
0xa8: {  	p0 =	sne.s32 s30, $0x3800;
	s30 =	sadd.s32 $0x400, s30;
	_ =	swait.ge [sflag:s24], $0x2800  }
0xa9: {  	s0 =	sshra.s32 s0, $0x2;
	[sflag:s24] =	ssyncset.done $0x0  }
0xaa: {  	s31 =	sadd.s32 $0x1000, s0;
	[sflag:s24] =	ssyncadd.s32 $0xFFFFD800  }
0xab: {  	[spmem:s2] =	stream.indirect.scatter.add.f32 [tilespmem:s21], [sflag:$0x5], $0x80, s31, s20, $0xb8;
	[tilespmem:$0x1AC00] =	vst v63  }
0xac: {  	_ =	swait.ge [sflag:s18], $0x2800  }
0xad: {  	[sflag:s18] =	ssyncset.done $0x0  }
0xae: {  	s31 =	sadd.s32 $0x100, s0;
	[sflag:s18] =	ssyncadd.s32 $0xFFFFD800  }
0xaf: {  	[tilespmem:s21], [sflag:$0x1] =	stream.indirect.gather [hbm4b:s5+s20], $0x80, s31, s20, $0xb8;
	[tilespmem:$0x1AC00] =	vst v63  }
0xb0: {  	_ =	swait.ge [sflag:s25], $0x2800  }
0xb1: {  	[sflag:s25] =	ssyncset.done $0x0  }
.Ltmp2:
0xb2: {  	s31 =	sadd.s32 $0x1080, s0;
	[sflag:s25] =	ssyncadd.s32 $0xFFFFD800;
	(pc) =	sbr.rel @p0 .LBB2_6-.Ltmp2, $4  }
0xb3: {  	[spmem:s2] =	stream.indirect.scatter.add.f32 [tilespmem:s23], [sflag:$0x5], $0x80, s31, s20, $0xb8;
	[tilespmem:$0x1AC00] =	vst v63  }
0xb4: {  	_ =	swait.ge [sflag:s18], $0x2800  }
0xb5: {  	[sflag:s18] =	ssyncset.done $0x0  }
0xb6: {  	s31 =	sadd.s32 $0x180, s0;
	[sflag:s18] =	ssyncadd.s32 $0xFFFFD800  }
0xb7: {  	[tilespmem:s23], [sflag:$0x2] =	stream.indirect.gather [hbm4b:s5+s20], $0x80, s31, s20, $0xb8;
	[tilespmem:$0x1AC00] =	vst v63  }
0xb8: {  	_ =	swait.ge [sflag:s24], $0x2800  }
0xb9: {  	[sflag:s24] =	ssyncset.done $0x0  }
0xba: {  	[sflag:s24] =	ssyncadd.s32 $0xFFFFD800  }
0xbb: {  	[spmem:s2] =	stream.indirect.scatter.add.f32 [tilespmem:s21], [sflag:$0x5], $0x80, s26, s20, $0xb8;
	[tilespmem:$0x1AC00] =	vst v63  }
0xbc: {  	_ =	swait.ge [sflag:s18], $0x2800  }
0xbd: {  	[sflag:s18] =	ssyncset.done $0x0  }
0xbe: {  	[sflag:s18] =	ssyncadd.s32 $0xFFFFD800  }
0xbf: {  	_ =	swait.ge [sflag:s25], $0x2800  }
0xc0: {  	[sflag:s25] =	ssyncset.done $0x0  }
0xc1: {  	[sflag:s25] =	ssyncadd.s32 $0xFFFFD800  }
0xc2: {  	[spmem:s2] =	stream.indirect.scatter.add.f32 [tilespmem:s23], [sflag:$0x5], $0x80, s28, s20, $0xb8;
	[tilespmem:$0x1AC00] =	vst v63  }
0xc3: {  	_ =	swait.ge [sflag:s18], $0x2800  }
0xc4: {  	[sflag:s18] =	ssyncset.done $0x0  }
0xc5: {  	s0 =	simm.s32 $0x0;
	[sflag:s18] =	ssyncadd.s32 $0xFFFFD800  }
0xc6: {  	[tilespmem:s0], [sflag:$0x5] =	stream.linear.gather [hbm4b:s13+s0], $0x1000, $0x38;
	[tilespmem:$0x1AC00] =	vst v63  }
0xc7: {  	_ =	swait.ge [sflag:s18], $0x1000  }
0xc8: {  	[sflag:s18] =	ssyncset.done $0x0  }
0xc9: {  	[sflag:s18] =	ssyncadd.s32 $0xFFFFF000  }
0xca: {  	[tilespmem:s19], [sflag:$0x5] =	stream.linear.gather [hbm4b:s14+s0], $0x1000, $0x38;
	[tilespmem:$0x1AC00] =	vst v63  }
0xcb: {  	_ =	swait.ge [sflag:s18], $0x1000  }
0xcc: {  	[sflag:s18] =	ssyncset.done $0x0  }
0xcd: {  	[sflag:s18] =	ssyncadd.s32 $0xFFFFF000  }
0xce: {  	[tilespmem:s21], [sflag:$0x1] =	stream.indirect.gather [hbm4b:s5+s20], $0x80, s0, s20, $0xb8;
	[tilespmem:$0x1AC00] =	vst v63  }
0xcf: {  	_ = 	snop  }
0xd0: {  	[tilespmem:s23], [sflag:$0x2] =	stream.indirect.gather [hbm4b:s5+s20], $0x80, s22, s20, $0xb8;
	[tilespmem:$0x1AC00] =	vst v63  }
0xd1: {  	_ =	swait.ge [sflag:s24], $0x2800  }
0xd2: {  	[sflag:s24] =	ssyncset.done $0x0  }
0xd3: {  	s0 =	simm.s32 $0x1000;
	[sflag:s24] =	ssyncadd.s32 $0xFFFFD800  }
0xd4: {  	[spmem:s2] =	stream.indirect.scatter.add.f32 [tilespmem:s21], [sflag:$0x5], $0x80, s0, s20, $0xb8;
	[tilespmem:$0x1AC00] =	vst v63  }
0xd5: {  	_ =	swait.ge [sflag:s18], $0x2800  }
0xd6: {  	[sflag:s18] =	ssyncset.done $0x0  }
0xd7: {  	s0 =	simm.s32 $0x100;
	[sflag:s18] =	ssyncadd.s32 $0xFFFFD800  }
0xd8: {  	[tilespmem:s21], [sflag:$0x1] =	stream.indirect.gather [hbm4b:s5+s20], $0x80, s0, s20, $0xb8;
	[tilespmem:$0x1AC00] =	vst v63  }
0xd9: {  	_ =	swait.ge [sflag:s25], $0x2800  }
0xda: {  	[sflag:s25] =	ssyncset.done $0x0  }
0xdb: {  	s0 =	simm.s32 $0x1080;
	[sflag:s25] =	ssyncadd.s32 $0xFFFFD800  }
0xdc: {  	[spmem:s2] =	stream.indirect.scatter.add.f32 [tilespmem:s23], [sflag:$0x5], $0x80, s0, s20, $0xb8;
	[tilespmem:$0x1AC00] =	vst v63  }
0xdd: {  	_ =	swait.ge [sflag:s18], $0x2800  }
0xde: {  	[sflag:s18] =	ssyncset.done $0x0  }
0xdf: {  	s30 =	simm.s32 $0x400;
	s31 =	simm.s32 $0x180;
	[sflag:s18] =	ssyncadd.s32 $0xFFFFD800  }
.LBB2_8:
0xe0: {  	[tilespmem:s23], [sflag:$0x2] =	stream.indirect.gather [hbm4b:s5+s20], $0x80, s31, s20, $0xb8;
	[tilespmem:$0x1AC00] =	vst v63  }
0xe1: {  	s0 =	smov.u32 s30  }
0xe2: {  	p0 =	sne.s32 s30, $0x3800;
	s30 =	sadd.s32 $0x400, s30;
	_ =	swait.ge [sflag:s24], $0x2800  }
0xe3: {  	s0 =	sshra.s32 s0, $0x2;
	[sflag:s24] =	ssyncset.done $0x0  }
0xe4: {  	s31 =	sadd.s32 $0x1000, s0;
	[sflag:s24] =	ssyncadd.s32 $0xFFFFD800  }
0xe5: {  	[spmem:s2] =	stream.indirect.scatter.add.f32 [tilespmem:s21], [sflag:$0x5], $0x80, s31, s20, $0xb8;
	[tilespmem:$0x1AC00] =	vst v63  }
0xe6: {  	_ =	swait.ge [sflag:s18], $0x2800  }
0xe7: {  	[sflag:s18] =	ssyncset.done $0x0  }
0xe8: {  	s31 =	sadd.s32 $0x100, s0;
	[sflag:s18] =	ssyncadd.s32 $0xFFFFD800  }
0xe9: {  	[tilespmem:s21], [sflag:$0x1] =	stream.indirect.gather [hbm4b:s5+s20], $0x80, s31, s20, $0xb8;
	[tilespmem:$0x1AC00] =	vst v63  }
0xea: {  	_ =	swait.ge [sflag:s25], $0x2800  }
0xeb: {  	[sflag:s25] =	ssyncset.done $0x0  }
.Ltmp3:
0xec: {  	s31 =	sadd.s32 $0x1080, s0;
	[sflag:s25] =	ssyncadd.s32 $0xFFFFD800;
	(pc) =	sbr.rel @p0 .LBB2_8-.Ltmp3, $4  }
0xed: {  	[spmem:s2] =	stream.indirect.scatter.add.f32 [tilespmem:s23], [sflag:$0x5], $0x80, s31, s20, $0xb8;
	[tilespmem:$0x1AC00] =	vst v63  }
0xee: {  	_ =	swait.ge [sflag:s18], $0x2800  }
0xef: {  	[sflag:s18] =	ssyncset.done $0x0  }
0xf0: {  	s31 =	sadd.s32 $0x180, s0;
	[sflag:s18] =	ssyncadd.s32 $0xFFFFD800  }
0xf1: {  	[tilespmem:s23], [sflag:$0x2] =	stream.indirect.gather [hbm4b:s5+s20], $0x80, s31, s20, $0xb8;
	[tilespmem:$0x1AC00] =	vst v63  }
0xf2: {  	_ =	swait.ge [sflag:s24], $0x2800  }
0xf3: {  	[sflag:s24] =	ssyncset.done $0x0  }
0xf4: {  	[sflag:s24] =	ssyncadd.s32 $0xFFFFD800  }
0xf5: {  	[spmem:s2] =	stream.indirect.scatter.add.f32 [tilespmem:s21], [sflag:$0x5], $0x80, s26, s20, $0xb8;
	[tilespmem:$0x1AC00] =	vst v63  }
0xf6: {  	_ =	swait.ge [sflag:s18], $0x2800  }
0xf7: {  	[sflag:s18] =	ssyncset.done $0x0  }
0xf8: {  	[sflag:s18] =	ssyncadd.s32 $0xFFFFD800  }
0xf9: {  	_ =	swait.ge [sflag:s25], $0x2800  }
0xfa: {  	[sflag:s25] =	ssyncset.done $0x0  }
0xfb: {  	[sflag:s25] =	ssyncadd.s32 $0xFFFFD800  }
0xfc: {  	[spmem:s2] =	stream.indirect.scatter.add.f32 [tilespmem:s23], [sflag:$0x5], $0x80, s28, s20, $0xb8;
	[tilespmem:$0x1AC00] =	vst v63  }
0xfd: {  	_ =	swait.ge [sflag:s18], $0x2800  }
0xfe: {  	s29 =	sadd.s32 $0x1, s29;
	[sflag:s18] =	ssyncset.done $0x0  }
0xff: {  	p0 =	sne.s32 s29, s16;
	[sflag:s18] =	ssyncadd.s32 $0xFFFFD800  }
.Ltmp4:
0x100: {  	[bflag:$0x0] =	sbarrier.arrive $0xFFFF;
	(pc) =	sbr.rel @p0 .LBB2_1-.Ltmp4, $4  }
0x101: {  	[hbm:s15], [sflag:s6] =	dma.local [spmem:s17], $0x2780  }
0x102: {  	_ =	swait.ge [sflag:s18], $0x2780  }
0x103: {  	[sflag:s18] =	ssyncset.done $0x0  }
0x104: {  	[sflag:s18] =	ssyncadd.s32 $0xFFFFD880  }
0x105: {  	_ =	sfence.sel $0x180000  }
0x106: {  	[bflag:$0x0] =	sbarrier.arrive $0xFFFF  }
0x107: {  	_ =	strace $0x9000004D  }
0x108: {  	[bflag:$0x2] =	sbarrier.arrive $0xFFFF  }
0x109: {  	p0 =	sne.s32 s3, $0x0;
	s0 =	rddreg [dreg:$0x3]  }
0x10a: {  	s0 =	sadd.s32 @!p0 $0x100000, s0  }
0x10b: {  	[sflag:s0] =	ssyncadd.tile.s32 @!p0 $0x1;
	_ =	shalt  }
.Lfunc_end2:
_tile_overlayer_lowered:
.L_overlay_start_2:
0x10c: {  	(tag) =	ssettag $0x2  }
0x10d: {  	s0 =	rddreg [dreg:$0x0];
	s2 =	stileid.u32  }
0x10e: {  	s1 =	rddreg [dreg:$0x1];
	p0 =	sne.s32 s2, $0x0  }
0x10f: {  	s3 =	rddreg [dreg:$0x2];
	[bflag:$0x3] =	sbarrier.arrive $0xFFFF;
	s2 =	simm.s32 @!p0 $0x1C05  }
0x110: {  	[timem:s3], [sflag:s2] =	dma.local @!p0 [hbm:s0], s1  }
0x111: {  	s0 =	simm.s32 @!p0 $0x5  }
0x112: {  	_ =	swait.ge @!p0 [sflag:s0], s1  }
0x113: {  	s1 =	ssub.s32 @!p0 $0x0, s1;
	[sflag:s0] =	ssyncset.done @!p0 $0x0  }
0x114: {  	[sflag:s0] =	ssyncadd.s32 @!p0 s1  }
0x115: {  	[bflag:$0x3] =	sbarrier.arrive $0xFFFF  }
0x116: {  	_ =	shalt  }

// kernel: kernel.21.cloned.1.call-start
scs
__scs_entry_jumppad:
0x0: {  	(pc) =	sbr.rel $0x88, $3  }
0x1: {  	(tag) =	ssettag $0x0;
	lr =	simm.s32 $0x1  }
0x2: {  	[smem:$0x3F91] =	sst lr;
	_ =	strace $0xD0000000  }
0x3: {  	_ = 	snop  }
0x4: {  	_ = 	snop  }
0x5: {  	_ = 	snop  }
0x6: {  	_ = 	snop  }
0x7: {  	_ = 	snop  }
__scs_overlays_trampoline_lowered:
0x8: {  	[smem:$0x3FA0] =	sst s0  }
0x9: {  	[smem:$0x3FA1] =	sst s1  }
0xa: {  	[smem:$0x3FA2] =	sst s2  }
0xb: {  	[smem:$0x3FA3] =	sst s3  }
0xc: {  	[smem:$0x3FA4] =	sst s4  }
0xd: {  	[smem:$0x3FA5] =	sst s5  }
0xe: {  	[smem:$0x3FA6] =	sst s6  }
0xf: {  	[smem:$0x3FA7] =	sst s7  }
0x10: {  	[smem:$0x3FA8] =	sst s8  }
0x11: {  	[smem:$0x3FA9] =	sst s9;
	s0 =	simm.s32 @!p0 $0x0  }
0x12: {  	s1 =	sld [smem:$0x3F8F];
	s0 =	simm.s32 @p0 $0x1  }
0x13: {  	[smem:$0x3FAA] =	sst s0;
	s0 =	simm.s32 @!p1 $0x0  }
0x14: {  	s2 =	sld [smem:$0x3F8E];
	s0 =	simm.s32 @p1 $0x1  }
0x15: {  	[smem:$0x3FAB] =	sst s0;
	s0 =	simm.s32 @!p2 $0x0  }
0x16: {  	s3 =	sld [smem:$0x3FDB];
	s0 =	simm.s32 @p2 $0x1  }
0x17: {  	s4 =	simm.s32 $0x1BF5;
	[smem:$0x3FAD] =	sst s0  }
0x18: {  	s0 =	sld [smem:$0x3F90];
	_ =	swait.ge [sflag:s4], $0x0  }
0x19: {  	s7 =	sld [smem:$0x3F91]  }
0x1a: {  	s8 =	sadd.s32 $0xFFFFE003, lr  }
0x1b: {  	s9 =	sadd.s32 $0xFFFFFEF7, lr;
	s5 =	simm.s32 $0xFFFFFFFF;
	p2 =	slt.u32 s8, $0xFFFFF086  }
0x1c: {  	p1 =	slt.u32 s9, $0xF7A;
	s5 =	simm.s32 @!p2 $0x0  }
0x1d: {  	s5 =	simm.s32 @p1 $0x1;
	p0 =	seq.s32 s7, s2  }
0x1e: {  	s7 =	smul.u32 @!p0 $0xF7A, s2;
	p2 =	seq.s32 @!p0 s5, $0x0  }
0x1f: {  	s9 =	smul.u32 $0xF7A, s1;
	s8 =	simm.s32 @!p0 $0x1BF5;
	p2 =	por !p2, p0  }
0x20: {  	[sflag:s8] =	ssyncset.s32 @!p0 $0xFFFFF086;
	s6 =	sadd.s32 @!p0 s3, s7;
	s7 =	simm.s32 @!p0 $0x108  }
0x21: {  	s3 =	sadd.s32 s3, s9;
	s6 =	sadd.s32 @!p0 $0x88, s6;
	s7 =	simm.s32 @p2 $0x1082  }
0x22: {  	[simem:s7], [sflag:s8] =	dma.local @!p0 [hbm:s6], $0xF7A  }
0x23: {  	s9 =	sor.u32 $0xD0000000, s2;
	s6 =	simm.s32 $0x108;
	_ =	swait.ge @!p0 [sflag:s8], $0x0  }
0x24: {  	s3 =	sadd.s32 $0x88, s3;
	s6 =	simm.s32 @!p1 $0x1082;
	[sflag:s4] =	ssyncset.s32 $0xFFFFF086  }
0x25: {  	[simem:s6], [sflag:s4] =	dma.local [hbm:s3], $0xF7A  }
0x26: {  	[smem:$0x3F91] =	sst s1;
	(tag) =	ssettag s2;
	_ =	strace s9  }
0x27: {  	s1 =	sld [smem:$0x3FA1]  }
0x28: {  	s2 =	sld [smem:$0x3FA2]  }
0x29: {  	s4 =	sld [smem:$0x3FA4]  }
0x2a: {  	p0 =	seq.s32 s5, $0x0;
	s5 =	sld [smem:$0x3FA5]  }
0x2b: {  	s6 =	sld [smem:$0x3FA6]  }
0x2c: {  	s7 =	sld [smem:$0x3FA7]  }
0x2d: {  	s3 =	simm.s32 $0x108;
	s8 =	sld [smem:$0x3FA8]  }
0x2e: {  	s3 =	simm.s32 @!p0 $0x1082;
	s9 =	sld [smem:$0x3FA9]  }
0x2f: {  	lr =	sadd.s32 s0, s3;
	s0 =	sld [smem:$0x3FA0]  }
0x30: {  	s3 =	sld [smem:$0x3FA3]  }
0x31: {  	[smem:$0x3FAC] =	sst s10  }
0x32: {  	s10 =	sld [smem:$0x3FAA];
	_ =	sdelay $0x3  }
0x33: {  	p0 =	seq.s32 s10, $0x1;
	s10 =	sld [smem:$0x3FAC];
	_ =	sdelay $0x3  }
0x34: {  	[smem:$0x3FAC] =	sst s10  }
0x35: {  	s10 =	sld [smem:$0x3FAB];
	_ =	sdelay $0x3  }
0x36: {  	p1 =	seq.s32 s10, $0x1;
	s10 =	sld [smem:$0x3FAC];
	_ =	sdelay $0x3  }
0x37: {  	[smem:$0x3FAC] =	sst s10  }
0x38: {  	s10 =	sld [smem:$0x3FAD]  }
0x39: {  	_ = 	snop;
	(pc) =	sbr.ind lr, $3  }
0x3a: {  	_ = 	snop  }
0x3b: {  	_ = 	snop  }
0x3c: {  	p2 =	seq.s32 s10, $0x1;
	s10 =	sld [smem:$0x3FAC]  }
0x3d: {  	_ =	shalt  }
0x3e: {  	_ =	shalt  }
0x3f: {  	_ =	shalt  }
0x40: {  	_ =	shalt  }
0x41: {  	_ =	shalt  }
0x42: {  	_ =	shalt  }
0x43: {  	_ =	shalt  }
0x44: {  	_ =	shalt  }
0x45: {  	_ =	shalt  }
0x46: {  	_ =	shalt  }
0x47: {  	_ =	shalt  }
0x48: {  	_ =	shalt  }
0x49: {  	_ =	shalt  }
0x4a: {  	_ =	shalt  }
0x4b: {  	_ =	shalt  }
0x4c: {  	_ =	shalt  }
0x4d: {  	_ =	shalt  }
0x4e: {  	_ =	shalt  }
0x4f: {  	_ =	shalt  }
0x50: {  	_ =	shalt  }
0x51: {  	_ =	shalt  }
0x52: {  	_ =	shalt  }
0x53: {  	_ =	shalt  }
0x54: {  	_ =	shalt  }
0x55: {  	_ =	shalt  }
0x56: {  	_ =	shalt  }
0x57: {  	_ =	shalt  }
0x58: {  	_ =	shalt  }
0x59: {  	_ =	shalt  }
0x5a: {  	_ =	shalt  }
0x5b: {  	_ =	shalt  }
0x5c: {  	_ =	shalt  }
0x5d: {  	_ =	shalt  }
0x5e: {  	_ =	shalt  }
0x5f: {  	_ =	shalt  }
0x60: {  	_ =	shalt  }
0x61: {  	_ =	shalt  }
0x62: {  	_ =	shalt  }
0x63: {  	_ =	shalt  }
0x64: {  	_ =	shalt  }
0x65: {  	_ =	shalt  }
0x66: {  	_ =	shalt  }
0x67: {  	_ =	shalt  }
0x68: {  	_ =	shalt  }
0x69: {  	_ =	shalt  }
0x6a: {  	_ =	shalt  }
0x6b: {  	_ =	shalt  }
0x6c: {  	_ =	shalt  }
0x6d: {  	_ =	shalt  }
0x6e: {  	_ =	shalt  }
0x6f: {  	_ =	shalt  }
0x70: {  	_ =	shalt  }
0x71: {  	_ =	shalt  }
0x72: {  	_ =	shalt  }
0x73: {  	_ =	shalt  }
0x74: {  	_ =	shalt  }
0x75: {  	_ =	shalt  }
0x76: {  	_ =	shalt  }
0x77: {  	_ =	shalt  }
0x78: {  	_ =	shalt  }
0x79: {  	_ =	shalt  }
0x7a: {  	_ =	shalt  }
0x7b: {  	_ =	shalt  }
0x7c: {  	_ =	shalt  }
0x7d: {  	_ =	shalt  }
0x7e: {  	_ =	shalt  }
0x7f: {  	_ =	shalt  }
0x80: {  	_ =	shalt  }
0x81: {  	_ =	shalt  }
0x82: {  	_ =	shalt  }
0x83: {  	_ =	shalt  }
0x84: {  	_ =	shalt  }
0x85: {  	_ =	shalt  }
0x86: {  	_ =	shalt  }
0x87: {  	_ =	shalt  }
.Lfunc_end0:
.L_simem_size_0:
called_computation.3_lowered:
.L_overlay_start_0:
0x88: {  	s2 =	sld [smem:$0x3FD9]  }
0x89: {  	s3 =	sld [smem:$0x3FFE];
	_ =	sdelay $0x1  }
0x8a: {  	s1 =	srdreg.scid  }
0x8b: {  	s0 =	sand.u32 $0x1, s1  }
0x8c: {  	s17 =	sshll.u32 s0, $0xA;
	s2 =	sadd.s32 s3, s2  }
0x8d: {  	s2 =	sadd.s32 s2, s17  }
0x8e: {  	[smem:$0x3FB8] =	sst s2  }
0x8f: {  	_ = 	snop  }
0x90: {  	s2 =	sld [smem:$0x3FD0];
	(tm) =	ssettm $0x1  }
0x91: {  	s18 =	sld [smem:$0x3FFB];
	_ =	sdelay $0x3  }
0x92: {  	_ =	strace s18  }
0x93: {  	s3 =	sld [smem:$0x3FFC];
	_ =	sdelay $0x3  }
0x94: {  	_ =	strace s3  }
0x95: {  	s3 =	sld [smem:$0x3FFD];
	_ =	sdelay $0x3  }
0x96: {  	_ =	strace s3  }
0x97: {  	_ =	strace $0x8FFFFFFF  }
0x98: {  	s19 =	sld [smem:$0x3FDB];
	_ =	sdelay $0x1  }
0x99: {  	s4 =	simm.s32 $_scs_section_size  }
0x9a: {  	s5 =	simm.s32 $_size__tile_overlayer_lowered;
	s6 =	simm.s32 $_tile_overlayer_lowered  }
0x9b: {  	s22 =	simm.s32 $0x1BFF;
	s21 =	sshll.u32 s6, $0x1;
	s3 =	sadd.s32 s4, s19  }
0x9c: {  	s7 =	simm.s32 $0x0;
	s20 =	sshll.u32 s5, $0x1;
	s5 =	sadd.s32 s21, s3  }
0x9d: {  	[timem:s7], [sflag:s22] =	dma.local [hbm:s5], s20  }
0x9e: {  	_ =	swait.ge [sflag:s22], s20  }
0x9f: {  	s4 =	ssub.s32 $0x0, s20;
	[sflag:s22] =	ssyncset.done $0x0  }
0xa0: {  	[sflag:s22] =	ssyncadd.s32 s4;
	_ =	sdelay $0x1  }
0xa1: {  	s23 =	simm.s32 $0x1B8B  }
0xa2: {  	_ =	swait.ge [sflag:s23], $0x1  }
0xa3: {  	[sflag:s23] =	ssyncset.done $0x0  }
0xa4: {  	s25 =	simm.s32 $0x1B8E;
	s24 =	sld [smem:$0x3FFE];
	[sflag:s23] =	ssyncadd.s32 $0xFFFFFFFF  }
0xa5: {  	s26 =	simm.s32 $execute0_lowered;
	[smem:$0x3FD2] =	sst s25  }
0xa6: {  	s5 =	sshll.u32 s26, $0x1;
	_ =	strace $0x8000004F;
	[dreg:$0x1] =	wrdreg $0xFFFFFFFF  }
0xa7: {  	s28 =	simm.s32 $_size_execute0_lowered;
	s3 =	sadd.s32 s3, s5;
	[dreg:$0x0] =	wrdreg $0x0  }
0xa8: {  	s5 =	sshll.u32 s28, $0x1;
	[dreg:$0x2] =	wrdreg s3  }
0xa9: {  	[dreg:$0x3] =	wrdreg s5  }
0xaa: {  	[dreg:$0x4] =	wrdreg $0xC0  }
0xab: {  	_ =	task [dreg:s7], $0x5FFFF  }
0xac: {  	[dreg:$0x1] =	wrdreg $0xFFFFFFFF  }
0xad: {  	[dreg:$0x0] =	wrdreg $0x60  }
0xae: {  	[dreg:$0x2] =	wrdreg s24  }
0xaf: {  	[dreg:$0x3] =	wrdreg s2  }
0xb0: {  	[dreg:$0x4] =	wrdreg $0x70000  }
0xb1: {  	[dreg:$0x5] =	wrdreg $0x9  }
0xb2: {  	_ =	task.clear_ibuf [dreg:s7], $0x6FFFF;
	_ =	strace $0x9000004F  }
0xb3: {  	s29 =	simm.s32 $0x9;
	_ =	strace $0x80000051  }
0xb4: {  	_ =	swait.ge [sflag:s29], $0x1  }
0xb5: {  	[sflag:s29] =	ssyncadd.s32 $0xFFFFFFFF  }
0xb6: {  	_ =	strace $0x90000051  }
0xb7: {  	_ =	sfence  }
0xb8: {  	s30 =	sld [smem:$0x0];
	_ =	sdelay $0x2  }
0xb9: {  	s31 =	sshll.u32 s1, $0xD;
	s1 =	sshrl.u32 s1, $0x2  }
0xba: {  	s3 =	sand.u32 $0x4000, s31;
	s1 =	sadd.s32 s1, s30  }
0xbb: {  	s0 =	sor.u32 s3, s0;
	s1 =	sshll.u32 s1, $0x11  }
0xbc: {  	s0 =	sor.u32 s1, s0  }
0xbd: {  	s0 =	sadd.s32 $0x8F2B, s0  }
0xbe: {  	[sflag:s0] =	ssyncadd.remote.s32 $0x1  }
0xbf: {  	_ =	sfence.sel $0xFFFF  }
0xc0: {  	[dreg:$0x0] =	wrdreg $0xFFFFFFFF;
	(pc) =	sbr.abs _section_cstart, $3  }
0xc1: {  	[dreg:$0x1] =	wrdreg $0xFFFFFFFF  }
0xc2: {  	_ =	task.clear_ibuf [dreg:s7], $0x2FFFF;
	_ =	strace $0x9FFFFFFF  }
0xc3: {  	(tm) =	ssettm $0x7FFFFFFF  }
tec
execute0_lowered:
.L_overlay_start_1:
0x0: {  	(tag) =	ssettag $0x1  }
0x1: {  	s6 =	rddreg [dreg:$0x0]  }
0x2: {  	s1 =	rddreg [dreg:$0x1]  }
0x3: {  	s2 =	rddreg [dreg:$0x2];
	s3 =	srdreg.scid  }
0x4: {  	s4 =	simm.s32 $0x0;
	s18 =	simm.s32 $0x5;
	s19 =	simm.s32 $0x1000  }
0x5: {  	s20 =	simm.s32 $0x50;
	s21 =	simm.s32 $0x2000;
	s22 =	simm.s32 $0x80  }
0x6: {  	s23 =	simm.s32 $0x4800;
	s24 =	simm.s32 $0x1;
	s28 =	simm.s32 $0x1F80  }
0x7: {  	s29 =	simm.s32 $0x0;
	s7 =	sand.u32 $0x1, s3;
	s3 =	stileid.u32  }
0x8: {  	[smem:$0x7FF] =	sst s4;
	s5 =	sadd.s32 $0x4400, s6;
	s8 =	smul.u32 $0x13C000, s7  }
0x9: {  	s9 =	smul.u32 $0x13C00, s3;
	_ =	strace $0x80000050;
	s10 =	sshll.u32 s7, $0xF  }
0xa: {  	s11 =	sshll.u32 s3, $0xB;
	s7 =	ssub.s32 $0x2, s7;
	s25 =	smul.u32 $0x4F000, s3  }
0xb: {  	s31 =	sshll.u32 s3, $0x6;
	s10 =	sor.u32 s11, s10;
	s26 =	sshrl.u32 s7, $0x1  }
0xc: {  	s8 =	sadd.s32 s9, s8;
	s14 =	sadd.s32 s10, s6;
	s16 =	ssub.s32 s7, s26  }
0xd: {  	s30 =	sshrl.u32 s25, $0x2;
	s25 =	simm.s32 $0x2;
	s26 =	simm.s32 $0x1F00  }
0xe: {  	s8 =	sshrl.u32 s8, $0x3;
	s17 =	sadd.s32 s30, s2;
	s7 =	sadd.s32 $0x2C000, s14  }
0xf: {  	s9 =	sadd.s32 $0x2C200, s14;
	s10 =	sadd.s32 $0x3C200, s14;
	s11 =	sadd.s32 $0x2C400, s14  }
0x10: {  	s12 =	sadd.s32 $0x3C400, s14;
	s13 =	sadd.s32 $0x2C600, s14;
	s16 =	smax.u32 s16, $0x1  }
0x11: {  	s15 =	sadd.s32 s8, s6;
	s6 =	sor.u32 $0x1C05, s31;
	s8 =	sadd.s32 $0x3C000, s14  }
0x12: {  	s14 =	sadd.s32 $0x3C600, s14;
	s17 =	sshrl.u32 s17, $0x3;
	s15 =	sadd.s32 $0x4C000, s15  }
.LBB2_1:
0x13: {  	[spmem:s17], [sflag:s6] =	dma.local [hbm:s1], $0x2780  }
0x14: {  	_ =	swait.ge [sflag:s18], $0x2780  }
0x15: {  	[sflag:s18] =	ssyncset.done $0x0  }
0x16: {  	[sflag:s18] =	ssyncadd.s32 $0xFFFFD880  }
0x17: {  	[bflag:$0x0] =	sbarrier.arrive $0xFFFF  }
0x18: {  	[tilespmem:s4], [sflag:$0x5] =	stream.linear.gather [hbm4b:s7+s4], $0x1000, $0x38;
	[tilespmem:$0x1AC00] =	vst v63  }
0x19: {  	_ =	swait.ge [sflag:s18], $0x1000  }
0x1a: {  	[sflag:s18] =	ssyncset.done $0x0  }
0x1b: {  	[sflag:s18] =	ssyncadd.s32 $0xFFFFF000  }
0x1c: {  	[tilespmem:s19], [sflag:$0x5] =	stream.linear.gather [hbm4b:s8+s4], $0x1000, $0x38;
	[tilespmem:$0x1AC00] =	vst v63  }
0x1d: {  	_ =	swait.ge [sflag:s18], $0x1000  }
0x1e: {  	[sflag:s18] =	ssyncset.done $0x0  }
0x1f: {  	[sflag:s18] =	ssyncadd.s32 $0xFFFFF000  }
0x20: {  	[tilespmem:s21], [sflag:$0x1] =	stream.indirect.gather [hbm4b:s5+s20], $0x80, s4, s20, $0xb8;
	[tilespmem:$0x1AC00] =	vst v63  }
0x21: {  	_ = 	snop  }
0x22: {  	[tilespmem:s23], [sflag:$0x2] =	stream.indirect.gather [hbm4b:s5+s20], $0x80, s22, s20, $0xb8;
	[tilespmem:$0x1AC00] =	vst v63  }
0x23: {  	_ =	swait.ge [sflag:s24], $0x2800  }
0x24: {  	[sflag:s24] =	ssyncset.done $0x0  }
0x25: {  	s30 =	simm.s32 $0x1000;
	[sflag:s24] =	ssyncadd.s32 $0xFFFFD800  }
0x26: {  	[spmem:s2] =	stream.indirect.scatter.add.f32 [tilespmem:s21], [sflag:$0x5], $0x80, s30, s20, $0xb8;
	[tilespmem:$0x1AC00] =	vst v63  }
0x27: {  	_ =	swait.ge [sflag:s18], $0x2800  }
0x28: {  	[sflag:s18] =	ssyncset.done $0x0  }
0x29: {  	s30 =	simm.s32 $0x100;
	[sflag:s18] =	ssyncadd.s32 $0xFFFFD800  }
0x2a: {  	[tilespmem:s21], [sflag:$0x1] =	stream.indirect.gather [hbm4b:s5+s20], $0x80, s30, s20, $0xb8;
	[tilespmem:$0x1AC00] =	vst v63  }
0x2b: {  	_ =	swait.ge [sflag:s25], $0x2800  }
0x2c: {  	[sflag:s25] =	ssyncset.done $0x0  }
0x2d: {  	s30 =	simm.s32 $0x1080;
	[sflag:s25] =	ssyncadd.s32 $0xFFFFD800  }
0x2e: {  	[spmem:s2] =	stream.indirect.scatter.add.f32 [tilespmem:s23], [sflag:$0x5], $0x80, s30, s20, $0xb8;
	[tilespmem:$0x1AC00] =	vst v63  }
0x2f: {  	_ =	swait.ge [sflag:s18], $0x2800  }
0x30: {  	[sflag:s18] =	ssyncset.done $0x0  }
0x31: {  	s31 =	simm.s32 $0x180;
	s30 =	simm.s32 $0x400;
	[sflag:s18] =	ssyncadd.s32 $0xFFFFD800  }
.LBB2_2:
0x32: {  	[tilespmem:s23], [sflag:$0x2] =	stream.indirect.gather [hbm4b:s5+s20], $0x80, s31, s20, $0xb8;
	[tilespmem:$0x1AC00] =	vst v63  }
0x33: {  	s31 =	smov.u32 s30  }
0x34: {  	p0 =	sne.s32 s30, $0x3800;
	s30 =	sadd.s32 $0x400, s30;
	_ =	swait.ge [sflag:s24], $0x2800  }
0x35: {  	s31 =	sshra.s32 s31, $0x2;
	[sflag:s24] =	ssyncset.done $0x0  }
0x36: {  	s0 =	sadd.s32 $0x1000, s31;
	[sflag:s24] =	ssyncadd.s32 $0xFFFFD800  }
0x37: {  	[spmem:s2] =	stream.indirect.scatter.add.f32 [tilespmem:s21], [sflag:$0x5], $0x80, s0, s20, $0xb8;
	[tilespmem:$0x1AC00] =	vst v63  }
0x38: {  	_ =	swait.ge [sflag:s18], $0x2800  }
0x39: {  	[sflag:s18] =	ssyncset.done $0x0  }
0x3a: {  	s0 =	sadd.s32 $0x100, s31;
	[sflag:s18] =	ssyncadd.s32 $0xFFFFD800  }
0x3b: {  	[tilespmem:s21], [sflag:$0x1] =	stream.indirect.gather [hbm4b:s5+s20], $0x80, s0, s20, $0xb8;
	[tilespmem:$0x1AC00] =	vst v63  }
0x3c: {  	_ =	swait.ge [sflag:s25], $0x2800  }
0x3d: {  	[sflag:s25] =	ssyncset.done $0x0  }
.Ltmp0:
0x3e: {  	s0 =	sadd.s32 $0x1080, s31;
	[sflag:s25] =	ssyncadd.s32 $0xFFFFD800;
	(pc) =	sbr.rel @p0 .LBB2_2-.Ltmp0, $4  }
0x3f: {  	[spmem:s2] =	stream.indirect.scatter.add.f32 [tilespmem:s23], [sflag:$0x5], $0x80, s0, s20, $0xb8;
	[tilespmem:$0x1AC00] =	vst v63  }
0x40: {  	_ =	swait.ge [sflag:s18], $0x2800  }
0x41: {  	[sflag:s18] =	ssyncset.done $0x0  }
0x42: {  	s31 =	sadd.s32 $0x180, s31;
	[sflag:s18] =	ssyncadd.s32 $0xFFFFD800  }
0x43: {  	[tilespmem:s23], [sflag:$0x2] =	stream.indirect.gather [hbm4b:s5+s20], $0x80, s31, s20, $0xb8;
	[tilespmem:$0x1AC00] =	vst v63  }
0x44: {  	_ =	swait.ge [sflag:s24], $0x2800  }
0x45: {  	[sflag:s24] =	ssyncset.done $0x0  }
0x46: {  	[sflag:s24] =	ssyncadd.s32 $0xFFFFD800  }
0x47: {  	[spmem:s2] =	stream.indirect.scatter.add.f32 [tilespmem:s21], [sflag:$0x5], $0x80, s26, s20, $0xb8;
	[tilespmem:$0x1AC00] =	vst v63  }
0x48: {  	_ =	swait.ge [sflag:s18], $0x2800  }
0x49: {  	[sflag:s18] =	ssyncset.done $0x0  }
0x4a: {  	[sflag:s18] =	ssyncadd.s32 $0xFFFFD800  }
0x4b: {  	_ =	swait.ge [sflag:s25], $0x2800  }
0x4c: {  	[sflag:s25] =	ssyncset.done $0x0  }
0x4d: {  	[sflag:s25] =	ssyncadd.s32 $0xFFFFD800  }
0x4e: {  	[spmem:s2] =	stream.indirect.scatter.add.f32 [tilespmem:s23], [sflag:$0x5], $0x80, s28, s20, $0xb8;
	[tilespmem:$0x1AC00] =	vst v63  }
0x4f: {  	_ =	swait.ge [sflag:s18], $0x2800  }
0x50: {  	[sflag:s18] =	ssyncset.done $0x0  }
0x51: {  	s0 =	simm.s32 $0x0;
	[sflag:s18] =	ssyncadd.s32 $0xFFFFD800  }
0x52: {  	[tilespmem:s0], [sflag:$0x5] =	stream.linear.gather [hbm4b:s9+s0], $0x1000, $0x38;
	[tilespmem:$0x1AC00] =	vst v63  }
0x53: {  	_ =	swait.ge [sflag:s18], $0x1000  }
0x54: {  	[sflag:s18] =	ssyncset.done $0x0  }
0x55: {  	[sflag:s18] =	ssyncadd.s32 $0xFFFFF000  }
0x56: {  	[tilespmem:s19], [sflag:$0x5] =	stream.linear.gather [hbm4b:s10+s0], $0x1000, $0x38;
	[tilespmem:$0x1AC00] =	vst v63  }
0x57: {  	_ =	swait.ge [sflag:s18], $0x1000  }
0x58: {  	[sflag:s18] =	ssyncset.done $0x0  }
0x59: {  	[sflag:s18] =	ssyncadd.s32 $0xFFFFF000  }
0x5a: {  	[tilespmem:s21], [sflag:$0x1] =	stream.indirect.gather [hbm4b:s5+s20], $0x80, s0, s20, $0xb8;
	[tilespmem:$0x1AC00] =	vst v63  }
0x5b: {  	_ = 	snop  }
0x5c: {  	[tilespmem:s23], [sflag:$0x2] =	stream.indirect.gather [hbm4b:s5+s20], $0x80, s22, s20, $0xb8;
	[tilespmem:$0x1AC00] =	vst v63  }
0x5d: {  	_ =	swait.ge [sflag:s24], $0x2800  }
0x5e: {  	[sflag:s24] =	ssyncset.done $0x0  }
0x5f: {  	s0 =	simm.s32 $0x1000;
	[sflag:s24] =	ssyncadd.s32 $0xFFFFD800  }
0x60: {  	[spmem:s2] =	stream.indirect.scatter.add.f32 [tilespmem:s21], [sflag:$0x5], $0x80, s0, s20, $0xb8;
	[tilespmem:$0x1AC00] =	vst v63  }
0x61: {  	_ =	swait.ge [sflag:s18], $0x2800  }
0x62: {  	[sflag:s18] =	ssyncset.done $0x0  }
0x63: {  	s0 =	simm.s32 $0x100;
	[sflag:s18] =	ssyncadd.s32 $0xFFFFD800  }
0x64: {  	[tilespmem:s21], [sflag:$0x1] =	stream.indirect.gather [hbm4b:s5+s20], $0x80, s0, s20, $0xb8;
	[tilespmem:$0x1AC00] =	vst v63  }
0x65: {  	_ =	swait.ge [sflag:s25], $0x2800  }
0x66: {  	[sflag:s25] =	ssyncset.done $0x0  }
0x67: {  	s0 =	simm.s32 $0x1080;
	[sflag:s25] =	ssyncadd.s32 $0xFFFFD800  }
0x68: {  	[spmem:s2] =	stream.indirect.scatter.add.f32 [tilespmem:s23], [sflag:$0x5], $0x80, s0, s20, $0xb8;
	[tilespmem:$0x1AC00] =	vst v63  }
0x69: {  	_ =	swait.ge [sflag:s18], $0x2800  }
0x6a: {  	[sflag:s18] =	ssyncset.done $0x0  }
0x6b: {  	s30 =	simm.s32 $0x400;
	s31 =	simm.s32 $0x180;
	[sflag:s18] =	ssyncadd.s32 $0xFFFFD800  }
.LBB2_4:
0x6c: {  	[tilespmem:s23], [sflag:$0x2] =	stream.indirect.gather [hbm4b:s5+s20], $0x80, s31, s20, $0xb8;
	[tilespmem:$0x1AC00] =	vst v63  }
0x6d: {  	s0 =	smov.u32 s30  }
0x6e: {  	p0 =	sne.s32 s30, $0x3800;
	s30 =	sadd.s32 $0x400, s30;
	_ =	swait.ge [sflag:s24], $0x2800  }
0x6f: {  	s0 =	sshra.s32 s0, $0x2;
	[sflag:s24] =	ssyncset.done $0x0  }
0x70: {  	s31 =	sadd.s32 $0x1000, s0;
	[sflag:s24] =	ssyncadd.s32 $0xFFFFD800  }
0x71: {  	[spmem:s2] =	stream.indirect.scatter.add.f32 [tilespmem:s21], [sflag:$0x5], $0x80, s31, s20, $0xb8;
	[tilespmem:$0x1AC00] =	vst v63  }
0x72: {  	_ =	swait.ge [sflag:s18], $0x2800  }
0x73: {  	[sflag:s18] =	ssyncset.done $0x0  }
0x74: {  	s31 =	sadd.s32 $0x100, s0;
	[sflag:s18] =	ssyncadd.s32 $0xFFFFD800  }
0x75: {  	[tilespmem:s21], [sflag:$0x1] =	stream.indirect.gather [hbm4b:s5+s20], $0x80, s31, s20, $0xb8;
	[tilespmem:$0x1AC00] =	vst v63  }
0x76: {  	_ =	swait.ge [sflag:s25], $0x2800  }
0x77: {  	[sflag:s25] =	ssyncset.done $0x0  }
.Ltmp1:
0x78: {  	s31 =	sadd.s32 $0x1080, s0;
	[sflag:s25] =	ssyncadd.s32 $0xFFFFD800;
	(pc) =	sbr.rel @p0 .LBB2_4-.Ltmp1, $4  }
0x79: {  	[spmem:s2] =	stream.indirect.scatter.add.f32 [tilespmem:s23], [sflag:$0x5], $0x80, s31, s20, $0xb8;
	[tilespmem:$0x1AC00] =	vst v63  }
0x7a: {  	_ =	swait.ge [sflag:s18], $0x2800  }
0x7b: {  	[sflag:s18] =	ssyncset.done $0x0  }
0x7c: {  	s31 =	sadd.s32 $0x180, s0;
	[sflag:s18] =	ssyncadd.s32 $0xFFFFD800  }
0x7d: {  	[tilespmem:s23], [sflag:$0x2] =	stream.indirect.gather [hbm4b:s5+s20], $0x80, s31, s20, $0xb8;
	[tilespmem:$0x1AC00] =	vst v63  }
0x7e: {  	_ =	swait.ge [sflag:s24], $0x2800  }
0x7f: {  	[sflag:s24] =	ssyncset.done $0x0  }
0x80: {  	[sflag:s24] =	ssyncadd.s32 $0xFFFFD800  }
0x81: {  	[spmem:s2] =	stream.indirect.scatter.add.f32 [tilespmem:s21], [sflag:$0x5], $0x80, s26, s20, $0xb8;
	[tilespmem:$0x1AC00] =	vst v63  }
0x82: {  	_ =	swait.ge [sflag:s18], $0x2800  }
0x83: {  	[sflag:s18] =	ssyncset.done $0x0  }
0x84: {  	[sflag:s18] =	ssyncadd.s32 $0xFFFFD800  }
0x85: {  	_ =	swait.ge [sflag:s25], $0x2800  }
0x86: {  	[sflag:s25] =	ssyncset.done $0x0  }
0x87: {  	[sflag:s25] =	ssyncadd.s32 $0xFFFFD800  }
0x88: {  	[spmem:s2] =	stream.indirect.scatter.add.f32 [tilespmem:s23], [sflag:$0x5], $0x80, s28, s20, $0xb8;
	[tilespmem:$0x1AC00] =	vst v63  }
0x89: {  	_ =	swait.ge [sflag:s18], $0x2800  }
0x8a: {  	[sflag:s18] =	ssyncset.done $0x0  }
0x8b: {  	s0 =	simm.s32 $0x0;
	[sflag:s18] =	ssyncadd.s32 $0xFFFFD800  }
0x8c: {  	[tilespmem:s0], [sflag:$0x5] =	stream.linear.gather [hbm4b:s11+s0], $0x1000, $0x38;
	[tilespmem:$0x1AC00] =	vst v63  }
0x8d: {  	_ =	swait.ge [sflag:s18], $0x1000  }
0x8e: {  	[sflag:s18] =	ssyncset.done $0x0  }
0x8f: {  	[sflag:s18] =	ssyncadd.s32 $0xFFFFF000  }
0x90: {  	[tilespmem:s19], [sflag:$0x5] =	stream.linear.gather [hbm4b:s12+s0], $0x1000, $0x38;
	[tilespmem:$0x1AC00] =	vst v63  }
0x91: {  	_ =	swait.ge [sflag:s18], $0x1000  }
0x92: {  	[sflag:s18] =	ssyncset.done $0x0  }
0x93: {  	[sflag:s18] =	ssyncadd.s32 $0xFFFFF000  }
0x94: {  	[tilespmem:s21], [sflag:$0x1] =	stream.indirect.gather [hbm4b:s5+s20], $0x80, s0, s20, $0xb8;
	[tilespmem:$0x1AC00] =	vst v63  }
0x95: {  	_ = 	snop  }
0x96: {  	[tilespmem:s23], [sflag:$0x2] =	stream.indirect.gather [hbm4b:s5+s20], $0x80, s22, s20, $0xb8;
	[tilespmem:$0x1AC00] =	vst v63  }
0x97: {  	_ =	swait.ge [sflag:s24], $0x2800  }
0x98: {  	[sflag:s24] =	ssyncset.done $0x0  }
0x99: {  	s0 =	simm.s32 $0x1000;
	[sflag:s24] =	ssyncadd.s32 $0xFFFFD800  }
0x9a: {  	[spmem:s2] =	stream.indirect.scatter.add.f32 [tilespmem:s21], [sflag:$0x5], $0x80, s0, s20, $0xb8;
	[tilespmem:$0x1AC00] =	vst v63  }
0x9b: {  	_ =	swait.ge [sflag:s18], $0x2800  }
0x9c: {  	[sflag:s18] =	ssyncset.done $0x0  }
0x9d: {  	s0 =	simm.s32 $0x100;
	[sflag:s18] =	ssyncadd.s32 $0xFFFFD800  }
0x9e: {  	[tilespmem:s21], [sflag:$0x1] =	stream.indirect.gather [hbm4b:s5+s20], $0x80, s0, s20, $0xb8;
	[tilespmem:$0x1AC00] =	vst v63  }
0x9f: {  	_ =	swait.ge [sflag:s25], $0x2800  }
0xa0: {  	[sflag:s25] =	ssyncset.done $0x0  }
0xa1: {  	s0 =	simm.s32 $0x1080;
	[sflag:s25] =	ssyncadd.s32 $0xFFFFD800  }
0xa2: {  	[spmem:s2] =	stream.indirect.scatter.add.f32 [tilespmem:s23], [sflag:$0x5], $0x80, s0, s20, $0xb8;
	[tilespmem:$0x1AC00] =	vst v63  }
0xa3: {  	_ =	swait.ge [sflag:s18], $0x2800  }
0xa4: {  	[sflag:s18] =	ssyncset.done $0x0  }
0xa5: {  	s30 =	simm.s32 $0x400;
	s31 =	simm.s32 $0x180;
	[sflag:s18] =	ssyncadd.s32 $0xFFFFD800  }
.LBB2_6:
0xa6: {  	[tilespmem:s23], [sflag:$0x2] =	stream.indirect.gather [hbm4b:s5+s20], $0x80, s31, s20, $0xb8;
	[tilespmem:$0x1AC00] =	vst v63  }
0xa7: {  	s0 =	smov.u32 s30  }
0xa8: {  	p0 =	sne.s32 s30, $0x3800;
	s30 =	sadd.s32 $0x400, s30;
	_ =	swait.ge [sflag:s24], $0x2800  }
0xa9: {  	s0 =	sshra.s32 s0, $0x2;
	[sflag:s24] =	ssyncset.done $0x0  }
0xaa: {  	s31 =	sadd.s32 $0x1000, s0;
	[sflag:s24] =	ssyncadd.s32 $0xFFFFD800  }
0xab: {  	[spmem:s2] =	stream.indirect.scatter.add.f32 [tilespmem:s21], [sflag:$0x5], $0x80, s31, s20, $0xb8;
	[tilespmem:$0x1AC00] =	vst v63  }
0xac: {  	_ =	swait.ge [sflag:s18], $0x2800  }
0xad: {  	[sflag:s18] =	ssyncset.done $0x0  }
0xae: {  	s31 =	sadd.s32 $0x100, s0;
	[sflag:s18] =	ssyncadd.s32 $0xFFFFD800  }
0xaf: {  	[tilespmem:s21], [sflag:$0x1] =	stream.indirect.gather [hbm4b:s5+s20], $0x80, s31, s20, $0xb8;
	[tilespmem:$0x1AC00] =	vst v63  }
0xb0: {  	_ =	swait.ge [sflag:s25], $0x2800  }
0xb1: {  	[sflag:s25] =	ssyncset.done $0x0  }
.Ltmp2:
0xb2: {  	s31 =	sadd.s32 $0x1080, s0;
	[sflag:s25] =	ssyncadd.s32 $0xFFFFD800;
	(pc) =	sbr.rel @p0 .LBB2_6-.Ltmp2, $4  }
0xb3: {  	[spmem:s2] =	stream.indirect.scatter.add.f32 [tilespmem:s23], [sflag:$0x5], $0x80, s31, s20, $0xb8;
	[tilespmem:$0x1AC00] =	vst v63  }
0xb4: {  	_ =	swait.ge [sflag:s18], $0x2800  }
0xb5: {  	[sflag:s18] =	ssyncset.done $0x0  }
0xb6: {  	s31 =	sadd.s32 $0x180, s0;
	[sflag:s18] =	ssyncadd.s32 $0xFFFFD800  }
0xb7: {  	[tilespmem:s23], [sflag:$0x2] =	stream.indirect.gather [hbm4b:s5+s20], $0x80, s31, s20, $0xb8;
	[tilespmem:$0x1AC00] =	vst v63  }
0xb8: {  	_ =	swait.ge [sflag:s24], $0x2800  }
0xb9: {  	[sflag:s24] =	ssyncset.done $0x0  }
0xba: {  	[sflag:s24] =	ssyncadd.s32 $0xFFFFD800  }
0xbb: {  	[spmem:s2] =	stream.indirect.scatter.add.f32 [tilespmem:s21], [sflag:$0x5], $0x80, s26, s20, $0xb8;
	[tilespmem:$0x1AC00] =	vst v63  }
0xbc: {  	_ =	swait.ge [sflag:s18], $0x2800  }
0xbd: {  	[sflag:s18] =	ssyncset.done $0x0  }
0xbe: {  	[sflag:s18] =	ssyncadd.s32 $0xFFFFD800  }
0xbf: {  	_ =	swait.ge [sflag:s25], $0x2800  }
0xc0: {  	[sflag:s25] =	ssyncset.done $0x0  }
0xc1: {  	[sflag:s25] =	ssyncadd.s32 $0xFFFFD800  }
0xc2: {  	[spmem:s2] =	stream.indirect.scatter.add.f32 [tilespmem:s23], [sflag:$0x5], $0x80, s28, s20, $0xb8;
	[tilespmem:$0x1AC00] =	vst v63  }
0xc3: {  	_ =	swait.ge [sflag:s18], $0x2800  }
0xc4: {  	[sflag:s18] =	ssyncset.done $0x0  }
0xc5: {  	s0 =	simm.s32 $0x0;
	[sflag:s18] =	ssyncadd.s32 $0xFFFFD800  }
0xc6: {  	[tilespmem:s0], [sflag:$0x5] =	stream.linear.gather [hbm4b:s13+s0], $0x1000, $0x38;
	[tilespmem:$0x1AC00] =	vst v63  }
0xc7: {  	_ =	swait.ge [sflag:s18], $0x1000  }
0xc8: {  	[sflag:s18] =	ssyncset.done $0x0  }
0xc9: {  	[sflag:s18] =	ssyncadd.s32 $0xFFFFF000  }
0xca: {  	[tilespmem:s19], [sflag:$0x5] =	stream.linear.gather [hbm4b:s14+s0], $0x1000, $0x38;
	[tilespmem:$0x1AC00] =	vst v63  }
0xcb: {  	_ =	swait.ge [sflag:s18], $0x1000  }
0xcc: {  	[sflag:s18] =	ssyncset.done $0x0  }
0xcd: {  	[sflag:s18] =	ssyncadd.s32 $0xFFFFF000  }
0xce: {  	[tilespmem:s21], [sflag:$0x1] =	stream.indirect.gather [hbm4b:s5+s20], $0x80, s0, s20, $0xb8;
	[tilespmem:$0x1AC00] =	vst v63  }
0xcf: {  	_ = 	snop  }
0xd0: {  	[tilespmem:s23], [sflag:$0x2] =	stream.indirect.gather [hbm4b:s5+s20], $0x80, s22, s20, $0xb8;
	[tilespmem:$0x1AC00] =	vst v63  }
0xd1: {  	_ =	swait.ge [sflag:s24], $0x2800  }
0xd2: {  	[sflag:s24] =	ssyncset.done $0x0  }
0xd3: {  	s0 =	simm.s32 $0x1000;
	[sflag:s24] =	ssyncadd.s32 $0xFFFFD800  }
0xd4: {  	[spmem:s2] =	stream.indirect.scatter.add.f32 [tilespmem:s21], [sflag:$0x5], $0x80, s0, s20, $0xb8;
	[tilespmem:$0x1AC00] =	vst v63  }
0xd5: {  	_ =	swait.ge [sflag:s18], $0x2800  }
0xd6: {  	[sflag:s18] =	ssyncset.done $0x0  }
0xd7: {  	s0 =	simm.s32 $0x100;
	[sflag:s18] =	ssyncadd.s32 $0xFFFFD800  }
0xd8: {  	[tilespmem:s21], [sflag:$0x1] =	stream.indirect.gather [hbm4b:s5+s20], $0x80, s0, s20, $0xb8;
	[tilespmem:$0x1AC00] =	vst v63  }
0xd9: {  	_ =	swait.ge [sflag:s25], $0x2800  }
0xda: {  	[sflag:s25] =	ssyncset.done $0x0  }
0xdb: {  	s0 =	simm.s32 $0x1080;
	[sflag:s25] =	ssyncadd.s32 $0xFFFFD800  }
0xdc: {  	[spmem:s2] =	stream.indirect.scatter.add.f32 [tilespmem:s23], [sflag:$0x5], $0x80, s0, s20, $0xb8;
	[tilespmem:$0x1AC00] =	vst v63  }
0xdd: {  	_ =	swait.ge [sflag:s18], $0x2800  }
0xde: {  	[sflag:s18] =	ssyncset.done $0x0  }
0xdf: {  	s30 =	simm.s32 $0x400;
	s31 =	simm.s32 $0x180;
	[sflag:s18] =	ssyncadd.s32 $0xFFFFD800  }
.LBB2_8:
0xe0: {  	[tilespmem:s23], [sflag:$0x2] =	stream.indirect.gather [hbm4b:s5+s20], $0x80, s31, s20, $0xb8;
	[tilespmem:$0x1AC00] =	vst v63  }
0xe1: {  	s0 =	smov.u32 s30  }
0xe2: {  	p0 =	sne.s32 s30, $0x3800;
	s30 =	sadd.s32 $0x400, s30;
	_ =	swait.ge [sflag:s24], $0x2800  }
0xe3: {  	s0 =	sshra.s32 s0, $0x2;
	[sflag:s24] =	ssyncset.done $0x0  }
0xe4: {  	s31 =	sadd.s32 $0x1000, s0;
	[sflag:s24] =	ssyncadd.s32 $0xFFFFD800  }
0xe5: {  	[spmem:s2] =	stream.indirect.scatter.add.f32 [tilespmem:s21], [sflag:$0x5], $0x80, s31, s20, $0xb8;
	[tilespmem:$0x1AC00] =	vst v63  }
0xe6: {  	_ =	swait.ge [sflag:s18], $0x2800  }
0xe7: {  	[sflag:s18] =	ssyncset.done $0x0  }
0xe8: {  	s31 =	sadd.s32 $0x100, s0;
	[sflag:s18] =	ssyncadd.s32 $0xFFFFD800  }
0xe9: {  	[tilespmem:s21], [sflag:$0x1] =	stream.indirect.gather [hbm4b:s5+s20], $0x80, s31, s20, $0xb8;
	[tilespmem:$0x1AC00] =	vst v63  }
0xea: {  	_ =	swait.ge [sflag:s25], $0x2800  }
0xeb: {  	[sflag:s25] =	ssyncset.done $0x0  }
.Ltmp3:
0xec: {  	s31 =	sadd.s32 $0x1080, s0;
	[sflag:s25] =	ssyncadd.s32 $0xFFFFD800;
	(pc) =	sbr.rel @p0 .LBB2_8-.Ltmp3, $4  }
0xed: {  	[spmem:s2] =	stream.indirect.scatter.add.f32 [tilespmem:s23], [sflag:$0x5], $0x80, s31, s20, $0xb8;
	[tilespmem:$0x1AC00] =	vst v63  }
0xee: {  	_ =	swait.ge [sflag:s18], $0x2800  }
0xef: {  	[sflag:s18] =	ssyncset.done $0x0  }
0xf0: {  	s31 =	sadd.s32 $0x180, s0;
	[sflag:s18] =	ssyncadd.s32 $0xFFFFD800  }
0xf1: {  	[tilespmem:s23], [sflag:$0x2] =	stream.indirect.gather [hbm4b:s5+s20], $0x80, s31, s20, $0xb8;
	[tilespmem:$0x1AC00] =	vst v63  }
0xf2: {  	_ =	swait.ge [sflag:s24], $0x2800  }
0xf3: {  	[sflag:s24] =	ssyncset.done $0x0  }
0xf4: {  	[sflag:s24] =	ssyncadd.s32 $0xFFFFD800  }
0xf5: {  	[spmem:s2] =	stream.indirect.scatter.add.f32 [tilespmem:s21], [sflag:$0x5], $0x80, s26, s20, $0xb8;
	[tilespmem:$0x1AC00] =	vst v63  }
0xf6: {  	_ =	swait.ge [sflag:s18], $0x2800  }
0xf7: {  	[sflag:s18] =	ssyncset.done $0x0  }
0xf8: {  	[sflag:s18] =	ssyncadd.s32 $0xFFFFD800  }
0xf9: {  	_ =	swait.ge [sflag:s25], $0x2800  }
0xfa: {  	[sflag:s25] =	ssyncset.done $0x0  }
0xfb: {  	[sflag:s25] =	ssyncadd.s32 $0xFFFFD800  }
0xfc: {  	[spmem:s2] =	stream.indirect.scatter.add.f32 [tilespmem:s23], [sflag:$0x5], $0x80, s28, s20, $0xb8;
	[tilespmem:$0x1AC00] =	vst v63  }
0xfd: {  	_ =	swait.ge [sflag:s18], $0x2800  }
0xfe: {  	s29 =	sadd.s32 $0x1, s29;
	[sflag:s18] =	ssyncset.done $0x0  }
0xff: {  	p0 =	sne.s32 s29, s16;
	[sflag:s18] =	ssyncadd.s32 $0xFFFFD800  }
.Ltmp4:
0x100: {  	[bflag:$0x0] =	sbarrier.arrive $0xFFFF;
	(pc) =	sbr.rel @p0 .LBB2_1-.Ltmp4, $4  }
0x101: {  	[hbm:s15], [sflag:s6] =	dma.local [spmem:s17], $0x2780  }
0x102: {  	_ =	swait.ge [sflag:s18], $0x2780  }
0x103: {  	[sflag:s18] =	ssyncset.done $0x0  }
0x104: {  	[sflag:s18] =	ssyncadd.s32 $0xFFFFD880  }
0x105: {  	_ =	sfence.sel $0x180000  }
0x106: {  	[bflag:$0x0] =	sbarrier.arrive $0xFFFF  }
0x107: {  	_ =	strace $0x90000050  }
0x108: {  	[bflag:$0x2] =	sbarrier.arrive $0xFFFF  }
0x109: {  	p0 =	sne.s32 s3, $0x0;
	s0 =	rddreg [dreg:$0x3]  }
0x10a: {  	s0 =	sadd.s32 @!p0 $0x100000, s0  }
0x10b: {  	[sflag:s0] =	ssyncadd.tile.s32 @!p0 $0x1;
	_ =	shalt  }
.Lfunc_end2:
_tile_overlayer_lowered:
.L_overlay_start_2:
0x10c: {  	(tag) =	ssettag $0x2  }
0x10d: {  	s0 =	rddreg [dreg:$0x0];
	s2 =	stileid.u32  }
0x10e: {  	s1 =	rddreg [dreg:$0x1];
	p0 =	sne.s32 s2, $0x0  }
0x10f: {  	s3 =	rddreg [dreg:$0x2];
	[bflag:$0x3] =	sbarrier.arrive $0xFFFF;
	s2 =	simm.s32 @!p0 $0x1C05  }
0x110: {  	[timem:s3], [sflag:s2] =	dma.local @!p0 [hbm:s0], s1  }
0x111: {  	s0 =	simm.s32 @!p0 $0x5  }
0x112: {  	_ =	swait.ge @!p0 [sflag:s0], s1  }
0x113: {  	s1 =	ssub.s32 @!p0 $0x0, s1;
	[sflag:s0] =	ssyncset.done @!p0 $0x0  }
0x114: {  	[sflag:s0] =	ssyncadd.s32 @!p0 s1  }
0x115: {  	[bflag:$0x3] =	sbarrier.arrive $0xFFFF  }
0x116: {  	_ =	shalt  }

// kernel: kernel.24.cloned.1.call-start
scs
__scs_entry_jumppad:
0x0: {  	(pc) =	sbr.rel $0x88, $3  }
0x1: {  	(tag) =	ssettag $0x0;
	lr =	simm.s32 $0x1  }
0x2: {  	[smem:$0x3F91] =	sst lr;
	_ =	strace $0xD0000000  }
0x3: {  	_ = 	snop  }
0x4: {  	_ = 	snop  }
0x5: {  	_ = 	snop  }
0x6: {  	_ = 	snop  }
0x7: {  	_ = 	snop  }
__scs_overlays_trampoline_lowered:
0x8: {  	[smem:$0x3FA0] =	sst s0  }
0x9: {  	[smem:$0x3FA1] =	sst s1  }
0xa: {  	[smem:$0x3FA2] =	sst s2  }
0xb: {  	[smem:$0x3FA3] =	sst s3  }
0xc: {  	[smem:$0x3FA4] =	sst s4  }
0xd: {  	[smem:$0x3FA5] =	sst s5  }
0xe: {  	[smem:$0x3FA6] =	sst s6  }
0xf: {  	[smem:$0x3FA7] =	sst s7  }
0x10: {  	[smem:$0x3FA8] =	sst s8  }
0x11: {  	[smem:$0x3FA9] =	sst s9;
	s0 =	simm.s32 @!p0 $0x0  }
0x12: {  	s1 =	sld [smem:$0x3F8F];
	s0 =	simm.s32 @p0 $0x1  }
0x13: {  	[smem:$0x3FAA] =	sst s0;
	s0 =	simm.s32 @!p1 $0x0  }
0x14: {  	s2 =	sld [smem:$0x3F8E];
	s0 =	simm.s32 @p1 $0x1  }
0x15: {  	[smem:$0x3FAB] =	sst s0;
	s0 =	simm.s32 @!p2 $0x0  }
0x16: {  	s3 =	sld [smem:$0x3FDB];
	s0 =	simm.s32 @p2 $0x1  }
0x17: {  	s4 =	simm.s32 $0x1BF5;
	[smem:$0x3FAD] =	sst s0  }
0x18: {  	s0 =	sld [smem:$0x3F90];
	_ =	swait.ge [sflag:s4], $0x0  }
0x19: {  	s7 =	sld [smem:$0x3F91]  }
0x1a: {  	s8 =	sadd.s32 $0xFFFFE003, lr  }
0x1b: {  	s9 =	sadd.s32 $0xFFFFFEF7, lr;
	s5 =	simm.s32 $0xFFFFFFFF;
	p2 =	slt.u32 s8, $0xFFFFF086  }
0x1c: {  	p1 =	slt.u32 s9, $0xF7A;
	s5 =	simm.s32 @!p2 $0x0  }
0x1d: {  	s5 =	simm.s32 @p1 $0x1;
	p0 =	seq.s32 s7, s2  }
0x1e: {  	s7 =	smul.u32 @!p0 $0xF7A, s2;
	p2 =	seq.s32 @!p0 s5, $0x0  }
0x1f: {  	s9 =	smul.u32 $0xF7A, s1;
	s8 =	simm.s32 @!p0 $0x1BF5;
	p2 =	por !p2, p0  }
0x20: {  	[sflag:s8] =	ssyncset.s32 @!p0 $0xFFFFF086;
	s6 =	sadd.s32 @!p0 s3, s7;
	s7 =	simm.s32 @!p0 $0x108  }
0x21: {  	s3 =	sadd.s32 s3, s9;
	s6 =	sadd.s32 @!p0 $0x88, s6;
	s7 =	simm.s32 @p2 $0x1082  }
0x22: {  	[simem:s7], [sflag:s8] =	dma.local @!p0 [hbm:s6], $0xF7A  }
0x23: {  	s9 =	sor.u32 $0xD0000000, s2;
	s6 =	simm.s32 $0x108;
	_ =	swait.ge @!p0 [sflag:s8], $0x0  }
0x24: {  	s3 =	sadd.s32 $0x88, s3;
	s6 =	simm.s32 @!p1 $0x1082;
	[sflag:s4] =	ssyncset.s32 $0xFFFFF086  }
0x25: {  	[simem:s6], [sflag:s4] =	dma.local [hbm:s3], $0xF7A  }
0x26: {  	[smem:$0x3F91] =	sst s1;
	(tag) =	ssettag s2;
	_ =	strace s9  }
0x27: {  	s1 =	sld [smem:$0x3FA1]  }
0x28: {  	s2 =	sld [smem:$0x3FA2]  }
0x29: {  	s4 =	sld [smem:$0x3FA4]  }
0x2a: {  	p0 =	seq.s32 s5, $0x0;
	s5 =	sld [smem:$0x3FA5]  }
0x2b: {  	s6 =	sld [smem:$0x3FA6]  }
0x2c: {  	s7 =	sld [smem:$0x3FA7]  }
0x2d: {  	s3 =	simm.s32 $0x108;
	s8 =	sld [smem:$0x3FA8]  }
0x2e: {  	s3 =	simm.s32 @!p0 $0x1082;
	s9 =	sld [smem:$0x3FA9]  }
0x2f: {  	lr =	sadd.s32 s0, s3;
	s0 =	sld [smem:$0x3FA0]  }
0x30: {  	s3 =	sld [smem:$0x3FA3]  }
0x31: {  	[smem:$0x3FAC] =	sst s10  }
0x32: {  	s10 =	sld [smem:$0x3FAA];
	_ =	sdelay $0x3  }
0x33: {  	p0 =	seq.s32 s10, $0x1;
	s10 =	sld [smem:$0x3FAC];
	_ =	sdelay $0x3  }
0x34: {  	[smem:$0x3FAC] =	sst s10  }
0x35: {  	s10 =	sld [smem:$0x3FAB];
	_ =	sdelay $0x3  }
0x36: {  	p1 =	seq.s32 s10, $0x1;
	s10 =	sld [smem:$0x3FAC];
	_ =	sdelay $0x3  }
0x37: {  	[smem:$0x3FAC] =	sst s10  }
0x38: {  	s10 =	sld [smem:$0x3FAD]  }
0x39: {  	_ = 	snop;
	(pc) =	sbr.ind lr, $3  }
0x3a: {  	_ = 	snop  }
0x3b: {  	_ = 	snop  }
0x3c: {  	p2 =	seq.s32 s10, $0x1;
	s10 =	sld [smem:$0x3FAC]  }
0x3d: {  	_ =	shalt  }
0x3e: {  	_ =	shalt  }
0x3f: {  	_ =	shalt  }
0x40: {  	_ =	shalt  }
0x41: {  	_ =	shalt  }
0x42: {  	_ =	shalt  }
0x43: {  	_ =	shalt  }
0x44: {  	_ =	shalt  }
0x45: {  	_ =	shalt  }
0x46: {  	_ =	shalt  }
0x47: {  	_ =	shalt  }
0x48: {  	_ =	shalt  }
0x49: {  	_ =	shalt  }
0x4a: {  	_ =	shalt  }
0x4b: {  	_ =	shalt  }
0x4c: {  	_ =	shalt  }
0x4d: {  	_ =	shalt  }
0x4e: {  	_ =	shalt  }
0x4f: {  	_ =	shalt  }
0x50: {  	_ =	shalt  }
0x51: {  	_ =	shalt  }
0x52: {  	_ =	shalt  }
0x53: {  	_ =	shalt  }
0x54: {  	_ =	shalt  }
0x55: {  	_ =	shalt  }
0x56: {  	_ =	shalt  }
0x57: {  	_ =	shalt  }
0x58: {  	_ =	shalt  }
0x59: {  	_ =	shalt  }
0x5a: {  	_ =	shalt  }
0x5b: {  	_ =	shalt  }
0x5c: {  	_ =	shalt  }
0x5d: {  	_ =	shalt  }
0x5e: {  	_ =	shalt  }
0x5f: {  	_ =	shalt  }
0x60: {  	_ =	shalt  }
0x61: {  	_ =	shalt  }
0x62: {  	_ =	shalt  }
0x63: {  	_ =	shalt  }
0x64: {  	_ =	shalt  }
0x65: {  	_ =	shalt  }
0x66: {  	_ =	shalt  }
0x67: {  	_ =	shalt  }
0x68: {  	_ =	shalt  }
0x69: {  	_ =	shalt  }
0x6a: {  	_ =	shalt  }
0x6b: {  	_ =	shalt  }
0x6c: {  	_ =	shalt  }
0x6d: {  	_ =	shalt  }
0x6e: {  	_ =	shalt  }
0x6f: {  	_ =	shalt  }
0x70: {  	_ =	shalt  }
0x71: {  	_ =	shalt  }
0x72: {  	_ =	shalt  }
0x73: {  	_ =	shalt  }
0x74: {  	_ =	shalt  }
0x75: {  	_ =	shalt  }
0x76: {  	_ =	shalt  }
0x77: {  	_ =	shalt  }
0x78: {  	_ =	shalt  }
0x79: {  	_ =	shalt  }
0x7a: {  	_ =	shalt  }
0x7b: {  	_ =	shalt  }
0x7c: {  	_ =	shalt  }
0x7d: {  	_ =	shalt  }
0x7e: {  	_ =	shalt  }
0x7f: {  	_ =	shalt  }
0x80: {  	_ =	shalt  }
0x81: {  	_ =	shalt  }
0x82: {  	_ =	shalt  }
0x83: {  	_ =	shalt  }
0x84: {  	_ =	shalt  }
0x85: {  	_ =	shalt  }
0x86: {  	_ =	shalt  }
0x87: {  	_ =	shalt  }
.Lfunc_end0:
.L_simem_size_0:
called_computation.4_lowered:
.L_overlay_start_0:
0x88: {  	s2 =	sld [smem:$0x3FD9]  }
0x89: {  	s3 =	sld [smem:$0x3FFE];
	_ =	sdelay $0x1  }
0x8a: {  	s1 =	srdreg.scid  }
0x8b: {  	s0 =	sand.u32 $0x1, s1  }
0x8c: {  	s17 =	sshll.u32 s0, $0xA;
	s2 =	sadd.s32 s3, s2  }
0x8d: {  	s2 =	sadd.s32 s2, s17  }
0x8e: {  	[smem:$0x3FB8] =	sst s2  }
0x8f: {  	_ = 	snop  }
0x90: {  	s2 =	sld [smem:$0x3FD0];
	(tm) =	ssettm $0x1  }
0x91: {  	s18 =	sld [smem:$0x3FFB];
	_ =	sdelay $0x3  }
0x92: {  	_ =	strace s18  }
0x93: {  	s3 =	sld [smem:$0x3FFC];
	_ =	sdelay $0x3  }
0x94: {  	_ =	strace s3  }
0x95: {  	s3 =	sld [smem:$0x3FFD];
	_ =	sdelay $0x3  }
0x96: {  	_ =	strace s3  }
0x97: {  	_ =	strace $0x8FFFFFFF  }
0x98: {  	s19 =	sld [smem:$0x3FDB];
	_ =	sdelay $0x1  }
0x99: {  	s4 =	simm.s32 $_scs_section_size  }
0x9a: {  	s5 =	simm.s32 $_size__tile_overlayer_lowered;
	s6 =	simm.s32 $_tile_overlayer_lowered  }
0x9b: {  	s22 =	simm.s32 $0x1BFF;
	s21 =	sshll.u32 s6, $0x1;
	s3 =	sadd.s32 s4, s19  }
0x9c: {  	s7 =	simm.s32 $0x0;
	s20 =	sshll.u32 s5, $0x1;
	s5 =	sadd.s32 s21, s3  }
0x9d: {  	[timem:s7], [sflag:s22] =	dma.local [hbm:s5], s20  }
0x9e: {  	_ =	swait.ge [sflag:s22], s20  }
0x9f: {  	s4 =	ssub.s32 $0x0, s20;
	[sflag:s22] =	ssyncset.done $0x0  }
0xa0: {  	[sflag:s22] =	ssyncadd.s32 s4;
	_ =	sdelay $0x1  }
0xa1: {  	s23 =	simm.s32 $0x1B8B  }
0xa2: {  	_ =	swait.ge [sflag:s23], $0x1  }
0xa3: {  	[sflag:s23] =	ssyncset.done $0x0  }
0xa4: {  	s25 =	simm.s32 $0x1B8E;
	s24 =	sld [smem:$0x3FFE];
	[sflag:s23] =	ssyncadd.s32 $0xFFFFFFFF  }
0xa5: {  	s26 =	simm.s32 $execute0_lowered;
	[smem:$0x3FD2] =	sst s25  }
0xa6: {  	s5 =	sshll.u32 s26, $0x1;
	_ =	strace $0x80000052;
	[dreg:$0x1] =	wrdreg $0xFFFFFFFF  }
0xa7: {  	s28 =	simm.s32 $_size_execute0_lowered;
	s3 =	sadd.s32 s3, s5;
	[dreg:$0x0] =	wrdreg $0x0  }
0xa8: {  	s5 =	sshll.u32 s28, $0x1;
	[dreg:$0x2] =	wrdreg s3  }
0xa9: {  	[dreg:$0x3] =	wrdreg s5  }
0xaa: {  	[dreg:$0x4] =	wrdreg $0xC0  }
0xab: {  	_ =	task [dreg:s7], $0x5FFFF  }
0xac: {  	[dreg:$0x1] =	wrdreg $0xFFFFFFFF  }
0xad: {  	[dreg:$0x0] =	wrdreg $0x60  }
0xae: {  	[dreg:$0x2] =	wrdreg s24  }
0xaf: {  	[dreg:$0x3] =	wrdreg s2  }
0xb0: {  	[dreg:$0x4] =	wrdreg $0x70000  }
0xb1: {  	[dreg:$0x5] =	wrdreg $0x9  }
0xb2: {  	_ =	task.clear_ibuf [dreg:s7], $0x6FFFF;
	_ =	strace $0x90000052  }
0xb3: {  	s29 =	simm.s32 $0x9;
	_ =	strace $0x80000054  }
0xb4: {  	_ =	swait.ge [sflag:s29], $0x1  }
0xb5: {  	[sflag:s29] =	ssyncadd.s32 $0xFFFFFFFF  }
0xb6: {  	_ =	strace $0x90000054  }
0xb7: {  	_ =	sfence  }
0xb8: {  	s30 =	sld [smem:$0x0];
	_ =	sdelay $0x2  }
0xb9: {  	s31 =	sshll.u32 s1, $0xD;
	s1 =	sshrl.u32 s1, $0x2  }
0xba: {  	s3 =	sand.u32 $0x4000, s31;
	s1 =	sadd.s32 s1, s30  }
0xbb: {  	s0 =	sor.u32 s3, s0;
	s1 =	sshll.u32 s1, $0x11  }
0xbc: {  	s0 =	sor.u32 s1, s0  }
0xbd: {  	s0 =	sadd.s32 $0x8F2B, s0  }
0xbe: {  	[sflag:s0] =	ssyncadd.remote.s32 $0x1  }
0xbf: {  	_ =	sfence.sel $0xFFFF  }
0xc0: {  	[dreg:$0x0] =	wrdreg $0xFFFFFFFF;
	(pc) =	sbr.abs _section_cstart, $3  }
0xc1: {  	[dreg:$0x1] =	wrdreg $0xFFFFFFFF  }
0xc2: {  	_ =	task.clear_ibuf [dreg:s7], $0x2FFFF;
	_ =	strace $0x9FFFFFFF  }
0xc3: {  	(tm) =	ssettm $0x7FFFFFFF  }
tec
execute0_lowered:
.L_overlay_start_1:
0x0: {  	(tag) =	ssettag $0x1  }
0x1: {  	s6 =	rddreg [dreg:$0x0]  }
0x2: {  	s1 =	rddreg [dreg:$0x1]  }
0x3: {  	s2 =	rddreg [dreg:$0x2];
	s3 =	srdreg.scid  }
0x4: {  	s4 =	simm.s32 $0x0;
	s18 =	simm.s32 $0x5;
	s19 =	simm.s32 $0x1000  }
0x5: {  	s20 =	simm.s32 $0x50;
	s21 =	simm.s32 $0x2000;
	s22 =	simm.s32 $0x80  }
0x6: {  	s23 =	simm.s32 $0x4800;
	s24 =	simm.s32 $0x1;
	s28 =	simm.s32 $0x1F80  }
0x7: {  	s29 =	simm.s32 $0x0;
	s7 =	sand.u32 $0x1, s3;
	s3 =	stileid.u32  }
0x8: {  	[smem:$0x7FF] =	sst s4;
	s5 =	sadd.s32 $0x4400, s6;
	s8 =	smul.u32 $0x13C000, s7  }
0x9: {  	s9 =	smul.u32 $0x13C00, s3;
	_ =	strace $0x80000053;
	s10 =	sshll.u32 s7, $0xF  }
0xa: {  	s11 =	sshll.u32 s3, $0xB;
	s7 =	ssub.s32 $0x2, s7;
	s25 =	smul.u32 $0x4F000, s3  }
0xb: {  	s31 =	sshll.u32 s3, $0x6;
	s10 =	sor.u32 s11, s10;
	s26 =	sshrl.u32 s7, $0x1  }
0xc: {  	s8 =	sadd.s32 s9, s8;
	s14 =	sadd.s32 s10, s6;
	s16 =	ssub.s32 s7, s26  }
0xd: {  	s30 =	sshrl.u32 s25, $0x2;
	s25 =	simm.s32 $0x2;
	s26 =	simm.s32 $0x1F00  }
0xe: {  	s8 =	sshrl.u32 s8, $0x3;
	s17 =	sadd.s32 s30, s2;
	s7 =	sadd.s32 $0x2C000, s14  }
0xf: {  	s9 =	sadd.s32 $0x2C200, s14;
	s10 =	sadd.s32 $0x3C200, s14;
	s11 =	sadd.s32 $0x2C400, s14  }
0x10: {  	s12 =	sadd.s32 $0x3C400, s14;
	s13 =	sadd.s32 $0x2C600, s14;
	s16 =	smax.u32 s16, $0x1  }
0x11: {  	s15 =	sadd.s32 s8, s6;
	s6 =	sor.u32 $0x1C05, s31;
	s8 =	sadd.s32 $0x3C000, s14  }
0x12: {  	s14 =	sadd.s32 $0x3C600, s14;
	s17 =	sshrl.u32 s17, $0x3;
	s15 =	sadd.s32 $0x4C000, s15  }
.LBB2_1:
0x13: {  	[spmem:s17], [sflag:s6] =	dma.local [hbm:s1], $0x2780  }
0x14: {  	_ =	swait.ge [sflag:s18], $0x2780  }
0x15: {  	[sflag:s18] =	ssyncset.done $0x0  }
0x16: {  	[sflag:s18] =	ssyncadd.s32 $0xFFFFD880  }
0x17: {  	[bflag:$0x0] =	sbarrier.arrive $0xFFFF  }
0x18: {  	[tilespmem:s4], [sflag:$0x5] =	stream.linear.gather [hbm4b:s7+s4], $0x1000, $0x38;
	[tilespmem:$0x1AC00] =	vst v63  }
0x19: {  	_ =	swait.ge [sflag:s18], $0x1000  }
0x1a: {  	[sflag:s18] =	ssyncset.done $0x0  }
0x1b: {  	[sflag:s18] =	ssyncadd.s32 $0xFFFFF000  }
0x1c: {  	[tilespmem:s19], [sflag:$0x5] =	stream.linear.gather [hbm4b:s8+s4], $0x1000, $0x38;
	[tilespmem:$0x1AC00] =	vst v63  }
0x1d: {  	_ =	swait.ge [sflag:s18], $0x1000  }
0x1e: {  	[sflag:s18] =	ssyncset.done $0x0  }
0x1f: {  	[sflag:s18] =	ssyncadd.s32 $0xFFFFF000  }
0x20: {  	[tilespmem:s21], [sflag:$0x1] =	stream.indirect.gather [hbm4b:s5+s20], $0x80, s4, s20, $0xb8;
	[tilespmem:$0x1AC00] =	vst v63  }
0x21: {  	_ = 	snop  }
0x22: {  	[tilespmem:s23], [sflag:$0x2] =	stream.indirect.gather [hbm4b:s5+s20], $0x80, s22, s20, $0xb8;
	[tilespmem:$0x1AC00] =	vst v63  }
0x23: {  	_ =	swait.ge [sflag:s24], $0x2800  }
0x24: {  	[sflag:s24] =	ssyncset.done $0x0  }
0x25: {  	s30 =	simm.s32 $0x1000;
	[sflag:s24] =	ssyncadd.s32 $0xFFFFD800  }
0x26: {  	[spmem:s2] =	stream.indirect.scatter.add.f32 [tilespmem:s21], [sflag:$0x5], $0x80, s30, s20, $0xb8;
	[tilespmem:$0x1AC00] =	vst v63  }
0x27: {  	_ =	swait.ge [sflag:s18], $0x2800  }
0x28: {  	[sflag:s18] =	ssyncset.done $0x0  }
0x29: {  	s30 =	simm.s32 $0x100;
	[sflag:s18] =	ssyncadd.s32 $0xFFFFD800  }
0x2a: {  	[tilespmem:s21], [sflag:$0x1] =	stream.indirect.gather [hbm4b:s5+s20], $0x80, s30, s20, $0xb8;
	[tilespmem:$0x1AC00] =	vst v63  }
0x2b: {  	_ =	swait.ge [sflag:s25], $0x2800  }
0x2c: {  	[sflag:s25] =	ssyncset.done $0x0  }
0x2d: {  	s30 =	simm.s32 $0x1080;
	[sflag:s25] =	ssyncadd.s32 $0xFFFFD800  }
0x2e: {  	[spmem:s2] =	stream.indirect.scatter.add.f32 [tilespmem:s23], [sflag:$0x5], $0x80, s30, s20, $0xb8;
	[tilespmem:$0x1AC00] =	vst v63  }
0x2f: {  	_ =	swait.ge [sflag:s18], $0x2800  }
0x30: {  	[sflag:s18] =	ssyncset.done $0x0  }
0x31: {  	s31 =	simm.s32 $0x180;
	s30 =	simm.s32 $0x400;
	[sflag:s18] =	ssyncadd.s32 $0xFFFFD800  }
.LBB2_2:
0x32: {  	[tilespmem:s23], [sflag:$0x2] =	stream.indirect.gather [hbm4b:s5+s20], $0x80, s31, s20, $0xb8;
	[tilespmem:$0x1AC00] =	vst v63  }
0x33: {  	s31 =	smov.u32 s30  }
0x34: {  	p0 =	sne.s32 s30, $0x3800;
	s30 =	sadd.s32 $0x400, s30;
	_ =	swait.ge [sflag:s24], $0x2800  }
0x35: {  	s31 =	sshra.s32 s31, $0x2;
	[sflag:s24] =	ssyncset.done $0x0  }
0x36: {  	s0 =	sadd.s32 $0x1000, s31;
	[sflag:s24] =	ssyncadd.s32 $0xFFFFD800  }
0x37: {  	[spmem:s2] =	stream.indirect.scatter.add.f32 [tilespmem:s21], [sflag:$0x5], $0x80, s0, s20, $0xb8;
	[tilespmem:$0x1AC00] =	vst v63  }
0x38: {  	_ =	swait.ge [sflag:s18], $0x2800  }
0x39: {  	[sflag:s18] =	ssyncset.done $0x0  }
0x3a: {  	s0 =	sadd.s32 $0x100, s31;
	[sflag:s18] =	ssyncadd.s32 $0xFFFFD800  }
0x3b: {  	[tilespmem:s21], [sflag:$0x1] =	stream.indirect.gather [hbm4b:s5+s20], $0x80, s0, s20, $0xb8;
	[tilespmem:$0x1AC00] =	vst v63  }
0x3c: {  	_ =	swait.ge [sflag:s25], $0x2800  }
0x3d: {  	[sflag:s25] =	ssyncset.done $0x0  }
.Ltmp0:
0x3e: {  	s0 =	sadd.s32 $0x1080, s31;
	[sflag:s25] =	ssyncadd.s32 $0xFFFFD800;
	(pc) =	sbr.rel @p0 .LBB2_2-.Ltmp0, $4  }
0x3f: {  	[spmem:s2] =	stream.indirect.scatter.add.f32 [tilespmem:s23], [sflag:$0x5], $0x80, s0, s20, $0xb8;
	[tilespmem:$0x1AC00] =	vst v63  }
0x40: {  	_ =	swait.ge [sflag:s18], $0x2800  }
0x41: {  	[sflag:s18] =	ssyncset.done $0x0  }
0x42: {  	s31 =	sadd.s32 $0x180, s31;
	[sflag:s18] =	ssyncadd.s32 $0xFFFFD800  }
0x43: {  	[tilespmem:s23], [sflag:$0x2] =	stream.indirect.gather [hbm4b:s5+s20], $0x80, s31, s20, $0xb8;
	[tilespmem:$0x1AC00] =	vst v63  }
0x44: {  	_ =	swait.ge [sflag:s24], $0x2800  }
0x45: {  	[sflag:s24] =	ssyncset.done $0x0  }
0x46: {  	[sflag:s24] =	ssyncadd.s32 $0xFFFFD800  }
0x47: {  	[spmem:s2] =	stream.indirect.scatter.add.f32 [tilespmem:s21], [sflag:$0x5], $0x80, s26, s20, $0xb8;
	[tilespmem:$0x1AC00] =	vst v63  }
0x48: {  	_ =	swait.ge [sflag:s18], $0x2800  }
0x49: {  	[sflag:s18] =	ssyncset.done $0x0  }
0x4a: {  	[sflag:s18] =	ssyncadd.s32 $0xFFFFD800  }
0x4b: {  	_ =	swait.ge [sflag:s25], $0x2800  }
0x4c: {  	[sflag:s25] =	ssyncset.done $0x0  }
0x4d: {  	[sflag:s25] =	ssyncadd.s32 $0xFFFFD800  }
0x4e: {  	[spmem:s2] =	stream.indirect.scatter.add.f32 [tilespmem:s23], [sflag:$0x5], $0x80, s28, s20, $0xb8;
	[tilespmem:$0x1AC00] =	vst v63  }
0x4f: {  	_ =	swait.ge [sflag:s18], $0x2800  }
0x50: {  	[sflag:s18] =	ssyncset.done $0x0  }
0x51: {  	s0 =	simm.s32 $0x0;
	[sflag:s18] =	ssyncadd.s32 $0xFFFFD800  }
0x52: {  	[tilespmem:s0], [sflag:$0x5] =	stream.linear.gather [hbm4b:s9+s0], $0x1000, $0x38;
	[tilespmem:$0x1AC00] =	vst v63  }
0x53: {  	_ =	swait.ge [sflag:s18], $0x1000  }
0x54: {  	[sflag:s18] =	ssyncset.done $0x0  }
0x55: {  	[sflag:s18] =	ssyncadd.s32 $0xFFFFF000  }
0x56: {  	[tilespmem:s19], [sflag:$0x5] =	stream.linear.gather [hbm4b:s10+s0], $0x1000, $0x38;
	[tilespmem:$0x1AC00] =	vst v63  }
0x57: {  	_ =	swait.ge [sflag:s18], $0x1000  }
0x58: {  	[sflag:s18] =	ssyncset.done $0x0  }
0x59: {  	[sflag:s18] =	ssyncadd.s32 $0xFFFFF000  }
0x5a: {  	[tilespmem:s21], [sflag:$0x1] =	stream.indirect.gather [hbm4b:s5+s20], $0x80, s0, s20, $0xb8;
	[tilespmem:$0x1AC00] =	vst v63  }
0x5b: {  	_ = 	snop  }
0x5c: {  	[tilespmem:s23], [sflag:$0x2] =	stream.indirect.gather [hbm4b:s5+s20], $0x80, s22, s20, $0xb8;
	[tilespmem:$0x1AC00] =	vst v63  }
0x5d: {  	_ =	swait.ge [sflag:s24], $0x2800  }
0x5e: {  	[sflag:s24] =	ssyncset.done $0x0  }
0x5f: {  	s0 =	simm.s32 $0x1000;
	[sflag:s24] =	ssyncadd.s32 $0xFFFFD800  }
0x60: {  	[spmem:s2] =	stream.indirect.scatter.add.f32 [tilespmem:s21], [sflag:$0x5], $0x80, s0, s20, $0xb8;
	[tilespmem:$0x1AC00] =	vst v63  }
0x61: {  	_ =	swait.ge [sflag:s18], $0x2800  }
0x62: {  	[sflag:s18] =	ssyncset.done $0x0  }
0x63: {  	s0 =	simm.s32 $0x100;
	[sflag:s18] =	ssyncadd.s32 $0xFFFFD800  }
0x64: {  	[tilespmem:s21], [sflag:$0x1] =	stream.indirect.gather [hbm4b:s5+s20], $0x80, s0, s20, $0xb8;
	[tilespmem:$0x1AC00] =	vst v63  }
0x65: {  	_ =	swait.ge [sflag:s25], $0x2800  }
0x66: {  	[sflag:s25] =	ssyncset.done $0x0  }
0x67: {  	s0 =	simm.s32 $0x1080;
	[sflag:s25] =	ssyncadd.s32 $0xFFFFD800  }
0x68: {  	[spmem:s2] =	stream.indirect.scatter.add.f32 [tilespmem:s23], [sflag:$0x5], $0x80, s0, s20, $0xb8;
	[tilespmem:$0x1AC00] =	vst v63  }
0x69: {  	_ =	swait.ge [sflag:s18], $0x2800  }
0x6a: {  	[sflag:s18] =	ssyncset.done $0x0  }
0x6b: {  	s30 =	simm.s32 $0x400;
	s31 =	simm.s32 $0x180;
	[sflag:s18] =	ssyncadd.s32 $0xFFFFD800  }
.LBB2_4:
0x6c: {  	[tilespmem:s23], [sflag:$0x2] =	stream.indirect.gather [hbm4b:s5+s20], $0x80, s31, s20, $0xb8;
	[tilespmem:$0x1AC00] =	vst v63  }
0x6d: {  	s0 =	smov.u32 s30  }
0x6e: {  	p0 =	sne.s32 s30, $0x3800;
	s30 =	sadd.s32 $0x400, s30;
	_ =	swait.ge [sflag:s24], $0x2800  }
0x6f: {  	s0 =	sshra.s32 s0, $0x2;
	[sflag:s24] =	ssyncset.done $0x0  }
0x70: {  	s31 =	sadd.s32 $0x1000, s0;
	[sflag:s24] =	ssyncadd.s32 $0xFFFFD800  }
0x71: {  	[spmem:s2] =	stream.indirect.scatter.add.f32 [tilespmem:s21], [sflag:$0x5], $0x80, s31, s20, $0xb8;
	[tilespmem:$0x1AC00] =	vst v63  }
0x72: {  	_ =	swait.ge [sflag:s18], $0x2800  }
0x73: {  	[sflag:s18] =	ssyncset.done $0x0  }
0x74: {  	s31 =	sadd.s32 $0x100, s0;
	[sflag:s18] =	ssyncadd.s32 $0xFFFFD800  }
0x75: {  	[tilespmem:s21], [sflag:$0x1] =	stream.indirect.gather [hbm4b:s5+s20], $0x80, s31, s20, $0xb8;
	[tilespmem:$0x1AC00] =	vst v63  }
0x76: {  	_ =	swait.ge [sflag:s25], $0x2800  }
0x77: {  	[sflag:s25] =	ssyncset.done $0x0  }
.Ltmp1:
0x78: {  	s31 =	sadd.s32 $0x1080, s0;
	[sflag:s25] =	ssyncadd.s32 $0xFFFFD800;
	(pc) =	sbr.rel @p0 .LBB2_4-.Ltmp1, $4  }
0x79: {  	[spmem:s2] =	stream.indirect.scatter.add.f32 [tilespmem:s23], [sflag:$0x5], $0x80, s31, s20, $0xb8;
	[tilespmem:$0x1AC00] =	vst v63  }
0x7a: {  	_ =	swait.ge [sflag:s18], $0x2800  }
0x7b: {  	[sflag:s18] =	ssyncset.done $0x0  }
0x7c: {  	s31 =	sadd.s32 $0x180, s0;
	[sflag:s18] =	ssyncadd.s32 $0xFFFFD800  }
0x7d: {  	[tilespmem:s23], [sflag:$0x2] =	stream.indirect.gather [hbm4b:s5+s20], $0x80, s31, s20, $0xb8;
	[tilespmem:$0x1AC00] =	vst v63  }
0x7e: {  	_ =	swait.ge [sflag:s24], $0x2800  }
0x7f: {  	[sflag:s24] =	ssyncset.done $0x0  }
0x80: {  	[sflag:s24] =	ssyncadd.s32 $0xFFFFD800  }
0x81: {  	[spmem:s2] =	stream.indirect.scatter.add.f32 [tilespmem:s21], [sflag:$0x5], $0x80, s26, s20, $0xb8;
	[tilespmem:$0x1AC00] =	vst v63  }
0x82: {  	_ =	swait.ge [sflag:s18], $0x2800  }
0x83: {  	[sflag:s18] =	ssyncset.done $0x0  }
0x84: {  	[sflag:s18] =	ssyncadd.s32 $0xFFFFD800  }
0x85: {  	_ =	swait.ge [sflag:s25], $0x2800  }
0x86: {  	[sflag:s25] =	ssyncset.done $0x0  }
0x87: {  	[sflag:s25] =	ssyncadd.s32 $0xFFFFD800  }
0x88: {  	[spmem:s2] =	stream.indirect.scatter.add.f32 [tilespmem:s23], [sflag:$0x5], $0x80, s28, s20, $0xb8;
	[tilespmem:$0x1AC00] =	vst v63  }
0x89: {  	_ =	swait.ge [sflag:s18], $0x2800  }
0x8a: {  	[sflag:s18] =	ssyncset.done $0x0  }
0x8b: {  	s0 =	simm.s32 $0x0;
	[sflag:s18] =	ssyncadd.s32 $0xFFFFD800  }
0x8c: {  	[tilespmem:s0], [sflag:$0x5] =	stream.linear.gather [hbm4b:s11+s0], $0x1000, $0x38;
	[tilespmem:$0x1AC00] =	vst v63  }
0x8d: {  	_ =	swait.ge [sflag:s18], $0x1000  }
0x8e: {  	[sflag:s18] =	ssyncset.done $0x0  }
0x8f: {  	[sflag:s18] =	ssyncadd.s32 $0xFFFFF000  }
0x90: {  	[tilespmem:s19], [sflag:$0x5] =	stream.linear.gather [hbm4b:s12+s0], $0x1000, $0x38;
	[tilespmem:$0x1AC00] =	vst v63  }
0x91: {  	_ =	swait.ge [sflag:s18], $0x1000  }
0x92: {  	[sflag:s18] =	ssyncset.done $0x0  }
0x93: {  	[sflag:s18] =	ssyncadd.s32 $0xFFFFF000  }
0x94: {  	[tilespmem:s21], [sflag:$0x1] =	stream.indirect.gather [hbm4b:s5+s20], $0x80, s0, s20, $0xb8;
	[tilespmem:$0x1AC00] =	vst v63  }
0x95: {  	_ = 	snop  }
0x96: {  	[tilespmem:s23], [sflag:$0x2] =	stream.indirect.gather [hbm4b:s5+s20], $0x80, s22, s20, $0xb8;
	[tilespmem:$0x1AC00] =	vst v63  }
0x97: {  	_ =	swait.ge [sflag:s24], $0x2800  }
0x98: {  	[sflag:s24] =	ssyncset.done $0x0  }
0x99: {  	s0 =	simm.s32 $0x1000;
	[sflag:s24] =	ssyncadd.s32 $0xFFFFD800  }
0x9a: {  	[spmem:s2] =	stream.indirect.scatter.add.f32 [tilespmem:s21], [sflag:$0x5], $0x80, s0, s20, $0xb8;
	[tilespmem:$0x1AC00] =	vst v63  }
0x9b: {  	_ =	swait.ge [sflag:s18], $0x2800  }
0x9c: {  	[sflag:s18] =	ssyncset.done $0x0  }
0x9d: {  	s0 =	simm.s32 $0x100;
	[sflag:s18] =	ssyncadd.s32 $0xFFFFD800  }
0x9e: {  	[tilespmem:s21], [sflag:$0x1] =	stream.indirect.gather [hbm4b:s5+s20], $0x80, s0, s20, $0xb8;
	[tilespmem:$0x1AC00] =	vst v63  }
0x9f: {  	_ =	swait.ge [sflag:s25], $0x2800  }
0xa0: {  	[sflag:s25] =	ssyncset.done $0x0  }
0xa1: {  	s0 =	simm.s32 $0x1080;
	[sflag:s25] =	ssyncadd.s32 $0xFFFFD800  }
0xa2: {  	[spmem:s2] =	stream.indirect.scatter.add.f32 [tilespmem:s23], [sflag:$0x5], $0x80, s0, s20, $0xb8;
	[tilespmem:$0x1AC00] =	vst v63  }
0xa3: {  	_ =	swait.ge [sflag:s18], $0x2800  }
0xa4: {  	[sflag:s18] =	ssyncset.done $0x0  }
0xa5: {  	s30 =	simm.s32 $0x400;
	s31 =	simm.s32 $0x180;
	[sflag:s18] =	ssyncadd.s32 $0xFFFFD800  }
.LBB2_6:
0xa6: {  	[tilespmem:s23], [sflag:$0x2] =	stream.indirect.gather [hbm4b:s5+s20], $0x80, s31, s20, $0xb8;
	[tilespmem:$0x1AC00] =	vst v63  }
0xa7: {  	s0 =	smov.u32 s30  }
0xa8: {  	p0 =	sne.s32 s30, $0x3800;
	s30 =	sadd.s32 $0x400, s30;
	_ =	swait.ge [sflag:s24], $0x2800  }
0xa9: {  	s0 =	sshra.s32 s0, $0x2;
	[sflag:s24] =	ssyncset.done $0x0  }
0xaa: {  	s31 =	sadd.s32 $0x1000, s0;
	[sflag:s24] =	ssyncadd.s32 $0xFFFFD800  }
0xab: {  	[spmem:s2] =	stream.indirect.scatter.add.f32 [tilespmem:s21], [sflag:$0x5], $0x80, s31, s20, $0xb8;
	[tilespmem:$0x1AC00] =	vst v63  }
0xac: {  	_ =	swait.ge [sflag:s18], $0x2800  }
0xad: {  	[sflag:s18] =	ssyncset.done $0x0  }
0xae: {  	s31 =	sadd.s32 $0x100, s0;
	[sflag:s18] =	ssyncadd.s32 $0xFFFFD800  }
0xaf: {  	[tilespmem:s21], [sflag:$0x1] =	stream.indirect.gather [hbm4b:s5+s20], $0x80, s31, s20, $0xb8;
	[tilespmem:$0x1AC00] =	vst v63  }
0xb0: {  	_ =	swait.ge [sflag:s25], $0x2800  }
0xb1: {  	[sflag:s25] =	ssyncset.done $0x0  }
.Ltmp2:
0xb2: {  	s31 =	sadd.s32 $0x1080, s0;
	[sflag:s25] =	ssyncadd.s32 $0xFFFFD800;
	(pc) =	sbr.rel @p0 .LBB2_6-.Ltmp2, $4  }
0xb3: {  	[spmem:s2] =	stream.indirect.scatter.add.f32 [tilespmem:s23], [sflag:$0x5], $0x80, s31, s20, $0xb8;
	[tilespmem:$0x1AC00] =	vst v63  }
0xb4: {  	_ =	swait.ge [sflag:s18], $0x2800  }
0xb5: {  	[sflag:s18] =	ssyncset.done $0x0  }
0xb6: {  	s31 =	sadd.s32 $0x180, s0;
	[sflag:s18] =	ssyncadd.s32 $0xFFFFD800  }
0xb7: {  	[tilespmem:s23], [sflag:$0x2] =	stream.indirect.gather [hbm4b:s5+s20], $0x80, s31, s20, $0xb8;
	[tilespmem:$0x1AC00] =	vst v63  }
0xb8: {  	_ =	swait.ge [sflag:s24], $0x2800  }
0xb9: {  	[sflag:s24] =	ssyncset.done $0x0  }
0xba: {  	[sflag:s24] =	ssyncadd.s32 $0xFFFFD800  }
0xbb: {  	[spmem:s2] =	stream.indirect.scatter.add.f32 [tilespmem:s21], [sflag:$0x5], $0x80, s26, s20, $0xb8;
	[tilespmem:$0x1AC00] =	vst v63  }
0xbc: {  	_ =	swait.ge [sflag:s18], $0x2800  }
0xbd: {  	[sflag:s18] =	ssyncset.done $0x0  }
0xbe: {  	[sflag:s18] =	ssyncadd.s32 $0xFFFFD800  }
0xbf: {  	_ =	swait.ge [sflag:s25], $0x2800  }
0xc0: {  	[sflag:s25] =	ssyncset.done $0x0  }
0xc1: {  	[sflag:s25] =	ssyncadd.s32 $0xFFFFD800  }
0xc2: {  	[spmem:s2] =	stream.indirect.scatter.add.f32 [tilespmem:s23], [sflag:$0x5], $0x80, s28, s20, $0xb8;
	[tilespmem:$0x1AC00] =	vst v63  }
0xc3: {  	_ =	swait.ge [sflag:s18], $0x2800  }
0xc4: {  	[sflag:s18] =	ssyncset.done $0x0  }
0xc5: {  	s0 =	simm.s32 $0x0;
	[sflag:s18] =	ssyncadd.s32 $0xFFFFD800  }
0xc6: {  	[tilespmem:s0], [sflag:$0x5] =	stream.linear.gather [hbm4b:s13+s0], $0x1000, $0x38;
	[tilespmem:$0x1AC00] =	vst v63  }
0xc7: {  	_ =	swait.ge [sflag:s18], $0x1000  }
0xc8: {  	[sflag:s18] =	ssyncset.done $0x0  }
0xc9: {  	[sflag:s18] =	ssyncadd.s32 $0xFFFFF000  }
0xca: {  	[tilespmem:s19], [sflag:$0x5] =	stream.linear.gather [hbm4b:s14+s0], $0x1000, $0x38;
	[tilespmem:$0x1AC00] =	vst v63  }
0xcb: {  	_ =	swait.ge [sflag:s18], $0x1000  }
0xcc: {  	[sflag:s18] =	ssyncset.done $0x0  }
0xcd: {  	[sflag:s18] =	ssyncadd.s32 $0xFFFFF000  }
0xce: {  	[tilespmem:s21], [sflag:$0x1] =	stream.indirect.gather [hbm4b:s5+s20], $0x80, s0, s20, $0xb8;
	[tilespmem:$0x1AC00] =	vst v63  }
0xcf: {  	_ = 	snop  }
0xd0: {  	[tilespmem:s23], [sflag:$0x2] =	stream.indirect.gather [hbm4b:s5+s20], $0x80, s22, s20, $0xb8;
	[tilespmem:$0x1AC00] =	vst v63  }
0xd1: {  	_ =	swait.ge [sflag:s24], $0x2800  }
0xd2: {  	[sflag:s24] =	ssyncset.done $0x0  }
0xd3: {  	s0 =	simm.s32 $0x1000;
	[sflag:s24] =	ssyncadd.s32 $0xFFFFD800  }
0xd4: {  	[spmem:s2] =	stream.indirect.scatter.add.f32 [tilespmem:s21], [sflag:$0x5], $0x80, s0, s20, $0xb8;
	[tilespmem:$0x1AC00] =	vst v63  }
0xd5: {  	_ =	swait.ge [sflag:s18], $0x2800  }
0xd6: {  	[sflag:s18] =	ssyncset.done $0x0  }
0xd7: {  	s0 =	simm.s32 $0x100;
	[sflag:s18] =	ssyncadd.s32 $0xFFFFD800  }
0xd8: {  	[tilespmem:s21], [sflag:$0x1] =	stream.indirect.gather [hbm4b:s5+s20], $0x80, s0, s20, $0xb8;
	[tilespmem:$0x1AC00] =	vst v63  }
0xd9: {  	_ =	swait.ge [sflag:s25], $0x2800  }
0xda: {  	[sflag:s25] =	ssyncset.done $0x0  }
0xdb: {  	s0 =	simm.s32 $0x1080;
	[sflag:s25] =	ssyncadd.s32 $0xFFFFD800  }
0xdc: {  	[spmem:s2] =	stream.indirect.scatter.add.f32 [tilespmem:s23], [sflag:$0x5], $0x80, s0, s20, $0xb8;
	[tilespmem:$0x1AC00] =	vst v63  }
0xdd: {  	_ =	swait.ge [sflag:s18], $0x2800  }
0xde: {  	[sflag:s18] =	ssyncset.done $0x0  }
0xdf: {  	s30 =	simm.s32 $0x400;
	s31 =	simm.s32 $0x180;
	[sflag:s18] =	ssyncadd.s32 $0xFFFFD800  }
.LBB2_8:
0xe0: {  	[tilespmem:s23], [sflag:$0x2] =	stream.indirect.gather [hbm4b:s5+s20], $0x80, s31, s20, $0xb8;
	[tilespmem:$0x1AC00] =	vst v63  }
0xe1: {  	s0 =	smov.u32 s30  }
0xe2: {  	p0 =	sne.s32 s30, $0x3800;
	s30 =	sadd.s32 $0x400, s30;
	_ =	swait.ge [sflag:s24], $0x2800  }
0xe3: {  	s0 =	sshra.s32 s0, $0x2;
	[sflag:s24] =	ssyncset.done $0x0  }
0xe4: {  	s31 =	sadd.s32 $0x1000, s0;
	[sflag:s24] =	ssyncadd.s32 $0xFFFFD800  }
0xe5: {  	[spmem:s2] =	stream.indirect.scatter.add.f32 [tilespmem:s21], [sflag:$0x5], $0x80, s31, s20, $0xb8;
	[tilespmem:$0x1AC00] =	vst v63  }
0xe6: {  	_ =	swait.ge [sflag:s18], $0x2800  }
0xe7: {  	[sflag:s18] =	ssyncset.done $0x0  }
0xe8: {  	s31 =	sadd.s32 $0x100, s0;
	[sflag:s18] =	ssyncadd.s32 $0xFFFFD800  }
0xe9: {  	[tilespmem:s21], [sflag:$0x1] =	stream.indirect.gather [hbm4b:s5+s20], $0x80, s31, s20, $0xb8;
	[tilespmem:$0x1AC00] =	vst v63  }
0xea: {  	_ =	swait.ge [sflag:s25], $0x2800  }
0xeb: {  	[sflag:s25] =	ssyncset.done $0x0  }
.Ltmp3:
0xec: {  	s31 =	sadd.s32 $0x1080, s0;
	[sflag:s25] =	ssyncadd.s32 $0xFFFFD800;
	(pc) =	sbr.rel @p0 .LBB2_8-.Ltmp3, $4  }
0xed: {  	[spmem:s2] =	stream.indirect.scatter.add.f32 [tilespmem:s23], [sflag:$0x5], $0x80, s31, s20, $0xb8;
	[tilespmem:$0x1AC00] =	vst v63  }
0xee: {  	_ =	swait.ge [sflag:s18], $0x2800  }
0xef: {  	[sflag:s18] =	ssyncset.done $0x0  }
0xf0: {  	s31 =	sadd.s32 $0x180, s0;
	[sflag:s18] =	ssyncadd.s32 $0xFFFFD800  }
0xf1: {  	[tilespmem:s23], [sflag:$0x2] =	stream.indirect.gather [hbm4b:s5+s20], $0x80, s31, s20, $0xb8;
	[tilespmem:$0x1AC00] =	vst v63  }
0xf2: {  	_ =	swait.ge [sflag:s24], $0x2800  }
0xf3: {  	[sflag:s24] =	ssyncset.done $0x0  }
0xf4: {  	[sflag:s24] =	ssyncadd.s32 $0xFFFFD800  }
0xf5: {  	[spmem:s2] =	stream.indirect.scatter.add.f32 [tilespmem:s21], [sflag:$0x5], $0x80, s26, s20, $0xb8;
	[tilespmem:$0x1AC00] =	vst v63  }
0xf6: {  	_ =	swait.ge [sflag:s18], $0x2800  }
0xf7: {  	[sflag:s18] =	ssyncset.done $0x0  }
0xf8: {  	[sflag:s18] =	ssyncadd.s32 $0xFFFFD800  }
0xf9: {  	_ =	swait.ge [sflag:s25], $0x2800  }
0xfa: {  	[sflag:s25] =	ssyncset.done $0x0  }
0xfb: {  	[sflag:s25] =	ssyncadd.s32 $0xFFFFD800  }
0xfc: {  	[spmem:s2] =	stream.indirect.scatter.add.f32 [tilespmem:s23], [sflag:$0x5], $0x80, s28, s20, $0xb8;
	[tilespmem:$0x1AC00] =	vst v63  }
0xfd: {  	_ =	swait.ge [sflag:s18], $0x2800  }
0xfe: {  	s29 =	sadd.s32 $0x1, s29;
	[sflag:s18] =	ssyncset.done $0x0  }
0xff: {  	p0 =	sne.s32 s29, s16;
	[sflag:s18] =	ssyncadd.s32 $0xFFFFD800  }
.Ltmp4:
0x100: {  	[bflag:$0x0] =	sbarrier.arrive $0xFFFF;
	(pc) =	sbr.rel @p0 .LBB2_1-.Ltmp4, $4  }
0x101: {  	[hbm:s15], [sflag:s6] =	dma.local [spmem:s17], $0x2780  }
0x102: {  	_ =	swait.ge [sflag:s18], $0x2780  }
0x103: {  	[sflag:s18] =	ssyncset.done $0x0  }
0x104: {  	[sflag:s18] =	ssyncadd.s32 $0xFFFFD880  }
0x105: {  	_ =	sfence.sel $0x180000  }
0x106: {  	[bflag:$0x0] =	sbarrier.arrive $0xFFFF  }
0x107: {  	_ =	strace $0x90000053  }
0x108: {  	[bflag:$0x2] =	sbarrier.arrive $0xFFFF  }
0x109: {  	p0 =	sne.s32 s3, $0x0;
	s0 =	rddreg [dreg:$0x3]  }
0x10a: {  	s0 =	sadd.s32 @!p0 $0x100000, s0  }
0x10b: {  	[sflag:s0] =	ssyncadd.tile.s32 @!p0 $0x1;
	_ =	shalt  }
.Lfunc_end2:
_tile_overlayer_lowered:
.L_overlay_start_2:
0x10c: {  	(tag) =	ssettag $0x2  }
0x10d: {  	s0 =	rddreg [dreg:$0x0];
	s2 =	stileid.u32  }
0x10e: {  	s1 =	rddreg [dreg:$0x1];
	p0 =	sne.s32 s2, $0x0  }
0x10f: {  	s3 =	rddreg [dreg:$0x2];
	[bflag:$0x3] =	sbarrier.arrive $0xFFFF;
	s2 =	simm.s32 @!p0 $0x1C05  }
0x110: {  	[timem:s3], [sflag:s2] =	dma.local @!p0 [hbm:s0], s1  }
0x111: {  	s0 =	simm.s32 @!p0 $0x5  }
0x112: {  	_ =	swait.ge @!p0 [sflag:s0], s1  }
0x113: {  	s1 =	ssub.s32 @!p0 $0x0, s1;
	[sflag:s0] =	ssyncset.done @!p0 $0x0  }
0x114: {  	[sflag:s0] =	ssyncadd.s32 @!p0 s1  }
0x115: {  	[bflag:$0x3] =	sbarrier.arrive $0xFFFF  }
0x116: {  	_ =	shalt  }

</sc_bundles>
